<compile_context>
chip_gen: v7x
topology: tpu7x:2x2x1
jax: 0.10.2.dev20260603
libtpu: 0.0.44.dev20260713+nightly
codegen_flags: <defaults>
</compile_context>

<pallas_src>
import jax
import jax.numpy as jnp
from jax import lax
from jax.experimental import pallas as pl
from jax.experimental.pallas import tpu as pltpu
from jax.experimental.pallas import tpu_sc as plsc

L = 16
NC = 2
NS = 16
NW = NC * NS

N_ROWS, N_COLS = 16384, 200
COLS_PER_W = N_ROWS // NW
CCHUNK = 128
N_CHUNKS = COLS_PER_W // CCHUNK
T01_SIZE = 100000
T12_SIZE = 1000
PK_WORDS = T01_SIZE // 4
W_PER_TILE = 1568
E_PER_TILE = 4 * W_PER_TILE
FUSE_VREGS = W_PER_TILE // L
HALF = N_COLS // 2


def _remap_body(x_hbm, t01_hbm, t12_hbm, out_hbm, pk_hbm,
                t01s_v, t12_v, pkl_v, pk_v, bufa, bufb,
                tsem, ia, ib, oa, ob):
    core = lax.axis_index("c")
    sid = lax.axis_index("s")
    wid = sid * NC + core
    cbase = wid * COLS_PER_W
    wb0 = jnp.where(sid == NS - 1, PK_WORDS - W_PER_TILE, sid * W_PER_TILE)

    t01_cp = pltpu.async_copy(
        t01_hbm.at[pl.ds(wb0 * 4, E_PER_TILE)], t01s_v, tsem)
    t12_cp = pltpu.async_copy(t12_hbm, t12_v, tsem)

    buf = [bufa, bufb]
    isem = [ia, ib]
    osem = [oa, ob]

    def in_copy(c, b):
        return pltpu.make_async_copy(
            x_hbm.at[:, pl.ds(cbase + c * CCHUNK, CCHUNK)], buf[b], isem[b])

    def out_copy(c, b):
        return pltpu.make_async_copy(
            buf[b], out_hbm.at[:, pl.ds(cbase + c * CCHUNK, CCHUNK)], osem[b])

    in_copy(0, 0).start()
    in_copy(1, 1).start()
    t01_cp.wait()
    t12_cp.wait()

    lanes4 = lax.iota(jnp.int32, L) * 4

    @plsc.parallel_loop(0, FUSE_VREGS, 1, unroll=2)
    def _fuse(j):
        ebase = j * (4 * L)
        w = None
        for m in range(4):
            v = plsc.load_gather(t01s_v, [lanes4 + (ebase + m)])
            f = plsc.load_gather(t12_v, [v])
            fm = f << (8 * m) if m else f
            w = fm if w is None else w | fm
        pkl_v[pl.ds(j * L, L)] = w

    pltpu.sync_copy(
        pkl_v, pk_hbm.at[pl.ds(core * PK_WORDS + wb0, W_PER_TILE)])
    plsc.subcore_barrier()
    pltpu.sync_copy(pk_hbm.at[pl.ds(core * PK_WORDS, PK_WORDS)], pk_v)

    def compute(b, r0, nrows):
        bc = buf[b]

        @plsc.parallel_loop(r0, r0 + nrows, 1, unroll=2)
        def _row(r):
            for c0 in range(0, CCHUNK, L):
                v = bc[r, pl.ds(c0, L)]
                w = plsc.load_gather(pk_v, [lax.shift_right_logical(v, 2)])
                sh = (v & 3) << 3
                bc[r, pl.ds(c0, L)] = lax.shift_right_logical(w, sh) & 0xFF

    in_copy(0, 0).wait()
    compute(0, 0, N_COLS)
    out_copy(0, 0).start()
    in_copy(1, 1).wait()
    compute(1, 0, HALF)
    out_copy(0, 0).wait()
    in_copy(2, 0).start()
    compute(1, HALF, N_COLS - HALF)
    out_copy(1, 1).start()
    in_copy(2, 0).wait()
    compute(0, 0, HALF)
    out_copy(1, 1).wait()
    in_copy(3, 1).start()
    compute(0, HALF, N_COLS - HALF)
    out_copy(2, 0).start()
    in_copy(3, 1).wait()
    compute(1, 0, N_COLS)
    out_copy(3, 1).start()

    out_copy(2, 0).wait()
    out_copy(3, 1).wait()


@jax.jit
def _remap(xt, table_01, table_12):
    mesh = plsc.VectorSubcoreMesh(core_axis_name="c", subcore_axis_name="s")
    out_t, _ = pl.kernel(
        _remap_body,
        mesh=mesh,
        out_type=(
            jax.ShapeDtypeStruct((N_COLS, N_ROWS), jnp.int32),
            jax.ShapeDtypeStruct((NC * PK_WORDS,), jnp.int32),
        ),
        scratch_types=[
            pltpu.VMEM((E_PER_TILE,), jnp.int32),
            pltpu.VMEM((T12_SIZE,), jnp.int32),
            pltpu.VMEM((W_PER_TILE,), jnp.int32),
            pltpu.VMEM((PK_WORDS,), jnp.int32),
            pltpu.VMEM((N_COLS, CCHUNK), jnp.int32),
            pltpu.VMEM((N_COLS, CCHUNK), jnp.int32),
            pltpu.SemaphoreType.DMA,
            pltpu.SemaphoreType.DMA,
            pltpu.SemaphoreType.DMA,
            pltpu.SemaphoreType.DMA,
            pltpu.SemaphoreType.DMA,
        ],
        compiler_params=pltpu.CompilerParams(needs_layout_passes=False),
    )(xt, table_01, table_12)
    return out_t


def kernel(x, table_01, table_12):
    return _remap(x.T, table_01, table_12).T

# --- scband reference (transcript-rebuilt; emitter-appended) ---
"""Pipeline reference for scband-label-remapper-36352603193445 (READ-ONLY COPY).

The authoritative reference and input builder live on the scoring server;
editing this copy changes nothing except your own understanding.
"""

import jax, jax.numpy as jnp
import numpy as np


def setup_inputs(seed: int = 0) -> dict:
    key = jax.random.key(seed)
    k1, k2, k3 = jax.random.split(key, 3)
    # batch of fine-level labels: [16384, 200], values in [0, 100000)
    x = jax.random.randint(k1, (16384, 200), 0, 100000, dtype=jnp.int32)
    # hierarchy remapping tables (the 'remapping_dict' materialized as dense lookup arrays):
    # level 0 (fine, 100000 classes) -> level 1 (mid, 1000 classes)
    table_01 = jax.random.randint(k2, (100000,), 0, 1000, dtype=jnp.int32)
    # level 1 (mid, 1000 classes) -> level 2 (coarse, 10 classes)
    table_12 = jax.random.randint(k3, (1000,), 0, 10, dtype=jnp.int32)
    return {"x": x, "table_01": table_01, "table_12": table_12}


def reference(x, table_01, table_12):
    # generate_label_hierarchy(x, remapping_dict, start_level=0):
    # produces labels at each level by chained table lookups starting from from_level,
    # then LabelRemapper returns the labels at to_level (here: level 2, coarse).
    level0 = x
    level1 = jnp.take(table_01, level0, axis=0)
    level2 = jnp.take(table_12, level1, axis=0)
    out_remappings = {0: level0, 1: level1, 2: level2}
    return out_remappings[2]

if __name__ == "__main__":
    import jax
    _d = setup_inputs()
    print(jax.jit(kernel)(*tuple(_d.values())))

</pallas_src>

<mosaic_0001>
#map = affine_map<(d0, d1) -> (0, 0)>
#map1 = affine_map<(d0, d1) -> (0)>
module attributes {stable_mosaic.version = 14 : i64} {
  func.func @_remap_body(%arg0: i32, %arg1: i32, %arg2: memref<200x16384xi32, #tpu.memory_space<hbm>>, %arg3: memref<100000xi32, #tpu.memory_space<hbm>>, %arg4: memref<1000xi32, #tpu.memory_space<hbm>>, %arg5: memref<200x16384xi32, #tpu.memory_space<hbm>>, %arg6: memref<50000xi32, #tpu.memory_space<hbm>>, %arg7: memref<6272xi32, #tpu.memory_space<vmem>>, %arg8: memref<1000xi32, #tpu.memory_space<vmem>>, %arg9: memref<1568xi32, #tpu.memory_space<vmem>>, %arg10: memref<25000xi32, #tpu.memory_space<vmem>>, %arg11: memref<200x128xi32, #tpu.memory_space<vmem>>, %arg12: memref<200x128xi32, #tpu.memory_space<vmem>>, %arg13: memref<!tpu.dma_semaphore, #tpu.memory_space<semaphore_mem>>, %arg14: memref<!tpu.dma_semaphore, #tpu.memory_space<semaphore_mem>>, %arg15: memref<!tpu.dma_semaphore, #tpu.memory_space<semaphore_mem>>, %arg16: memref<!tpu.dma_semaphore, #tpu.memory_space<semaphore_mem>>, %arg17: memref<!tpu.dma_semaphore, #tpu.memory_space<semaphore_mem>>) attributes {dimension_semantics = [#tpu.dimension_semantics<core_parallel>, #tpu.dimension_semantics<subcore_parallel>], iteration_bounds = array<i64: 2, 16>, scalar_prefetch = 0 : i64, scratch_operands = 11 : i64, tpu.core_type = #tpu.core_type<sc_vector_subcore>, window_params = [{transform_indices = #map}, {transform_indices = #map1}, {transform_indices = #map1}, {transform_indices = #map}, {transform_indices = #map1}]} {
    %mul3A = arith.constant 2 : i32
    %mul3A_0 = arith.muli %arg1, %mul3A : i32
    %add3A = arith.addi %mul3A_0, %arg0 : i32
    %mul3A_1 = arith.constant 512 : i32
    %mul3A_2 = arith.muli %add3A, %mul3A_1 : i32
    %eq3A = arith.constant 15 : i32
    %eq3A_3 = arith.cmpi eq, %arg1, %eq3A : i32
    %mul3A_4 = arith.constant 1568 : i32
    %mul3A_5 = arith.muli %arg1, %mul3A_4 : i32
    %jit3A = arith.constant 23432 : i32
    %select_n3A = arith.select %eq3A_3, %jit3A, %mul3A_5 : i32
    %mul3A_6 = arith.constant 4 : i32
    %mul3A_7 = arith.muli %select_n3A, %mul3A_6 : i32
    %dma_start3A = tpu.memref_slice %arg3[%mul3A_7] : memref<100000xi32, #tpu.memory_space<hbm>> -> memref<6272xi32, #tpu.memory_space<hbm>>
    %dma_start3A_8 = tpu.memref_slice %arg3[%mul3A_7] : memref<100000xi32, #tpu.memory_space<hbm>> -> memref<6272xi32, #tpu.memory_space<hbm>>
    tpu.enqueue_dma source(%dma_start3A_8 : memref<6272xi32, #tpu.memory_space<hbm>>) target(%arg7 : memref<6272xi32, #tpu.memory_space<vmem>>) target_semaphore(%arg13 : memref<!tpu.dma_semaphore, #tpu.memory_space<semaphore_mem>>)
    tpu.enqueue_dma source(%arg4 : memref<1000xi32, #tpu.memory_space<hbm>>) target(%arg8 : memref<1000xi32, #tpu.memory_space<vmem>>) target_semaphore(%arg13 : memref<!tpu.dma_semaphore, #tpu.memory_space<semaphore_mem>>)
    %add3A_9 = arith.constant 0 : i32
    %add3A_10 = arith.addi %mul3A_2, %add3A_9 : i32
    %dma_start3A_11 = arith.constant 0 : i32
    %dma_start3A_12 = tpu.memref_slice %arg2[%dma_start3A_11, %add3A_10] : memref<200x16384xi32, #tpu.memory_space<hbm>> -> memref<200x128xi32, #tpu.memory_space<hbm>>
    %dma_start3A_13 = arith.constant 0 : i32
    %dma_start3A_14 = tpu.memref_slice %arg2[%dma_start3A_13, %add3A_10] : memref<200x16384xi32, #tpu.memory_space<hbm>> -> memref<200x128xi32, #tpu.memory_space<hbm>>
    tpu.enqueue_dma source(%dma_start3A_14 : memref<200x128xi32, #tpu.memory_space<hbm>>) target(%arg11 : memref<200x128xi32, #tpu.memory_space<vmem>>) target_semaphore(%arg14 : memref<!tpu.dma_semaphore, #tpu.memory_space<semaphore_mem>>)
    %add3A_15 = arith.constant 128 : i32
    %add3A_16 = arith.addi %mul3A_2, %add3A_15 : i32
    %dma_start3A_17 = arith.constant 0 : i32
    %dma_start3A_18 = tpu.memref_slice %arg2[%dma_start3A_17, %add3A_16] : memref<200x16384xi32, #tpu.memory_space<hbm>> -> memref<200x128xi32, #tpu.memory_space<hbm>>
    %dma_start3A_19 = arith.constant 0 : i32
    %dma_start3A_20 = tpu.memref_slice %arg2[%dma_start3A_19, %add3A_16] : memref<200x16384xi32, #tpu.memory_space<hbm>> -> memref<200x128xi32, #tpu.memory_space<hbm>>
    tpu.enqueue_dma source(%dma_start3A_20 : memref<200x128xi32, #tpu.memory_space<hbm>>) target(%arg12 : memref<200x128xi32, #tpu.memory_space<vmem>>) target_semaphore(%arg15 : memref<!tpu.dma_semaphore, #tpu.memory_space<semaphore_mem>>)
    %dma_wait3A = tpu.memref_slice %arg3[%mul3A_7] : memref<100000xi32, #tpu.memory_space<hbm>> -> memref<6272xi32, #tpu.memory_space<hbm>>
    %dma_wait3A_21 = tpu.memref_slice %arg3[%mul3A_7] : memref<100000xi32, #tpu.memory_space<hbm>> -> memref<6272xi32, #tpu.memory_space<hbm>>
    tpu.wait_dma2 semaphore(%arg13 : memref<!tpu.dma_semaphore, #tpu.memory_space<semaphore_mem>>) src(%dma_wait3A_21 : memref<6272xi32, #tpu.memory_space<hbm>>) dst(%arg7 : memref<6272xi32, #tpu.memory_space<vmem>>)
    tpu.wait_dma2 semaphore(%arg13 : memref<!tpu.dma_semaphore, #tpu.memory_space<semaphore_mem>>) src(%arg4 : memref<1000xi32, #tpu.memory_space<hbm>>) dst(%arg8 : memref<1000xi32, #tpu.memory_space<vmem>>)
    %iota3A = tpu.iota {dimensions = array<i32: 0>} : vector<16xi32>
    %mul3A_22 = arith.constant 4 : i32
    %mul3A_23 = vector.broadcast %mul3A_22 : i32 to vector<16xi32>
    %mul3A_24 = arith.muli %iota3A, %mul3A_23 : vector<16xi32>
    %parallel_loop3A = arith.constant 0 : i32
    %parallel_loop3A_25 = arith.constant 98 : i32
    %parallel_loop3A_26 = arith.constant 1 : i32
    scf.for %parallel_loop3A_134 = %parallel_loop3A to %parallel_loop3A_25 step %parallel_loop3A_26  : i32 {
      %parallel_loop3A_135 = arith.constant 64 : i32
      %parallel_loop3A_136 = arith.muli %parallel_loop3A_134, %parallel_loop3A_135 : i32
      %parallel_loop3A_137 = arith.constant 0 : i32
      %parallel_loop3A_138 = arith.addi %parallel_loop3A_136, %parallel_loop3A_137 : i32
      %parallel_loop3A_139 = vector.broadcast %parallel_loop3A_138 : i32 to vector<16xi32>
      %parallel_loop3A_140 = arith.addi %mul3A_24, %parallel_loop3A_139 : vector<16xi32>
      %parallel_loop3A_141 = tpu.vector_load_idx %arg7[%parallel_loop3A_140] : memref<6272xi32, #tpu.memory_space<vmem>>[vector<16xi32>], vector<16xi32>,
      %parallel_loop3A_142 = tpu.vector_load_idx %arg8[%parallel_loop3A_141] : memref<1000xi32, #tpu.memory_space<vmem>>[vector<16xi32>], vector<16xi32>,
      %parallel_loop3A_143 = arith.constant 1 : i32
      %parallel_loop3A_144 = arith.addi %parallel_loop3A_136, %parallel_loop3A_143 : i32
      %parallel_loop3A_145 = vector.broadcast %parallel_loop3A_144 : i32 to vector<16xi32>
      %parallel_loop3A_146 = arith.addi %mul3A_24, %parallel_loop3A_145 : vector<16xi32>
      %parallel_loop3A_147 = tpu.vector_load_idx %arg7[%parallel_loop3A_146] : memref<6272xi32, #tpu.memory_space<vmem>>[vector<16xi32>], vector<16xi32>,
      %parallel_loop3A_148 = tpu.vector_load_idx %arg8[%parallel_loop3A_147] : memref<1000xi32, #tpu.memory_space<vmem>>[vector<16xi32>], vector<16xi32>,
      %parallel_loop3A_149 = arith.constant 8 : i32
      %parallel_loop3A_150 = vector.broadcast %parallel_loop3A_149 : i32 to vector<16xi32>
      %parallel_loop3A_151 = arith.shli %parallel_loop3A_148, %parallel_loop3A_150 : vector<16xi32>
      %parallel_loop3A_152 = arith.ori %parallel_loop3A_142, %parallel_loop3A_151 : vector<16xi32>
      %parallel_loop3A_153 = arith.constant 2 : i32
      %parallel_loop3A_154 = arith.addi %parallel_loop3A_136, %parallel_loop3A_153 : i32
      %parallel_loop3A_155 = vector.broadcast %parallel_loop3A_154 : i32 to vector<16xi32>
      %parallel_loop3A_156 = arith.addi %mul3A_24, %parallel_loop3A_155 : vector<16xi32>
      %parallel_loop3A_157 = tpu.vector_load_idx %arg7[%parallel_loop3A_156] : memref<6272xi32, #tpu.memory_space<vmem>>[vector<16xi32>], vector<16xi32>,
      %parallel_loop3A_158 = tpu.vector_load_idx %arg8[%parallel_loop3A_157] : memref<1000xi32, #tpu.memory_space<vmem>>[vector<16xi32>], vector<16xi32>,
      %parallel_loop3A_159 = arith.constant 16 : i32
      %parallel_loop3A_160 = vector.broadcast %parallel_loop3A_159 : i32 to vector<16xi32>
      %parallel_loop3A_161 = arith.shli %parallel_loop3A_158, %parallel_loop3A_160 : vector<16xi32>
      %parallel_loop3A_162 = arith.ori %parallel_loop3A_152, %parallel_loop3A_161 : vector<16xi32>
      %parallel_loop3A_163 = arith.constant 3 : i32
      %parallel_loop3A_164 = arith.addi %parallel_loop3A_136, %parallel_loop3A_163 : i32
      %parallel_loop3A_165 = vector.broadcast %parallel_loop3A_164 : i32 to vector<16xi32>
      %parallel_loop3A_166 = arith.addi %mul3A_24, %parallel_loop3A_165 : vector<16xi32>
      %parallel_loop3A_167 = tpu.vector_load_idx %arg7[%parallel_loop3A_166] : memref<6272xi32, #tpu.memory_space<vmem>>[vector<16xi32>], vector<16xi32>,
      %parallel_loop3A_168 = tpu.vector_load_idx %arg8[%parallel_loop3A_167] : memref<1000xi32, #tpu.memory_space<vmem>>[vector<16xi32>], vector<16xi32>,
      %parallel_loop3A_169 = arith.constant 24 : i32
      %parallel_loop3A_170 = vector.broadcast %parallel_loop3A_169 : i32 to vector<16xi32>
      %parallel_loop3A_171 = arith.shli %parallel_loop3A_168, %parallel_loop3A_170 : vector<16xi32>
      %parallel_loop3A_172 = arith.ori %parallel_loop3A_162, %parallel_loop3A_171 : vector<16xi32>
      %parallel_loop3A_173 = arith.constant 16 : i32
      %parallel_loop3A_174 = arith.muli %parallel_loop3A_134, %parallel_loop3A_173 : i32
      %parallel_loop3A_175 = arith.index_cast %parallel_loop3A_174 : i32 to index
      %parallel_loop3A_176 = tpu.vector_load %arg9[%parallel_loop3A_175] {strides = array<i32>} : memref<1568xi32, #tpu.memory_space<vmem>>, vector<16xi32>,
      tpu.vector_store %arg9[%parallel_loop3A_175], %parallel_loop3A_172 {strides = array<i32>} : memref<1568xi32, #tpu.memory_space<vmem>>, vector<16xi32>,
    } {sc.loop_unroll_factor = 2 : i64, sc.parallel_access}
    %mul3A_27 = arith.constant 25000 : i32
    %mul3A_28 = arith.muli %arg0, %mul3A_27 : i32
    %add3A_29 = arith.addi %mul3A_28, %select_n3A : i32
    "tpu.region"() ({
      %run_scoped3A = tpu.sem_alloc : memref<!tpu.dma_semaphore, #tpu.memory_space<semaphore_mem>>
      %dma_start3A_134 = tpu.memref_slice %arg6[%add3A_29] : memref<50000xi32, #tpu.memory_space<hbm>> -> memref<1568xi32, #tpu.memory_space<hbm>>
      %dma_start3A_135 = tpu.memref_slice %arg6[%add3A_29] : memref<50000xi32, #tpu.memory_space<hbm>> -> memref<1568xi32, #tpu.memory_space<hbm>>
      tpu.enqueue_dma source(%arg9 : memref<1568xi32, #tpu.memory_space<vmem>>) target(%dma_start3A_135 : memref<1568xi32, #tpu.memory_space<hbm>>) target_semaphore(%run_scoped3A : memref<!tpu.dma_semaphore, #tpu.memory_space<semaphore_mem>>)
      %dma_wait3A_136 = tpu.memref_slice %arg6[%add3A_29] : memref<50000xi32, #tpu.memory_space<hbm>> -> memref<1568xi32, #tpu.memory_space<hbm>>
      %dma_wait3A_137 = tpu.memref_slice %arg6[%add3A_29] : memref<50000xi32, #tpu.memory_space<hbm>> -> memref<1568xi32, #tpu.memory_space<hbm>>
      tpu.wait_dma2 semaphore(%run_scoped3A : memref<!tpu.dma_semaphore, #tpu.memory_space<semaphore_mem>>) src(%arg9 : memref<1568xi32, #tpu.memory_space<vmem>>) dst(%dma_wait3A_137 : memref<1568xi32, #tpu.memory_space<hbm>>)
      tpu.yield
    }) : () -> ()
    %barrier3A = arith.constant 0 : index
    tpu.barrier barrier_id(%barrier3A)
    %mul3A_30 = arith.constant 25000 : i32
    %mul3A_31 = arith.muli %arg0, %mul3A_30 : i32
    "tpu.region"() ({
      %run_scoped3A = tpu.sem_alloc : memref<!tpu.dma_semaphore, #tpu.memory_space<semaphore_mem>>
      %dma_start3A_134 = tpu.memref_slice %arg6[%mul3A_31] : memref<50000xi32, #tpu.memory_space<hbm>> -> memref<25000xi32, #tpu.memory_space<hbm>>
      %dma_start3A_135 = tpu.memref_slice %arg6[%mul3A_31] : memref<50000xi32, #tpu.memory_space<hbm>> -> memref<25000xi32, #tpu.memory_space<hbm>>
      tpu.enqueue_dma source(%dma_start3A_135 : memref<25000xi32, #tpu.memory_space<hbm>>) target(%arg10 : memref<25000xi32, #tpu.memory_space<vmem>>) target_semaphore(%run_scoped3A : memref<!tpu.dma_semaphore, #tpu.memory_space<semaphore_mem>>)
      %dma_wait3A_136 = tpu.memref_slice %arg6[%mul3A_31] : memref<50000xi32, #tpu.memory_space<hbm>> -> memref<25000xi32, #tpu.memory_space<hbm>>
      %dma_wait3A_137 = tpu.memref_slice %arg6[%mul3A_31] : memref<50000xi32, #tpu.memory_space<hbm>> -> memref<25000xi32, #tpu.memory_space<hbm>>
      tpu.wait_dma2 semaphore(%run_scoped3A : memref<!tpu.dma_semaphore, #tpu.memory_space<semaphore_mem>>) src(%dma_wait3A_137 : memref<25000xi32, #tpu.memory_space<hbm>>) dst(%arg10 : memref<25000xi32, #tpu.memory_space<vmem>>)
      tpu.yield
    }) : () -> ()
    %add3A_32 = arith.constant 0 : i32
    %add3A_33 = arith.addi %mul3A_2, %add3A_32 : i32
    %dma_wait3A_34 = arith.constant 0 : i32
    %dma_wait3A_35 = tpu.memref_slice %arg2[%dma_wait3A_34, %add3A_33] : memref<200x16384xi32, #tpu.memory_space<hbm>> -> memref<200x128xi32, #tpu.memory_space<hbm>>
    %dma_wait3A_36 = arith.constant 0 : i32
    %dma_wait3A_37 = tpu.memref_slice %arg2[%dma_wait3A_36, %add3A_33] : memref<200x16384xi32, #tpu.memory_space<hbm>> -> memref<200x128xi32, #tpu.memory_space<hbm>>
    tpu.wait_dma2 semaphore(%arg14 : memref<!tpu.dma_semaphore, #tpu.memory_space<semaphore_mem>>) src(%dma_wait3A_37 : memref<200x128xi32, #tpu.memory_space<hbm>>) dst(%arg11 : memref<200x128xi32, #tpu.memory_space<vmem>>)
    %parallel_loop3A_38 = arith.constant 0 : i32
    %parallel_loop3A_39 = arith.constant 200 : i32
    %parallel_loop3A_40 = arith.constant 1 : i32
    scf.for %parallel_loop3A_134 = %parallel_loop3A_38 to %parallel_loop3A_39 step %parallel_loop3A_40  : i32 {
      %parallel_loop3A_135 = arith.index_cast %parallel_loop3A_134 : i32 to index
      %parallel_loop3A_136 = arith.constant 0 : index
      %parallel_loop3A_137 = tpu.vector_load %arg11[%parallel_loop3A_135, %parallel_loop3A_136] {strides = array<i32>} : memref<200x128xi32, #tpu.memory_space<vmem>>, vector<16xi32>,
      %parallel_loop3A_138 = arith.constant 2 : i32
      %parallel_loop3A_139 = vector.broadcast %parallel_loop3A_138 : i32 to vector<16xi32>
      %parallel_loop3A_140 = arith.shrui %parallel_loop3A_137, %parallel_loop3A_139 : vector<16xi32>
      %parallel_loop3A_141 = tpu.vector_load_idx %arg10[%parallel_loop3A_140] : memref<25000xi32, #tpu.memory_space<vmem>>[vector<16xi32>], vector<16xi32>,
      %parallel_loop3A_142 = arith.constant 3 : i32
      %parallel_loop3A_143 = vector.broadcast %parallel_loop3A_142 : i32 to vector<16xi32>
      %parallel_loop3A_144 = arith.andi %parallel_loop3A_137, %parallel_loop3A_143 : vector<16xi32>
      %parallel_loop3A_145 = arith.constant 3 : i32
      %parallel_loop3A_146 = vector.broadcast %parallel_loop3A_145 : i32 to vector<16xi32>
      %parallel_loop3A_147 = arith.shli %parallel_loop3A_144, %parallel_loop3A_146 : vector<16xi32>
      %parallel_loop3A_148 = arith.shrui %parallel_loop3A_141, %parallel_loop3A_147 : vector<16xi32>
      %parallel_loop3A_149 = arith.constant 255 : i32
      %parallel_loop3A_150 = vector.broadcast %parallel_loop3A_149 : i32 to vector<16xi32>
      %parallel_loop3A_151 = arith.andi %parallel_loop3A_148, %parallel_loop3A_150 : vector<16xi32>
      %parallel_loop3A_152 = arith.index_cast %parallel_loop3A_134 : i32 to index
      %parallel_loop3A_153 = arith.constant 0 : index
      %parallel_loop3A_154 = tpu.vector_load %arg11[%parallel_loop3A_152, %parallel_loop3A_153] {strides = array<i32>} : memref<200x128xi32, #tpu.memory_space<vmem>>, vector<16xi32>,
      tpu.vector_store %arg11[%parallel_loop3A_152, %parallel_loop3A_153], %parallel_loop3A_151 {strides = array<i32>} : memref<200x128xi32, #tpu.memory_space<vmem>>, vector<16xi32>,
      %parallel_loop3A_155 = arith.index_cast %parallel_loop3A_134 : i32 to index
      %parallel_loop3A_156 = arith.constant 16 : index
      %parallel_loop3A_157 = tpu.vector_load %arg11[%parallel_loop3A_155, %parallel_loop3A_156] {strides = array<i32>} : memref<200x128xi32, #tpu.memory_space<vmem>>, vector<16xi32>,
      %parallel_loop3A_158 = arith.constant 2 : i32
      %parallel_loop3A_159 = vector.broadcast %parallel_loop3A_158 : i32 to vector<16xi32>
      %parallel_loop3A_160 = arith.shrui %parallel_loop3A_157, %parallel_loop3A_159 : vector<16xi32>
      %parallel_loop3A_161 = tpu.vector_load_idx %arg10[%parallel_loop3A_160] : memref<25000xi32, #tpu.memory_space<vmem>>[vector<16xi32>], vector<16xi32>,
      %parallel_loop3A_162 = arith.constant 3 : i32
      %parallel_loop3A_163 = vector.broadcast %parallel_loop3A_162 : i32 to vector<16xi32>
      %parallel_loop3A_164 = arith.andi %parallel_loop3A_157, %parallel_loop3A_163 : vector<16xi32>
      %parallel_loop3A_165 = arith.constant 3 : i32
      %parallel_loop3A_166 = vector.broadcast %parallel_loop3A_165 : i32 to vector<16xi32>
      %parallel_loop3A_167 = arith.shli %parallel_loop3A_164, %parallel_loop3A_166 : vector<16xi32>
      %parallel_loop3A_168 = arith.shrui %parallel_loop3A_161, %parallel_loop3A_167 : vector<16xi32>
      %parallel_loop3A_169 = arith.constant 255 : i32
      %parallel_loop3A_170 = vector.broadcast %parallel_loop3A_169 : i32 to vector<16xi32>
      %parallel_loop3A_171 = arith.andi %parallel_loop3A_168, %parallel_loop3A_170 : vector<16xi32>
      %parallel_loop3A_172 = arith.index_cast %parallel_loop3A_134 : i32 to index
      %parallel_loop3A_173 = arith.constant 16 : index
      %parallel_loop3A_174 = tpu.vector_load %arg11[%parallel_loop3A_172, %parallel_loop3A_173] {strides = array<i32>} : memref<200x128xi32, #tpu.memory_space<vmem>>, vector<16xi32>,
      tpu.vector_store %arg11[%parallel_loop3A_172, %parallel_loop3A_173], %parallel_loop3A_171 {strides = array<i32>} : memref<200x128xi32, #tpu.memory_space<vmem>>, vector<16xi32>,
      %parallel_loop3A_175 = arith.index_cast %parallel_loop3A_134 : i32 to index
      %parallel_loop3A_176 = arith.constant 32 : index
      %parallel_loop3A_177 = tpu.vector_load %arg11[%parallel_loop3A_175, %parallel_loop3A_176] {strides = array<i32>} : memref<200x128xi32, #tpu.memory_space<vmem>>, vector<16xi32>,
      %parallel_loop3A_178 = arith.constant 2 : i32
      %parallel_loop3A_179 = vector.broadcast %parallel_loop3A_178 : i32 to vector<16xi32>
      %parallel_loop3A_180 = arith.shrui %parallel_loop3A_177, %parallel_loop3A_179 : vector<16xi32>
      %parallel_loop3A_181 = tpu.vector_load_idx %arg10[%parallel_loop3A_180] : memref<25000xi32, #tpu.memory_space<vmem>>[vector<16xi32>], vector<16xi32>,
      %parallel_loop3A_182 = arith.constant 3 : i32
      %parallel_loop3A_183 = vector.broadcast %parallel_loop3A_182 : i32 to vector<16xi32>
      %parallel_loop3A_184 = arith.andi %parallel_loop3A_177, %parallel_loop3A_183 : vector<16xi32>
      %parallel_loop3A_185 = arith.constant 3 : i32
      %parallel_loop3A_186 = vector.broadcast %parallel_loop3A_185 : i32 to vector<16xi32>
      %parallel_loop3A_187 = arith.shli %parallel_loop3A_184, %parallel_loop3A_186 : vector<16xi32>
      %parallel_loop3A_188 = arith.shrui %parallel_loop3A_181, %parallel_loop3A_187 : vector<16xi32>
      %parallel_loop3A_189 = arith.constant 255 : i32
      %parallel_loop3A_190 = vector.broadcast %parallel_loop3A_189 : i32 to vector<16xi32>
      %parallel_loop3A_191 = arith.andi %parallel_loop3A_188, %parallel_loop3A_190 : vector<16xi32>
      %parallel_loop3A_192 = arith.index_cast %parallel_loop3A_134 : i32 to index
      %parallel_loop3A_193 = arith.constant 32 : index
      %parallel_loop3A_194 = tpu.vector_load %arg11[%parallel_loop3A_192, %parallel_loop3A_193] {strides = array<i32>} : memref<200x128xi32, #tpu.memory_space<vmem>>, vector<16xi32>,
      tpu.vector_store %arg11[%parallel_loop3A_192, %parallel_loop3A_193], %parallel_loop3A_191 {strides = array<i32>} : memref<200x128xi32, #tpu.memory_space<vmem>>, vector<16xi32>,
      %parallel_loop3A_195 = arith.index_cast %parallel_loop3A_134 : i32 to index
      %parallel_loop3A_196 = arith.constant 48 : index
      %parallel_loop3A_197 = tpu.vector_load %arg11[%parallel_loop3A_195, %parallel_loop3A_196] {strides = array<i32>} : memref<200x128xi32, #tpu.memory_space<vmem>>, vector<16xi32>,
      %parallel_loop3A_198 = arith.constant 2 : i32
      %parallel_loop3A_199 = vector.broadcast %parallel_loop3A_198 : i32 to vector<16xi32>
      %parallel_loop3A_200 = arith.shrui %parallel_loop3A_197, %parallel_loop3A_199 : vector<16xi32>
      %parallel_loop3A_201 = tpu.vector_load_idx %arg10[%parallel_loop3A_200] : memref<25000xi32, #tpu.memory_space<vmem>>[vector<16xi32>], vector<16xi32>,
      %parallel_loop3A_202 = arith.constant 3 : i32
      %parallel_loop3A_203 = vector.broadcast %parallel_loop3A_202 : i32 to vector<16xi32>
      %parallel_loop3A_204 = arith.andi %parallel_loop3A_197, %parallel_loop3A_203 : vector<16xi32>
      %parallel_loop3A_205 = arith.constant 3 : i32
      %parallel_loop3A_206 = vector.broadcast %parallel_loop3A_205 : i32 to vector<16xi32>
      %parallel_loop3A_207 = arith.shli %parallel_loop3A_204, %parallel_loop3A_206 : vector<16xi32>
      %parallel_loop3A_208 = arith.shrui %parallel_loop3A_201, %parallel_loop3A_207 : vector<16xi32>
      %parallel_loop3A_209 = arith.constant 255 : i32
      %parallel_loop3A_210 = vector.broadcast %parallel_loop3A_209 : i32 to vector<16xi32>
      %parallel_loop3A_211 = arith.andi %parallel_loop3A_208, %parallel_loop3A_210 : vector<16xi32>
      %parallel_loop3A_212 = arith.index_cast %parallel_loop3A_134 : i32 to index
      %parallel_loop3A_213 = arith.constant 48 : index
      %parallel_loop3A_214 = tpu.vector_load %arg11[%parallel_loop3A_212, %parallel_loop3A_213] {strides = array<i32>} : memref<200x128xi32, #tpu.memory_space<vmem>>, vector<16xi32>,
      tpu.vector_store %arg11[%parallel_loop3A_212, %parallel_loop3A_213], %parallel_loop3A_211 {strides = array<i32>} : memref<200x128xi32, #tpu.memory_space<vmem>>, vector<16xi32>,
      %parallel_loop3A_215 = arith.index_cast %parallel_loop3A_134 : i32 to index
      %parallel_loop3A_216 = arith.constant 64 : index
      %parallel_loop3A_217 = tpu.vector_load %arg11[%parallel_loop3A_215, %parallel_loop3A_216] {strides = array<i32>} : memref<200x128xi32, #tpu.memory_space<vmem>>, vector<16xi32>,
      %parallel_loop3A_218 = arith.constant 2 : i32
      %parallel_loop3A_219 = vector.broadcast %parallel_loop3A_218 : i32 to vector<16xi32>
      %parallel_loop3A_220 = arith.shrui %parallel_loop3A_217, %parallel_loop3A_219 : vector<16xi32>
      %parallel_loop3A_221 = tpu.vector_load_idx %arg10[%parallel_loop3A_220] : memref<25000xi32, #tpu.memory_space<vmem>>[vector<16xi32>], vector<16xi32>,
      %parallel_loop3A_222 = arith.constant 3 : i32
      %parallel_loop3A_223 = vector.broadcast %parallel_loop3A_222 : i32 to vector<16xi32>
      %parallel_loop3A_224 = arith.andi %parallel_loop3A_217, %parallel_loop3A_223 : vector<16xi32>
      %parallel_loop3A_225 = arith.constant 3 : i32
      %parallel_loop3A_226 = vector.broadcast %parallel_loop3A_225 : i32 to vector<16xi32>
      %parallel_loop3A_227 = arith.shli %parallel_loop3A_224, %parallel_loop3A_226 : vector<16xi32>
      %parallel_loop3A_228 = arith.shrui %parallel_loop3A_221, %parallel_loop3A_227 : vector<16xi32>
      %parallel_loop3A_229 = arith.constant 255 : i32
      %parallel_loop3A_230 = vector.broadcast %parallel_loop3A_229 : i32 to vector<16xi32>
      %parallel_loop3A_231 = arith.andi %parallel_loop3A_228, %parallel_loop3A_230 : vector<16xi32>
      %parallel_loop3A_232 = arith.index_cast %parallel_loop3A_134 : i32 to index
      %parallel_loop3A_233 = arith.constant 64 : index
      %parallel_loop3A_234 = tpu.vector_load %arg11[%parallel_loop3A_232, %parallel_loop3A_233] {strides = array<i32>} : memref<200x128xi32, #tpu.memory_space<vmem>>, vector<16xi32>,
      tpu.vector_store %arg11[%parallel_loop3A_232, %parallel_loop3A_233], %parallel_loop3A_231 {strides = array<i32>} : memref<200x128xi32, #tpu.memory_space<vmem>>, vector<16xi32>,
      %parallel_loop3A_235 = arith.index_cast %parallel_loop3A_134 : i32 to index
      %parallel_loop3A_236 = arith.constant 80 : index
      %parallel_loop3A_237 = tpu.vector_load %arg11[%parallel_loop3A_235, %parallel_loop3A_236] {strides = array<i32>} : memref<200x128xi32, #tpu.memory_space<vmem>>, vector<16xi32>,
      %parallel_loop3A_238 = arith.constant 2 : i32
      %parallel_loop3A_239 = vector.broadcast %parallel_loop3A_238 : i32 to vector<16xi32>
      %parallel_loop3A_240 = arith.shrui %parallel_loop3A_237, %parallel_loop3A_239 : vector<16xi32>
      %parallel_loop3A_241 = tpu.vector_load_idx %arg10[%parallel_loop3A_240] : memref<25000xi32, #tpu.memory_space<vmem>>[vector<16xi32>], vector<16xi32>,
      %parallel_loop3A_242 = arith.constant 3 : i32
      %parallel_loop3A_243 = vector.broadcast %parallel_loop3A_242 : i32 to vector<16xi32>
      %parallel_loop3A_244 = arith.andi %parallel_loop3A_237, %parallel_loop3A_243 : vector<16xi32>
      %parallel_loop3A_245 = arith.constant 3 : i32
      %parallel_loop3A_246 = vector.broadcast %parallel_loop3A_245 : i32 to vector<16xi32>
      %parallel_loop3A_247 = arith.shli %parallel_loop3A_244, %parallel_loop3A_246 : vector<16xi32>
      %parallel_loop3A_248 = arith.shrui %parallel_loop3A_241, %parallel_loop3A_247 : vector<16xi32>
      %parallel_loop3A_249 = arith.constant 255 : i32
      %parallel_loop3A_250 = vector.broadcast %parallel_loop3A_249 : i32 to vector<16xi32>
      %parallel_loop3A_251 = arith.andi %parallel_loop3A_248, %parallel_loop3A_250 : vector<16xi32>
      %parallel_loop3A_252 = arith.index_cast %parallel_loop3A_134 : i32 to index
      %parallel_loop3A_253 = arith.constant 80 : index
      %parallel_loop3A_254 = tpu.vector_load %arg11[%parallel_loop3A_252, %parallel_loop3A_253] {strides = array<i32>} : memref<200x128xi32, #tpu.memory_space<vmem>>, vector<16xi32>,
      tpu.vector_store %arg11[%parallel_loop3A_252, %parallel_loop3A_253], %parallel_loop3A_251 {strides = array<i32>} : memref<200x128xi32, #tpu.memory_space<vmem>>, vector<16xi32>,
      %parallel_loop3A_255 = arith.index_cast %parallel_loop3A_134 : i32 to index
      %parallel_loop3A_256 = arith.constant 96 : index
      %parallel_loop3A_257 = tpu.vector_load %arg11[%parallel_loop3A_255, %parallel_loop3A_256] {strides = array<i32>} : memref<200x128xi32, #tpu.memory_space<vmem>>, vector<16xi32>,
      %parallel_loop3A_258 = arith.constant 2 : i32
      %parallel_loop3A_259 = vector.broadcast %parallel_loop3A_258 : i32 to vector<16xi32>
      %parallel_loop3A_260 = arith.shrui %parallel_loop3A_257, %parallel_loop3A_259 : vector<16xi32>
      %parallel_loop3A_261 = tpu.vector_load_idx %arg10[%parallel_loop3A_260] : memref<25000xi32, #tpu.memory_space<vmem>>[vector<16xi32>], vector<16xi32>,
      %parallel_loop3A_262 = arith.constant 3 : i32
      %parallel_loop3A_263 = vector.broadcast %parallel_loop3A_262 : i32 to vector<16xi32>
      %parallel_loop3A_264 = arith.andi %parallel_loop3A_257, %parallel_loop3A_263 : vector<16xi32>
      %parallel_loop3A_265 = arith.constant 3 : i32
      %parallel_loop3A_266 = vector.broadcast %parallel_loop3A_265 : i32 to vector<16xi32>
      %parallel_loop3A_267 = arith.shli %parallel_loop3A_264, %parallel_loop3A_266 : vector<16xi32>
      %parallel_loop3A_268 = arith.shrui %parallel_loop3A_261, %parallel_loop3A_267 : vector<16xi32>
      %parallel_loop3A_269 = arith.constant 255 : i32
      %parallel_loop3A_270 = vector.broadcast %parallel_loop3A_269 : i32 to vector<16xi32>
      %parallel_loop3A_271 = arith.andi %parallel_loop3A_268, %parallel_loop3A_270 : vector<16xi32>
      %parallel_loop3A_272 = arith.index_cast %parallel_loop3A_134 : i32 to index
      %parallel_loop3A_273 = arith.constant 96 : index
      %parallel_loop3A_274 = tpu.vector_load %arg11[%parallel_loop3A_272, %parallel_loop3A_273] {strides = array<i32>} : memref<200x128xi32, #tpu.memory_space<vmem>>, vector<16xi32>,
      tpu.vector_store %arg11[%parallel_loop3A_272, %parallel_loop3A_273], %parallel_loop3A_271 {strides = array<i32>} : memref<200x128xi32, #tpu.memory_space<vmem>>, vector<16xi32>,
      %parallel_loop3A_275 = arith.index_cast %parallel_loop3A_134 : i32 to index
      %parallel_loop3A_276 = arith.constant 112 : index
      %parallel_loop3A_277 = tpu.vector_load %arg11[%parallel_loop3A_275, %parallel_loop3A_276] {strides = array<i32>} : memref<200x128xi32, #tpu.memory_space<vmem>>, vector<16xi32>,
      %parallel_loop3A_278 = arith.constant 2 : i32
      %parallel_loop3A_279 = vector.broadcast %parallel_loop3A_278 : i32 to vector<16xi32>
      %parallel_loop3A_280 = arith.shrui %parallel_loop3A_277, %parallel_loop3A_279 : vector<16xi32>
      %parallel_loop3A_281 = tpu.vector_load_idx %arg10[%parallel_loop3A_280] : memref<25000xi32, #tpu.memory_space<vmem>>[vector<16xi32>], vector<16xi32>,
      %parallel_loop3A_282 = arith.constant 3 : i32
      %parallel_loop3A_283 = vector.broadcast %parallel_loop3A_282 : i32 to vector<16xi32>
      %parallel_loop3A_284 = arith.andi %parallel_loop3A_277, %parallel_loop3A_283 : vector<16xi32>
      %parallel_loop3A_285 = arith.constant 3 : i32
      %parallel_loop3A_286 = vector.broadcast %parallel_loop3A_285 : i32 to vector<16xi32>
      %parallel_loop3A_287 = arith.shli %parallel_loop3A_284, %parallel_loop3A_286 : vector<16xi32>
      %parallel_loop3A_288 = arith.shrui %parallel_loop3A_281, %parallel_loop3A_287 : vector<16xi32>
      %parallel_loop3A_289 = arith.constant 255 : i32
      %parallel_loop3A_290 = vector.broadcast %parallel_loop3A_289 : i32 to vector<16xi32>
      %parallel_loop3A_291 = arith.andi %parallel_loop3A_288, %parallel_loop3A_290 : vector<16xi32>
      %parallel_loop3A_292 = arith.index_cast %parallel_loop3A_134 : i32 to index
      %parallel_loop3A_293 = arith.constant 112 : index
      %parallel_loop3A_294 = tpu.vector_load %arg11[%parallel_loop3A_292, %parallel_loop3A_293] {strides = array<i32>} : memref<200x128xi32, #tpu.memory_space<vmem>>, vector<16xi32>,
      tpu.vector_store %arg11[%parallel_loop3A_292, %parallel_loop3A_293], %parallel_loop3A_291 {strides = array<i32>} : memref<200x128xi32, #tpu.memory_space<vmem>>, vector<16xi32>,
    } {sc.loop_unroll_factor = 2 : i64, sc.parallel_access}
    %add3A_41 = arith.constant 0 : i32
    %add3A_42 = arith.addi %mul3A_2, %add3A_41 : i32
    %dma_start3A_43 = arith.constant 0 : i32
    %dma_start3A_44 = tpu.memref_slice %arg5[%dma_start3A_43, %add3A_42] : memref<200x16384xi32, #tpu.memory_space<hbm>> -> memref<200x128xi32, #tpu.memory_space<hbm>>
    %dma_start3A_45 = arith.constant 0 : i32
    %dma_start3A_46 = tpu.memref_slice %arg5[%dma_start3A_45, %add3A_42] : memref<200x16384xi32, #tpu.memory_space<hbm>> -> memref<200x128xi32, #tpu.memory_space<hbm>>
    tpu.enqueue_dma source(%arg11 : memref<200x128xi32, #tpu.memory_space<vmem>>) target(%dma_start3A_46 : memref<200x128xi32, #tpu.memory_space<hbm>>) target_semaphore(%arg16 : memref<!tpu.dma_semaphore, #tpu.memory_space<semaphore_mem>>)
    %add3A_47 = arith.constant 128 : i32
    %add3A_48 = arith.addi %mul3A_2, %add3A_47 : i32
    %dma_wait3A_49 = arith.constant 0 : i32
    %dma_wait3A_50 = tpu.memref_slice %arg2[%dma_wait3A_49, %add3A_48] : memref<200x16384xi32, #tpu.memory_space<hbm>> -> memref<200x128xi32, #tpu.memory_space<hbm>>
    %dma_wait3A_51 = arith.constant 0 : i32
    %dma_wait3A_52 = tpu.memref_slice %arg2[%dma_wait3A_51, %add3A_48] : memref<200x16384xi32, #tpu.memory_space<hbm>> -> memref<200x128xi32, #tpu.memory_space<hbm>>
    tpu.wait_dma2 semaphore(%arg15 : memref<!tpu.dma_semaphore, #tpu.memory_space<semaphore_mem>>) src(%dma_wait3A_52 : memref<200x128xi32, #tpu.memory_space<hbm>>) dst(%arg12 : memref<200x128xi32, #tpu.memory_space<vmem>>)
    %parallel_loop3A_53 = arith.constant 0 : i32
    %parallel_loop3A_54 = arith.constant 100 : i32
    %parallel_loop3A_55 = arith.constant 1 : i32
    scf.for %parallel_loop3A_134 = %parallel_loop3A_53 to %parallel_loop3A_54 step %parallel_loop3A_55  : i32 {
      %parallel_loop3A_135 = arith.index_cast %parallel_loop3A_134 : i32 to index
      %parallel_loop3A_136 = arith.constant 0 : index
      %parallel_loop3A_137 = tpu.vector_load %arg12[%parallel_loop3A_135, %parallel_loop3A_136] {strides = array<i32>} : memref<200x128xi32, #tpu.memory_space<vmem>>, vector<16xi32>,
      %parallel_loop3A_138 = arith.constant 2 : i32
      %parallel_loop3A_139 = vector.broadcast %parallel_loop3A_138 : i32 to vector<16xi32>
      %parallel_loop3A_140 = arith.shrui %parallel_loop3A_137, %parallel_loop3A_139 : vector<16xi32>
      %parallel_loop3A_141 = tpu.vector_load_idx %arg10[%parallel_loop3A_140] : memref<25000xi32, #tpu.memory_space<vmem>>[vector<16xi32>], vector<16xi32>,
      %parallel_loop3A_142 = arith.constant 3 : i32
      %parallel_loop3A_143 = vector.broadcast %parallel_loop3A_142 : i32 to vector<16xi32>
      %parallel_loop3A_144 = arith.andi %parallel_loop3A_137, %parallel_loop3A_143 : vector<16xi32>
      %parallel_loop3A_145 = arith.constant 3 : i32
      %parallel_loop3A_146 = vector.broadcast %parallel_loop3A_145 : i32 to vector<16xi32>
      %parallel_loop3A_147 = arith.shli %parallel_loop3A_144, %parallel_loop3A_146 : vector<16xi32>
      %parallel_loop3A_148 = arith.shrui %parallel_loop3A_141, %parallel_loop3A_147 : vector<16xi32>
      %parallel_loop3A_149 = arith.constant 255 : i32
      %parallel_loop3A_150 = vector.broadcast %parallel_loop3A_149 : i32 to vector<16xi32>
      %parallel_loop3A_151 = arith.andi %parallel_loop3A_148, %parallel_loop3A_150 : vector<16xi32>
      %parallel_loop3A_152 = arith.index_cast %parallel_loop3A_134 : i32 to index
      %parallel_loop3A_153 = arith.constant 0 : index
      %parallel_loop3A_154 = tpu.vector_load %arg12[%parallel_loop3A_152, %parallel_loop3A_153] {strides = array<i32>} : memref<200x128xi32, #tpu.memory_space<vmem>>, vector<16xi32>,
      tpu.vector_store %arg12[%parallel_loop3A_152, %parallel_loop3A_153], %parallel_loop3A_151 {strides = array<i32>} : memref<200x128xi32, #tpu.memory_space<vmem>>, vector<16xi32>,
      %parallel_loop3A_155 = arith.index_cast %parallel_loop3A_134 : i32 to index
      %parallel_loop3A_156 = arith.constant 16 : index
      %parallel_loop3A_157 = tpu.vector_load %arg12[%parallel_loop3A_155, %parallel_loop3A_156] {strides = array<i32>} : memref<200x128xi32, #tpu.memory_space<vmem>>, vector<16xi32>,
      %parallel_loop3A_158 = arith.constant 2 : i32
      %parallel_loop3A_159 = vector.broadcast %parallel_loop3A_158 : i32 to vector<16xi32>
      %parallel_loop3A_160 = arith.shrui %parallel_loop3A_157, %parallel_loop3A_159 : vector<16xi32>
      %parallel_loop3A_161 = tpu.vector_load_idx %arg10[%parallel_loop3A_160] : memref<25000xi32, #tpu.memory_space<vmem>>[vector<16xi32>], vector<16xi32>,
      %parallel_loop3A_162 = arith.constant 3 : i32
      %parallel_loop3A_163 = vector.broadcast %parallel_loop3A_162 : i32 to vector<16xi32>
      %parallel_loop3A_164 = arith.andi %parallel_loop3A_157, %parallel_loop3A_163 : vector<16xi32>
      %parallel_loop3A_165 = arith.constant 3 : i32
      %parallel_loop3A_166 = vector.broadcast %parallel_loop3A_165 : i32 to vector<16xi32>
      %parallel_loop3A_167 = arith.shli %parallel_loop3A_164, %parallel_loop3A_166 : vector<16xi32>
      %parallel_loop3A_168 = arith.shrui %parallel_loop3A_161, %parallel_loop3A_167 : vector<16xi32>
      %parallel_loop3A_169 = arith.constant 255 : i32
      %parallel_loop3A_170 = vector.broadcast %parallel_loop3A_169 : i32 to vector<16xi32>
      %parallel_loop3A_171 = arith.andi %parallel_loop3A_168, %parallel_loop3A_170 : vector<16xi32>
      %parallel_loop3A_172 = arith.index_cast %parallel_loop3A_134 : i32 to index
      %parallel_loop3A_173 = arith.constant 16 : index
      %parallel_loop3A_174 = tpu.vector_load %arg12[%parallel_loop3A_172, %parallel_loop3A_173] {strides = array<i32>} : memref<200x128xi32, #tpu.memory_space<vmem>>, vector<16xi32>,
      tpu.vector_store %arg12[%parallel_loop3A_172, %parallel_loop3A_173], %parallel_loop3A_171 {strides = array<i32>} : memref<200x128xi32, #tpu.memory_space<vmem>>, vector<16xi32>,
      %parallel_loop3A_175 = arith.index_cast %parallel_loop3A_134 : i32 to index
      %parallel_loop3A_176 = arith.constant 32 : index
      %parallel_loop3A_177 = tpu.vector_load %arg12[%parallel_loop3A_175, %parallel_loop3A_176] {strides = array<i32>} : memref<200x128xi32, #tpu.memory_space<vmem>>, vector<16xi32>,
      %parallel_loop3A_178 = arith.constant 2 : i32
      %parallel_loop3A_179 = vector.broadcast %parallel_loop3A_178 : i32 to vector<16xi32>
      %parallel_loop3A_180 = arith.shrui %parallel_loop3A_177, %parallel_loop3A_179 : vector<16xi32>
      %parallel_loop3A_181 = tpu.vector_load_idx %arg10[%parallel_loop3A_180] : memref<25000xi32, #tpu.memory_space<vmem>>[vector<16xi32>], vector<16xi32>,
      %parallel_loop3A_182 = arith.constant 3 : i32
      %parallel_loop3A_183 = vector.broadcast %parallel_loop3A_182 : i32 to vector<16xi32>
      %parallel_loop3A_184 = arith.andi %parallel_loop3A_177, %parallel_loop3A_183 : vector<16xi32>
      %parallel_loop3A_185 = arith.constant 3 : i32
      %parallel_loop3A_186 = vector.broadcast %parallel_loop3A_185 : i32 to vector<16xi32>
      %parallel_loop3A_187 = arith.shli %parallel_loop3A_184, %parallel_loop3A_186 : vector<16xi32>
      %parallel_loop3A_188 = arith.shrui %parallel_loop3A_181, %parallel_loop3A_187 : vector<16xi32>
      %parallel_loop3A_189 = arith.constant 255 : i32
      %parallel_loop3A_190 = vector.broadcast %parallel_loop3A_189 : i32 to vector<16xi32>
      %parallel_loop3A_191 = arith.andi %parallel_loop3A_188, %parallel_loop3A_190 : vector<16xi32>
      %parallel_loop3A_192 = arith.index_cast %parallel_loop3A_134 : i32 to index
      %parallel_loop3A_193 = arith.constant 32 : index
      %parallel_loop3A_194 = tpu.vector_load %arg12[%parallel_loop3A_192, %parallel_loop3A_193] {strides = array<i32>} : memref<200x128xi32, #tpu.memory_space<vmem>>, vector<16xi32>,
      tpu.vector_store %arg12[%parallel_loop3A_192, %parallel_loop3A_193], %parallel_loop3A_191 {strides = array<i32>} : memref<200x128xi32, #tpu.memory_space<vmem>>, vector<16xi32>,
      %parallel_loop3A_195 = arith.index_cast %parallel_loop3A_134 : i32 to index
      %parallel_loop3A_196 = arith.constant 48 : index
      %parallel_loop3A_197 = tpu.vector_load %arg12[%parallel_loop3A_195, %parallel_loop3A_196] {strides = array<i32>} : memref<200x128xi32, #tpu.memory_space<vmem>>, vector<16xi32>,
      %parallel_loop3A_198 = arith.constant 2 : i32
      %parallel_loop3A_199 = vector.broadcast %parallel_loop3A_198 : i32 to vector<16xi32>
      %parallel_loop3A_200 = arith.shrui %parallel_loop3A_197, %parallel_loop3A_199 : vector<16xi32>
      %parallel_loop3A_201 = tpu.vector_load_idx %arg10[%parallel_loop3A_200] : memref<25000xi32, #tpu.memory_space<vmem>>[vector<16xi32>], vector<16xi32>,
      %parallel_loop3A_202 = arith.constant 3 : i32
      %parallel_loop3A_203 = vector.broadcast %parallel_loop3A_202 : i32 to vector<16xi32>
      %parallel_loop3A_204 = arith.andi %parallel_loop3A_197, %parallel_loop3A_203 : vector<16xi32>
      %parallel_loop3A_205 = arith.constant 3 : i32
      %parallel_loop3A_206 = vector.broadcast %parallel_loop3A_205 : i32 to vector<16xi32>
      %parallel_loop3A_207 = arith.shli %parallel_loop3A_204, %parallel_loop3A_206 : vector<16xi32>
      %parallel_loop3A_208 = arith.shrui %parallel_loop3A_201, %parallel_loop3A_207 : vector<16xi32>
      %parallel_loop3A_209 = arith.constant 255 : i32
      %parallel_loop3A_210 = vector.broadcast %parallel_loop3A_209 : i32 to vector<16xi32>
      %parallel_loop3A_211 = arith.andi %parallel_loop3A_208, %parallel_loop3A_210 : vector<16xi32>
      %parallel_loop3A_212 = arith.index_cast %parallel_loop3A_134 : i32 to index
      %parallel_loop3A_213 = arith.constant 48 : index
      %parallel_loop3A_214 = tpu.vector_load %arg12[%parallel_loop3A_212, %parallel_loop3A_213] {strides = array<i32>} : memref<200x128xi32, #tpu.memory_space<vmem>>, vector<16xi32>,
      tpu.vector_store %arg12[%parallel_loop3A_212, %parallel_loop3A_213], %parallel_loop3A_211 {strides = array<i32>} : memref<200x128xi32, #tpu.memory_space<vmem>>, vector<16xi32>,
      %parallel_loop3A_215 = arith.index_cast %parallel_loop3A_134 : i32 to index
      %parallel_loop3A_216 = arith.constant 64 : index
      %parallel_loop3A_217 = tpu.vector_load %arg12[%parallel_loop3A_215, %parallel_loop3A_216] {strides = array<i32>} : memref<200x128xi32, #tpu.memory_space<vmem>>, vector<16xi32>,
      %parallel_loop3A_218 = arith.constant 2 : i32
      %parallel_loop3A_219 = vector.broadcast %parallel_loop3A_218 : i32 to vector<16xi32>
      %parallel_loop3A_220 = arith.shrui %parallel_loop3A_217, %parallel_loop3A_219 : vector<16xi32>
      %parallel_loop3A_221 = tpu.vector_load_idx %arg10[%parallel_loop3A_220] : memref<25000xi32, #tpu.memory_space<vmem>>[vector<16xi32>], vector<16xi32>,
      %parallel_loop3A_222 = arith.constant 3 : i32
      %parallel_loop3A_223 = vector.broadcast %parallel_loop3A_222 : i32 to vector<16xi32>
      %parallel_loop3A_224 = arith.andi %parallel_loop3A_217, %parallel_loop3A_223 : vector<16xi32>
      %parallel_loop3A_225 = arith.constant 3 : i32
      %parallel_loop3A_226 = vector.broadcast %parallel_loop3A_225 : i32 to vector<16xi32>
      %parallel_loop3A_227 = arith.shli %parallel_loop3A_224, %parallel_loop3A_226 : vector<16xi32>
      %parallel_loop3A_228 = arith.shrui %parallel_loop3A_221, %parallel_loop3A_227 : vector<16xi32>
      %parallel_loop3A_229 = arith.constant 255 : i32
      %parallel_loop3A_230 = vector.broadcast %parallel_loop3A_229 : i32 to vector<16xi32>
      %parallel_loop3A_231 = arith.andi %parallel_loop3A_228, %parallel_loop3A_230 : vector<16xi32>
      %parallel_loop3A_232 = arith.index_cast %parallel_loop3A_134 : i32 to index
      %parallel_loop3A_233 = arith.constant 64 : index
      %parallel_loop3A_234 = tpu.vector_load %arg12[%parallel_loop3A_232, %parallel_loop3A_233] {strides = array<i32>} : memref<200x128xi32, #tpu.memory_space<vmem>>, vector<16xi32>,
      tpu.vector_store %arg12[%parallel_loop3A_232, %parallel_loop3A_233], %parallel_loop3A_231 {strides = array<i32>} : memref<200x128xi32, #tpu.memory_space<vmem>>, vector<16xi32>,
      %parallel_loop3A_235 = arith.index_cast %parallel_loop3A_134 : i32 to index
      %parallel_loop3A_236 = arith.constant 80 : index
      %parallel_loop3A_237 = tpu.vector_load %arg12[%parallel_loop3A_235, %parallel_loop3A_236] {strides = array<i32>} : memref<200x128xi32, #tpu.memory_space<vmem>>, vector<16xi32>,
      %parallel_loop3A_238 = arith.constant 2 : i32
      %parallel_loop3A_239 = vector.broadcast %parallel_loop3A_238 : i32 to vector<16xi32>
      %parallel_loop3A_240 = arith.shrui %parallel_loop3A_237, %parallel_loop3A_239 : vector<16xi32>
      %parallel_loop3A_241 = tpu.vector_load_idx %arg10[%parallel_loop3A_240] : memref<25000xi32, #tpu.memory_space<vmem>>[vector<16xi32>], vector<16xi32>,
      %parallel_loop3A_242 = arith.constant 3 : i32
      %parallel_loop3A_243 = vector.broadcast %parallel_loop3A_242 : i32 to vector<16xi32>
      %parallel_loop3A_244 = arith.andi %parallel_loop3A_237, %parallel_loop3A_243 : vector<16xi32>
      %parallel_loop3A_245 = arith.constant 3 : i32
      %parallel_loop3A_246 = vector.broadcast %parallel_loop3A_245 : i32 to vector<16xi32>
      %parallel_loop3A_247 = arith.shli %parallel_loop3A_244, %parallel_loop3A_246 : vector<16xi32>
      %parallel_loop3A_248 = arith.shrui %parallel_loop3A_241, %parallel_loop3A_247 : vector<16xi32>
      %parallel_loop3A_249 = arith.constant 255 : i32
      %parallel_loop3A_250 = vector.broadcast %parallel_loop3A_249 : i32 to vector<16xi32>
      %parallel_loop3A_251 = arith.andi %parallel_loop3A_248, %parallel_loop3A_250 : vector<16xi32>
      %parallel_loop3A_252 = arith.index_cast %parallel_loop3A_134 : i32 to index
      %parallel_loop3A_253 = arith.constant 80 : index
      %parallel_loop3A_254 = tpu.vector_load %arg12[%parallel_loop3A_252, %parallel_loop3A_253] {strides = array<i32>} : memref<200x128xi32, #tpu.memory_space<vmem>>, vector<16xi32>,
      tpu.vector_store %arg12[%parallel_loop3A_252, %parallel_loop3A_253], %parallel_loop3A_251 {strides = array<i32>} : memref<200x128xi32, #tpu.memory_space<vmem>>, vector<16xi32>,
      %parallel_loop3A_255 = arith.index_cast %parallel_loop3A_134 : i32 to index
      %parallel_loop3A_256 = arith.constant 96 : index
      %parallel_loop3A_257 = tpu.vector_load %arg12[%parallel_loop3A_255, %parallel_loop3A_256] {strides = array<i32>} : memref<200x128xi32, #tpu.memory_space<vmem>>, vector<16xi32>,
      %parallel_loop3A_258 = arith.constant 2 : i32
      %parallel_loop3A_259 = vector.broadcast %parallel_loop3A_258 : i32 to vector<16xi32>
      %parallel_loop3A_260 = arith.shrui %parallel_loop3A_257, %parallel_loop3A_259 : vector<16xi32>
      %parallel_loop3A_261 = tpu.vector_load_idx %arg10[%parallel_loop3A_260] : memref<25000xi32, #tpu.memory_space<vmem>>[vector<16xi32>], vector<16xi32>,
      %parallel_loop3A_262 = arith.constant 3 : i32
      %parallel_loop3A_263 = vector.broadcast %parallel_loop3A_262 : i32 to vector<16xi32>
      %parallel_loop3A_264 = arith.andi %parallel_loop3A_257, %parallel_loop3A_263 : vector<16xi32>
      %parallel_loop3A_265 = arith.constant 3 : i32
      %parallel_loop3A_266 = vector.broadcast %parallel_loop3A_265 : i32 to vector<16xi32>
      %parallel_loop3A_267 = arith.shli %parallel_loop3A_264, %parallel_loop3A_266 : vector<16xi32>
      %parallel_loop3A_268 = arith.shrui %parallel_loop3A_261, %parallel_loop3A_267 : vector<16xi32>
      %parallel_loop3A_269 = arith.constant 255 : i32
      %parallel_loop3A_270 = vector.broadcast %parallel_loop3A_269 : i32 to vector<16xi32>
      %parallel_loop3A_271 = arith.andi %parallel_loop3A_268, %parallel_loop3A_270 : vector<16xi32>
      %parallel_loop3A_272 = arith.index_cast %parallel_loop3A_134 : i32 to index
      %parallel_loop3A_273 = arith.constant 96 : index
      %parallel_loop3A_274 = tpu.vector_load %arg12[%parallel_loop3A_272, %parallel_loop3A_273] {strides = array<i32>} : memref<200x128xi32, #tpu.memory_space<vmem>>, vector<16xi32>,
      tpu.vector_store %arg12[%parallel_loop3A_272, %parallel_loop3A_273], %parallel_loop3A_271 {strides = array<i32>} : memref<200x128xi32, #tpu.memory_space<vmem>>, vector<16xi32>,
      %parallel_loop3A_275 = arith.index_cast %parallel_loop3A_134 : i32 to index
      %parallel_loop3A_276 = arith.constant 112 : index
      %parallel_loop3A_277 = tpu.vector_load %arg12[%parallel_loop3A_275, %parallel_loop3A_276] {strides = array<i32>} : memref<200x128xi32, #tpu.memory_space<vmem>>, vector<16xi32>,
      %parallel_loop3A_278 = arith.constant 2 : i32
      %parallel_loop3A_279 = vector.broadcast %parallel_loop3A_278 : i32 to vector<16xi32>
      %parallel_loop3A_280 = arith.shrui %parallel_loop3A_277, %parallel_loop3A_279 : vector<16xi32>
      %parallel_loop3A_281 = tpu.vector_load_idx %arg10[%parallel_loop3A_280] : memref<25000xi32, #tpu.memory_space<vmem>>[vector<16xi32>], vector<16xi32>,
      %parallel_loop3A_282 = arith.constant 3 : i32
      %parallel_loop3A_283 = vector.broadcast %parallel_loop3A_282 : i32 to vector<16xi32>
      %parallel_loop3A_284 = arith.andi %parallel_loop3A_277, %parallel_loop3A_283 : vector<16xi32>
      %parallel_loop3A_285 = arith.constant 3 : i32
      %parallel_loop3A_286 = vector.broadcast %parallel_loop3A_285 : i32 to vector<16xi32>
      %parallel_loop3A_287 = arith.shli %parallel_loop3A_284, %parallel_loop3A_286 : vector<16xi32>
      %parallel_loop3A_288 = arith.shrui %parallel_loop3A_281, %parallel_loop3A_287 : vector<16xi32>
      %parallel_loop3A_289 = arith.constant 255 : i32
      %parallel_loop3A_290 = vector.broadcast %parallel_loop3A_289 : i32 to vector<16xi32>
      %parallel_loop3A_291 = arith.andi %parallel_loop3A_288, %parallel_loop3A_290 : vector<16xi32>
      %parallel_loop3A_292 = arith.index_cast %parallel_loop3A_134 : i32 to index
      %parallel_loop3A_293 = arith.constant 112 : index
      %parallel_loop3A_294 = tpu.vector_load %arg12[%parallel_loop3A_292, %parallel_loop3A_293] {strides = array<i32>} : memref<200x128xi32, #tpu.memory_space<vmem>>, vector<16xi32>,
      tpu.vector_store %arg12[%parallel_loop3A_292, %parallel_loop3A_293], %parallel_loop3A_291 {strides = array<i32>} : memref<200x128xi32, #tpu.memory_space<vmem>>, vector<16xi32>,
    } {sc.loop_unroll_factor = 2 : i64, sc.parallel_access}
    %add3A_56 = arith.constant 0 : i32
    %add3A_57 = arith.addi %mul3A_2, %add3A_56 : i32
    %dma_wait3A_58 = arith.constant 0 : i32
    %dma_wait3A_59 = tpu.memref_slice %arg5[%dma_wait3A_58, %add3A_57] : memref<200x16384xi32, #tpu.memory_space<hbm>> -> memref<200x128xi32, #tpu.memory_space<hbm>>
    %dma_wait3A_60 = arith.constant 0 : i32
    %dma_wait3A_61 = tpu.memref_slice %arg5[%dma_wait3A_60, %add3A_57] : memref<200x16384xi32, #tpu.memory_space<hbm>> -> memref<200x128xi32, #tpu.memory_space<hbm>>
    tpu.wait_dma2 semaphore(%arg16 : memref<!tpu.dma_semaphore, #tpu.memory_space<semaphore_mem>>) src(%arg11 : memref<200x128xi32, #tpu.memory_space<vmem>>) dst(%dma_wait3A_61 : memref<200x128xi32, #tpu.memory_space<hbm>>)
    %add3A_62 = arith.constant 256 : i32
    %add3A_63 = arith.addi %mul3A_2, %add3A_62 : i32
    %dma_start3A_64 = arith.constant 0 : i32
    %dma_start3A_65 = tpu.memref_slice %arg2[%dma_start3A_64, %add3A_63] : memref<200x16384xi32, #tpu.memory_space<hbm>> -> memref<200x128xi32, #tpu.memory_space<hbm>>
    %dma_start3A_66 = arith.constant 0 : i32
    %dma_start3A_67 = tpu.memref_slice %arg2[%dma_start3A_66, %add3A_63] : memref<200x16384xi32, #tpu.memory_space<hbm>> -> memref<200x128xi32, #tpu.memory_space<hbm>>
    tpu.enqueue_dma source(%dma_start3A_67 : memref<200x128xi32, #tpu.memory_space<hbm>>) target(%arg11 : memref<200x128xi32, #tpu.memory_space<vmem>>) target_semaphore(%arg14 : memref<!tpu.dma_semaphore, #tpu.memory_space<semaphore_mem>>)
    %parallel_loop3A_68 = arith.constant 100 : i32
    %parallel_loop3A_69 = arith.constant 200 : i32
    %parallel_loop3A_70 = arith.constant 1 : i32
    scf.for %parallel_loop3A_134 = %parallel_loop3A_68 to %parallel_loop3A_69 step %parallel_loop3A_70  : i32 {
      %parallel_loop3A_135 = arith.index_cast %parallel_loop3A_134 : i32 to index
      %parallel_loop3A_136 = arith.constant 0 : index
      %parallel_loop3A_137 = tpu.vector_load %arg12[%parallel_loop3A_135, %parallel_loop3A_136] {strides = array<i32>} : memref<200x128xi32, #tpu.memory_space<vmem>>, vector<16xi32>,
      %parallel_loop3A_138 = arith.constant 2 : i32
      %parallel_loop3A_139 = vector.broadcast %parallel_loop3A_138 : i32 to vector<16xi32>
      %parallel_loop3A_140 = arith.shrui %parallel_loop3A_137, %parallel_loop3A_139 : vector<16xi32>
      %parallel_loop3A_141 = tpu.vector_load_idx %arg10[%parallel_loop3A_140] : memref<25000xi32, #tpu.memory_space<vmem>>[vector<16xi32>], vector<16xi32>,
      %parallel_loop3A_142 = arith.constant 3 : i32
      %parallel_loop3A_143 = vector.broadcast %parallel_loop3A_142 : i32 to vector<16xi32>
      %parallel_loop3A_144 = arith.andi %parallel_loop3A_137, %parallel_loop3A_143 : vector<16xi32>
      %parallel_loop3A_145 = arith.constant 3 : i32
      %parallel_loop3A_146 = vector.broadcast %parallel_loop3A_145 : i32 to vector<16xi32>
      %parallel_loop3A_147 = arith.shli %parallel_loop3A_144, %parallel_loop3A_146 : vector<16xi32>
      %parallel_loop3A_148 = arith.shrui %parallel_loop3A_141, %parallel_loop3A_147 : vector<16xi32>
      %parallel_loop3A_149 = arith.constant 255 : i32
      %parallel_loop3A_150 = vector.broadcast %parallel_loop3A_149 : i32 to vector<16xi32>
      %parallel_loop3A_151 = arith.andi %parallel_loop3A_148, %parallel_loop3A_150 : vector<16xi32>
      %parallel_loop3A_152 = arith.index_cast %parallel_loop3A_134 : i32 to index
      %parallel_loop3A_153 = arith.constant 0 : index
      %parallel_loop3A_154 = tpu.vector_load %arg12[%parallel_loop3A_152, %parallel_loop3A_153] {strides = array<i32>} : memref<200x128xi32, #tpu.memory_space<vmem>>, vector<16xi32>,
      tpu.vector_store %arg12[%parallel_loop3A_152, %parallel_loop3A_153], %parallel_loop3A_151 {strides = array<i32>} : memref<200x128xi32, #tpu.memory_space<vmem>>, vector<16xi32>,
      %parallel_loop3A_155 = arith.index_cast %parallel_loop3A_134 : i32 to index
      %parallel_loop3A_156 = arith.constant 16 : index
      %parallel_loop3A_157 = tpu.vector_load %arg12[%parallel_loop3A_155, %parallel_loop3A_156] {strides = array<i32>} : memref<200x128xi32, #tpu.memory_space<vmem>>, vector<16xi32>,
      %parallel_loop3A_158 = arith.constant 2 : i32
      %parallel_loop3A_159 = vector.broadcast %parallel_loop3A_158 : i32 to vector<16xi32>
      %parallel_loop3A_160 = arith.shrui %parallel_loop3A_157, %parallel_loop3A_159 : vector<16xi32>
      %parallel_loop3A_161 = tpu.vector_load_idx %arg10[%parallel_loop3A_160] : memref<25000xi32, #tpu.memory_space<vmem>>[vector<16xi32>], vector<16xi32>,
      %parallel_loop3A_162 = arith.constant 3 : i32
      %parallel_loop3A_163 = vector.broadcast %parallel_loop3A_162 : i32 to vector<16xi32>
      %parallel_loop3A_164 = arith.andi %parallel_loop3A_157, %parallel_loop3A_163 : vector<16xi32>
      %parallel_loop3A_165 = arith.constant 3 : i32
      %parallel_loop3A_166 = vector.broadcast %parallel_loop3A_165 : i32 to vector<16xi32>
      %parallel_loop3A_167 = arith.shli %parallel_loop3A_164, %parallel_loop3A_166 : vector<16xi32>
      %parallel_loop3A_168 = arith.shrui %parallel_loop3A_161, %parallel_loop3A_167 : vector<16xi32>
      %parallel_loop3A_169 = arith.constant 255 : i32
      %parallel_loop3A_170 = vector.broadcast %parallel_loop3A_169 : i32 to vector<16xi32>
      %parallel_loop3A_171 = arith.andi %parallel_loop3A_168, %parallel_loop3A_170 : vector<16xi32>
      %parallel_loop3A_172 = arith.index_cast %parallel_loop3A_134 : i32 to index
      %parallel_loop3A_173 = arith.constant 16 : index
      %parallel_loop3A_174 = tpu.vector_load %arg12[%parallel_loop3A_172, %parallel_loop3A_173] {strides = array<i32>} : memref<200x128xi32, #tpu.memory_space<vmem>>, vector<16xi32>,
      tpu.vector_store %arg12[%parallel_loop3A_172, %parallel_loop3A_173], %parallel_loop3A_171 {strides = array<i32>} : memref<200x128xi32, #tpu.memory_space<vmem>>, vector<16xi32>,
      %parallel_loop3A_175 = arith.index_cast %parallel_loop3A_134 : i32 to index
      %parallel_loop3A_176 = arith.constant 32 : index
      %parallel_loop3A_177 = tpu.vector_load %arg12[%parallel_loop3A_175, %parallel_loop3A_176] {strides = array<i32>} : memref<200x128xi32, #tpu.memory_space<vmem>>, vector<16xi32>,
      %parallel_loop3A_178 = arith.constant 2 : i32
      %parallel_loop3A_179 = vector.broadcast %parallel_loop3A_178 : i32 to vector<16xi32>
      %parallel_loop3A_180 = arith.shrui %parallel_loop3A_177, %parallel_loop3A_179 : vector<16xi32>
      %parallel_loop3A_181 = tpu.vector_load_idx %arg10[%parallel_loop3A_180] : memref<25000xi32, #tpu.memory_space<vmem>>[vector<16xi32>], vector<16xi32>,
      %parallel_loop3A_182 = arith.constant 3 : i32
      %parallel_loop3A_183 = vector.broadcast %parallel_loop3A_182 : i32 to vector<16xi32>
      %parallel_loop3A_184 = arith.andi %parallel_loop3A_177, %parallel_loop3A_183 : vector<16xi32>
      %parallel_loop3A_185 = arith.constant 3 : i32
      %parallel_loop3A_186 = vector.broadcast %parallel_loop3A_185 : i32 to vector<16xi32>
      %parallel_loop3A_187 = arith.shli %parallel_loop3A_184, %parallel_loop3A_186 : vector<16xi32>
      %parallel_loop3A_188 = arith.shrui %parallel_loop3A_181, %parallel_loop3A_187 : vector<16xi32>
      %parallel_loop3A_189 = arith.constant 255 : i32
      %parallel_loop3A_190 = vector.broadcast %parallel_loop3A_189 : i32 to vector<16xi32>
      %parallel_loop3A_191 = arith.andi %parallel_loop3A_188, %parallel_loop3A_190 : vector<16xi32>
      %parallel_loop3A_192 = arith.index_cast %parallel_loop3A_134 : i32 to index
      %parallel_loop3A_193 = arith.constant 32 : index
      %parallel_loop3A_194 = tpu.vector_load %arg12[%parallel_loop3A_192, %parallel_loop3A_193] {strides = array<i32>} : memref<200x128xi32, #tpu.memory_space<vmem>>, vector<16xi32>,
      tpu.vector_store %arg12[%parallel_loop3A_192, %parallel_loop3A_193], %parallel_loop3A_191 {strides = array<i32>} : memref<200x128xi32, #tpu.memory_space<vmem>>, vector<16xi32>,
      %parallel_loop3A_195 = arith.index_cast %parallel_loop3A_134 : i32 to index
      %parallel_loop3A_196 = arith.constant 48 : index
      %parallel_loop3A_197 = tpu.vector_load %arg12[%parallel_loop3A_195, %parallel_loop3A_196] {strides = array<i32>} : memref<200x128xi32, #tpu.memory_space<vmem>>, vector<16xi32>,
      %parallel_loop3A_198 = arith.constant 2 : i32
      %parallel_loop3A_199 = vector.broadcast %parallel_loop3A_198 : i32 to vector<16xi32>
      %parallel_loop3A_200 = arith.shrui %parallel_loop3A_197, %parallel_loop3A_199 : vector<16xi32>
      %parallel_loop3A_201 = tpu.vector_load_idx %arg10[%parallel_loop3A_200] : memref<25000xi32, #tpu.memory_space<vmem>>[vector<16xi32>], vector<16xi32>,
      %parallel_loop3A_202 = arith.constant 3 : i32
      %parallel_loop3A_203 = vector.broadcast %parallel_loop3A_202 : i32 to vector<16xi32>
      %parallel_loop3A_204 = arith.andi %parallel_loop3A_197, %parallel_loop3A_203 : vector<16xi32>
      %parallel_loop3A_205 = arith.constant 3 : i32
      %parallel_loop3A_206 = vector.broadcast %parallel_loop3A_205 : i32 to vector<16xi32>
      %parallel_loop3A_207 = arith.shli %parallel_loop3A_204, %parallel_loop3A_206 : vector<16xi32>
      %parallel_loop3A_208 = arith.shrui %parallel_loop3A_201, %parallel_loop3A_207 : vector<16xi32>
      %parallel_loop3A_209 = arith.constant 255 : i32
      %parallel_loop3A_210 = vector.broadcast %parallel_loop3A_209 : i32 to vector<16xi32>
      %parallel_loop3A_211 = arith.andi %parallel_loop3A_208, %parallel_loop3A_210 : vector<16xi32>
      %parallel_loop3A_212 = arith.index_cast %parallel_loop3A_134 : i32 to index
      %parallel_loop3A_213 = arith.constant 48 : index
      %parallel_loop3A_214 = tpu.vector_load %arg12[%parallel_loop3A_212, %parallel_loop3A_213] {strides = array<i32>} : memref<200x128xi32, #tpu.memory_space<vmem>>, vector<16xi32>,
      tpu.vector_store %arg12[%parallel_loop3A_212, %parallel_loop3A_213], %parallel_loop3A_211 {strides = array<i32>} : memref<200x128xi32, #tpu.memory_space<vmem>>, vector<16xi32>,
      %parallel_loop3A_215 = arith.index_cast %parallel_loop3A_134 : i32 to index
      %parallel_loop3A_216 = arith.constant 64 : index
      %parallel_loop3A_217 = tpu.vector_load %arg12[%parallel_loop3A_215, %parallel_loop3A_216] {strides = array<i32>} : memref<200x128xi32, #tpu.memory_space<vmem>>, vector<16xi32>,
      %parallel_loop3A_218 = arith.constant 2 : i32
      %parallel_loop3A_219 = vector.broadcast %parallel_loop3A_218 : i32 to vector<16xi32>
      %parallel_loop3A_220 = arith.shrui %parallel_loop3A_217, %parallel_loop3A_219 : vector<16xi32>
      %parallel_loop3A_221 = tpu.vector_load_idx %arg10[%parallel_loop3A_220] : memref<25000xi32, #tpu.memory_space<vmem>>[vector<16xi32>], vector<16xi32>,
      %parallel_loop3A_222 = arith.constant 3 : i32
      %parallel_loop3A_223 = vector.broadcast %parallel_loop3A_222 : i32 to vector<16xi32>
      %parallel_loop3A_224 = arith.andi %parallel_loop3A_217, %parallel_loop3A_223 : vector<16xi32>
      %parallel_loop3A_225 = arith.constant 3 : i32
      %parallel_loop3A_226 = vector.broadcast %parallel_loop3A_225 : i32 to vector<16xi32>
      %parallel_loop3A_227 = arith.shli %parallel_loop3A_224, %parallel_loop3A_226 : vector<16xi32>
      %parallel_loop3A_228 = arith.shrui %parallel_loop3A_221, %parallel_loop3A_227 : vector<16xi32>
      %parallel_loop3A_229 = arith.constant 255 : i32
      %parallel_loop3A_230 = vector.broadcast %parallel_loop3A_229 : i32 to vector<16xi32>
      %parallel_loop3A_231 = arith.andi %parallel_loop3A_228, %parallel_loop3A_230 : vector<16xi32>
      %parallel_loop3A_232 = arith.index_cast %parallel_loop3A_134 : i32 to index
      %parallel_loop3A_233 = arith.constant 64 : index
      %parallel_loop3A_234 = tpu.vector_load %arg12[%parallel_loop3A_232, %parallel_loop3A_233] {strides = array<i32>} : memref<200x128xi32, #tpu.memory_space<vmem>>, vector<16xi32>,
      tpu.vector_store %arg12[%parallel_loop3A_232, %parallel_loop3A_233], %parallel_loop3A_231 {strides = array<i32>} : memref<200x128xi32, #tpu.memory_space<vmem>>, vector<16xi32>,
      %parallel_loop3A_235 = arith.index_cast %parallel_loop3A_134 : i32 to index
      %parallel_loop3A_236 = arith.constant 80 : index
      %parallel_loop3A_237 = tpu.vector_load %arg12[%parallel_loop3A_235, %parallel_loop3A_236] {strides = array<i32>} : memref<200x128xi32, #tpu.memory_space<vmem>>, vector<16xi32>,
      %parallel_loop3A_238 = arith.constant 2 : i32
      %parallel_loop3A_239 = vector.broadcast %parallel_loop3A_238 : i32 to vector<16xi32>
      %parallel_loop3A_240 = arith.shrui %parallel_loop3A_237, %parallel_loop3A_239 : vector<16xi32>
      %parallel_loop3A_241 = tpu.vector_load_idx %arg10[%parallel_loop3A_240] : memref<25000xi32, #tpu.memory_space<vmem>>[vector<16xi32>], vector<16xi32>,
      %parallel_loop3A_242 = arith.constant 3 : i32
      %parallel_loop3A_243 = vector.broadcast %parallel_loop3A_242 : i32 to vector<16xi32>
      %parallel_loop3A_244 = arith.andi %parallel_loop3A_237, %parallel_loop3A_243 : vector<16xi32>
      %parallel_loop3A_245 = arith.constant 3 : i32
      %parallel_loop3A_246 = vector.broadcast %parallel_loop3A_245 : i32 to vector<16xi32>
      %parallel_loop3A_247 = arith.shli %parallel_loop3A_244, %parallel_loop3A_246 : vector<16xi32>
      %parallel_loop3A_248 = arith.shrui %parallel_loop3A_241, %parallel_loop3A_247 : vector<16xi32>
      %parallel_loop3A_249 = arith.constant 255 : i32
      %parallel_loop3A_250 = vector.broadcast %parallel_loop3A_249 : i32 to vector<16xi32>
      %parallel_loop3A_251 = arith.andi %parallel_loop3A_248, %parallel_loop3A_250 : vector<16xi32>
      %parallel_loop3A_252 = arith.index_cast %parallel_loop3A_134 : i32 to index
      %parallel_loop3A_253 = arith.constant 80 : index
      %parallel_loop3A_254 = tpu.vector_load %arg12[%parallel_loop3A_252, %parallel_loop3A_253] {strides = array<i32>} : memref<200x128xi32, #tpu.memory_space<vmem>>, vector<16xi32>,
      tpu.vector_store %arg12[%parallel_loop3A_252, %parallel_loop3A_253], %parallel_loop3A_251 {strides = array<i32>} : memref<200x128xi32, #tpu.memory_space<vmem>>, vector<16xi32>,
      %parallel_loop3A_255 = arith.index_cast %parallel_loop3A_134 : i32 to index
      %parallel_loop3A_256 = arith.constant 96 : index
      %parallel_loop3A_257 = tpu.vector_load %arg12[%parallel_loop3A_255, %parallel_loop3A_256] {strides = array<i32>} : memref<200x128xi32, #tpu.memory_space<vmem>>, vector<16xi32>,
      %parallel_loop3A_258 = arith.constant 2 : i32
      %parallel_loop3A_259 = vector.broadcast %parallel_loop3A_258 : i32 to vector<16xi32>
      %parallel_loop3A_260 = arith.shrui %parallel_loop3A_257, %parallel_loop3A_259 : vector<16xi32>
      %parallel_loop3A_261 = tpu.vector_load_idx %arg10[%parallel_loop3A_260] : memref<25000xi32, #tpu.memory_space<vmem>>[vector<16xi32>], vector<16xi32>,
      %parallel_loop3A_262 = arith.constant 3 : i32
      %parallel_loop3A_263 = vector.broadcast %parallel_loop3A_262 : i32 to vector<16xi32>
      %parallel_loop3A_264 = arith.andi %parallel_loop3A_257, %parallel_loop3A_263 : vector<16xi32>
      %parallel_loop3A_265 = arith.constant 3 : i32
      %parallel_loop3A_266 = vector.broadcast %parallel_loop3A_265 : i32 to vector<16xi32>
      %parallel_loop3A_267 = arith.shli %parallel_loop3A_264, %parallel_loop3A_266 : vector<16xi32>
      %parallel_loop3A_268 = arith.shrui %parallel_loop3A_261, %parallel_loop3A_267 : vector<16xi32>
      %parallel_loop3A_269 = arith.constant 255 : i32
      %parallel_loop3A_270 = vector.broadcast %parallel_loop3A_269 : i32 to vector<16xi32>
      %parallel_loop3A_271 = arith.andi %parallel_loop3A_268, %parallel_loop3A_270 : vector<16xi32>
      %parallel_loop3A_272 = arith.index_cast %parallel_loop3A_134 : i32 to index
      %parallel_loop3A_273 = arith.constant 96 : index
      %parallel_loop3A_274 = tpu.vector_load %arg12[%parallel_loop3A_272, %parallel_loop3A_273] {strides = array<i32>} : memref<200x128xi32, #tpu.memory_space<vmem>>, vector<16xi32>,
      tpu.vector_store %arg12[%parallel_loop3A_272, %parallel_loop3A_273], %parallel_loop3A_271 {strides = array<i32>} : memref<200x128xi32, #tpu.memory_space<vmem>>, vector<16xi32>,
      %parallel_loop3A_275 = arith.index_cast %parallel_loop3A_134 : i32 to index
      %parallel_loop3A_276 = arith.constant 112 : index
      %parallel_loop3A_277 = tpu.vector_load %arg12[%parallel_loop3A_275, %parallel_loop3A_276] {strides = array<i32>} : memref<200x128xi32, #tpu.memory_space<vmem>>, vector<16xi32>,
      %parallel_loop3A_278 = arith.constant 2 : i32
      %parallel_loop3A_279 = vector.broadcast %parallel_loop3A_278 : i32 to vector<16xi32>
      %parallel_loop3A_280 = arith.shrui %parallel_loop3A_277, %parallel_loop3A_279 : vector<16xi32>
      %parallel_loop3A_281 = tpu.vector_load_idx %arg10[%parallel_loop3A_280] : memref<25000xi32, #tpu.memory_space<vmem>>[vector<16xi32>], vector<16xi32>,
      %parallel_loop3A_282 = arith.constant 3 : i32
      %parallel_loop3A_283 = vector.broadcast %parallel_loop3A_282 : i32 to vector<16xi32>
      %parallel_loop3A_284 = arith.andi %parallel_loop3A_277, %parallel_loop3A_283 : vector<16xi32>
      %parallel_loop3A_285 = arith.constant 3 : i32
      %parallel_loop3A_286 = vector.broadcast %parallel_loop3A_285 : i32 to vector<16xi32>
      %parallel_loop3A_287 = arith.shli %parallel_loop3A_284, %parallel_loop3A_286 : vector<16xi32>
      %parallel_loop3A_288 = arith.shrui %parallel_loop3A_281, %parallel_loop3A_287 : vector<16xi32>
      %parallel_loop3A_289 = arith.constant 255 : i32
      %parallel_loop3A_290 = vector.broadcast %parallel_loop3A_289 : i32 to vector<16xi32>
      %parallel_loop3A_291 = arith.andi %parallel_loop3A_288, %parallel_loop3A_290 : vector<16xi32>
      %parallel_loop3A_292 = arith.index_cast %parallel_loop3A_134 : i32 to index
      %parallel_loop3A_293 = arith.constant 112 : index
      %parallel_loop3A_294 = tpu.vector_load %arg12[%parallel_loop3A_292, %parallel_loop3A_293] {strides = array<i32>} : memref<200x128xi32, #tpu.memory_space<vmem>>, vector<16xi32>,
      tpu.vector_store %arg12[%parallel_loop3A_292, %parallel_loop3A_293], %parallel_loop3A_291 {strides = array<i32>} : memref<200x128xi32, #tpu.memory_space<vmem>>, vector<16xi32>,
    } {sc.loop_unroll_factor = 2 : i64, sc.parallel_access}
    %add3A_71 = arith.constant 128 : i32
    %add3A_72 = arith.addi %mul3A_2, %add3A_71 : i32
    %dma_start3A_73 = arith.constant 0 : i32
    %dma_start3A_74 = tpu.memref_slice %arg5[%dma_start3A_73, %add3A_72] : memref<200x16384xi32, #tpu.memory_space<hbm>> -> memref<200x128xi32, #tpu.memory_space<hbm>>
    %dma_start3A_75 = arith.constant 0 : i32
    %dma_start3A_76 = tpu.memref_slice %arg5[%dma_start3A_75, %add3A_72] : memref<200x16384xi32, #tpu.memory_space<hbm>> -> memref<200x128xi32, #tpu.memory_space<hbm>>
    tpu.enqueue_dma source(%arg12 : memref<200x128xi32, #tpu.memory_space<vmem>>) target(%dma_start3A_76 : memref<200x128xi32, #tpu.memory_space<hbm>>) target_semaphore(%arg17 : memref<!tpu.dma_semaphore, #tpu.memory_space<semaphore_mem>>)
    %add3A_77 = arith.constant 256 : i32
    %add3A_78 = arith.addi %mul3A_2, %add3A_77 : i32
    %dma_wait3A_79 = arith.constant 0 : i32
    %dma_wait3A_80 = tpu.memref_slice %arg2[%dma_wait3A_79, %add3A_78] : memref<200x16384xi32, #tpu.memory_space<hbm>> -> memref<200x128xi32, #tpu.memory_space<hbm>>
    %dma_wait3A_81 = arith.constant 0 : i32
    %dma_wait3A_82 = tpu.memref_slice %arg2[%dma_wait3A_81, %add3A_78] : memref<200x16384xi32, #tpu.memory_space<hbm>> -> memref<200x128xi32, #tpu.memory_space<hbm>>
    tpu.wait_dma2 semaphore(%arg14 : memref<!tpu.dma_semaphore, #tpu.memory_space<semaphore_mem>>) src(%dma_wait3A_82 : memref<200x128xi32, #tpu.memory_space<hbm>>) dst(%arg11 : memref<200x128xi32, #tpu.memory_space<vmem>>)
    %parallel_loop3A_83 = arith.constant 0 : i32
    %parallel_loop3A_84 = arith.constant 100 : i32
    %parallel_loop3A_85 = arith.constant 1 : i32
    scf.for %parallel_loop3A_134 = %parallel_loop3A_83 to %parallel_loop3A_84 step %parallel_loop3A_85  : i32 {
      %parallel_loop3A_135 = arith.index_cast %parallel_loop3A_134 : i32 to index
      %parallel_loop3A_136 = arith.constant 0 : index
      %parallel_loop3A_137 = tpu.vector_load %arg11[%parallel_loop3A_135, %parallel_loop3A_136] {strides = array<i32>} : memref<200x128xi32, #tpu.memory_space<vmem>>, vector<16xi32>,
      %parallel_loop3A_138 = arith.constant 2 : i32
      %parallel_loop3A_139 = vector.broadcast %parallel_loop3A_138 : i32 to vector<16xi32>
      %parallel_loop3A_140 = arith.shrui %parallel_loop3A_137, %parallel_loop3A_139 : vector<16xi32>
      %parallel_loop3A_141 = tpu.vector_load_idx %arg10[%parallel_loop3A_140] : memref<25000xi32, #tpu.memory_space<vmem>>[vector<16xi32>], vector<16xi32>,
      %parallel_loop3A_142 = arith.constant 3 : i32
      %parallel_loop3A_143 = vector.broadcast %parallel_loop3A_142 : i32 to vector<16xi32>
      %parallel_loop3A_144 = arith.andi %parallel_loop3A_137, %parallel_loop3A_143 : vector<16xi32>
      %parallel_loop3A_145 = arith.constant 3 : i32
      %parallel_loop3A_146 = vector.broadcast %parallel_loop3A_145 : i32 to vector<16xi32>
      %parallel_loop3A_147 = arith.shli %parallel_loop3A_144, %parallel_loop3A_146 : vector<16xi32>
      %parallel_loop3A_148 = arith.shrui %parallel_loop3A_141, %parallel_loop3A_147 : vector<16xi32>
      %parallel_loop3A_149 = arith.constant 255 : i32
      %parallel_loop3A_150 = vector.broadcast %parallel_loop3A_149 : i32 to vector<16xi32>
      %parallel_loop3A_151 = arith.andi %parallel_loop3A_148, %parallel_loop3A_150 : vector<16xi32>
      %parallel_loop3A_152 = arith.index_cast %parallel_loop3A_134 : i32 to index
      %parallel_loop3A_153 = arith.constant 0 : index
      %parallel_loop3A_154 = tpu.vector_load %arg11[%parallel_loop3A_152, %parallel_loop3A_153] {strides = array<i32>} : memref<200x128xi32, #tpu.memory_space<vmem>>, vector<16xi32>,
      tpu.vector_store %arg11[%parallel_loop3A_152, %parallel_loop3A_153], %parallel_loop3A_151 {strides = array<i32>} : memref<200x128xi32, #tpu.memory_space<vmem>>, vector<16xi32>,
      %parallel_loop3A_155 = arith.index_cast %parallel_loop3A_134 : i32 to index
      %parallel_loop3A_156 = arith.constant 16 : index
      %parallel_loop3A_157 = tpu.vector_load %arg11[%parallel_loop3A_155, %parallel_loop3A_156] {strides = array<i32>} : memref<200x128xi32, #tpu.memory_space<vmem>>, vector<16xi32>,
      %parallel_loop3A_158 = arith.constant 2 : i32
      %parallel_loop3A_159 = vector.broadcast %parallel_loop3A_158 : i32 to vector<16xi32>
      %parallel_loop3A_160 = arith.shrui %parallel_loop3A_157, %parallel_loop3A_159 : vector<16xi32>
      %parallel_loop3A_161 = tpu.vector_load_idx %arg10[%parallel_loop3A_160] : memref<25000xi32, #tpu.memory_space<vmem>>[vector<16xi32>], vector<16xi32>,
      %parallel_loop3A_162 = arith.constant 3 : i32
      %parallel_loop3A_163 = vector.broadcast %parallel_loop3A_162 : i32 to vector<16xi32>
      %parallel_loop3A_164 = arith.andi %parallel_loop3A_157, %parallel_loop3A_163 : vector<16xi32>
      %parallel_loop3A_165 = arith.constant 3 : i32
      %parallel_loop3A_166 = vector.broadcast %parallel_loop3A_165 : i32 to vector<16xi32>
      %parallel_loop3A_167 = arith.shli %parallel_loop3A_164, %parallel_loop3A_166 : vector<16xi32>
      %parallel_loop3A_168 = arith.shrui %parallel_loop3A_161, %parallel_loop3A_167 : vector<16xi32>
      %parallel_loop3A_169 = arith.constant 255 : i32
      %parallel_loop3A_170 = vector.broadcast %parallel_loop3A_169 : i32 to vector<16xi32>
      %parallel_loop3A_171 = arith.andi %parallel_loop3A_168, %parallel_loop3A_170 : vector<16xi32>
      %parallel_loop3A_172 = arith.index_cast %parallel_loop3A_134 : i32 to index
      %parallel_loop3A_173 = arith.constant 16 : index
      %parallel_loop3A_174 = tpu.vector_load %arg11[%parallel_loop3A_172, %parallel_loop3A_173] {strides = array<i32>} : memref<200x128xi32, #tpu.memory_space<vmem>>, vector<16xi32>,
      tpu.vector_store %arg11[%parallel_loop3A_172, %parallel_loop3A_173], %parallel_loop3A_171 {strides = array<i32>} : memref<200x128xi32, #tpu.memory_space<vmem>>, vector<16xi32>,
      %parallel_loop3A_175 = arith.index_cast %parallel_loop3A_134 : i32 to index
      %parallel_loop3A_176 = arith.constant 32 : index
      %parallel_loop3A_177 = tpu.vector_load %arg11[%parallel_loop3A_175, %parallel_loop3A_176] {strides = array<i32>} : memref<200x128xi32, #tpu.memory_space<vmem>>, vector<16xi32>,
      %parallel_loop3A_178 = arith.constant 2 : i32
      %parallel_loop3A_179 = vector.broadcast %parallel_loop3A_178 : i32 to vector<16xi32>
      %parallel_loop3A_180 = arith.shrui %parallel_loop3A_177, %parallel_loop3A_179 : vector<16xi32>
      %parallel_loop3A_181 = tpu.vector_load_idx %arg10[%parallel_loop3A_180] : memref<25000xi32, #tpu.memory_space<vmem>>[vector<16xi32>], vector<16xi32>,
      %parallel_loop3A_182 = arith.constant 3 : i32
      %parallel_loop3A_183 = vector.broadcast %parallel_loop3A_182 : i32 to vector<16xi32>
      %parallel_loop3A_184 = arith.andi %parallel_loop3A_177, %parallel_loop3A_183 : vector<16xi32>
      %parallel_loop3A_185 = arith.constant 3 : i32
      %parallel_loop3A_186 = vector.broadcast %parallel_loop3A_185 : i32 to vector<16xi32>
      %parallel_loop3A_187 = arith.shli %parallel_loop3A_184, %parallel_loop3A_186 : vector<16xi32>
      %parallel_loop3A_188 = arith.shrui %parallel_loop3A_181, %parallel_loop3A_187 : vector<16xi32>
      %parallel_loop3A_189 = arith.constant 255 : i32
      %parallel_loop3A_190 = vector.broadcast %parallel_loop3A_189 : i32 to vector<16xi32>
      %parallel_loop3A_191 = arith.andi %parallel_loop3A_188, %parallel_loop3A_190 : vector<16xi32>
      %parallel_loop3A_192 = arith.index_cast %parallel_loop3A_134 : i32 to index
      %parallel_loop3A_193 = arith.constant 32 : index
      %parallel_loop3A_194 = tpu.vector_load %arg11[%parallel_loop3A_192, %parallel_loop3A_193] {strides = array<i32>} : memref<200x128xi32, #tpu.memory_space<vmem>>, vector<16xi32>,
      tpu.vector_store %arg11[%parallel_loop3A_192, %parallel_loop3A_193], %parallel_loop3A_191 {strides = array<i32>} : memref<200x128xi32, #tpu.memory_space<vmem>>, vector<16xi32>,
      %parallel_loop3A_195 = arith.index_cast %parallel_loop3A_134 : i32 to index
      %parallel_loop3A_196 = arith.constant 48 : index
      %parallel_loop3A_197 = tpu.vector_load %arg11[%parallel_loop3A_195, %parallel_loop3A_196] {strides = array<i32>} : memref<200x128xi32, #tpu.memory_space<vmem>>, vector<16xi32>,
      %parallel_loop3A_198 = arith.constant 2 : i32
      %parallel_loop3A_199 = vector.broadcast %parallel_loop3A_198 : i32 to vector<16xi32>
      %parallel_loop3A_200 = arith.shrui %parallel_loop3A_197, %parallel_loop3A_199 : vector<16xi32>
      %parallel_loop3A_201 = tpu.vector_load_idx %arg10[%parallel_loop3A_200] : memref<25000xi32, #tpu.memory_space<vmem>>[vector<16xi32>], vector<16xi32>,
      %parallel_loop3A_202 = arith.constant 3 : i32
      %parallel_loop3A_203 = vector.broadcast %parallel_loop3A_202 : i32 to vector<16xi32>
      %parallel_loop3A_204 = arith.andi %parallel_loop3A_197, %parallel_loop3A_203 : vector<16xi32>
      %parallel_loop3A_205 = arith.constant 3 : i32
      %parallel_loop3A_206 = vector.broadcast %parallel_loop3A_205 : i32 to vector<16xi32>
      %parallel_loop3A_207 = arith.shli %parallel_loop3A_204, %parallel_loop3A_206 : vector<16xi32>
      %parallel_loop3A_208 = arith.shrui %parallel_loop3A_201, %parallel_loop3A_207 : vector<16xi32>
      %parallel_loop3A_209 = arith.constant 255 : i32
      %parallel_loop3A_210 = vector.broadcast %parallel_loop3A_209 : i32 to vector<16xi32>
      %parallel_loop3A_211 = arith.andi %parallel_loop3A_208, %parallel_loop3A_210 : vector<16xi32>
      %parallel_loop3A_212 = arith.index_cast %parallel_loop3A_134 : i32 to index
      %parallel_loop3A_213 = arith.constant 48 : index
      %parallel_loop3A_214 = tpu.vector_load %arg11[%parallel_loop3A_212, %parallel_loop3A_213] {strides = array<i32>} : memref<200x128xi32, #tpu.memory_space<vmem>>, vector<16xi32>,
      tpu.vector_store %arg11[%parallel_loop3A_212, %parallel_loop3A_213], %parallel_loop3A_211 {strides = array<i32>} : memref<200x128xi32, #tpu.memory_space<vmem>>, vector<16xi32>,
      %parallel_loop3A_215 = arith.index_cast %parallel_loop3A_134 : i32 to index
      %parallel_loop3A_216 = arith.constant 64 : index
      %parallel_loop3A_217 = tpu.vector_load %arg11[%parallel_loop3A_215, %parallel_loop3A_216] {strides = array<i32>} : memref<200x128xi32, #tpu.memory_space<vmem>>, vector<16xi32>,
      %parallel_loop3A_218 = arith.constant 2 : i32
      %parallel_loop3A_219 = vector.broadcast %parallel_loop3A_218 : i32 to vector<16xi32>
      %parallel_loop3A_220 = arith.shrui %parallel_loop3A_217, %parallel_loop3A_219 : vector<16xi32>
      %parallel_loop3A_221 = tpu.vector_load_idx %arg10[%parallel_loop3A_220] : memref<25000xi32, #tpu.memory_space<vmem>>[vector<16xi32>], vector<16xi32>,
      %parallel_loop3A_222 = arith.constant 3 : i32
      %parallel_loop3A_223 = vector.broadcast %parallel_loop3A_222 : i32 to vector<16xi32>
      %parallel_loop3A_224 = arith.andi %parallel_loop3A_217, %parallel_loop3A_223 : vector<16xi32>
      %parallel_loop3A_225 = arith.constant 3 : i32
      %parallel_loop3A_226 = vector.broadcast %parallel_loop3A_225 : i32 to vector<16xi32>
      %parallel_loop3A_227 = arith.shli %parallel_loop3A_224, %parallel_loop3A_226 : vector<16xi32>
      %parallel_loop3A_228 = arith.shrui %parallel_loop3A_221, %parallel_loop3A_227 : vector<16xi32>
      %parallel_loop3A_229 = arith.constant 255 : i32
      %parallel_loop3A_230 = vector.broadcast %parallel_loop3A_229 : i32 to vector<16xi32>
      %parallel_loop3A_231 = arith.andi %parallel_loop3A_228, %parallel_loop3A_230 : vector<16xi32>
      %parallel_loop3A_232 = arith.index_cast %parallel_loop3A_134 : i32 to index
      %parallel_loop3A_233 = arith.constant 64 : index
      %parallel_loop3A_234 = tpu.vector_load %arg11[%parallel_loop3A_232, %parallel_loop3A_233] {strides = array<i32>} : memref<200x128xi32, #tpu.memory_space<vmem>>, vector<16xi32>,
      tpu.vector_store %arg11[%parallel_loop3A_232, %parallel_loop3A_233], %parallel_loop3A_231 {strides = array<i32>} : memref<200x128xi32, #tpu.memory_space<vmem>>, vector<16xi32>,
      %parallel_loop3A_235 = arith.index_cast %parallel_loop3A_134 : i32 to index
      %parallel_loop3A_236 = arith.constant 80 : index
      %parallel_loop3A_237 = tpu.vector_load %arg11[%parallel_loop3A_235, %parallel_loop3A_236] {strides = array<i32>} : memref<200x128xi32, #tpu.memory_space<vmem>>, vector<16xi32>,
      %parallel_loop3A_238 = arith.constant 2 : i32
      %parallel_loop3A_239 = vector.broadcast %parallel_loop3A_238 : i32 to vector<16xi32>
      %parallel_loop3A_240 = arith.shrui %parallel_loop3A_237, %parallel_loop3A_239 : vector<16xi32>
      %parallel_loop3A_241 = tpu.vector_load_idx %arg10[%parallel_loop3A_240] : memref<25000xi32, #tpu.memory_space<vmem>>[vector<16xi32>], vector<16xi32>,
      %parallel_loop3A_242 = arith.constant 3 : i32
      %parallel_loop3A_243 = vector.broadcast %parallel_loop3A_242 : i32 to vector<16xi32>
      %parallel_loop3A_244 = arith.andi %parallel_loop3A_237, %parallel_loop3A_243 : vector<16xi32>
      %parallel_loop3A_245 = arith.constant 3 : i32
      %parallel_loop3A_246 = vector.broadcast %parallel_loop3A_245 : i32 to vector<16xi32>
      %parallel_loop3A_247 = arith.shli %parallel_loop3A_244, %parallel_loop3A_246 : vector<16xi32>
      %parallel_loop3A_248 = arith.shrui %parallel_loop3A_241, %parallel_loop3A_247 : vector<16xi32>
      %parallel_loop3A_249 = arith.constant 255 : i32
      %parallel_loop3A_250 = vector.broadcast %parallel_loop3A_249 : i32 to vector<16xi32>
      %parallel_loop3A_251 = arith.andi %parallel_loop3A_248, %parallel_loop3A_250 : vector<16xi32>
      %parallel_loop3A_252 = arith.index_cast %parallel_loop3A_134 : i32 to index
      %parallel_loop3A_253 = arith.constant 80 : index
      %parallel_loop3A_254 = tpu.vector_load %arg11[%parallel_loop3A_252, %parallel_loop3A_253] {strides = array<i32>} : memref<200x128xi32, #tpu.memory_space<vmem>>, vector<16xi32>,
      tpu.vector_store %arg11[%parallel_loop3A_252, %parallel_loop3A_253], %parallel_loop3A_251 {strides = array<i32>} : memref<200x128xi32, #tpu.memory_space<vmem>>, vector<16xi32>,
      %parallel_loop3A_255 = arith.index_cast %parallel_loop3A_134 : i32 to index
      %parallel_loop3A_256 = arith.constant 96 : index
      %parallel_loop3A_257 = tpu.vector_load %arg11[%parallel_loop3A_255, %parallel_loop3A_256] {strides = array<i32>} : memref<200x128xi32, #tpu.memory_space<vmem>>, vector<16xi32>,
      %parallel_loop3A_258 = arith.constant 2 : i32
      %parallel_loop3A_259 = vector.broadcast %parallel_loop3A_258 : i32 to vector<16xi32>
      %parallel_loop3A_260 = arith.shrui %parallel_loop3A_257, %parallel_loop3A_259 : vector<16xi32>
      %parallel_loop3A_261 = tpu.vector_load_idx %arg10[%parallel_loop3A_260] : memref<25000xi32, #tpu.memory_space<vmem>>[vector<16xi32>], vector<16xi32>,
      %parallel_loop3A_262 = arith.constant 3 : i32
      %parallel_loop3A_263 = vector.broadcast %parallel_loop3A_262 : i32 to vector<16xi32>
      %parallel_loop3A_264 = arith.andi %parallel_loop3A_257, %parallel_loop3A_263 : vector<16xi32>
      %parallel_loop3A_265 = arith.constant 3 : i32
      %parallel_loop3A_266 = vector.broadcast %parallel_loop3A_265 : i32 to vector<16xi32>
      %parallel_loop3A_267 = arith.shli %parallel_loop3A_264, %parallel_loop3A_266 : vector<16xi32>
      %parallel_loop3A_268 = arith.shrui %parallel_loop3A_261, %parallel_loop3A_267 : vector<16xi32>
      %parallel_loop3A_269 = arith.constant 255 : i32
      %parallel_loop3A_270 = vector.broadcast %parallel_loop3A_269 : i32 to vector<16xi32>
      %parallel_loop3A_271 = arith.andi %parallel_loop3A_268, %parallel_loop3A_270 : vector<16xi32>
      %parallel_loop3A_272 = arith.index_cast %parallel_loop3A_134 : i32 to index
      %parallel_loop3A_273 = arith.constant 96 : index
      %parallel_loop3A_274 = tpu.vector_load %arg11[%parallel_loop3A_272, %parallel_loop3A_273] {strides = array<i32>} : memref<200x128xi32, #tpu.memory_space<vmem>>, vector<16xi32>,
      tpu.vector_store %arg11[%parallel_loop3A_272, %parallel_loop3A_273], %parallel_loop3A_271 {strides = array<i32>} : memref<200x128xi32, #tpu.memory_space<vmem>>, vector<16xi32>,
      %parallel_loop3A_275 = arith.index_cast %parallel_loop3A_134 : i32 to index
      %parallel_loop3A_276 = arith.constant 112 : index
      %parallel_loop3A_277 = tpu.vector_load %arg11[%parallel_loop3A_275, %parallel_loop3A_276] {strides = array<i32>} : memref<200x128xi32, #tpu.memory_space<vmem>>, vector<16xi32>,
      %parallel_loop3A_278 = arith.constant 2 : i32
      %parallel_loop3A_279 = vector.broadcast %parallel_loop3A_278 : i32 to vector<16xi32>
      %parallel_loop3A_280 = arith.shrui %parallel_loop3A_277, %parallel_loop3A_279 : vector<16xi32>
      %parallel_loop3A_281 = tpu.vector_load_idx %arg10[%parallel_loop3A_280] : memref<25000xi32, #tpu.memory_space<vmem>>[vector<16xi32>], vector<16xi32>,
      %parallel_loop3A_282 = arith.constant 3 : i32
      %parallel_loop3A_283 = vector.broadcast %parallel_loop3A_282 : i32 to vector<16xi32>
      %parallel_loop3A_284 = arith.andi %parallel_loop3A_277, %parallel_loop3A_283 : vector<16xi32>
      %parallel_loop3A_285 = arith.constant 3 : i32
      %parallel_loop3A_286 = vector.broadcast %parallel_loop3A_285 : i32 to vector<16xi32>
      %parallel_loop3A_287 = arith.shli %parallel_loop3A_284, %parallel_loop3A_286 : vector<16xi32>
      %parallel_loop3A_288 = arith.shrui %parallel_loop3A_281, %parallel_loop3A_287 : vector<16xi32>
      %parallel_loop3A_289 = arith.constant 255 : i32
      %parallel_loop3A_290 = vector.broadcast %parallel_loop3A_289 : i32 to vector<16xi32>
      %parallel_loop3A_291 = arith.andi %parallel_loop3A_288, %parallel_loop3A_290 : vector<16xi32>
      %parallel_loop3A_292 = arith.index_cast %parallel_loop3A_134 : i32 to index
      %parallel_loop3A_293 = arith.constant 112 : index
      %parallel_loop3A_294 = tpu.vector_load %arg11[%parallel_loop3A_292, %parallel_loop3A_293] {strides = array<i32>} : memref<200x128xi32, #tpu.memory_space<vmem>>, vector<16xi32>,
      tpu.vector_store %arg11[%parallel_loop3A_292, %parallel_loop3A_293], %parallel_loop3A_291 {strides = array<i32>} : memref<200x128xi32, #tpu.memory_space<vmem>>, vector<16xi32>,
    } {sc.loop_unroll_factor = 2 : i64, sc.parallel_access}
    %add3A_86 = arith.constant 128 : i32
    %add3A_87 = arith.addi %mul3A_2, %add3A_86 : i32
    %dma_wait3A_88 = arith.constant 0 : i32
    %dma_wait3A_89 = tpu.memref_slice %arg5[%dma_wait3A_88, %add3A_87] : memref<200x16384xi32, #tpu.memory_space<hbm>> -> memref<200x128xi32, #tpu.memory_space<hbm>>
    %dma_wait3A_90 = arith.constant 0 : i32
    %dma_wait3A_91 = tpu.memref_slice %arg5[%dma_wait3A_90, %add3A_87] : memref<200x16384xi32, #tpu.memory_space<hbm>> -> memref<200x128xi32, #tpu.memory_space<hbm>>
    tpu.wait_dma2 semaphore(%arg17 : memref<!tpu.dma_semaphore, #tpu.memory_space<semaphore_mem>>) src(%arg12 : memref<200x128xi32, #tpu.memory_space<vmem>>) dst(%dma_wait3A_91 : memref<200x128xi32, #tpu.memory_space<hbm>>)
    %add3A_92 = arith.constant 384 : i32
    %add3A_93 = arith.addi %mul3A_2, %add3A_92 : i32
    %dma_start3A_94 = arith.constant 0 : i32
    %dma_start3A_95 = tpu.memref_slice %arg2[%dma_start3A_94, %add3A_93] : memref<200x16384xi32, #tpu.memory_space<hbm>> -> memref<200x128xi32, #tpu.memory_space<hbm>>
    %dma_start3A_96 = arith.constant 0 : i32
    %dma_start3A_97 = tpu.memref_slice %arg2[%dma_start3A_96, %add3A_93] : memref<200x16384xi32, #tpu.memory_space<hbm>> -> memref<200x128xi32, #tpu.memory_space<hbm>>
    tpu.enqueue_dma source(%dma_start3A_97 : memref<200x128xi32, #tpu.memory_space<hbm>>) target(%arg12 : memref<200x128xi32, #tpu.memory_space<vmem>>) target_semaphore(%arg15 : memref<!tpu.dma_semaphore, #tpu.memory_space<semaphore_mem>>)
    %parallel_loop3A_98 = arith.constant 100 : i32
    %parallel_loop3A_99 = arith.constant 200 : i32
    %parallel_loop3A_100 = arith.constant 1 : i32
    scf.for %parallel_loop3A_134 = %parallel_loop3A_98 to %parallel_loop3A_99 step %parallel_loop3A_100  : i32 {
      %parallel_loop3A_135 = arith.index_cast %parallel_loop3A_134 : i32 to index
      %parallel_loop3A_136 = arith.constant 0 : index
      %parallel_loop3A_137 = tpu.vector_load %arg11[%parallel_loop3A_135, %parallel_loop3A_136] {strides = array<i32>} : memref<200x128xi32, #tpu.memory_space<vmem>>, vector<16xi32>,
      %parallel_loop3A_138 = arith.constant 2 : i32
      %parallel_loop3A_139 = vector.broadcast %parallel_loop3A_138 : i32 to vector<16xi32>
      %parallel_loop3A_140 = arith.shrui %parallel_loop3A_137, %parallel_loop3A_139 : vector<16xi32>
      %parallel_loop3A_141 = tpu.vector_load_idx %arg10[%parallel_loop3A_140] : memref<25000xi32, #tpu.memory_space<vmem>>[vector<16xi32>], vector<16xi32>,
      %parallel_loop3A_142 = arith.constant 3 : i32
      %parallel_loop3A_143 = vector.broadcast %parallel_loop3A_142 : i32 to vector<16xi32>
      %parallel_loop3A_144 = arith.andi %parallel_loop3A_137, %parallel_loop3A_143 : vector<16xi32>
      %parallel_loop3A_145 = arith.constant 3 : i32
      %parallel_loop3A_146 = vector.broadcast %parallel_loop3A_145 : i32 to vector<16xi32>
      %parallel_loop3A_147 = arith.shli %parallel_loop3A_144, %parallel_loop3A_146 : vector<16xi32>
      %parallel_loop3A_148 = arith.shrui %parallel_loop3A_141, %parallel_loop3A_147 : vector<16xi32>
      %parallel_loop3A_149 = arith.constant 255 : i32
      %parallel_loop3A_150 = vector.broadcast %parallel_loop3A_149 : i32 to vector<16xi32>
      %parallel_loop3A_151 = arith.andi %parallel_loop3A_148, %parallel_loop3A_150 : vector<16xi32>
      %parallel_loop3A_152 = arith.index_cast %parallel_loop3A_134 : i32 to index
      %parallel_loop3A_153 = arith.constant 0 : index
      %parallel_loop3A_154 = tpu.vector_load %arg11[%parallel_loop3A_152, %parallel_loop3A_153] {strides = array<i32>} : memref<200x128xi32, #tpu.memory_space<vmem>>, vector<16xi32>,
      tpu.vector_store %arg11[%parallel_loop3A_152, %parallel_loop3A_153], %parallel_loop3A_151 {strides = array<i32>} : memref<200x128xi32, #tpu.memory_space<vmem>>, vector<16xi32>,
      %parallel_loop3A_155 = arith.index_cast %parallel_loop3A_134 : i32 to index
      %parallel_loop3A_156 = arith.constant 16 : index
      %parallel_loop3A_157 = tpu.vector_load %arg11[%parallel_loop3A_155, %parallel_loop3A_156] {strides = array<i32>} : memref<200x128xi32, #tpu.memory_space<vmem>>, vector<16xi32>,
      %parallel_loop3A_158 = arith.constant 2 : i32
      %parallel_loop3A_159 = vector.broadcast %parallel_loop3A_158 : i32 to vector<16xi32>
      %parallel_loop3A_160 = arith.shrui %parallel_loop3A_157, %parallel_loop3A_159 : vector<16xi32>
      %parallel_loop3A_161 = tpu.vector_load_idx %arg10[%parallel_loop3A_160] : memref<25000xi32, #tpu.memory_space<vmem>>[vector<16xi32>], vector<16xi32>,
      %parallel_loop3A_162 = arith.constant 3 : i32
      %parallel_loop3A_163 = vector.broadcast %parallel_loop3A_162 : i32 to vector<16xi32>
      %parallel_loop3A_164 = arith.andi %parallel_loop3A_157, %parallel_loop3A_163 : vector<16xi32>
      %parallel_loop3A_165 = arith.constant 3 : i32
      %parallel_loop3A_166 = vector.broadcast %parallel_loop3A_165 : i32 to vector<16xi32>
      %parallel_loop3A_167 = arith.shli %parallel_loop3A_164, %parallel_loop3A_166 : vector<16xi32>
      %parallel_loop3A_168 = arith.shrui %parallel_loop3A_161, %parallel_loop3A_167 : vector<16xi32>
      %parallel_loop3A_169 = arith.constant 255 : i32
      %parallel_loop3A_170 = vector.broadcast %parallel_loop3A_169 : i32 to vector<16xi32>
      %parallel_loop3A_171 = arith.andi %parallel_loop3A_168, %parallel_loop3A_170 : vector<16xi32>
      %parallel_loop3A_172 = arith.index_cast %parallel_loop3A_134 : i32 to index
      %parallel_loop3A_173 = arith.constant 16 : index
      %parallel_loop3A_174 = tpu.vector_load %arg11[%parallel_loop3A_172, %parallel_loop3A_173] {strides = array<i32>} : memref<200x128xi32, #tpu.memory_space<vmem>>, vector<16xi32>,
      tpu.vector_store %arg11[%parallel_loop3A_172, %parallel_loop3A_173], %parallel_loop3A_171 {strides = array<i32>} : memref<200x128xi32, #tpu.memory_space<vmem>>, vector<16xi32>,
      %parallel_loop3A_175 = arith.index_cast %parallel_loop3A_134 : i32 to index
      %parallel_loop3A_176 = arith.constant 32 : index
      %parallel_loop3A_177 = tpu.vector_load %arg11[%parallel_loop3A_175, %parallel_loop3A_176] {strides = array<i32>} : memref<200x128xi32, #tpu.memory_space<vmem>>, vector<16xi32>,
      %parallel_loop3A_178 = arith.constant 2 : i32
      %parallel_loop3A_179 = vector.broadcast %parallel_loop3A_178 : i32 to vector<16xi32>
      %parallel_loop3A_180 = arith.shrui %parallel_loop3A_177, %parallel_loop3A_179 : vector<16xi32>
      %parallel_loop3A_181 = tpu.vector_load_idx %arg10[%parallel_loop3A_180] : memref<25000xi32, #tpu.memory_space<vmem>>[vector<16xi32>], vector<16xi32>,
      %parallel_loop3A_182 = arith.constant 3 : i32
      %parallel_loop3A_183 = vector.broadcast %parallel_loop3A_182 : i32 to vector<16xi32>
      %parallel_loop3A_184 = arith.andi %parallel_loop3A_177, %parallel_loop3A_183 : vector<16xi32>
      %parallel_loop3A_185 = arith.constant 3 : i32
      %parallel_loop3A_186 = vector.broadcast %parallel_loop3A_185 : i32 to vector<16xi32>
      %parallel_loop3A_187 = arith.shli %parallel_loop3A_184, %parallel_loop3A_186 : vector<16xi32>
      %parallel_loop3A_188 = arith.shrui %parallel_loop3A_181, %parallel_loop3A_187 : vector<16xi32>
      %parallel_loop3A_189 = arith.constant 255 : i32
      %parallel_loop3A_190 = vector.broadcast %parallel_loop3A_189 : i32 to vector<16xi32>
      %parallel_loop3A_191 = arith.andi %parallel_loop3A_188, %parallel_loop3A_190 : vector<16xi32>
      %parallel_loop3A_192 = arith.index_cast %parallel_loop3A_134 : i32 to index
      %parallel_loop3A_193 = arith.constant 32 : index
      %parallel_loop3A_194 = tpu.vector_load %arg11[%parallel_loop3A_192, %parallel_loop3A_193] {strides = array<i32>} : memref<200x128xi32, #tpu.memory_space<vmem>>, vector<16xi32>,
      tpu.vector_store %arg11[%parallel_loop3A_192, %parallel_loop3A_193], %parallel_loop3A_191 {strides = array<i32>} : memref<200x128xi32, #tpu.memory_space<vmem>>, vector<16xi32>,
      %parallel_loop3A_195 = arith.index_cast %parallel_loop3A_134 : i32 to index
      %parallel_loop3A_196 = arith.constant 48 : index
      %parallel_loop3A_197 = tpu.vector_load %arg11[%parallel_loop3A_195, %parallel_loop3A_196] {strides = array<i32>} : memref<200x128xi32, #tpu.memory_space<vmem>>, vector<16xi32>,
      %parallel_loop3A_198 = arith.constant 2 : i32
      %parallel_loop3A_199 = vector.broadcast %parallel_loop3A_198 : i32 to vector<16xi32>
      %parallel_loop3A_200 = arith.shrui %parallel_loop3A_197, %parallel_loop3A_199 : vector<16xi32>
      %parallel_loop3A_201 = tpu.vector_load_idx %arg10[%parallel_loop3A_200] : memref<25000xi32, #tpu.memory_space<vmem>>[vector<16xi32>], vector<16xi32>,
      %parallel_loop3A_202 = arith.constant 3 : i32
      %parallel_loop3A_203 = vector.broadcast %parallel_loop3A_202 : i32 to vector<16xi32>
      %parallel_loop3A_204 = arith.andi %parallel_loop3A_197, %parallel_loop3A_203 : vector<16xi32>
      %parallel_loop3A_205 = arith.constant 3 : i32
      %parallel_loop3A_206 = vector.broadcast %parallel_loop3A_205 : i32 to vector<16xi32>
      %parallel_loop3A_207 = arith.shli %parallel_loop3A_204, %parallel_loop3A_206 : vector<16xi32>
      %parallel_loop3A_208 = arith.shrui %parallel_loop3A_201, %parallel_loop3A_207 : vector<16xi32>
      %parallel_loop3A_209 = arith.constant 255 : i32
      %parallel_loop3A_210 = vector.broadcast %parallel_loop3A_209 : i32 to vector<16xi32>
      %parallel_loop3A_211 = arith.andi %parallel_loop3A_208, %parallel_loop3A_210 : vector<16xi32>
      %parallel_loop3A_212 = arith.index_cast %parallel_loop3A_134 : i32 to index
      %parallel_loop3A_213 = arith.constant 48 : index
      %parallel_loop3A_214 = tpu.vector_load %arg11[%parallel_loop3A_212, %parallel_loop3A_213] {strides = array<i32>} : memref<200x128xi32, #tpu.memory_space<vmem>>, vector<16xi32>,
      tpu.vector_store %arg11[%parallel_loop3A_212, %parallel_loop3A_213], %parallel_loop3A_211 {strides = array<i32>} : memref<200x128xi32, #tpu.memory_space<vmem>>, vector<16xi32>,
      %parallel_loop3A_215 = arith.index_cast %parallel_loop3A_134 : i32 to index
      %parallel_loop3A_216 = arith.constant 64 : index
      %parallel_loop3A_217 = tpu.vector_load %arg11[%parallel_loop3A_215, %parallel_loop3A_216] {strides = array<i32>} : memref<200x128xi32, #tpu.memory_space<vmem>>, vector<16xi32>,
      %parallel_loop3A_218 = arith.constant 2 : i32
      %parallel_loop3A_219 = vector.broadcast %parallel_loop3A_218 : i32 to vector<16xi32>
      %parallel_loop3A_220 = arith.shrui %parallel_loop3A_217, %parallel_loop3A_219 : vector<16xi32>
      %parallel_loop3A_221 = tpu.vector_load_idx %arg10[%parallel_loop3A_220] : memref<25000xi32, #tpu.memory_space<vmem>>[vector<16xi32>], vector<16xi32>,
      %parallel_loop3A_222 = arith.constant 3 : i32
      %parallel_loop3A_223 = vector.broadcast %parallel_loop3A_222 : i32 to vector<16xi32>
      %parallel_loop3A_224 = arith.andi %parallel_loop3A_217, %parallel_loop3A_223 : vector<16xi32>
      %parallel_loop3A_225 = arith.constant 3 : i32
      %parallel_loop3A_226 = vector.broadcast %parallel_loop3A_225 : i32 to vector<16xi32>
      %parallel_loop3A_227 = arith.shli %parallel_loop3A_224, %parallel_loop3A_226 : vector<16xi32>
      %parallel_loop3A_228 = arith.shrui %parallel_loop3A_221, %parallel_loop3A_227 : vector<16xi32>
      %parallel_loop3A_229 = arith.constant 255 : i32
      %parallel_loop3A_230 = vector.broadcast %parallel_loop3A_229 : i32 to vector<16xi32>
      %parallel_loop3A_231 = arith.andi %parallel_loop3A_228, %parallel_loop3A_230 : vector<16xi32>
      %parallel_loop3A_232 = arith.index_cast %parallel_loop3A_134 : i32 to index
      %parallel_loop3A_233 = arith.constant 64 : index
      %parallel_loop3A_234 = tpu.vector_load %arg11[%parallel_loop3A_232, %parallel_loop3A_233] {strides = array<i32>} : memref<200x128xi32, #tpu.memory_space<vmem>>, vector<16xi32>,
      tpu.vector_store %arg11[%parallel_loop3A_232, %parallel_loop3A_233], %parallel_loop3A_231 {strides = array<i32>} : memref<200x128xi32, #tpu.memory_space<vmem>>, vector<16xi32>,
      %parallel_loop3A_235 = arith.index_cast %parallel_loop3A_134 : i32 to index
      %parallel_loop3A_236 = arith.constant 80 : index
      %parallel_loop3A_237 = tpu.vector_load %arg11[%parallel_loop3A_235, %parallel_loop3A_236] {strides = array<i32>} : memref<200x128xi32, #tpu.memory_space<vmem>>, vector<16xi32>,
      %parallel_loop3A_238 = arith.constant 2 : i32
      %parallel_loop3A_239 = vector.broadcast %parallel_loop3A_238 : i32 to vector<16xi32>
      %parallel_loop3A_240 = arith.shrui %parallel_loop3A_237, %parallel_loop3A_239 : vector<16xi32>
      %parallel_loop3A_241 = tpu.vector_load_idx %arg10[%parallel_loop3A_240] : memref<25000xi32, #tpu.memory_space<vmem>>[vector<16xi32>], vector<16xi32>,
      %parallel_loop3A_242 = arith.constant 3 : i32
      %parallel_loop3A_243 = vector.broadcast %parallel_loop3A_242 : i32 to vector<16xi32>
      %parallel_loop3A_244 = arith.andi %parallel_loop3A_237, %parallel_loop3A_243 : vector<16xi32>
      %parallel_loop3A_245 = arith.constant 3 : i32
      %parallel_loop3A_246 = vector.broadcast %parallel_loop3A_245 : i32 to vector<16xi32>
      %parallel_loop3A_247 = arith.shli %parallel_loop3A_244, %parallel_loop3A_246 : vector<16xi32>
      %parallel_loop3A_248 = arith.shrui %parallel_loop3A_241, %parallel_loop3A_247 : vector<16xi32>
      %parallel_loop3A_249 = arith.constant 255 : i32
      %parallel_loop3A_250 = vector.broadcast %parallel_loop3A_249 : i32 to vector<16xi32>
      %parallel_loop3A_251 = arith.andi %parallel_loop3A_248, %parallel_loop3A_250 : vector<16xi32>
      %parallel_loop3A_252 = arith.index_cast %parallel_loop3A_134 : i32 to index
      %parallel_loop3A_253 = arith.constant 80 : index
      %parallel_loop3A_254 = tpu.vector_load %arg11[%parallel_loop3A_252, %parallel_loop3A_253] {strides = array<i32>} : memref<200x128xi32, #tpu.memory_space<vmem>>, vector<16xi32>,
      tpu.vector_store %arg11[%parallel_loop3A_252, %parallel_loop3A_253], %parallel_loop3A_251 {strides = array<i32>} : memref<200x128xi32, #tpu.memory_space<vmem>>, vector<16xi32>,
      %parallel_loop3A_255 = arith.index_cast %parallel_loop3A_134 : i32 to index
      %parallel_loop3A_256 = arith.constant 96 : index
      %parallel_loop3A_257 = tpu.vector_load %arg11[%parallel_loop3A_255, %parallel_loop3A_256] {strides = array<i32>} : memref<200x128xi32, #tpu.memory_space<vmem>>, vector<16xi32>,
      %parallel_loop3A_258 = arith.constant 2 : i32
      %parallel_loop3A_259 = vector.broadcast %parallel_loop3A_258 : i32 to vector<16xi32>
      %parallel_loop3A_260 = arith.shrui %parallel_loop3A_257, %parallel_loop3A_259 : vector<16xi32>
      %parallel_loop3A_261 = tpu.vector_load_idx %arg10[%parallel_loop3A_260] : memref<25000xi32, #tpu.memory_space<vmem>>[vector<16xi32>], vector<16xi32>,
      %parallel_loop3A_262 = arith.constant 3 : i32
      %parallel_loop3A_263 = vector.broadcast %parallel_loop3A_262 : i32 to vector<16xi32>
      %parallel_loop3A_264 = arith.andi %parallel_loop3A_257, %parallel_loop3A_263 : vector<16xi32>
      %parallel_loop3A_265 = arith.constant 3 : i32
      %parallel_loop3A_266 = vector.broadcast %parallel_loop3A_265 : i32 to vector<16xi32>
      %parallel_loop3A_267 = arith.shli %parallel_loop3A_264, %parallel_loop3A_266 : vector<16xi32>
      %parallel_loop3A_268 = arith.shrui %parallel_loop3A_261, %parallel_loop3A_267 : vector<16xi32>
      %parallel_loop3A_269 = arith.constant 255 : i32
      %parallel_loop3A_270 = vector.broadcast %parallel_loop3A_269 : i32 to vector<16xi32>
      %parallel_loop3A_271 = arith.andi %parallel_loop3A_268, %parallel_loop3A_270 : vector<16xi32>
      %parallel_loop3A_272 = arith.index_cast %parallel_loop3A_134 : i32 to index
      %parallel_loop3A_273 = arith.constant 96 : index
      %parallel_loop3A_274 = tpu.vector_load %arg11[%parallel_loop3A_272, %parallel_loop3A_273] {strides = array<i32>} : memref<200x128xi32, #tpu.memory_space<vmem>>, vector<16xi32>,
      tpu.vector_store %arg11[%parallel_loop3A_272, %parallel_loop3A_273], %parallel_loop3A_271 {strides = array<i32>} : memref<200x128xi32, #tpu.memory_space<vmem>>, vector<16xi32>,
      %parallel_loop3A_275 = arith.index_cast %parallel_loop3A_134 : i32 to index
      %parallel_loop3A_276 = arith.constant 112 : index
      %parallel_loop3A_277 = tpu.vector_load %arg11[%parallel_loop3A_275, %parallel_loop3A_276] {strides = array<i32>} : memref<200x128xi32, #tpu.memory_space<vmem>>, vector<16xi32>,
      %parallel_loop3A_278 = arith.constant 2 : i32
      %parallel_loop3A_279 = vector.broadcast %parallel_loop3A_278 : i32 to vector<16xi32>
      %parallel_loop3A_280 = arith.shrui %parallel_loop3A_277, %parallel_loop3A_279 : vector<16xi32>
      %parallel_loop3A_281 = tpu.vector_load_idx %arg10[%parallel_loop3A_280] : memref<25000xi32, #tpu.memory_space<vmem>>[vector<16xi32>], vector<16xi32>,
      %parallel_loop3A_282 = arith.constant 3 : i32
      %parallel_loop3A_283 = vector.broadcast %parallel_loop3A_282 : i32 to vector<16xi32>
      %parallel_loop3A_284 = arith.andi %parallel_loop3A_277, %parallel_loop3A_283 : vector<16xi32>
      %parallel_loop3A_285 = arith.constant 3 : i32
      %parallel_loop3A_286 = vector.broadcast %parallel_loop3A_285 : i32 to vector<16xi32>
      %parallel_loop3A_287 = arith.shli %parallel_loop3A_284, %parallel_loop3A_286 : vector<16xi32>
      %parallel_loop3A_288 = arith.shrui %parallel_loop3A_281, %parallel_loop3A_287 : vector<16xi32>
      %parallel_loop3A_289 = arith.constant 255 : i32
      %parallel_loop3A_290 = vector.broadcast %parallel_loop3A_289 : i32 to vector<16xi32>
      %parallel_loop3A_291 = arith.andi %parallel_loop3A_288, %parallel_loop3A_290 : vector<16xi32>
      %parallel_loop3A_292 = arith.index_cast %parallel_loop3A_134 : i32 to index
      %parallel_loop3A_293 = arith.constant 112 : index
      %parallel_loop3A_294 = tpu.vector_load %arg11[%parallel_loop3A_292, %parallel_loop3A_293] {strides = array<i32>} : memref<200x128xi32, #tpu.memory_space<vmem>>, vector<16xi32>,
      tpu.vector_store %arg11[%parallel_loop3A_292, %parallel_loop3A_293], %parallel_loop3A_291 {strides = array<i32>} : memref<200x128xi32, #tpu.memory_space<vmem>>, vector<16xi32>,
    } {sc.loop_unroll_factor = 2 : i64, sc.parallel_access}
    %add3A_101 = arith.constant 256 : i32
    %add3A_102 = arith.addi %mul3A_2, %add3A_101 : i32
    %dma_start3A_103 = arith.constant 0 : i32
    %dma_start3A_104 = tpu.memref_slice %arg5[%dma_start3A_103, %add3A_102] : memref<200x16384xi32, #tpu.memory_space<hbm>> -> memref<200x128xi32, #tpu.memory_space<hbm>>
    %dma_start3A_105 = arith.constant 0 : i32
    %dma_start3A_106 = tpu.memref_slice %arg5[%dma_start3A_105, %add3A_102] : memref<200x16384xi32, #tpu.memory_space<hbm>> -> memref<200x128xi32, #tpu.memory_space<hbm>>
    tpu.enqueue_dma source(%arg11 : memref<200x128xi32, #tpu.memory_space<vmem>>) target(%dma_start3A_106 : memref<200x128xi32, #tpu.memory_space<hbm>>) target_semaphore(%arg16 : memref<!tpu.dma_semaphore, #tpu.memory_space<semaphore_mem>>)
    %add3A_107 = arith.constant 384 : i32
    %add3A_108 = arith.addi %mul3A_2, %add3A_107 : i32
    %dma_wait3A_109 = arith.constant 0 : i32
    %dma_wait3A_110 = tpu.memref_slice %arg2[%dma_wait3A_109, %add3A_108] : memref<200x16384xi32, #tpu.memory_space<hbm>> -> memref<200x128xi32, #tpu.memory_space<hbm>>
    %dma_wait3A_111 = arith.constant 0 : i32
    %dma_wait3A_112 = tpu.memref_slice %arg2[%dma_wait3A_111, %add3A_108] : memref<200x16384xi32, #tpu.memory_space<hbm>> -> memref<200x128xi32, #tpu.memory_space<hbm>>
    tpu.wait_dma2 semaphore(%arg15 : memref<!tpu.dma_semaphore, #tpu.memory_space<semaphore_mem>>) src(%dma_wait3A_112 : memref<200x128xi32, #tpu.memory_space<hbm>>) dst(%arg12 : memref<200x128xi32, #tpu.memory_space<vmem>>)
    %parallel_loop3A_113 = arith.constant 0 : i32
    %parallel_loop3A_114 = arith.constant 200 : i32
    %parallel_loop3A_115 = arith.constant 1 : i32
    scf.for %parallel_loop3A_134 = %parallel_loop3A_113 to %parallel_loop3A_114 step %parallel_loop3A_115  : i32 {
      %parallel_loop3A_135 = arith.index_cast %parallel_loop3A_134 : i32 to index
      %parallel_loop3A_136 = arith.constant 0 : index
      %parallel_loop3A_137 = tpu.vector_load %arg12[%parallel_loop3A_135, %parallel_loop3A_136] {strides = array<i32>} : memref<200x128xi32, #tpu.memory_space<vmem>>, vector<16xi32>,
      %parallel_loop3A_138 = arith.constant 2 : i32
      %parallel_loop3A_139 = vector.broadcast %parallel_loop3A_138 : i32 to vector<16xi32>
      %parallel_loop3A_140 = arith.shrui %parallel_loop3A_137, %parallel_loop3A_139 : vector<16xi32>
      %parallel_loop3A_141 = tpu.vector_load_idx %arg10[%parallel_loop3A_140] : memref<25000xi32, #tpu.memory_space<vmem>>[vector<16xi32>], vector<16xi32>,
      %parallel_loop3A_142 = arith.constant 3 : i32
      %parallel_loop3A_143 = vector.broadcast %parallel_loop3A_142 : i32 to vector<16xi32>
      %parallel_loop3A_144 = arith.andi %parallel_loop3A_137, %parallel_loop3A_143 : vector<16xi32>
      %parallel_loop3A_145 = arith.constant 3 : i32
      %parallel_loop3A_146 = vector.broadcast %parallel_loop3A_145 : i32 to vector<16xi32>
      %parallel_loop3A_147 = arith.shli %parallel_loop3A_144, %parallel_loop3A_146 : vector<16xi32>
      %parallel_loop3A_148 = arith.shrui %parallel_loop3A_141, %parallel_loop3A_147 : vector<16xi32>
      %parallel_loop3A_149 = arith.constant 255 : i32
      %parallel_loop3A_150 = vector.broadcast %parallel_loop3A_149 : i32 to vector<16xi32>
      %parallel_loop3A_151 = arith.andi %parallel_loop3A_148, %parallel_loop3A_150 : vector<16xi32>
      %parallel_loop3A_152 = arith.index_cast %parallel_loop3A_134 : i32 to index
      %parallel_loop3A_153 = arith.constant 0 : index
      %parallel_loop3A_154 = tpu.vector_load %arg12[%parallel_loop3A_152, %parallel_loop3A_153] {strides = array<i32>} : memref<200x128xi32, #tpu.memory_space<vmem>>, vector<16xi32>,
      tpu.vector_store %arg12[%parallel_loop3A_152, %parallel_loop3A_153], %parallel_loop3A_151 {strides = array<i32>} : memref<200x128xi32, #tpu.memory_space<vmem>>, vector<16xi32>,
      %parallel_loop3A_155 = arith.index_cast %parallel_loop3A_134 : i32 to index
      %parallel_loop3A_156 = arith.constant 16 : index
      %parallel_loop3A_157 = tpu.vector_load %arg12[%parallel_loop3A_155, %parallel_loop3A_156] {strides = array<i32>} : memref<200x128xi32, #tpu.memory_space<vmem>>, vector<16xi32>,
      %parallel_loop3A_158 = arith.constant 2 : i32
      %parallel_loop3A_159 = vector.broadcast %parallel_loop3A_158 : i32 to vector<16xi32>
      %parallel_loop3A_160 = arith.shrui %parallel_loop3A_157, %parallel_loop3A_159 : vector<16xi32>
      %parallel_loop3A_161 = tpu.vector_load_idx %arg10[%parallel_loop3A_160] : memref<25000xi32, #tpu.memory_space<vmem>>[vector<16xi32>], vector<16xi32>,
      %parallel_loop3A_162 = arith.constant 3 : i32
      %parallel_loop3A_163 = vector.broadcast %parallel_loop3A_162 : i32 to vector<16xi32>
      %parallel_loop3A_164 = arith.andi %parallel_loop3A_157, %parallel_loop3A_163 : vector<16xi32>
      %parallel_loop3A_165 = arith.constant 3 : i32
      %parallel_loop3A_166 = vector.broadcast %parallel_loop3A_165 : i32 to vector<16xi32>
      %parallel_loop3A_167 = arith.shli %parallel_loop3A_164, %parallel_loop3A_166 : vector<16xi32>
      %parallel_loop3A_168 = arith.shrui %parallel_loop3A_161, %parallel_loop3A_167 : vector<16xi32>
      %parallel_loop3A_169 = arith.constant 255 : i32
      %parallel_loop3A_170 = vector.broadcast %parallel_loop3A_169 : i32 to vector<16xi32>
      %parallel_loop3A_171 = arith.andi %parallel_loop3A_168, %parallel_loop3A_170 : vector<16xi32>
      %parallel_loop3A_172 = arith.index_cast %parallel_loop3A_134 : i32 to index
      %parallel_loop3A_173 = arith.constant 16 : index
      %parallel_loop3A_174 = tpu.vector_load %arg12[%parallel_loop3A_172, %parallel_loop3A_173] {strides = array<i32>} : memref<200x128xi32, #tpu.memory_space<vmem>>, vector<16xi32>,
      tpu.vector_store %arg12[%parallel_loop3A_172, %parallel_loop3A_173], %parallel_loop3A_171 {strides = array<i32>} : memref<200x128xi32, #tpu.memory_space<vmem>>, vector<16xi32>,
      %parallel_loop3A_175 = arith.index_cast %parallel_loop3A_134 : i32 to index
      %parallel_loop3A_176 = arith.constant 32 : index
      %parallel_loop3A_177 = tpu.vector_load %arg12[%parallel_loop3A_175, %parallel_loop3A_176] {strides = array<i32>} : memref<200x128xi32, #tpu.memory_space<vmem>>, vector<16xi32>,
      %parallel_loop3A_178 = arith.constant 2 : i32
      %parallel_loop3A_179 = vector.broadcast %parallel_loop3A_178 : i32 to vector<16xi32>
      %parallel_loop3A_180 = arith.shrui %parallel_loop3A_177, %parallel_loop3A_179 : vector<16xi32>
      %parallel_loop3A_181 = tpu.vector_load_idx %arg10[%parallel_loop3A_180] : memref<25000xi32, #tpu.memory_space<vmem>>[vector<16xi32>], vector<16xi32>,
      %parallel_loop3A_182 = arith.constant 3 : i32
      %parallel_loop3A_183 = vector.broadcast %parallel_loop3A_182 : i32 to vector<16xi32>
      %parallel_loop3A_184 = arith.andi %parallel_loop3A_177, %parallel_loop3A_183 : vector<16xi32>
      %parallel_loop3A_185 = arith.constant 3 : i32
      %parallel_loop3A_186 = vector.broadcast %parallel_loop3A_185 : i32 to vector<16xi32>
      %parallel_loop3A_187 = arith.shli %parallel_loop3A_184, %parallel_loop3A_186 : vector<16xi32>
      %parallel_loop3A_188 = arith.shrui %parallel_loop3A_181, %parallel_loop3A_187 : vector<16xi32>
      %parallel_loop3A_189 = arith.constant 255 : i32
      %parallel_loop3A_190 = vector.broadcast %parallel_loop3A_189 : i32 to vector<16xi32>
      %parallel_loop3A_191 = arith.andi %parallel_loop3A_188, %parallel_loop3A_190 : vector<16xi32>
      %parallel_loop3A_192 = arith.index_cast %parallel_loop3A_134 : i32 to index
      %parallel_loop3A_193 = arith.constant 32 : index
      %parallel_loop3A_194 = tpu.vector_load %arg12[%parallel_loop3A_192, %parallel_loop3A_193] {strides = array<i32>} : memref<200x128xi32, #tpu.memory_space<vmem>>, vector<16xi32>,
      tpu.vector_store %arg12[%parallel_loop3A_192, %parallel_loop3A_193], %parallel_loop3A_191 {strides = array<i32>} : memref<200x128xi32, #tpu.memory_space<vmem>>, vector<16xi32>,
      %parallel_loop3A_195 = arith.index_cast %parallel_loop3A_134 : i32 to index
      %parallel_loop3A_196 = arith.constant 48 : index
      %parallel_loop3A_197 = tpu.vector_load %arg12[%parallel_loop3A_195, %parallel_loop3A_196] {strides = array<i32>} : memref<200x128xi32, #tpu.memory_space<vmem>>, vector<16xi32>,
      %parallel_loop3A_198 = arith.constant 2 : i32
      %parallel_loop3A_199 = vector.broadcast %parallel_loop3A_198 : i32 to vector<16xi32>
      %parallel_loop3A_200 = arith.shrui %parallel_loop3A_197, %parallel_loop3A_199 : vector<16xi32>
      %parallel_loop3A_201 = tpu.vector_load_idx %arg10[%parallel_loop3A_200] : memref<25000xi32, #tpu.memory_space<vmem>>[vector<16xi32>], vector<16xi32>,
      %parallel_loop3A_202 = arith.constant 3 : i32
      %parallel_loop3A_203 = vector.broadcast %parallel_loop3A_202 : i32 to vector<16xi32>
      %parallel_loop3A_204 = arith.andi %parallel_loop3A_197, %parallel_loop3A_203 : vector<16xi32>
      %parallel_loop3A_205 = arith.constant 3 : i32
      %parallel_loop3A_206 = vector.broadcast %parallel_loop3A_205 : i32 to vector<16xi32>
      %parallel_loop3A_207 = arith.shli %parallel_loop3A_204, %parallel_loop3A_206 : vector<16xi32>
      %parallel_loop3A_208 = arith.shrui %parallel_loop3A_201, %parallel_loop3A_207 : vector<16xi32>
      %parallel_loop3A_209 = arith.constant 255 : i32
      %parallel_loop3A_210 = vector.broadcast %parallel_loop3A_209 : i32 to vector<16xi32>
      %parallel_loop3A_211 = arith.andi %parallel_loop3A_208, %parallel_loop3A_210 : vector<16xi32>
      %parallel_loop3A_212 = arith.index_cast %parallel_loop3A_134 : i32 to index
      %parallel_loop3A_213 = arith.constant 48 : index
      %parallel_loop3A_214 = tpu.vector_load %arg12[%parallel_loop3A_212, %parallel_loop3A_213] {strides = array<i32>} : memref<200x128xi32, #tpu.memory_space<vmem>>, vector<16xi32>,
      tpu.vector_store %arg12[%parallel_loop3A_212, %parallel_loop3A_213], %parallel_loop3A_211 {strides = array<i32>} : memref<200x128xi32, #tpu.memory_space<vmem>>, vector<16xi32>,
      %parallel_loop3A_215 = arith.index_cast %parallel_loop3A_134 : i32 to index
      %parallel_loop3A_216 = arith.constant 64 : index
      %parallel_loop3A_217 = tpu.vector_load %arg12[%parallel_loop3A_215, %parallel_loop3A_216] {strides = array<i32>} : memref<200x128xi32, #tpu.memory_space<vmem>>, vector<16xi32>,
      %parallel_loop3A_218 = arith.constant 2 : i32
      %parallel_loop3A_219 = vector.broadcast %parallel_loop3A_218 : i32 to vector<16xi32>
      %parallel_loop3A_220 = arith.shrui %parallel_loop3A_217, %parallel_loop3A_219 : vector<16xi32>
      %parallel_loop3A_221 = tpu.vector_load_idx %arg10[%parallel_loop3A_220] : memref<25000xi32, #tpu.memory_space<vmem>>[vector<16xi32>], vector<16xi32>,
      %parallel_loop3A_222 = arith.constant 3 : i32
      %parallel_loop3A_223 = vector.broadcast %parallel_loop3A_222 : i32 to vector<16xi32>
      %parallel_loop3A_224 = arith.andi %parallel_loop3A_217, %parallel_loop3A_223 : vector<16xi32>
      %parallel_loop3A_225 = arith.constant 3 : i32
      %parallel_loop3A_226 = vector.broadcast %parallel_loop3A_225 : i32 to vector<16xi32>
      %parallel_loop3A_227 = arith.shli %parallel_loop3A_224, %parallel_loop3A_226 : vector<16xi32>
      %parallel_loop3A_228 = arith.shrui %parallel_loop3A_221, %parallel_loop3A_227 : vector<16xi32>
      %parallel_loop3A_229 = arith.constant 255 : i32
      %parallel_loop3A_230 = vector.broadcast %parallel_loop3A_229 : i32 to vector<16xi32>
      %parallel_loop3A_231 = arith.andi %parallel_loop3A_228, %parallel_loop3A_230 : vector<16xi32>
      %parallel_loop3A_232 = arith.index_cast %parallel_loop3A_134 : i32 to index
      %parallel_loop3A_233 = arith.constant 64 : index
      %parallel_loop3A_234 = tpu.vector_load %arg12[%parallel_loop3A_232, %parallel_loop3A_233] {strides = array<i32>} : memref<200x128xi32, #tpu.memory_space<vmem>>, vector<16xi32>,
      tpu.vector_store %arg12[%parallel_loop3A_232, %parallel_loop3A_233], %parallel_loop3A_231 {strides = array<i32>} : memref<200x128xi32, #tpu.memory_space<vmem>>, vector<16xi32>,
      %parallel_loop3A_235 = arith.index_cast %parallel_loop3A_134 : i32 to index
      %parallel_loop3A_236 = arith.constant 80 : index
      %parallel_loop3A_237 = tpu.vector_load %arg12[%parallel_loop3A_235, %parallel_loop3A_236] {strides = array<i32>} : memref<200x128xi32, #tpu.memory_space<vmem>>, vector<16xi32>,
      %parallel_loop3A_238 = arith.constant 2 : i32
      %parallel_loop3A_239 = vector.broadcast %parallel_loop3A_238 : i32 to vector<16xi32>
      %parallel_loop3A_240 = arith.shrui %parallel_loop3A_237, %parallel_loop3A_239 : vector<16xi32>
      %parallel_loop3A_241 = tpu.vector_load_idx %arg10[%parallel_loop3A_240] : memref<25000xi32, #tpu.memory_space<vmem>>[vector<16xi32>], vector<16xi32>,
      %parallel_loop3A_242 = arith.constant 3 : i32
      %parallel_loop3A_243 = vector.broadcast %parallel_loop3A_242 : i32 to vector<16xi32>
      %parallel_loop3A_244 = arith.andi %parallel_loop3A_237, %parallel_loop3A_243 : vector<16xi32>
      %parallel_loop3A_245 = arith.constant 3 : i32
      %parallel_loop3A_246 = vector.broadcast %parallel_loop3A_245 : i32 to vector<16xi32>
      %parallel_loop3A_247 = arith.shli %parallel_loop3A_244, %parallel_loop3A_246 : vector<16xi32>
      %parallel_loop3A_248 = arith.shrui %parallel_loop3A_241, %parallel_loop3A_247 : vector<16xi32>
      %parallel_loop3A_249 = arith.constant 255 : i32
      %parallel_loop3A_250 = vector.broadcast %parallel_loop3A_249 : i32 to vector<16xi32>
      %parallel_loop3A_251 = arith.andi %parallel_loop3A_248, %parallel_loop3A_250 : vector<16xi32>
      %parallel_loop3A_252 = arith.index_cast %parallel_loop3A_134 : i32 to index
      %parallel_loop3A_253 = arith.constant 80 : index
      %parallel_loop3A_254 = tpu.vector_load %arg12[%parallel_loop3A_252, %parallel_loop3A_253] {strides = array<i32>} : memref<200x128xi32, #tpu.memory_space<vmem>>, vector<16xi32>,
      tpu.vector_store %arg12[%parallel_loop3A_252, %parallel_loop3A_253], %parallel_loop3A_251 {strides = array<i32>} : memref<200x128xi32, #tpu.memory_space<vmem>>, vector<16xi32>,
      %parallel_loop3A_255 = arith.index_cast %parallel_loop3A_134 : i32 to index
      %parallel_loop3A_256 = arith.constant 96 : index
      %parallel_loop3A_257 = tpu.vector_load %arg12[%parallel_loop3A_255, %parallel_loop3A_256] {strides = array<i32>} : memref<200x128xi32, #tpu.memory_space<vmem>>, vector<16xi32>,
      %parallel_loop3A_258 = arith.constant 2 : i32
      %parallel_loop3A_259 = vector.broadcast %parallel_loop3A_258 : i32 to vector<16xi32>
      %parallel_loop3A_260 = arith.shrui %parallel_loop3A_257, %parallel_loop3A_259 : vector<16xi32>
      %parallel_loop3A_261 = tpu.vector_load_idx %arg10[%parallel_loop3A_260] : memref<25000xi32, #tpu.memory_space<vmem>>[vector<16xi32>], vector<16xi32>,
      %parallel_loop3A_262 = arith.constant 3 : i32
      %parallel_loop3A_263 = vector.broadcast %parallel_loop3A_262 : i32 to vector<16xi32>
      %parallel_loop3A_264 = arith.andi %parallel_loop3A_257, %parallel_loop3A_263 : vector<16xi32>
      %parallel_loop3A_265 = arith.constant 3 : i32
      %parallel_loop3A_266 = vector.broadcast %parallel_loop3A_265 : i32 to vector<16xi32>
      %parallel_loop3A_267 = arith.shli %parallel_loop3A_264, %parallel_loop3A_266 : vector<16xi32>
      %parallel_loop3A_268 = arith.shrui %parallel_loop3A_261, %parallel_loop3A_267 : vector<16xi32>
      %parallel_loop3A_269 = arith.constant 255 : i32
      %parallel_loop3A_270 = vector.broadcast %parallel_loop3A_269 : i32 to vector<16xi32>
      %parallel_loop3A_271 = arith.andi %parallel_loop3A_268, %parallel_loop3A_270 : vector<16xi32>
      %parallel_loop3A_272 = arith.index_cast %parallel_loop3A_134 : i32 to index
      %parallel_loop3A_273 = arith.constant 96 : index
      %parallel_loop3A_274 = tpu.vector_load %arg12[%parallel_loop3A_272, %parallel_loop3A_273] {strides = array<i32>} : memref<200x128xi32, #tpu.memory_space<vmem>>, vector<16xi32>,
      tpu.vector_store %arg12[%parallel_loop3A_272, %parallel_loop3A_273], %parallel_loop3A_271 {strides = array<i32>} : memref<200x128xi32, #tpu.memory_space<vmem>>, vector<16xi32>,
      %parallel_loop3A_275 = arith.index_cast %parallel_loop3A_134 : i32 to index
      %parallel_loop3A_276 = arith.constant 112 : index
      %parallel_loop3A_277 = tpu.vector_load %arg12[%parallel_loop3A_275, %parallel_loop3A_276] {strides = array<i32>} : memref<200x128xi32, #tpu.memory_space<vmem>>, vector<16xi32>,
      %parallel_loop3A_278 = arith.constant 2 : i32
      %parallel_loop3A_279 = vector.broadcast %parallel_loop3A_278 : i32 to vector<16xi32>
      %parallel_loop3A_280 = arith.shrui %parallel_loop3A_277, %parallel_loop3A_279 : vector<16xi32>
      %parallel_loop3A_281 = tpu.vector_load_idx %arg10[%parallel_loop3A_280] : memref<25000xi32, #tpu.memory_space<vmem>>[vector<16xi32>], vector<16xi32>,
      %parallel_loop3A_282 = arith.constant 3 : i32
      %parallel_loop3A_283 = vector.broadcast %parallel_loop3A_282 : i32 to vector<16xi32>
      %parallel_loop3A_284 = arith.andi %parallel_loop3A_277, %parallel_loop3A_283 : vector<16xi32>
      %parallel_loop3A_285 = arith.constant 3 : i32
      %parallel_loop3A_286 = vector.broadcast %parallel_loop3A_285 : i32 to vector<16xi32>
      %parallel_loop3A_287 = arith.shli %parallel_loop3A_284, %parallel_loop3A_286 : vector<16xi32>
      %parallel_loop3A_288 = arith.shrui %parallel_loop3A_281, %parallel_loop3A_287 : vector<16xi32>
      %parallel_loop3A_289 = arith.constant 255 : i32
      %parallel_loop3A_290 = vector.broadcast %parallel_loop3A_289 : i32 to vector<16xi32>
      %parallel_loop3A_291 = arith.andi %parallel_loop3A_288, %parallel_loop3A_290 : vector<16xi32>
      %parallel_loop3A_292 = arith.index_cast %parallel_loop3A_134 : i32 to index
      %parallel_loop3A_293 = arith.constant 112 : index
      %parallel_loop3A_294 = tpu.vector_load %arg12[%parallel_loop3A_292, %parallel_loop3A_293] {strides = array<i32>} : memref<200x128xi32, #tpu.memory_space<vmem>>, vector<16xi32>,
      tpu.vector_store %arg12[%parallel_loop3A_292, %parallel_loop3A_293], %parallel_loop3A_291 {strides = array<i32>} : memref<200x128xi32, #tpu.memory_space<vmem>>, vector<16xi32>,
    } {sc.loop_unroll_factor = 2 : i64, sc.parallel_access}
    %add3A_116 = arith.constant 384 : i32
    %add3A_117 = arith.addi %mul3A_2, %add3A_116 : i32
    %dma_start3A_118 = arith.constant 0 : i32
    %dma_start3A_119 = tpu.memref_slice %arg5[%dma_start3A_118, %add3A_117] : memref<200x16384xi32, #tpu.memory_space<hbm>> -> memref<200x128xi32, #tpu.memory_space<hbm>>
    %dma_start3A_120 = arith.constant 0 : i32
    %dma_start3A_121 = tpu.memref_slice %arg5[%dma_start3A_120, %add3A_117] : memref<200x16384xi32, #tpu.memory_space<hbm>> -> memref<200x128xi32, #tpu.memory_space<hbm>>
    tpu.enqueue_dma source(%arg12 : memref<200x128xi32, #tpu.memory_space<vmem>>) target(%dma_start3A_121 : memref<200x128xi32, #tpu.memory_space<hbm>>) target_semaphore(%arg17 : memref<!tpu.dma_semaphore, #tpu.memory_space<semaphore_mem>>)
    %add3A_122 = arith.constant 256 : i32
    %add3A_123 = arith.addi %mul3A_2, %add3A_122 : i32
    %dma_wait3A_124 = arith.constant 0 : i32
    %dma_wait3A_125 = tpu.memref_slice %arg5[%dma_wait3A_124, %add3A_123] : memref<200x16384xi32, #tpu.memory_space<hbm>> -> memref<200x128xi32, #tpu.memory_space<hbm>>
    %dma_wait3A_126 = arith.constant 0 : i32
    %dma_wait3A_127 = tpu.memref_slice %arg5[%dma_wait3A_126, %add3A_123] : memref<200x16384xi32, #tpu.memory_space<hbm>> -> memref<200x128xi32, #tpu.memory_space<hbm>>
    tpu.wait_dma2 semaphore(%arg16 : memref<!tpu.dma_semaphore, #tpu.memory_space<semaphore_mem>>) src(%arg11 : memref<200x128xi32, #tpu.memory_space<vmem>>) dst(%dma_wait3A_127 : memref<200x128xi32, #tpu.memory_space<hbm>>)
    %add3A_128 = arith.constant 384 : i32
    %add3A_129 = arith.addi %mul3A_2, %add3A_128 : i32
    %dma_wait3A_130 = arith.constant 0 : i32
    %dma_wait3A_131 = tpu.memref_slice %arg5[%dma_wait3A_130, %add3A_129] : memref<200x16384xi32, #tpu.memory_space<hbm>> -> memref<200x128xi32, #tpu.memory_space<hbm>>
    %dma_wait3A_132 = arith.constant 0 : i32
    %dma_wait3A_133 = tpu.memref_slice %arg5[%dma_wait3A_132, %add3A_129] : memref<200x16384xi32, #tpu.memory_space<hbm>> -> memref<200x128xi32, #tpu.memory_space<hbm>>
    tpu.wait_dma2 semaphore(%arg17 : memref<!tpu.dma_semaphore, #tpu.memory_space<semaphore_mem>>) src(%arg12 : memref<200x128xi32, #tpu.memory_space<vmem>>) dst(%dma_wait3A_133 : memref<200x128xi32, #tpu.memory_space<hbm>>)
    return
  }
}

</mosaic_0001>

<sc_bundles>
// kernel: _remap.3.cloned.1.call-start
scs
__scs_entry_jumppad:
0x0: {  	(pc) =	sbr.rel $0x88, $3  }
0x1: {  	(tag) =	ssettag $0x0;
	lr =	simm.s32 $0x1  }
0x2: {  	[smem:$0x3F9E] =	sst lr;
	_ =	strace $0xD0000000  }
0x3: {  	_ = 	snop  }
0x4: {  	_ = 	snop  }
0x5: {  	_ = 	snop  }
0x6: {  	_ = 	snop  }
0x7: {  	_ = 	snop  }
__scs_overlays_trampoline_lowered:
0x8: {  	[smem:$0x3FAD] =	sst s0  }
0x9: {  	[smem:$0x3FAE] =	sst s1  }
0xa: {  	[smem:$0x3FAF] =	sst s2  }
0xb: {  	[smem:$0x3FB0] =	sst s3  }
0xc: {  	[smem:$0x3FB1] =	sst s4  }
0xd: {  	[smem:$0x3FB2] =	sst s5  }
0xe: {  	[smem:$0x3FB3] =	sst s6  }
0xf: {  	[smem:$0x3FB4] =	sst s7  }
0x10: {  	[smem:$0x3FB5] =	sst s8  }
0x11: {  	[smem:$0x3FB6] =	sst s9;
	s0 =	simm.s32 @!p0 $0x0  }
0x12: {  	s1 =	sld [smem:$0x3F9C];
	s0 =	simm.s32 @p0 $0x1  }
0x13: {  	[smem:$0x3FB7] =	sst s0;
	s0 =	simm.s32 @!p1 $0x0  }
0x14: {  	s2 =	sld [smem:$0x3F9B];
	s0 =	simm.s32 @p1 $0x1  }
0x15: {  	[smem:$0x3FB8] =	sst s0;
	s0 =	simm.s32 @!p2 $0x0  }
0x16: {  	s3 =	sld [smem:$0x3FDB];
	s0 =	simm.s32 @p2 $0x1  }
0x17: {  	s4 =	simm.s32 $0x1BF5;
	[smem:$0x3FBA] =	sst s0  }
0x18: {  	s0 =	sld [smem:$0x3F9D];
	_ =	swait.ge [sflag:s4], $0x0  }
0x19: {  	s7 =	sld [smem:$0x3F9E]  }
0x1a: {  	s8 =	sadd.s32 $0xFFFFE003, lr  }
0x1b: {  	s9 =	sadd.s32 $0xFFFFFEF7, lr;
	s5 =	simm.s32 $0xFFFFFFFF;
	p2 =	slt.u32 s8, $0xFFFFF086  }
0x1c: {  	p1 =	slt.u32 s9, $0xF7A;
	s5 =	simm.s32 @!p2 $0x0  }
0x1d: {  	s5 =	simm.s32 @p1 $0x1;
	p0 =	seq.s32 s7, s2  }
0x1e: {  	s7 =	smul.u32 @!p0 $0xF7A, s2;
	p2 =	seq.s32 @!p0 s5, $0x0  }
0x1f: {  	s9 =	smul.u32 $0xF7A, s1;
	s8 =	simm.s32 @!p0 $0x1BF5;
	p2 =	por !p2, p0  }
0x20: {  	[sflag:s8] =	ssyncset.s32 @!p0 $0xFFFFF086;
	s6 =	sadd.s32 @!p0 s3, s7;
	s7 =	simm.s32 @!p0 $0x108  }
0x21: {  	s3 =	sadd.s32 s3, s9;
	s6 =	sadd.s32 @!p0 $0x88, s6;
	s7 =	simm.s32 @p2 $0x1082  }
0x22: {  	[simem:s7], [sflag:s8] =	dma.local @!p0 [hbm:s6], $0xF7A  }
0x23: {  	s9 =	sor.u32 $0xD0000000, s2;
	s6 =	simm.s32 $0x108;
	_ =	swait.ge @!p0 [sflag:s8], $0x0  }
0x24: {  	s3 =	sadd.s32 $0x88, s3;
	s6 =	simm.s32 @!p1 $0x1082;
	[sflag:s4] =	ssyncset.s32 $0xFFFFF086  }
0x25: {  	[simem:s6], [sflag:s4] =	dma.local [hbm:s3], $0xF7A  }
0x26: {  	[smem:$0x3F9E] =	sst s1;
	(tag) =	ssettag s2;
	_ =	strace s9  }
0x27: {  	s1 =	sld [smem:$0x3FAE]  }
0x28: {  	s2 =	sld [smem:$0x3FAF]  }
0x29: {  	s4 =	sld [smem:$0x3FB1]  }
0x2a: {  	p0 =	seq.s32 s5, $0x0;
	s5 =	sld [smem:$0x3FB2]  }
0x2b: {  	s6 =	sld [smem:$0x3FB3]  }
0x2c: {  	s7 =	sld [smem:$0x3FB4]  }
0x2d: {  	s3 =	simm.s32 $0x108;
	s8 =	sld [smem:$0x3FB5]  }
0x2e: {  	s3 =	simm.s32 @!p0 $0x1082;
	s9 =	sld [smem:$0x3FB6]  }
0x2f: {  	lr =	sadd.s32 s0, s3;
	s0 =	sld [smem:$0x3FAD]  }
0x30: {  	s3 =	sld [smem:$0x3FB0]  }
0x31: {  	[smem:$0x3FB9] =	sst s10  }
0x32: {  	s10 =	sld [smem:$0x3FB7];
	_ =	sdelay $0x3  }
0x33: {  	p0 =	seq.s32 s10, $0x1;
	s10 =	sld [smem:$0x3FB9];
	_ =	sdelay $0x3  }
0x34: {  	[smem:$0x3FB9] =	sst s10  }
0x35: {  	s10 =	sld [smem:$0x3FB8];
	_ =	sdelay $0x3  }
0x36: {  	p1 =	seq.s32 s10, $0x1;
	s10 =	sld [smem:$0x3FB9];
	_ =	sdelay $0x3  }
0x37: {  	[smem:$0x3FB9] =	sst s10  }
0x38: {  	s10 =	sld [smem:$0x3FBA]  }
0x39: {  	_ = 	snop;
	(pc) =	sbr.ind lr, $3  }
0x3a: {  	_ = 	snop  }
0x3b: {  	_ = 	snop  }
0x3c: {  	p2 =	seq.s32 s10, $0x1;
	s10 =	sld [smem:$0x3FB9]  }
0x3d: {  	_ =	shalt  }
0x3e: {  	_ =	shalt  }
0x3f: {  	_ =	shalt  }
0x40: {  	_ =	shalt  }
0x41: {  	_ =	shalt  }
0x42: {  	_ =	shalt  }
0x43: {  	_ =	shalt  }
0x44: {  	_ =	shalt  }
0x45: {  	_ =	shalt  }
0x46: {  	_ =	shalt  }
0x47: {  	_ =	shalt  }
0x48: {  	_ =	shalt  }
0x49: {  	_ =	shalt  }
0x4a: {  	_ =	shalt  }
0x4b: {  	_ =	shalt  }
0x4c: {  	_ =	shalt  }
0x4d: {  	_ =	shalt  }
0x4e: {  	_ =	shalt  }
0x4f: {  	_ =	shalt  }
0x50: {  	_ =	shalt  }
0x51: {  	_ =	shalt  }
0x52: {  	_ =	shalt  }
0x53: {  	_ =	shalt  }
0x54: {  	_ =	shalt  }
0x55: {  	_ =	shalt  }
0x56: {  	_ =	shalt  }
0x57: {  	_ =	shalt  }
0x58: {  	_ =	shalt  }
0x59: {  	_ =	shalt  }
0x5a: {  	_ =	shalt  }
0x5b: {  	_ =	shalt  }
0x5c: {  	_ =	shalt  }
0x5d: {  	_ =	shalt  }
0x5e: {  	_ =	shalt  }
0x5f: {  	_ =	shalt  }
0x60: {  	_ =	shalt  }
0x61: {  	_ =	shalt  }
0x62: {  	_ =	shalt  }
0x63: {  	_ =	shalt  }
0x64: {  	_ =	shalt  }
0x65: {  	_ =	shalt  }
0x66: {  	_ =	shalt  }
0x67: {  	_ =	shalt  }
0x68: {  	_ =	shalt  }
0x69: {  	_ =	shalt  }
0x6a: {  	_ =	shalt  }
0x6b: {  	_ =	shalt  }
0x6c: {  	_ =	shalt  }
0x6d: {  	_ =	shalt  }
0x6e: {  	_ =	shalt  }
0x6f: {  	_ =	shalt  }
0x70: {  	_ =	shalt  }
0x71: {  	_ =	shalt  }
0x72: {  	_ =	shalt  }
0x73: {  	_ =	shalt  }
0x74: {  	_ =	shalt  }
0x75: {  	_ =	shalt  }
0x76: {  	_ =	shalt  }
0x77: {  	_ =	shalt  }
0x78: {  	_ =	shalt  }
0x79: {  	_ =	shalt  }
0x7a: {  	_ =	shalt  }
0x7b: {  	_ =	shalt  }
0x7c: {  	_ =	shalt  }
0x7d: {  	_ =	shalt  }
0x7e: {  	_ =	shalt  }
0x7f: {  	_ =	shalt  }
0x80: {  	_ =	shalt  }
0x81: {  	_ =	shalt  }
0x82: {  	_ =	shalt  }
0x83: {  	_ =	shalt  }
0x84: {  	_ =	shalt  }
0x85: {  	_ =	shalt  }
0x86: {  	_ =	shalt  }
0x87: {  	_ =	shalt  }
.Lfunc_end0:
.L_simem_size_0:
called_computation_lowered:
.L_overlay_start_0:
0x88: {  	s2 =	sld [smem:$0x3FD9]  }
0x89: {  	s3 =	sld [smem:$0x3FFE];
	_ =	sdelay $0x1  }
0x8a: {  	s1 =	srdreg.scid  }
0x8b: {  	s0 =	sand.u32 $0x1, s1  }
0x8c: {  	s17 =	sshll.u32 s0, $0xA;
	s2 =	sadd.s32 s3, s2  }
0x8d: {  	s2 =	sadd.s32 s2, s17  }
0x8e: {  	[smem:$0x3FC5] =	sst s2  }
0x8f: {  	_ = 	snop  }
0x90: {  	s2 =	sld [smem:$0x3FC9]  }
0x91: {  	s18 =	sld [smem:$0x3FC8]  }
0x92: {  	s4 =	sld [smem:$0x3FC7]  }
0x93: {  	s5 =	sld [smem:$0x3FD0];
	(tm) =	ssettm $0x1  }
0x94: {  	s6 =	sld [smem:$0x3FFB];
	_ =	sdelay $0x3  }
0x95: {  	_ =	strace s6  }
0x96: {  	s6 =	sld [smem:$0x3FFC];
	_ =	sdelay $0x3  }
0x97: {  	_ =	strace s6  }
0x98: {  	s6 =	sld [smem:$0x3FFD];
	_ =	sdelay $0x3  }
0x99: {  	_ =	strace s6  }
0x9a: {  	_ =	strace $0x8FFFFFFF  }
0x9b: {  	s19 =	sld [smem:$0x3FDB];
	_ =	sdelay $0x1  }
0x9c: {  	s7 =	simm.s32 $_scs_section_size  }
0x9d: {  	s8 =	simm.s32 $_size__tile_overlayer_lowered;
	s9 =	simm.s32 $_tile_overlayer_lowered  }
0x9e: {  	s22 =	simm.s32 $0x1BFF;
	s21 =	sshll.u32 s9, $0x1;
	s6 =	sadd.s32 s7, s19  }
0x9f: {  	s10 =	simm.s32 $0x0;
	s20 =	sshll.u32 s8, $0x1;
	s8 =	sadd.s32 s21, s6  }
0xa0: {  	[timem:s10], [sflag:s22] =	dma.local [hbm:s8], s20  }
0xa1: {  	_ =	swait.ge [sflag:s22], s20  }
0xa2: {  	s7 =	ssub.s32 $0x0, s20;
	[sflag:s22] =	ssyncset.done $0x0  }
0xa3: {  	[sflag:s22] =	ssyncadd.s32 s7;
	_ =	sdelay $0x1  }
0xa4: {  	s23 =	simm.s32 $0x1B8B  }
0xa5: {  	_ =	swait.ge [sflag:s23], $0x1  }
0xa6: {  	[sflag:s23] =	ssyncset.done $0x0  }
0xa7: {  	s25 =	simm.s32 $0x1B8E;
	s24 =	sld [smem:$0x3FFE];
	[sflag:s23] =	ssyncadd.s32 $0xFFFFFFFF  }
0xa8: {  	s26 =	simm.s32 $execute0_lowered;
	[smem:$0x3FD2] =	sst s25  }
0xa9: {  	s8 =	sshll.u32 s26, $0x1;
	_ =	strace $0x80000046;
	[dreg:$0x1] =	wrdreg $0xFFFFFFFF  }
0xaa: {  	s28 =	simm.s32 $_size_execute0_lowered;
	s6 =	sadd.s32 s6, s8;
	[dreg:$0x0] =	wrdreg $0x0  }
0xab: {  	s8 =	sshll.u32 s28, $0x1;
	[dreg:$0x2] =	wrdreg s6  }
0xac: {  	[dreg:$0x3] =	wrdreg s8  }
0xad: {  	[dreg:$0x4] =	wrdreg $0xC0  }
0xae: {  	_ =	task [dreg:s10], $0x5FFFF  }
0xaf: {  	[dreg:$0x1] =	wrdreg $0xFFFFFFFF  }
0xb0: {  	[dreg:$0x0] =	wrdreg $0x60  }
0xb1: {  	[dreg:$0x2] =	wrdreg s2  }
0xb2: {  	[dreg:$0x3] =	wrdreg s18  }
0xb3: {  	[dreg:$0x4] =	wrdreg s4  }
0xb4: {  	[dreg:$0x5] =	wrdreg s5  }
0xb5: {  	[dreg:$0x6] =	wrdreg s24  }
0xb6: {  	[dreg:$0x7] =	wrdreg $0x9  }
0xb7: {  	_ =	task.clear_ibuf [dreg:s10], $0x8FFFF;
	_ =	strace $0x90000046  }
0xb8: {  	s29 =	simm.s32 $0x9;
	_ =	strace $0x80000048  }
0xb9: {  	_ =	swait.ge [sflag:s29], $0x1  }
0xba: {  	[sflag:s29] =	ssyncadd.s32 $0xFFFFFFFF  }
0xbb: {  	_ =	strace $0x90000048  }
0xbc: {  	_ =	sfence  }
0xbd: {  	s30 =	sld [smem:$0x0];
	_ =	sdelay $0x2  }
0xbe: {  	s31 =	sshll.u32 s1, $0xD;
	s1 =	sshrl.u32 s1, $0x2  }
0xbf: {  	s3 =	sand.u32 $0x4000, s31;
	s1 =	sadd.s32 s1, s30  }
0xc0: {  	s0 =	sor.u32 s3, s0;
	s1 =	sshll.u32 s1, $0x11  }
0xc1: {  	s0 =	sor.u32 s1, s0  }
0xc2: {  	s0 =	sadd.s32 $0x8F2B, s0  }
0xc3: {  	[sflag:s0] =	ssyncadd.remote.s32 $0x1  }
0xc4: {  	_ =	sfence.sel $0xFFFF  }
0xc5: {  	[dreg:$0x0] =	wrdreg $0xFFFFFFFF;
	(pc) =	sbr.abs _section_cstart, $3  }
0xc6: {  	[dreg:$0x1] =	wrdreg $0xFFFFFFFF  }
0xc7: {  	_ =	task.clear_ibuf [dreg:s10], $0x2FFFF;
	_ =	strace $0x9FFFFFFF  }
0xc8: {  	(tm) =	ssettm $0x7FFFFFFF  }
0xc9: {  	_ =	shalt  }
tec
execute0_lowered:
.L_overlay_start_1:
0x0: {  	(tag) =	ssettag $0x1  }
0x1: {  	s0 =	rddreg [dreg:$0x0]  }
0x2: {  	s1 =	rddreg [dreg:$0x1]  }
0x3: {  	s2 =	rddreg [dreg:$0x3]  }
0x4: {  	s4 =	rddreg [dreg:$0x4];
	s3 =	simm.s32 $0x0;
	s5 =	srdreg.scid  }
0x5: {  	s9 =	stileid.u32;
	s16 =	simm.s32 $0x1880;
	s17 =	simm.s32 $0x400  }
0x6: {  	s18 =	simm.s32 $0x20000;
	s19 =	simm.s32 $0x8500;
	s20 =	simm.s32 $0xE900  }
0x7: {  	s28 =	simm.s32 $0x4;
	s29 =	simm.s32 $0x5;
	s30 =	simm.s32 $0x0  }
0x8: {  	[smem:$0x7FF] =	sst s3;
	s5 =	sand.u32 $0x1, s5;
	s7 =	smul.u32 $0x620, s9  }
0x9: {  	s4 =	sadd.s32 $0x800, s4;
	p0 =	seq.s32 s9, $0xF;
	s22 =	sshll.u32 s9, $0xA  }
0xa: {  	_ =	strace $0x80000047;
	s6 =	ssub.s32 $0x2, s5;
	s21 =	smul.u32 $0x61A8, s5  }
0xb: {  	s5 =	sshll.u32 s5, $0x9;
	s8 =	sshrl.u32 s6, $0x1;
	s7 =	simm.s32 @p0 $0x5B88  }
0xc: {  	s12 =	sor.u32 s5, s22;
	s15 =	ssub.s32 s6, s8;
	s23 =	sshrl.u32 s7, $0x1  }
0xd: {  	s24 =	sadd.s32 s21, s7;
	s5 =	sadd.s32 s0, s12;
	s11 =	sor.u32 $0x80, s12  }
0xe: {  	s25 =	sshrl.u32 s21, $0x3;
	s9 =	sadd.s32 s2, s12;
	s26 =	sor.u32 $0x100, s12  }
0xf: {  	v0 =	vlaneseq.u32;
	s31 =	sor.u32 $0x180, s12;
	s21 =	simm.s32 $0x1;
	s1 =	sadd.s32 s1, s23  }
0x10: {  	v0 =	vmul.u32 $0x4, v0;
	s6 =	sadd.s32 s0, s11;
	s8 =	sadd.s32 s4, s25;
	s10 =	sadd.s32 s0, s26  }
0x11: {  	v1 =	vimm.s32 $0x0;
	vm0 =	vcmask $0x300;
	s11 =	sadd.s32 s2, s11;
	s12 =	sadd.s32 s0, s31;
	s13 =	sadd.s32 s2, s26  }
0x12: {  	v1 =	vsel vm0, $0x7, v1;
	v2 =	vor.u32 $0x1, v0;
	s14 =	sadd.s32 s2, s31;
	s15 =	smax.u32 s15, $0x1;
	s23 =	simm.s32 $0x6  }
0x13: {  	v3 =	vor.u32 $0x2, v0;
	v4 =	vor.u32 $0x3, v0;
	v5 =	vor.u32 $0x40, v0;
	s25 =	simm.s32 $0x2;
	[dreg:$0x6] =	wrdreg s1;
	s1 =	sshrl.u32 s24, $0x3  }
0x14: {  	v6 =	vor.u32 $0x41, v0;
	v7 =	vor.u32 $0x42, v0;
	v8 =	vor.u32 $0x43, v0;
	s26 =	simm.s32 $0x3;
	s24 =	simm.s32 $0x2300;
	s7 =	sadd.s32 s4, s1  }
.LBB2_1:
0x15: {  	s0 =	rddreg [dreg:$0x6]  }
0x16: {  	[tilespmem:s3], [sflag:$0x1] =	stream.linear.gather [hbm4b:s0+s3], $0x1880, $0x38;
	[tilespmem:$0x14D00] =	vst v63  }
0x17: {  	s22 =	rddreg [dreg:$0x2]  }
0x18: {  	[tilespmem:s16], [sflag:$0x1] =	stream.linear.gather [hbm4b:s22+s3], $0x400, $0x38;
	[tilespmem:$0x14D00] =	vst v63  }
0x19: {  	v9 =	vmov s3;
	s31 =	simm.s32 $0x40  }
0x1a: {  	v9 =	vshrl.u32 v9, $0x7;
	[tilespmem:s19], [sflag:$0x2] =	stream.strided.gather [hbm4b:s5+s17], $0x6400, s18, s17, $0x38;
	[tilespmem:$0x14D00] =	vst v63  }
0x1b: {  	v10 =	vmov s31;
	v9 =	vshll.u32 v9, v1  }
0x1c: {  	v10 =	vshrl.u32 v10, $0x7;
	v9 =	vbroadcast v9, $0x0;
	[tilespmem:s20], [sflag:$0x3] =	stream.strided.gather [hbm4b:s6+s17], $0x6400, s18, s17, $0x38;
	[tilespmem:$0x14D00] =	vst v63  }
0x1d: {  	v10 =	vshll.u32 v10, v1;
	_ =	swait.ge [sflag:s21], $0x1880  }
0x1e: {  	v10 =	vbroadcast v10, $0x0;
	v11 =	vor.u32 v7, v9;
	[sflag:s21] =	ssyncset.done $0x0  }
0x1f: {  	v12 =	vor.u32 v6, v9;
	[sflag:s21] =	ssyncadd.s32 $0xFFFFE780  }
0x20: {  	v10 =	vor.u32 v5, v10;
	_ =	swait.ge [sflag:s21], $0x400  }
0x21: {  	v14 =	vor.u32 v2, v9;
	[sflag:s21] =	ssyncset.done $0x0  }
0x22: {  	v13 =	vor.u32 v8, v9;
	[sflag:s21] =	ssyncadd.s32 $0xFFFFFC00  }
0x23: {  	v15 =	vor.u32 v0, v9;
	v11 =	vld.idx.msk [tilespmem:v11+s3+$0x0], $0xffff  }
0x24: {  	v16 =	vor.u32 v3, v9;
	v12 =	vld.idx.msk [tilespmem:v12+s3+$0x0], $0xffff  }
0x25: {  	v9 =	vor.u32 v4, v9;
	v10 =	vld.idx.msk [tilespmem:v10+s3+$0x0], $0xffff  }
0x26: {  	v14 =	vld.idx.msk [tilespmem:v14+s3+$0x0], $0xffff  }
0x27: {  	v13 =	vld.idx.msk [tilespmem:v13+s3+$0x0], $0xffff  }
0x28: {  	s0 =	simm.s32 $0x80;
	v15 =	vld.idx.msk [tilespmem:v15+s3+$0x0], $0xffff  }
0x29: {  	v17 =	vmov s0;
	v16 =	vld.idx.msk [tilespmem:v16+s3+$0x0], $0xffff  }
0x2a: {  	s1 =	simm.s32 $0xC0;
	v17 =	vshrl.u32 v17, $0x7;
	v9 =	vld.idx.msk [tilespmem:v9+s3+$0x0], $0xffff  }
0x2b: {  	v18 =	vmov s1;
	v17 =	vshll.u32 v17, v1;
	v19 =	vld.idx.msk [tilespmem:v11+s16+$0x0], $0xffff  }
0x2c: {  	v17 =	vbroadcast v17, $0x0;
	v11 =	vshrl.u32 v18, $0x7;
	v12 =	vld.idx.msk [tilespmem:v12+s16+$0x0], $0xffff  }
0x2d: {  	v18 =	vld.idx.msk [tilespmem:v10+s16+$0x0], $0xffff;
	v11 =	vshll.u32 v11, v1  }
0x2e: {  	v14 =	vld.idx.msk [tilespmem:v14+s16+$0x0], $0xffff;
	v10 =	vbroadcast v11, $0x0;
	v11 =	vor.u32 v7, v17  }
0x2f: {  	v20 =	vor.u32 v6, v17;
	v13 =	vld.idx.msk [tilespmem:v13+s16+$0x0], $0xffff  }
0x30: {  	v15 =	vld.idx.msk [tilespmem:v15+s16+$0x0], $0xffff;
	v21 =	vor.u32 v5, v10  }
0x31: {  	v22 =	vor.u32 v8, v17;
	v16 =	vld.idx.msk [tilespmem:v16+s16+$0x0], $0xffff  }
0x32: {  	v23 =	vor.u32 v2, v17;
	v25 =	vor.u32 v0, v17;
	v24 =	vld.idx.msk [tilespmem:v9+s16+$0x0], $0xffff;
	v12 =	vshll.u32 v12, $0x8  }
0x33: {  	v19 =	vshll.u32 v19, $0x10;
	v14 =	vshll.u32 v14, $0x8;
	v18 =	vor.u32 v18, v12;
	v9 =	vld.idx.msk [tilespmem:v11+s3+$0x0], $0xffff  }
0x34: {  	v10 =	vld.idx.msk [tilespmem:v20+s3+$0x0], $0xffff;
	v11 =	vor.u32 v3, v17;
	v18 =	vor.u32 v19, v18;
	v19 =	vshll.u32 v13, $0x18  }
0x35: {  	v18 =	vor.u32 v19, v18;
	v19 =	vor.u32 v15, v14;
	v15 =	vor.u32 v4, v17;
	v12 =	vld.idx.msk [tilespmem:v21+s3+$0x0], $0xffff  }
0x36: {  	v13 =	vld.idx.msk [tilespmem:v22+s3+$0x0], $0xffff  }
0x37: {  	s4 =	simm.s32 $0x0;
	v20 =	vshll.u32 v16, $0x10;
	v14 =	vld.idx.msk [tilespmem:v23+s3+$0x0], $0xffff  }
0x38: {  	s2 =	simm.s32 $0x100;
	s1 =	simm.s32 $0x2;
	v16 =	vld.idx.msk [tilespmem:v25+s3+$0x0], $0xffff;
	[tilespmem:s4+$0x1C90] =	vst v18;
	v17 =	vor.u32 v20, v19;
	v18 =	vshll.u32 v24, $0x18  }
.LBB2_2:
0x39: {  	v19 =	vmov s2;
	v20 =	vld.idx.msk [tilespmem:v11+s3+$0x0], $0xffff;
	v11 =	vor.u32 v18, v17  }
0x3a: {  	s22 =	sadd.s32 $0x40, s2;
	s1 =	sadd.s32 $0x2, s1;
	v17 =	vshrl.u32 v19, $0x7;
	v18 =	vld.idx.msk [tilespmem:v15+s3+$0x0], $0xffff;
	[tilespmem:s4+$0x1C80] =	vst v11  }
0x3b: {  	v15 =	vmov s22;
	p0 =	slt.u32 s1, $0x60;
	v11 =	vshll.u32 v17, v1;
	v17 =	vld.idx.msk [tilespmem:v9+s16+$0x0], $0xffff  }
0x3c: {  	v9 =	vbroadcast v11, $0x0;
	v11 =	vshrl.u32 v15, $0x7;
	v10 =	vld.idx.msk [tilespmem:v10+s16+$0x0], $0xffff  }
0x3d: {  	v11 =	vshll.u32 v11, v1;
	v12 =	vld.idx.msk [tilespmem:v12+s16+$0x0], $0xffff  }
0x3e: {  	v19 =	vor.u32 v2, v9;
	v21 =	vbroadcast v11, $0x0;
	v22 =	vor.u32 v7, v9;
	v13 =	vld.idx.msk [tilespmem:v13+s16+$0x0], $0xffff  }
0x3f: {  	v23 =	vor.u32 v0, v9;
	v11 =	vor.u32 v3, v9;
	v24 =	vor.u32 v6, v9;
	v14 =	vld.idx.msk [tilespmem:v14+s16+$0x0], $0xffff  }
0x40: {  	v15 =	vor.u32 v4, v9;
	v21 =	vor.u32 v5, v21;
	v16 =	vld.idx.msk [tilespmem:v16+s16+$0x0], $0xffff  }
0x41: {  	v25 =	vor.u32 v8, v9;
	v20 =	vld.idx.msk [tilespmem:v20+s16+$0x0], $0xffff  }
0x42: {  	v10 =	vshll.u32 v10, $0x8;
	v18 =	vld.idx.msk [tilespmem:v18+s16+$0x0], $0xffff  }
0x43: {  	v17 =	vshll.u32 v17, $0x10;
	v12 =	vor.u32 v12, v10;
	v9 =	vld.idx.msk [tilespmem:v22+s3+$0x0], $0xffff  }
.Ltmp0:
0x44: {  	v17 =	vor.u32 v17, v12;
	v13 =	vshll.u32 v13, $0x18;
	v10 =	vld.idx.msk [tilespmem:v24+s3+$0x0], $0xffff;
	(pc) =	sbr.rel @p0 .LBB2_2-.Ltmp0, $4  }
0x45: {  	s4 =	sshra.s32 s0, $0x2;
	s0 =	smov.u32 s2;
	v14 =	vshll.u32 v14, $0x8;
	v17 =	vor.u32 v13, v17;
	v12 =	vld.idx.msk [tilespmem:v21+s3+$0x0], $0xffff  }
0x46: {  	v21 =	vor.u32 v16, v14;
	v13 =	vld.idx.msk [tilespmem:v25+s3+$0x0], $0xffff;
	[tilespmem:s4+$0x1C90] =	vst v17  }
0x47: {  	v17 =	vshll.u32 v20, $0x10;
	v14 =	vld.idx.msk [tilespmem:v19+s3+$0x0], $0xffff  }
0x48: {  	s2 =	sadd.s32 $0x80, s2;
	v17 =	vor.u32 v17, v21;
	v18 =	vshll.u32 v18, $0x18;
	v16 =	vld.idx.msk [tilespmem:v23+s3+$0x0], $0xffff  }
0x49: {  	_ =	sdelay $0x3  }
0x4a: {  	v11 =	vld.idx.msk [tilespmem:v11+s3+$0x0], $0xffff  }
0x4b: {  	v15 =	vld.idx.msk [tilespmem:v15+s3+$0x0], $0xffff  }
0x4c: {  	v9 =	vld.idx.msk [tilespmem:v9+s16+$0x0], $0xffff  }
0x4d: {  	v10 =	vld.idx.msk [tilespmem:v10+s16+$0x0], $0xffff  }
0x4e: {  	v12 =	vld.idx.msk [tilespmem:v12+s16+$0x0], $0xffff  }
0x4f: {  	v13 =	vld.idx.msk [tilespmem:v13+s16+$0x0], $0xffff  }
0x50: {  	v14 =	vld.idx.msk [tilespmem:v14+s16+$0x0], $0xffff  }
0x51: {  	v16 =	vld.idx.msk [tilespmem:v16+s16+$0x0], $0xffff  }
0x52: {  	v11 =	vld.idx.msk [tilespmem:v11+s16+$0x0], $0xffff  }
0x53: {  	v15 =	vld.idx.msk [tilespmem:v15+s16+$0x0], $0xffff  }
0x54: {  	v10 =	vshll.u32 v10, $0x8  }
0x55: {  	v9 =	vshll.u32 v9, $0x10;
	v10 =	vor.u32 v12, v10  }
0x56: {  	v12 =	vor.u32 v18, v17;
	v9 =	vor.u32 v9, v10;
	v10 =	vshll.u32 v14, $0x8  }
0x57: {  	v13 =	vshll.u32 v13, $0x18;
	v10 =	vor.u32 v16, v10;
	v11 =	vshll.u32 v11, $0x10  }
0x58: {  	s0 =	sshra.s32 s0, $0x2;
	[tilespmem:s4+$0x1C80] =	vst v12;
	v9 =	vor.u32 v13, v9;
	v10 =	vor.u32 v11, v10;
	v11 =	vshll.u32 v15, $0x18  }
0x59: {  	[tilespmem:s0+$0x1C90] =	vst v9;
	v9 =	vor.u32 v11, v10  }
0x5a: {  	s22 =	simm.s32 $0x1C80;
	[tilespmem:s0+$0x1C80] =	vst v9  }
0x5b: {  	[hbm4b:s7+s3] =	stream.linear.scatter [tilespmem:s22], [sflag:$0x6], $0x620, $0x38;
	[tilespmem:$0x14D00] =	vst v63  }
0x5c: {  	_ =	swait.ge [sflag:s23], $0x620  }
0x5d: {  	[sflag:s23] =	ssyncset.done $0x0  }
0x5e: {  	[sflag:s23] =	ssyncadd.s32 $0xFFFFF9E0  }
0x5f: {  	[bflag:$0x0] =	sbarrier.arrive $0xFFFF  }
0x60: {  	[tilespmem:s24], [sflag:$0x6] =	stream.linear.gather [hbm4b:s8+s3], $0x61A8, $0x38;
	[tilespmem:$0x14D00] =	vst v63  }
0x61: {  	_ =	swait.ge [sflag:s23], $0x61A8  }
0x62: {  	[sflag:s23] =	ssyncset.done $0x0  }
0x63: {  	[sflag:s23] =	ssyncadd.s32 $0xFFFF9E58  }
0x64: {  	_ =	swait.ge [sflag:s25], $0x6400  }
0x65: {  	[sflag:s25] =	ssyncset.done $0x0  }
0x66: {  	s31 =	simm.s32 $0x8580;
	[sflag:s25] =	ssyncadd.s32 $0xFFFF9C00  }
0x67: {  	v9 =	vld [tilespmem:s31+$0x0];
	_ =	sdelay $0x4  }
0x68: {  	v10 =	vshrl.u32 v9, $0x2;
	_ =	sdelay $0x1  }
0x69: {  	v11 =	vld [tilespmem:s31+$0xFFFFFF80];
	_ =	sdelay $0x1  }
0x6a: {  	v12 =	vld [tilespmem:s31+$0x10]  }
0x6b: {  	v10 =	vld.idx.msk [tilespmem:v10+s24+$0x0], $0xffff;
	_ =	sdelay $0x1  }
0x6c: {  	v13 =	vshrl.u32 v11, $0x2  }
0x6d: {  	v15 =	vld [tilespmem:s31+$0x20];
	v9 =	vshll.u32 v9, $0x3  }
0x6e: {  	v16 =	vld [tilespmem:s31+$0xFFFFFFA0];
	v14 =	vshrl.u32 v12, $0x2;
	v9 =	vand.u32 $0x18, v9  }
0x6f: {  	v9 =	vshrl.u32 v10, v9;
	v10 =	vld [tilespmem:s31+$0xFFFFFF90]  }
0x70: {  	v17 =	vld [tilespmem:s31+$0xFFFFFFB0]  }
0x71: {  	v13 =	vld.idx.msk [tilespmem:v13+s24+$0x0], $0xffff;
	v9 =	vand.u32 $0xFF, v9  }
0x72: {  	v19 =	vld [tilespmem:s31+$0xFFFFFFC0];
	[tilespmem:s31+$0x0] =	vst v9  }
0x73: {  	v14 =	vld.idx.msk [tilespmem:v14+s24+$0x0], $0xffff  }
0x74: {  	s0 =	simm.s32 $0x8680;
	v22 =	vld [tilespmem:s31+$0x40];
	v9 =	vshll.u32 v11, $0x3;
	v18 =	vshrl.u32 v10, $0x2  }
0x75: {  	v24 =	vld [tilespmem:s0+$0xFFFFFFA0];
	v11 =	vand.u32 $0x18, v9  }
0x76: {  	v26 =	vld [tilespmem:s0+$0xFFFFFFB0];
	v12 =	vshll.u32 v12, $0x3;
	v20 =	vshrl.u32 v15, $0x2;
	v13 =	vshrl.u32 v13, v11  }
0x77: {  	s2 =	simm.s32 $0x8780;
	v27 =	vld [tilespmem:s31+$0x50];
	v12 =	vand.u32 $0x18, v12;
	v13 =	vand.u32 $0xFF, v13  }
0x78: {  	v30 =	vld [tilespmem:s2+$0xFFFFFFA0];
	[tilespmem:s31+$0xFFFFFF80] =	vst v13;
	v12 =	vshrl.u32 v14, v12  }
0x79: {  	v12 =	vand.u32 $0xFF, v12;
	v13 =	vld.idx.msk [tilespmem:v18+s24+$0x0], $0xffff  }
0x7a: {  	[tilespmem:s31+$0x10] =	vst v12;
	v12 =	vld [tilespmem:s31+$0x30]  }
0x7b: {  	v14 =	vld.idx.msk [tilespmem:v20+s24+$0x0], $0xffff  }
0x7c: {  	v33 =	vld [tilespmem:s2+$0xFFFFFFB0];
	v10 =	vshll.u32 v10, $0x3;
	v18 =	vshrl.u32 v16, $0x2  }
0x7d: {  	v10 =	vand.u32 $0x18, v10;
	v20 =	vld [tilespmem:s0+$0x0]  }
0x7e: {  	v35 =	vld [tilespmem:s2+$0x10];
	v10 =	vshrl.u32 v13, v10;
	v13 =	vshll.u32 v15, $0x3  }
0x7f: {  	v60 =	vld [tilespmem:s0+$0x50];
	v21 =	vshrl.u32 v12, $0x2;
	v10 =	vand.u32 $0xFF, v10;
	v13 =	vand.u32 $0x18, v13  }
0x80: {  	[tilespmem:s31+$0xFFFFFF90] =	vst v10;
	v10 =	vld [tilespmem:s0+$0xFFFFFF80];
	v13 =	vshrl.u32 v14, v13  }
0x81: {  	v14 =	vld.idx.msk [tilespmem:v18+s24+$0x0], $0xffff;
	v13 =	vand.u32 $0xFF, v13  }
0x82: {  	v38 =	vld [tilespmem:s2+$0xFFFFFFD0];
	[tilespmem:s31+$0x20] =	vst v13;
	v13 =	vshrl.u32 v20, $0x2  }
0x83: {  	v39 =	vld [tilespmem:s2+$0xFFFFFFE0]  }
0x84: {  	v23 =	vshrl.u32 v17, $0x2;
	v16 =	vshll.u32 v16, $0x3;
	v21 =	vld.idx.msk [tilespmem:v21+s24+$0x0], $0xffff  }
0x85: {  	v61 =	vld [tilespmem:s2+$0xFFFFFFF0];
	v16 =	vand.u32 $0x18, v16;
	v25 =	vshrl.u32 v10, $0x2  }
0x86: {  	v14 =	vshrl.u32 v14, v16;
	v16 =	vld [tilespmem:s0+$0x10]  }
0x87: {  	v12 =	vshll.u32 v12, $0x3;
	v14 =	vand.u32 $0xFF, v14;
	v13 =	vld.idx.msk [tilespmem:v13+s24+$0x0], $0xffff  }
0x88: {  	v12 =	vand.u32 $0x18, v12;
	v18 =	vld [tilespmem:s0+$0xFFFFFF90];
	[tilespmem:s31+$0xFFFFFFA0] =	vst v14;
	v14 =	vshrl.u32 v22, $0x2  }
0x89: {  	v12 =	vshrl.u32 v21, v12;
	v23 =	vld.idx.msk [tilespmem:v23+s24+$0x0], $0xffff  }
0x8a: {  	s1 =	simm.s32 $0x8880;
	v20 =	vshll.u32 v20, $0x3;
	v12 =	vand.u32 $0xFF, v12;
	v21 =	vld.idx.msk [tilespmem:v25+s24+$0x0], $0xffff  }
0x8b: {  	v62 =	vld [tilespmem:s1+$0x0];
	v20 =	vand.u32 $0x18, v20;
	[tilespmem:s31+$0x30] =	vst v12;
	v12 =	vshrl.u32 v16, $0x2  }
0x8c: {  	v47 =	vld [tilespmem:s1+$0xFFFFFF80];
	v17 =	vshll.u32 v17, $0x3;
	v13 =	vshrl.u32 v13, v20;
	v20 =	vshrl.u32 v19, $0x2  }
0x8d: {  	v17 =	vand.u32 $0x18, v17;
	v10 =	vshll.u32 v10, $0x3;
	v29 =	vshrl.u32 v18, $0x2;
	v14 =	vld.idx.msk [tilespmem:v14+s24+$0x0], $0xffff  }
0x8e: {  	v10 =	vand.u32 $0x18, v10;
	v28 =	vand.u32 $0xFF, v13;
	v17 =	vshrl.u32 v23, v17;
	v23 =	vld [tilespmem:s0+$0x20]  }
0x8f: {  	v50 =	vld [tilespmem:s1+$0xFFFFFFA0];
	[tilespmem:s0+$0x0] =	vst v28;
	v17 =	vand.u32 $0xFF, v17;
	v21 =	vshrl.u32 v21, v10  }
0x90: {  	v22 =	vshll.u32 v22, $0x3;
	v12 =	vld.idx.msk [tilespmem:v12+s24+$0x0], $0xffff;
	[tilespmem:s31+$0xFFFFFFB0] =	vst v17;
	v17 =	vand.u32 $0xFF, v21  }
0x91: {  	v22 =	vand.u32 $0x18, v22;
	v21 =	vshrl.u32 v27, $0x2;
	v20 =	vld.idx.msk [tilespmem:v20+s24+$0x0], $0xffff;
	[tilespmem:s0+$0xFFFFFF80] =	vst v17  }
0x92: {  	v16 =	vshll.u32 v16, $0x3;
	v14 =	vshrl.u32 v14, v22;
	v17 =	vld.idx.msk [tilespmem:v29+s24+$0x0], $0xffff  }
0x93: {  	v55 =	vld [tilespmem:s2+$0x50];
	v19 =	vshll.u32 v19, $0x3;
	v14 =	vand.u32 $0xFF, v14;
	v22 =	vshrl.u32 v23, $0x2  }
0x94: {  	v9 =	vld [tilespmem:s31+$0xFFFFFFD0];
	[tilespmem:s31+$0x40] =	vst v14;
	v14 =	vand.u32 $0x18, v16;
	v16 =	vand.u32 $0x18, v19  }
0x95: {  	v28 =	vld [tilespmem:s31+$0x60];
	v12 =	vshrl.u32 v12, v14;
	v14 =	vshll.u32 v18, $0x3;
	v18 =	vshrl.u32 v24, $0x2  }
0x96: {  	v21 =	vld.idx.msk [tilespmem:v21+s24+$0x0], $0xffff;
	v12 =	vand.u32 $0xFF, v12;
	v29 =	vand.u32 $0x18, v14;
	v16 =	vshrl.u32 v20, v16  }
0x97: {  	[tilespmem:s0+$0x10] =	vst v12;
	v12 =	vand.u32 $0xFF, v16;
	v16 =	vshrl.u32 v17, v29;
	v17 =	vld [tilespmem:s0+$0x30]  }
0x98: {  	[tilespmem:s31+$0xFFFFFFC0] =	vst v12;
	v12 =	vand.u32 $0xFF, v16;
	v16 =	vld.idx.msk [tilespmem:v22+s24+$0x0], $0xffff  }
0x99: {  	v49 =	vshrl.u32 v38, $0x2;
	v11 =	vld [tilespmem:s31+$0xFFFFFFE0];
	v19 =	vshrl.u32 v9, $0x2;
	v20 =	vshll.u32 v27, $0x3;
	[tilespmem:s0+$0xFFFFFF90] =	vst v12  }
0x9a: {  	v41 =	vshrl.u32 v62, $0x2;
	v22 =	vshrl.u32 v28, $0x2;
	v12 =	vand.u32 $0x18, v20;
	v18 =	vld.idx.msk [tilespmem:v18+s24+$0x0], $0xffff  }
0x9b: {  	v42 =	vshrl.u32 v47, $0x2;
	v12 =	vshrl.u32 v21, v12;
	v21 =	vshll.u32 v23, $0x3;
	v23 =	vld [tilespmem:s2+$0x0]  }
0x9c: {  	v29 =	vld [tilespmem:s2+$0xFFFFFF80];
	v12 =	vand.u32 $0xFF, v12;
	v21 =	vand.u32 $0x18, v21;
	v27 =	vshrl.u32 v17, $0x2  }
0x9d: {  	v56 =	vshrl.u32 v50, $0x2;
	v58 =	vshrl.u32 v55, $0x2;
	v15 =	vld [tilespmem:s31+$0xFFFFFFF0];
	[tilespmem:s31+$0x50] =	vst v12;
	v12 =	vshrl.u32 v16, v21  }
0x9e: {  	v32 =	vshrl.u32 v11, $0x2;
	v19 =	vld.idx.msk [tilespmem:v19+s24+$0x0], $0xffff;
	v21 =	vshll.u32 v24, $0x3;
	v12 =	vand.u32 $0xFF, v12  }
0x9f: {  	v11 =	vshll.u32 v11, $0x3;
	v16 =	vld.idx.msk [tilespmem:v22+s24+$0x0], $0xffff;
	v22 =	vshrl.u32 v26, $0x2;
	[tilespmem:s0+$0x20] =	vst v12;
	v12 =	vand.u32 $0x18, v21  }
0xa0: {  	v9 =	vshll.u32 v9, $0x3;
	v21 =	vld [tilespmem:s0+$0x40];
	v12 =	vshrl.u32 v18, v12;
	v18 =	vshrl.u32 v23, $0x2  }
0xa1: {  	v34 =	vand.u32 $0x18, v9;
	v31 =	vshrl.u32 v29, $0x2;
	v9 =	vshll.u32 v17, $0x3;
	v27 =	vld.idx.msk [tilespmem:v27+s24+$0x0], $0xffff  }
0xa2: {  	v25 =	vld [tilespmem:s0+$0xFFFFFFC0];
	v17 =	vshrl.u32 v15, $0x2;
	v37 =	vand.u32 $0x18, v9;
	v12 =	vand.u32 $0xFF, v12  }
0xa3: {  	v20 =	vld [tilespmem:s31+$0x70];
	v19 =	vshrl.u32 v19, v34;
	v34 =	vshll.u32 v62, $0x3;
	v62 =	vshll.u32 v55, $0x3;
	[tilespmem:s0+$0xFFFFFFA0] =	vst v12  }
0xa4: {  	v34 =	vand.u32 $0x18, v34;
	v23 =	vshll.u32 v23, $0x3;
	v12 =	vand.u32 $0x18, v11;
	v11 =	vld.idx.msk [tilespmem:v22+s24+$0x0], $0xffff  }
0xa5: {  	v23 =	vand.u32 $0x18, v23;
	v22 =	vshll.u32 v15, $0x3;
	v36 =	vshrl.u32 v21, $0x2;
	v15 =	vld.idx.msk [tilespmem:v18+s24+$0x0], $0xffff  }
0xa6: {  	v24 =	vld [tilespmem:s2+$0xFFFFFF90];
	v9 =	vand.u32 $0x18, v22;
	v22 =	vshll.u32 v26, $0x3;
	v18 =	vshrl.u32 v27, v37  }
0xa7: {  	v13 =	vld [tilespmem:s0+$0xFFFFFFD0];
	v26 =	vshll.u32 v25, $0x3;
	v25 =	vshrl.u32 v25, $0x2;
	v18 =	vand.u32 $0xFF, v18  }
0xa8: {  	v22 =	vand.u32 $0x18, v22;
	v26 =	vand.u32 $0x18, v26;
	v27 =	vld.idx.msk [tilespmem:v31+s24+$0x0], $0xffff;
	[tilespmem:s0+$0x30] =	vst v18;
	v18 =	vshll.u32 v28, $0x3  }
0xa9: {  	v53 =	vld.idx.msk [tilespmem:v41+s24+$0x0], $0xffff;
	v28 =	vshrl.u32 v20, $0x2;
	v11 =	vshrl.u32 v11, v22;
	v22 =	vshrl.u32 v35, $0x2  }
0xaa: {  	v36 =	vld.idx.msk [tilespmem:v36+s24+$0x0], $0xffff;
	v18 =	vand.u32 $0x18, v18;
	v11 =	vand.u32 $0xFF, v11;
	v15 =	vshrl.u32 v15, v23  }
0xab: {  	v10 =	vld [tilespmem:s0+$0xFFFFFFE0];
	v23 =	vshll.u32 v29, $0x3;
	v29 =	vshrl.u32 v24, $0x2;
	[tilespmem:s0+$0xFFFFFFB0] =	vst v11;
	v11 =	vand.u32 $0xFF, v15  }
0xac: {  	v15 =	vshrl.u32 v16, v18;
	v16 =	vand.u32 $0x18, v23;
	v23 =	vld.idx.msk [tilespmem:v25+s24+$0x0], $0xffff;
	v25 =	vshrl.u32 v13, $0x2  }
0xad: {  	v14 =	vld [tilespmem:s0+$0xFFFFFFF0];
	[tilespmem:s2+$0x0] =	vst v11;
	v11 =	vshll.u32 v21, $0x3;
	v15 =	vand.u32 $0xFF, v15;
	v16 =	vshrl.u32 v27, v16  }
0xae: {  	v13 =	vshll.u32 v13, $0x3;
	v21 =	vld [tilespmem:s2+$0x20];
	v11 =	vand.u32 $0x18, v11;
	[tilespmem:s31+$0x60] =	vst v15;
	v15 =	vand.u32 $0xFF, v16  }
0xaf: {  	v16 =	vshrl.u32 v60, $0x2;
	v22 =	vld.idx.msk [tilespmem:v22+s24+$0x0], $0xffff;
	v11 =	vshrl.u32 v36, v11;
	[tilespmem:s2+$0xFFFFFF80] =	vst v15;
	v15 =	vand.u32 $0xFF, v19  }
0xb0: {  	v18 =	vshrl.u32 v10, $0x2;
	v10 =	vshll.u32 v10, $0x3;
	v27 =	vld.idx.msk [tilespmem:v28+s24+$0x0], $0xffff;
	v11 =	vand.u32 $0xFF, v11;
	[tilespmem:s31+$0xFFFFFFD0] =	vst v15  }
0xb1: {  	v28 =	vand.u32 $0x18, v13;
	v19 =	vld.idx.msk [tilespmem:v29+s24+$0x0], $0xffff;
	v15 =	vshll.u32 v35, $0x3;
	[tilespmem:s0+$0x40] =	vst v11;
	v11 =	vshll.u32 v24, $0x3  }
0xb2: {  	v13 =	vld [tilespmem:s0+$0x60];
	v23 =	vshrl.u32 v23, v26;
	v15 =	vand.u32 $0x18, v15;
	v26 =	vshrl.u32 v30, $0x2  }
0xb3: {  	v24 =	vld.idx.msk [tilespmem:v32+s24+$0x0], $0xffff;
	v30 =	vshll.u32 v30, $0x3;
	v32 =	vshrl.u32 v53, v34;
	v29 =	vshrl.u32 v21, $0x2  }
0xb4: {  	v23 =	vand.u32 $0xFF, v23;
	v16 =	vld.idx.msk [tilespmem:v16+s24+$0x0], $0xffff;
	v15 =	vshrl.u32 v22, v15;
	v22 =	vand.u32 $0x18, v11  }
0xb5: {  	v43 =	vld [tilespmem:s1+$0xFFFFFFB0];
	[tilespmem:s0+$0xFFFFFFC0] =	vst v23;
	v23 =	vand.u32 $0x18, v10;
	v11 =	vshrl.u32 v14, $0x2;
	v15 =	vand.u32 $0xFF, v15  }
0xb6: {  	v14 =	vshll.u32 v14, $0x3;
	v10 =	vshrl.u32 v19, v22;
	[tilespmem:s2+$0x10] =	vst v15;
	v22 =	vld [tilespmem:s2+$0x30];
	v15 =	vshll.u32 v60, $0x3  }
0xb7: {  	v19 =	vld.idx.msk [tilespmem:v25+s24+$0x0], $0xffff;
	v25 =	vshrl.u32 v13, $0x2;
	v13 =	vshll.u32 v13, $0x3;
	v10 =	vand.u32 $0xFF, v10  }
0xb8: {  	v15 =	vand.u32 $0x18, v15;
	v13 =	vand.u32 $0x18, v13;
	v12 =	vshrl.u32 v24, v12;
	[tilespmem:s2+$0xFFFFFF90] =	vst v10;
	v29 =	vld.idx.msk [tilespmem:v29+s24+$0x0], $0xffff  }
0xb9: {  	v10 =	vand.u32 $0x18, v14;
	v14 =	vand.u32 $0x18, v30;
	v26 =	vld.idx.msk [tilespmem:v26+s24+$0x0], $0xffff;
	v15 =	vshrl.u32 v16, v15  }
0xba: {  	v54 =	vld [tilespmem:s1+$0xFFFFFFC0];
	v30 =	vshrl.u32 v33, $0x2;
	v33 =	vshll.u32 v33, $0x3;
	v15 =	vand.u32 $0xFF, v15  }
0xbb: {  	v31 =	vld [tilespmem:s2+$0xFFFFFFC0];
	v52 =	vand.u32 $0xFF, v12;
	[tilespmem:s0+$0x50] =	vst v15;
	v15 =	vshll.u32 v21, $0x3;
	v21 =	vshrl.u32 v22, $0x2  }
0xbc: {  	v12 =	vshll.u32 v61, $0x3;
	v16 =	vshll.u32 v20, $0x3;
	v25 =	vld.idx.msk [tilespmem:v25+s24+$0x0], $0xffff;
	v15 =	vand.u32 $0x18, v15  }
0xbd: {  	v20 =	vld [tilespmem:s0+$0x70];
	v12 =	vand.u32 $0x18, v12;
	v16 =	vand.u32 $0x18, v16;
	v15 =	vshrl.u32 v29, v15  }
0xbe: {  	v16 =	vshrl.u32 v27, v16;
	v15 =	vand.u32 $0xFF, v15;
	v14 =	vshrl.u32 v26, v14;
	v26 =	vld [tilespmem:s2+$0x40]  }
0xbf: {  	v57 =	vld [tilespmem:s1+$0xFFFFFFD0];
	v27 =	vand.u32 $0x18, v33;
	v22 =	vshll.u32 v22, $0x3;
	[tilespmem:s2+$0x20] =	vst v15;
	v14 =	vand.u32 $0xFF, v14  }
0xc0: {  	v19 =	vshrl.u32 v19, v28;
	v63 =	vand.u32 $0xFF, v16;
	v16 =	vshll.u32 v31, $0x3;
	v21 =	vld.idx.msk [tilespmem:v21+s24+$0x0], $0xffff;
	[tilespmem:s2+$0xFFFFFFA0] =	vst v14  }
0xc1: {  	v22 =	vand.u32 $0x18, v22;
	v19 =	vand.u32 $0xFF, v19;
	v13 =	vshrl.u32 v25, v13;
	v25 =	vld.idx.msk [tilespmem:v30+s24+$0x0], $0xffff  }
0xc2: {  	v29 =	vshrl.u32 v31, $0x2;
	v48 =	vand.u32 $0x18, v16;
	v40 =	vshrl.u32 v20, $0x2;
	v30 =	vld [tilespmem:s1+$0x10]  }
0xc3: {  	v31 =	vld [tilespmem:s1+$0xFFFFFF90];
	v16 =	vshll.u32 v38, $0x3;
	v38 =	vshll.u32 v50, $0x3;
	v24 =	vshrl.u32 v26, $0x2  }
0xc4: {  	v28 =	vld.idx.msk [tilespmem:v42+s24+$0x0], $0xffff;
	[tilespmem:s0+$0xFFFFFFD0] =	vst v19;
	v19 =	vshll.u32 v43, $0x3;
	v16 =	vand.u32 $0x18, v16;
	v20 =	vshll.u32 v20, $0x3  }
0xc5: {  	v60 =	vld.idx.msk [tilespmem:v18+s24+$0x0], $0xffff;
	v18 =	vshll.u32 v54, $0x3;
	v13 =	vand.u32 $0xFF, v13;
	v21 =	vshrl.u32 v21, v22  }
0xc6: {  	v15 =	vshrl.u32 v39, $0x2;
	[tilespmem:s0+$0x60] =	vst v13;
	v13 =	vshrl.u32 v61, $0x2;
	v61 =	vld [tilespmem:s1+$0xFFFFFFF0];
	v21 =	vand.u32 $0xFF, v21  }
0xc7: {  	v51 =	vld.idx.msk [tilespmem:v40+s24+$0x0], $0xffff;
	v22 =	vshll.u32 v47, $0x3;
	v25 =	vshrl.u32 v25, v27;
	v27 =	vshrl.u32 v30, $0x2;
	[tilespmem:s2+$0x30] =	vst v21  }
0xc8: {  	v22 =	vand.u32 $0x18, v22;
	v21 =	vshrl.u32 v31, $0x2;
	v25 =	vand.u32 $0xFF, v25;
	v24 =	vld.idx.msk [tilespmem:v24+s24+$0x0], $0xffff  }
0xc9: {  	v20 =	vand.u32 $0x18, v20;
	v14 =	vshll.u32 v39, $0x3;
	v22 =	vshrl.u32 v28, v22;
	v28 =	vld [tilespmem:s1+$0x20];
	[tilespmem:s2+$0xFFFFFFB0] =	vst v25  }
0xca: {  	[tilespmem:s31+$0x70] =	vst v63;
	v14 =	vand.u32 $0x18, v14;
	v23 =	vshrl.u32 v60, v23;
	v25 =	vand.u32 $0xFF, v32;
	v29 =	vld.idx.msk [tilespmem:v29+s24+$0x0], $0xffff  }
0xcb: {  	v31 =	vshll.u32 v31, $0x3;
	v22 =	vand.u32 $0xFF, v22;
	[tilespmem:s1+$0x0] =	vst v25;
	v25 =	vshll.u32 v26, $0x3  }
0xcc: {  	v63 =	vand.u32 $0xFF, v23;
	v31 =	vand.u32 $0x18, v31;
	[tilespmem:s1+$0xFFFFFF80] =	vst v22;
	v26 =	vand.u32 $0x18, v25;
	v27 =	vld.idx.msk [tilespmem:v27+s24+$0x0], $0xffff  }
0xcd: {  	v23 =	vshrl.u32 v61, $0x2;
	v20 =	vshrl.u32 v51, v20;
	v59 =	vld.idx.msk [tilespmem:v21+s24+$0x0], $0xffff;
	v22 =	vshrl.u32 v24, v26  }
0xce: {  	v39 =	vand.u32 $0xFF, v20;
	v20 =	vshll.u32 v30, $0x3;
	v26 =	vld [tilespmem:s2+$0x60];
	v22 =	vand.u32 $0xFF, v22  }
0xcf: {  	v44 =	vld [tilespmem:s1+$0xFFFFFFE0];
	v30 =	vshll.u32 v57, $0x3;
	v45 =	vshrl.u32 v28, $0x2;
	v29 =	vshrl.u32 v29, v48;
	[tilespmem:s2+$0x40] =	vst v22  }
0xd0: {  	[tilespmem:s31+$0xFFFFFFE0] =	vst v52;
	v20 =	vand.u32 $0x18, v20;
	v22 =	vand.u32 $0x18, v18;
	v18 =	vand.u32 $0xFF, v29;
	v32 =	vld.idx.msk [tilespmem:v58+s24+$0x0], $0xffff  }
0xd1: {  	v25 =	vand.u32 $0x18, v38;
	v30 =	vand.u32 $0x18, v30;
	v29 =	vld.idx.msk [tilespmem:v17+s24+$0x0], $0xffff;
	v27 =	vshrl.u32 v27, v20;
	[tilespmem:s2+$0xFFFFFFC0] =	vst v18  }
0xd2: {  	v21 =	vand.u32 $0x18, v19;
	v17 =	vand.u32 $0xFF, v27;
	v27 =	vshrl.u32 v59, v31;
	v33 =	vld.idx.msk [tilespmem:v49+s24+$0x0], $0xffff  }
0xd3: {  	v19 =	vshrl.u32 v54, $0x2;
	v31 =	vld [tilespmem:s1+$0x30];
	[tilespmem:s1+$0x10] =	vst v17;
	v27 =	vand.u32 $0xFF, v27;
	v34 =	vshrl.u32 v26, $0x2  }
0xd4: {  	v24 =	vshrl.u32 v43, $0x2;
	v20 =	vshrl.u32 v57, $0x2;
	[tilespmem:s1+$0xFFFFFF90] =	vst v27;
	v35 =	vld.idx.msk [tilespmem:v45+s24+$0x0], $0xffff;
	v27 =	vand.u32 $0x18, v62  }
0xd5: {  	[tilespmem:s0+$0xFFFFFFE0] =	vst v63;
	v18 =	vshrl.u32 v44, $0x2;
	v17 =	vshll.u32 v44, $0x3;
	v36 =	vld.idx.msk [tilespmem:v56+s24+$0x0], $0xffff;
	v27 =	vshrl.u32 v32, v27  }
0xd6: {  	s4 =	simm.s32 $0x8980;
	s22 =	simm.s32 $0x6;
	[tilespmem:s0+$0x70] =	vst v39;
	v17 =	vand.u32 $0x18, v17;
	v32 =	vshll.u32 v61, $0x3;
	v37 =	vand.u32 $0xFF, v27;
	v27 =	vld [tilespmem:s2+$0x70]  }
.LBB2_4:
0xd7: {  	v38 =	vld [tilespmem:s4+$0x0];
	[tilespmem:s2+$0x50] =	vst v37;
	v29 =	vshrl.u32 v29, v9;
	v9 =	vmovc v10;
	v10 =	vmov v12;
	v12 =	vand.u32 $0x18, v32  }
0xd8: {  	s22 =	sadd.s32 $0x2, s22;
	v28 =	vshll.u32 v28, $0x3;
	v33 =	vshrl.u32 v33, v16;
	v16 =	vmovc v30;
	v32 =	vshrl.u32 v31, $0x2;
	v34 =	vld.idx.msk [tilespmem:v34+s24+$0x0], $0xffff  }
0xd9: {  	p0 =	slt.u32 s22, $0xC6;
	v28 =	vand.u32 $0x18, v28;
	v33 =	vand.u32 $0xFF, v33;
	v29 =	vand.u32 $0xFF, v29;
	v30 =	vld [tilespmem:s4+$0xFFFFFF80]  }
0xda: {  	v28 =	vshrl.u32 v35, v28;
	v37 =	vld [tilespmem:s4+$0xFFFFFF90];
	[tilespmem:s2+$0xFFFFFFD0] =	vst v33  }
0xdb: {  	v25 =	vshrl.u32 v36, v25;
	v28 =	vand.u32 $0xFF, v28;
	v33 =	vld [tilespmem:s4+$0xFFFFFFA0];
	[tilespmem:s31+$0xFFFFFFF0] =	vst v29;
	s31 =	smov.u32 s0;
	s0 =	smov.u32 s2;
	s2 =	smov.u32 s1  }
0xdc: {  	v26 =	vshll.u32 v26, $0x3;
	v25 =	vand.u32 $0xFF, v25;
	s1 =	smov.u32 s4;
	[tilespmem:s2+$0x20] =	vst v28;
	v29 =	vld [tilespmem:s2+$0x40];
	v28 =	vshrl.u32 v27, $0x2  }
0xdd: {  	v35 =	vshrl.u32 v38, $0x2;
	[tilespmem:s2+$0xFFFFFFA0] =	vst v25;
	v32 =	vld.idx.msk [tilespmem:v32+s24+$0x0], $0xffff;
	v25 =	vand.u32 $0x18, v26  }
0xde: {  	v26 =	vshrl.u32 v30, $0x2;
	v30 =	vshll.u32 v30, $0x3;
	v36 =	vld [tilespmem:s4+$0xFFFFFFB0];
	v25 =	vshrl.u32 v34, v25  }
0xdf: {  	v30 =	vand.u32 $0x18, v30;
	v34 =	vshrl.u32 v37, $0x2;
	v39 =	vld.idx.msk [tilespmem:v24+s24+$0x0], $0xffff;
	v24 =	vand.u32 $0xFF, v25  }
0xe0: {  	v25 =	vshll.u32 v37, $0x3;
	v37 =	vshrl.u32 v33, $0x2;
	v33 =	vshll.u32 v33, $0x3;
	v40 =	vld [tilespmem:s4+$0x10];
	[tilespmem:s0+$0x60] =	vst v24  }
0xe1: {  	v41 =	vand.u32 $0x18, v25;
	v24 =	vshll.u32 v31, $0x3;
	v31 =	vshrl.u32 v29, $0x2;
	v28 =	vld.idx.msk [tilespmem:v28+s24+$0x0], $0xffff  }
0xe2: {  	v25 =	vand.u32 $0x18, v33;
	v33 =	vld.idx.msk [tilespmem:v35+s24+$0x0], $0xffff;
	v35 =	vand.u32 $0x18, v24  }
0xe3: {  	v26 =	vld.idx.msk [tilespmem:v26+s24+$0x0], $0xffff;
	v24 =	vshrl.u32 v36, $0x2;
	v36 =	vshll.u32 v36, $0x3;
	v32 =	vshrl.u32 v32, v35  }
0xe4: {  	v35 =	vand.u32 $0x18, v36;
	v36 =	vld [tilespmem:s4+$0xFFFFFFC0];
	v32 =	vand.u32 $0xFF, v32  }
0xe5: {  	v27 =	vshll.u32 v27, $0x3;
	v39 =	vshrl.u32 v39, v21;
	[tilespmem:s2+$0x30] =	vst v32;
	v32 =	vld [tilespmem:s2+$0x50];
	v21 =	vmov v35  }
0xe6: {  	v27 =	vand.u32 $0x18, v27;
	v35 =	vshll.u32 v38, $0x3;
	v38 =	vshrl.u32 v40, $0x2;
	v31 =	vld.idx.msk [tilespmem:v31+s24+$0x0], $0xffff  }
0xe7: {  	v39 =	vand.u32 $0xFF, v39;
	v35 =	vand.u32 $0x18, v35;
	v27 =	vshrl.u32 v28, v27;
	v42 =	vld [tilespmem:s4+$0xFFFFFFD0]  }
0xe8: {  	v28 =	vshrl.u32 v33, v35;
	v27 =	vand.u32 $0xFF, v27;
	v43 =	vld [tilespmem:s4+$0xFFFFFFE0];
	[tilespmem:s2+$0xFFFFFFB0] =	vst v39  }
0xe9: {  	v26 =	vshrl.u32 v26, v30;
	v28 =	vand.u32 $0xFF, v28;
	v33 =	vld.idx.msk [tilespmem:v19+s24+$0x0], $0xffff;
	v19 =	vshrl.u32 v36, $0x2;
	[tilespmem:s0+$0x70] =	vst v27  }
0xea: {  	v26 =	vand.u32 $0xFF, v26;
	v27 =	vshll.u32 v29, $0x3;
	[tilespmem:s4+$0x0] =	vst v28;
	v28 =	vld [tilespmem:s4+$0x20];
	v29 =	vshrl.u32 v32, $0x2  }
0xeb: {  	v27 =	vand.u32 $0x18, v27;
	[tilespmem:s4+$0xFFFFFF80] =	vst v26;
	v26 =	vshll.u32 v36, $0x3;
	v35 =	vld.idx.msk [tilespmem:v38+s24+$0x0], $0xffff  }
0xec: {  	v34 =	vld.idx.msk [tilespmem:v34+s24+$0x0], $0xffff;
	v36 =	vand.u32 $0x18, v26;
	v38 =	vshrl.u32 v42, $0x2;
	v26 =	vshrl.u32 v31, v27  }
0xed: {  	v27 =	vshll.u32 v42, $0x3;
	v26 =	vand.u32 $0xFF, v26;
	v39 =	vld.idx.msk [tilespmem:v15+s24+$0x0], $0xffff;
	v15 =	vmovc v18;
	v18 =	vshrl.u32 v43, $0x2  }
0xee: {  	v30 =	vand.u32 $0x18, v27;
	v27 =	vshll.u32 v43, $0x3;
	[tilespmem:s2+$0x40] =	vst v26;
	v26 =	vld [tilespmem:s2+$0x60]  }
0xef: {  	v31 =	vshll.u32 v40, $0x3;
	v33 =	vshrl.u32 v33, v22;
	v22 =	vmovc v36;
	v40 =	vshrl.u32 v28, $0x2;
	v42 =	vld.idx.msk [tilespmem:v29+s24+$0x0], $0xffff  }
0xf0: {  	v27 =	vand.u32 $0x18, v27;
	v29 =	vand.u32 $0x18, v31;
	v31 =	vand.u32 $0xFF, v33;
	v43 =	vld [tilespmem:s4+$0xFFFFFFF0]  }
0xf1: {  	v33 =	vshrl.u32 v35, v29;
	[tilespmem:s2+$0xFFFFFFC0] =	vst v31;
	v29 =	vld.idx.msk [tilespmem:v11+s24+$0x0], $0xffff;
	v11 =	vmov v13;
	v13 =	vmov v23  }
.Ltmp1:
0xf2: {  	v23 =	vshrl.u32 v34, v41;
	v31 =	vand.u32 $0xFF, v33;
	v33 =	vld.idx.msk [tilespmem:v20+s24+$0x0], $0xffff;
	v20 =	vmov v38;
	(pc) =	sbr.rel @p0 .LBB2_4-.Ltmp1, $4  }
0xf3: {  	v32 =	vshll.u32 v32, $0x3;
	v23 =	vand.u32 $0xFF, v23;
	[tilespmem:s4+$0x10] =	vst v31;
	v31 =	vld [tilespmem:s4+$0x30];
	v34 =	vshrl.u32 v26, $0x2  }
0xf4: {  	v32 =	vand.u32 $0x18, v32;
	v38 =	vshrl.u32 v39, v14;
	v14 =	vmovc v17;
	v17 =	vmov v27;
	[tilespmem:s4+$0xFFFFFF90] =	vst v23;
	v35 =	vld.idx.msk [tilespmem:v40+s24+$0x0], $0xffff  }
0xf5: {  	v38 =	vand.u32 $0xFF, v38;
	v27 =	vshrl.u32 v42, v32;
	v36 =	vld.idx.msk [tilespmem:v37+s24+$0x0], $0xffff;
	v23 =	vshrl.u32 v43, $0x2  }
0xf6: {  	s4 =	sadd.s32 $0x100, s4;
	v32 =	vshll.u32 v43, $0x3;
	v37 =	vand.u32 $0xFF, v27;
	v27 =	vld [tilespmem:s2+$0x70];
	[tilespmem:s0+$0xFFFFFFE0] =	vst v38  }
0xf7: {  	v28 =	vshll.u32 v28, $0x3  }
0xf8: {  	v38 =	vshrl.u32 v31, $0x2;
	v28 =	vand.u32 $0x18, v28  }
0xf9: {  	v28 =	vshrl.u32 v35, v28  }
0xfa: {  	v28 =	vand.u32 $0xFF, v28  }
0xfb: {  	[tilespmem:s1+$0x20] =	vst v28;
	v28 =	vld [tilespmem:s1+$0x40];
	_ =	sdelay $0x1  }
0xfc: {  	v25 =	vshrl.u32 v36, v25;
	v52 =	vld.idx.msk [tilespmem:v38+s24+$0x0], $0xffff  }
0xfd: {  	v25 =	vand.u32 $0xFF, v25  }
0xfe: {  	[tilespmem:s1+$0xFFFFFFA0] =	vst v25  }
0xff: {  	v31 =	vshll.u32 v31, $0x3;
	v24 =	vld.idx.msk [tilespmem:v24+s24+$0x0], $0xffff;
	v25 =	vshrl.u32 v28, $0x2  }
0x100: {  	v31 =	vand.u32 $0x18, v31  }
0x101: {  	v31 =	vshrl.u32 v52, v31  }
0x102: {  	v31 =	vand.u32 $0xFF, v31  }
0x103: {  	[tilespmem:s1+$0x30] =	vst v31;
	v31 =	vld [tilespmem:s1+$0x50]  }
0x104: {  	v21 =	vshrl.u32 v24, v21;
	v25 =	vld.idx.msk [tilespmem:v25+s24+$0x0], $0xffff  }
0x105: {  	v21 =	vand.u32 $0xFF, v21  }
0x106: {  	[tilespmem:s1+$0xFFFFFFB0] =	vst v21  }
0x107: {  	v21 =	vshll.u32 v28, $0x3;
	v19 =	vld.idx.msk [tilespmem:v19+s24+$0x0], $0xffff  }
0x108: {  	v21 =	vand.u32 $0x18, v21;
	v24 =	vshrl.u32 v31, $0x2  }
0x109: {  	v21 =	vshrl.u32 v25, v21  }
0x10a: {  	v21 =	vand.u32 $0xFF, v21  }
0x10b: {  	[tilespmem:s1+$0x40] =	vst v21;
	v21 =	vld [tilespmem:s1+$0x60]  }
0x10c: {  	v19 =	vshrl.u32 v19, v22  }
0x10d: {  	v19 =	vand.u32 $0xFF, v19;
	v22 =	vld.idx.msk [tilespmem:v24+s24+$0x0], $0xffff  }
0x10e: {  	[tilespmem:s1+$0xFFFFFFC0] =	vst v19  }
0x10f: {  	v19 =	vld.idx.msk [tilespmem:v20+s24+$0x0], $0xffff  }
0x110: {  	v20 =	vshll.u32 v31, $0x3;
	v24 =	vshrl.u32 v21, $0x2  }
0x111: {  	[tilespmem:s2+$0x50] =	vst v37;
	v20 =	vand.u32 $0x18, v20  }
0x112: {  	v25 =	vld.idx.msk [tilespmem:v34+s24+$0x0], $0xffff;
	v20 =	vshrl.u32 v22, v20  }
0x113: {  	v16 =	vshrl.u32 v33, v16;
	v22 =	vld [tilespmem:s1+$0x70];
	v20 =	vand.u32 $0xFF, v20  }
0x114: {  	v16 =	vand.u32 $0xFF, v16;
	v19 =	vshrl.u32 v19, v30;
	[tilespmem:s1+$0x50] =	vst v20  }
0x115: {  	[tilespmem:s2+$0xFFFFFFD0] =	vst v16;
	v19 =	vand.u32 $0xFF, v19;
	v16 =	vld.idx.msk [tilespmem:v24+s24+$0x0], $0xffff  }
0x116: {  	v15 =	vld.idx.msk [tilespmem:v15+s24+$0x0], $0xffff;
	[tilespmem:s1+$0xFFFFFFD0] =	vst v19;
	v20 =	vshll.u32 v26, $0x3;
	v24 =	vshrl.u32 v27, $0x2  }
0x117: {  	v18 =	vld.idx.msk [tilespmem:v18+s24+$0x0], $0xffff;
	v19 =	vand.u32 $0x18, v20  }
0x118: {  	v20 =	vshll.u32 v21, $0x3;
	v19 =	vshrl.u32 v25, v19;
	v21 =	vshrl.u32 v22, $0x2  }
0x119: {  	v20 =	vand.u32 $0x18, v20;
	v19 =	vand.u32 $0xFF, v19  }
0x11a: {  	[tilespmem:s2+$0x60] =	vst v19;
	v16 =	vshrl.u32 v16, v20  }
0x11b: {  	v14 =	vshrl.u32 v15, v14;
	v19 =	vld.idx.msk [tilespmem:v24+s24+$0x0], $0xffff;
	v15 =	vand.u32 $0xFF, v16  }
0x11c: {  	v11 =	vld.idx.msk [tilespmem:v11+s24+$0x0], $0xffff;
	v14 =	vand.u32 $0xFF, v14;
	[tilespmem:s1+$0x60] =	vst v15;
	v15 =	vshrl.u32 v18, v17  }
0x11d: {  	[tilespmem:s2+$0xFFFFFFE0] =	vst v14;
	v14 =	vld.idx.msk [tilespmem:v21+s24+$0x0], $0xffff;
	v15 =	vand.u32 $0xFF, v15  }
0x11e: {  	v13 =	vld.idx.msk [tilespmem:v13+s24+$0x0], $0xffff;
	v16 =	vshll.u32 v27, $0x3;
	[tilespmem:s1+$0xFFFFFFE0] =	vst v15  }
0x11f: {  	v9 =	vshrl.u32 v29, v9;
	v15 =	vand.u32 $0x18, v16;
	v16 =	vld.idx.msk [tilespmem:v23+s24+$0x0], $0xffff  }
0x120: {  	v9 =	vand.u32 $0xFF, v9;
	v17 =	vshll.u32 v22, $0x3;
	v15 =	vshrl.u32 v19, v15  }
0x121: {  	[tilespmem:s31+$0xFFFFFFF0] =	vst v9;
	v10 =	vshrl.u32 v11, v10;
	v11 =	vand.u32 $0x18, v17;
	v9 =	vand.u32 $0xFF, v15  }
0x122: {  	[tilespmem:s2+$0x70] =	vst v9;
	v9 =	vand.u32 $0xFF, v10;
	v10 =	vshrl.u32 v14, v11  }
0x123: {  	v11 =	vand.u32 $0x18, v32;
	[tilespmem:s0+$0xFFFFFFF0] =	vst v9;
	v9 =	vand.u32 $0xFF, v10;
	v10 =	vshrl.u32 v13, v12  }
0x124: {  	[tilespmem:s1+$0x70] =	vst v9;
	v9 =	vand.u32 $0xFF, v10;
	v10 =	vshrl.u32 v16, v11  }
0x125: {  	[tilespmem:s2+$0xFFFFFFF0] =	vst v9;
	v9 =	vand.u32 $0xFF, v10  }
0x126: {  	[tilespmem:s1+$0xFFFFFFF0] =	vst v9  }
0x127: {  	[hbm4b:s9+s17] =	stream.strided.scatter [tilespmem:s19], [sflag:$0x4], $0x6400, s18, s17, $0x38;
	[tilespmem:$0x14D00] =	vst v63  }
0x128: {  	_ =	swait.ge [sflag:s26], $0x6400  }
0x129: {  	[sflag:s26] =	ssyncset.done $0x0  }
0x12a: {  	s31 =	simm.s32 $0xE980;
	[sflag:s26] =	ssyncadd.s32 $0xFFFF9C00  }
0x12b: {  	v9 =	vld [tilespmem:s31+$0x0];
	_ =	sdelay $0x4  }
0x12c: {  	v10 =	vshrl.u32 v9, $0x2;
	_ =	sdelay $0x1  }
0x12d: {  	v11 =	vld [tilespmem:s31+$0xFFFFFF80];
	_ =	sdelay $0x1  }
0x12e: {  	v12 =	vld [tilespmem:s31+$0x10]  }
0x12f: {  	v10 =	vld.idx.msk [tilespmem:v10+s24+$0x0], $0xffff;
	_ =	sdelay $0x1  }
0x130: {  	v15 =	vld [tilespmem:s31+$0x20];
	v13 =	vshrl.u32 v11, $0x2  }
0x131: {  	v16 =	vld [tilespmem:s31+$0xFFFFFFA0];
	v9 =	vshll.u32 v9, $0x3  }
0x132: {  	v17 =	vld [tilespmem:s31+$0xFFFFFFB0];
	v14 =	vshrl.u32 v12, $0x2;
	v9 =	vand.u32 $0x18, v9  }
0x133: {  	v9 =	vshrl.u32 v10, v9;
	v10 =	vld [tilespmem:s31+$0xFFFFFF90]  }
0x134: {  	v19 =	vld [tilespmem:s31+$0xFFFFFFC0]  }
0x135: {  	v13 =	vld.idx.msk [tilespmem:v13+s24+$0x0], $0xffff;
	v9 =	vand.u32 $0xFF, v9  }
0x136: {  	v22 =	vld [tilespmem:s31+$0x40];
	[tilespmem:s31+$0x0] =	vst v9  }
0x137: {  	s0 =	simm.s32 $0xEA80;
	v14 =	vld.idx.msk [tilespmem:v14+s24+$0x0], $0xffff  }
0x138: {  	v24 =	vld [tilespmem:s0+$0xFFFFFFA0];
	v9 =	vshll.u32 v11, $0x3;
	v18 =	vshrl.u32 v10, $0x2  }
0x139: {  	v26 =	vld [tilespmem:s0+$0xFFFFFFB0];
	v11 =	vand.u32 $0x18, v9  }
0x13a: {  	s2 =	simm.s32 $0xEB80;
	v27 =	vld [tilespmem:s31+$0x50];
	v12 =	vshll.u32 v12, $0x3;
	v20 =	vshrl.u32 v15, $0x2;
	v13 =	vshrl.u32 v13, v11  }
0x13b: {  	v30 =	vld [tilespmem:s2+$0xFFFFFFA0];
	v12 =	vand.u32 $0x18, v12;
	v13 =	vand.u32 $0xFF, v13  }
0x13c: {  	v54 =	vld [tilespmem:s2+$0xFFFFFFB0];
	[tilespmem:s31+$0xFFFFFF80] =	vst v13;
	v12 =	vshrl.u32 v14, v12  }
0x13d: {  	v12 =	vand.u32 $0xFF, v12;
	v13 =	vld.idx.msk [tilespmem:v18+s24+$0x0], $0xffff  }
0x13e: {  	[tilespmem:s31+$0x10] =	vst v12;
	v12 =	vld [tilespmem:s31+$0x30]  }
0x13f: {  	v14 =	vld.idx.msk [tilespmem:v20+s24+$0x0], $0xffff  }
0x140: {  	v56 =	vld [tilespmem:s2+$0x10];
	v10 =	vshll.u32 v10, $0x3;
	v18 =	vshrl.u32 v16, $0x2  }
0x141: {  	v10 =	vand.u32 $0x18, v10;
	v20 =	vld [tilespmem:s0+$0x0]  }
0x142: {  	v59 =	vld [tilespmem:s0+$0x50];
	v10 =	vshrl.u32 v13, v10;
	v13 =	vshll.u32 v15, $0x3  }
0x143: {  	v60 =	vld [tilespmem:s2+$0xFFFFFFD0];
	v21 =	vshrl.u32 v12, $0x2;
	v10 =	vand.u32 $0xFF, v10;
	v13 =	vand.u32 $0x18, v13  }
0x144: {  	[tilespmem:s31+$0xFFFFFF90] =	vst v10;
	v10 =	vld [tilespmem:s0+$0xFFFFFF80];
	v13 =	vshrl.u32 v14, v13  }
0x145: {  	v14 =	vld.idx.msk [tilespmem:v18+s24+$0x0], $0xffff;
	v13 =	vand.u32 $0xFF, v13  }
0x146: {  	v39 =	vld [tilespmem:s2+$0xFFFFFFE0];
	[tilespmem:s31+$0x20] =	vst v13;
	v13 =	vshrl.u32 v20, $0x2  }
0x147: {  	v61 =	vld [tilespmem:s2+$0xFFFFFFF0]  }
0x148: {  	s1 =	simm.s32 $0xEC80;
	v23 =	vshrl.u32 v17, $0x2;
	v16 =	vshll.u32 v16, $0x3;
	v21 =	vld.idx.msk [tilespmem:v21+s24+$0x0], $0xffff  }
0x149: {  	v62 =	vld [tilespmem:s1+$0x0];
	v16 =	vand.u32 $0x18, v16;
	v25 =	vshrl.u32 v10, $0x2  }
0x14a: {  	v14 =	vshrl.u32 v14, v16;
	v16 =	vld [tilespmem:s0+$0x10]  }
0x14b: {  	v12 =	vshll.u32 v12, $0x3;
	v14 =	vand.u32 $0xFF, v14;
	v13 =	vld.idx.msk [tilespmem:v13+s24+$0x0], $0xffff  }
0x14c: {  	v12 =	vand.u32 $0x18, v12;
	v18 =	vld [tilespmem:s0+$0xFFFFFF90];
	[tilespmem:s31+$0xFFFFFFA0] =	vst v14;
	v14 =	vshrl.u32 v22, $0x2  }
0x14d: {  	v12 =	vshrl.u32 v21, v12;
	v23 =	vld.idx.msk [tilespmem:v23+s24+$0x0], $0xffff  }
0x14e: {  	v20 =	vshll.u32 v20, $0x3;
	v12 =	vand.u32 $0xFF, v12;
	v21 =	vld.idx.msk [tilespmem:v25+s24+$0x0], $0xffff  }
0x14f: {  	v47 =	vld [tilespmem:s1+$0xFFFFFF80];
	v20 =	vand.u32 $0x18, v20;
	[tilespmem:s31+$0x30] =	vst v12;
	v12 =	vshrl.u32 v16, $0x2  }
0x150: {  	v50 =	vld [tilespmem:s1+$0xFFFFFFA0];
	v17 =	vshll.u32 v17, $0x3;
	v13 =	vshrl.u32 v13, v20;
	v20 =	vshrl.u32 v19, $0x2  }
0x151: {  	v17 =	vand.u32 $0x18, v17;
	v10 =	vshll.u32 v10, $0x3;
	v29 =	vshrl.u32 v18, $0x2;
	v14 =	vld.idx.msk [tilespmem:v14+s24+$0x0], $0xffff  }
0x152: {  	v10 =	vand.u32 $0x18, v10;
	v28 =	vand.u32 $0xFF, v13;
	v17 =	vshrl.u32 v23, v17;
	v23 =	vld [tilespmem:s0+$0x20]  }
0x153: {  	v9 =	vld [tilespmem:s31+$0xFFFFFFD0];
	[tilespmem:s0+$0x0] =	vst v28;
	v17 =	vand.u32 $0xFF, v17;
	v21 =	vshrl.u32 v21, v10  }
0x154: {  	v22 =	vshll.u32 v22, $0x3;
	v12 =	vld.idx.msk [tilespmem:v12+s24+$0x0], $0xffff;
	[tilespmem:s31+$0xFFFFFFB0] =	vst v17;
	v17 =	vand.u32 $0xFF, v21;
	v21 =	vshrl.u32 v27, $0x2  }
0x155: {  	v22 =	vand.u32 $0x18, v22;
	v20 =	vld.idx.msk [tilespmem:v20+s24+$0x0], $0xffff;
	[tilespmem:s0+$0xFFFFFF80] =	vst v17  }
0x156: {  	v16 =	vshll.u32 v16, $0x3;
	v14 =	vshrl.u32 v14, v22;
	v17 =	vld.idx.msk [tilespmem:v29+s24+$0x0], $0xffff  }
0x157: {  	v19 =	vshll.u32 v19, $0x3;
	v28 =	vld [tilespmem:s31+$0x60];
	v14 =	vand.u32 $0xFF, v14;
	v22 =	vshrl.u32 v23, $0x2  }
0x158: {  	v11 =	vld [tilespmem:s31+$0xFFFFFFE0];
	[tilespmem:s31+$0x40] =	vst v14;
	v14 =	vand.u32 $0x18, v16;
	v16 =	vand.u32 $0x18, v19;
	v19 =	vshrl.u32 v9, $0x2  }
0x159: {  	v12 =	vshrl.u32 v12, v14;
	v14 =	vshll.u32 v18, $0x3;
	v18 =	vshrl.u32 v24, $0x2;
	v21 =	vld.idx.msk [tilespmem:v21+s24+$0x0], $0xffff  }
0x15a: {  	v15 =	vld [tilespmem:s31+$0xFFFFFFF0];
	v12 =	vand.u32 $0xFF, v12;
	v29 =	vand.u32 $0x18, v14;
	v16 =	vshrl.u32 v20, v16  }
0x15b: {  	[tilespmem:s0+$0x10] =	vst v12;
	v12 =	vand.u32 $0xFF, v16;
	v16 =	vshrl.u32 v17, v29;
	v17 =	vld [tilespmem:s0+$0x30]  }
0x15c: {  	v20 =	vshll.u32 v27, $0x3;
	[tilespmem:s31+$0xFFFFFFC0] =	vst v12;
	v12 =	vand.u32 $0xFF, v16;
	v16 =	vld.idx.msk [tilespmem:v22+s24+$0x0], $0xffff;
	v22 =	vshrl.u32 v28, $0x2  }
0x15d: {  	v33 =	vshll.u32 v54, $0x3;
	v49 =	vshrl.u32 v60, $0x2;
	v19 =	vld.idx.msk [tilespmem:v19+s24+$0x0], $0xffff;
	[tilespmem:s0+$0xFFFFFF90] =	vst v12;
	v12 =	vand.u32 $0x18, v20  }
0x15e: {  	v41 =	vshrl.u32 v62, $0x2;
	v42 =	vshrl.u32 v47, $0x2;
	v18 =	vld.idx.msk [tilespmem:v18+s24+$0x0], $0xffff;
	v12 =	vshrl.u32 v21, v12  }
0x15f: {  	v34 =	vshll.u32 v62, $0x3;
	v21 =	vshll.u32 v23, $0x3;
	v23 =	vld [tilespmem:s2+$0x0];
	v12 =	vand.u32 $0xFF, v12  }
0x160: {  	v9 =	vshll.u32 v9, $0x3;
	v29 =	vld [tilespmem:s2+$0xFFFFFF80];
	v21 =	vand.u32 $0x18, v21;
	v27 =	vshrl.u32 v17, $0x2;
	[tilespmem:s31+$0x50] =	vst v12  }
0x161: {  	v55 =	vand.u32 $0x18, v9;
	v12 =	vshrl.u32 v16, v21;
	v16 =	vld.idx.msk [tilespmem:v22+s24+$0x0], $0xffff;
	v21 =	vshll.u32 v24, $0x3  }
0x162: {  	v22 =	vshrl.u32 v26, $0x2;
	v12 =	vand.u32 $0xFF, v12;
	v19 =	vshrl.u32 v19, v55;
	v55 =	vld [tilespmem:s2+$0x50]  }
0x163: {  	v38 =	vshll.u32 v50, $0x3;
	v34 =	vand.u32 $0x18, v34;
	[tilespmem:s0+$0x20] =	vst v12;
	v12 =	vand.u32 $0x18, v21;
	v21 =	vld [tilespmem:s0+$0x40]  }
0x164: {  	v53 =	vshrl.u32 v11, $0x2;
	v25 =	vld [tilespmem:s0+$0xFFFFFFC0];
	v12 =	vshrl.u32 v18, v12;
	v18 =	vshrl.u32 v23, $0x2  }
0x165: {  	v11 =	vshll.u32 v11, $0x3;
	v31 =	vshrl.u32 v29, $0x2;
	v27 =	vld.idx.msk [tilespmem:v27+s24+$0x0], $0xffff;
	v12 =	vand.u32 $0xFF, v12  }
0x166: {  	v20 =	vld [tilespmem:s31+$0x70];
	v9 =	vshll.u32 v17, $0x3;
	v17 =	vshrl.u32 v15, $0x2;
	v23 =	vshll.u32 v23, $0x3;
	[tilespmem:s0+$0xFFFFFFA0] =	vst v12  }
0x167: {  	v58 =	vand.u32 $0x18, v9;
	v23 =	vand.u32 $0x18, v23;
	v12 =	vand.u32 $0x18, v11;
	v11 =	vld.idx.msk [tilespmem:v22+s24+$0x0], $0xffff  }
0x168: {  	v24 =	vld [tilespmem:s2+$0xFFFFFF90];
	v22 =	vshll.u32 v15, $0x3;
	v62 =	vshll.u32 v55, $0x3;
	v57 =	vshrl.u32 v21, $0x2  }
0x169: {  	v9 =	vand.u32 $0x18, v22;
	v22 =	vshll.u32 v26, $0x3;
	v26 =	vshll.u32 v25, $0x3;
	v15 =	vld.idx.msk [tilespmem:v18+s24+$0x0], $0xffff  }
0x16a: {  	v13 =	vld [tilespmem:s0+$0xFFFFFFD0];
	v25 =	vshrl.u32 v25, $0x2;
	v22 =	vand.u32 $0x18, v22;
	v18 =	vshrl.u32 v27, v58  }
0x16b: {  	v10 =	vld [tilespmem:s0+$0xFFFFFFE0];
	v26 =	vand.u32 $0x18, v26;
	v58 =	vshrl.u32 v55, $0x2;
	v18 =	vand.u32 $0xFF, v18  }
0x16c: {  	v27 =	vld.idx.msk [tilespmem:v31+s24+$0x0], $0xffff;
	[tilespmem:s0+$0x30] =	vst v18;
	v18 =	vshll.u32 v28, $0x3;
	v11 =	vshrl.u32 v11, v22;
	v22 =	vshrl.u32 v56, $0x2  }
0x16d: {  	v14 =	vld [tilespmem:s0+$0xFFFFFFF0];
	v28 =	vshrl.u32 v20, $0x2;
	v18 =	vand.u32 $0x18, v18;
	v11 =	vand.u32 $0xFF, v11  }
0x16e: {  	v36 =	vld.idx.msk [tilespmem:v57+s24+$0x0], $0xffff;
	v15 =	vshrl.u32 v15, v23;
	v23 =	vshll.u32 v29, $0x3;
	v29 =	vshrl.u32 v24, $0x2;
	[tilespmem:s0+$0xFFFFFFB0] =	vst v11  }
0x16f: {  	v11 =	vand.u32 $0xFF, v15;
	v15 =	vshrl.u32 v16, v18;
	v16 =	vand.u32 $0x18, v23;
	v23 =	vld.idx.msk [tilespmem:v25+s24+$0x0], $0xffff  }
0x170: {  	v25 =	vshrl.u32 v13, $0x2;
	[tilespmem:s2+$0x0] =	vst v11;
	v11 =	vshll.u32 v21, $0x3;
	v15 =	vand.u32 $0xFF, v15;
	v21 =	vld [tilespmem:s2+$0x20]  }
0x171: {  	v13 =	vshll.u32 v13, $0x3;
	v18 =	vshrl.u32 v10, $0x2;
	v16 =	vshrl.u32 v27, v16;
	[tilespmem:s31+$0x60] =	vst v15;
	v22 =	vld.idx.msk [tilespmem:v22+s24+$0x0], $0xffff  }
0x172: {  	v11 =	vand.u32 $0x18, v11;
	v15 =	vand.u32 $0xFF, v16;
	v16 =	vshrl.u32 v59, $0x2;
	v27 =	vld.idx.msk [tilespmem:v28+s24+$0x0], $0xffff  }
0x173: {  	v11 =	vshrl.u32 v36, v11;
	[tilespmem:s2+$0xFFFFFF80] =	vst v15;
	v15 =	vand.u32 $0xFF, v19;
	v28 =	vand.u32 $0x18, v13;
	v13 =	vld [tilespmem:s0+$0x60]  }
0x174: {  	v10 =	vshll.u32 v10, $0x3;
	v11 =	vand.u32 $0xFF, v11;
	v19 =	vld.idx.msk [tilespmem:v29+s24+$0x0], $0xffff;
	[tilespmem:s31+$0xFFFFFFD0] =	vst v15;
	v15 =	vshll.u32 v56, $0x3  }
0x175: {  	v56 =	vshrl.u32 v50, $0x2;
	[tilespmem:s0+$0x40] =	vst v11;
	v11 =	vshll.u32 v24, $0x3;
	v24 =	vld.idx.msk [tilespmem:v53+s24+$0x0], $0xffff;
	v23 =	vshrl.u32 v23, v26  }
0x176: {  	v15 =	vand.u32 $0x18, v15;
	v26 =	vshrl.u32 v30, $0x2;
	v53 =	vld.idx.msk [tilespmem:v41+s24+$0x0], $0xffff;
	v29 =	vshrl.u32 v21, $0x2  }
0x177: {  	v30 =	vshll.u32 v30, $0x3;
	v23 =	vand.u32 $0xFF, v23;
	v16 =	vld.idx.msk [tilespmem:v16+s24+$0x0], $0xffff;
	v15 =	vshrl.u32 v22, v15  }
0x178: {  	v43 =	vld [tilespmem:s1+$0xFFFFFFB0];
	v22 =	vand.u32 $0x18, v11;
	[tilespmem:s0+$0xFFFFFFC0] =	vst v23;
	v23 =	vand.u32 $0x18, v10;
	v15 =	vand.u32 $0xFF, v15  }
0x179: {  	v11 =	vshrl.u32 v14, $0x2;
	v10 =	vshrl.u32 v19, v22;
	[tilespmem:s2+$0x10] =	vst v15;
	v22 =	vld [tilespmem:s2+$0x30];
	v15 =	vshll.u32 v59, $0x3  }
0x17a: {  	v19 =	vld.idx.msk [tilespmem:v25+s24+$0x0], $0xffff;
	v25 =	vshrl.u32 v13, $0x2;
	v13 =	vshll.u32 v13, $0x3;
	v10 =	vand.u32 $0xFF, v10  }
0x17b: {  	v14 =	vshll.u32 v14, $0x3;
	v15 =	vand.u32 $0x18, v15;
	v13 =	vand.u32 $0x18, v13;
	[tilespmem:s2+$0xFFFFFF90] =	vst v10;
	v29 =	vld.idx.msk [tilespmem:v29+s24+$0x0], $0xffff  }
0x17c: {  	v12 =	vshrl.u32 v24, v12;
	v32 =	vshrl.u32 v53, v34;
	v26 =	vld.idx.msk [tilespmem:v26+s24+$0x0], $0xffff;
	v15 =	vshrl.u32 v16, v15  }
0x17d: {  	v31 =	vld [tilespmem:s2+$0xFFFFFFC0];
	v10 =	vand.u32 $0x18, v14;
	v14 =	vand.u32 $0x18, v30;
	v15 =	vand.u32 $0xFF, v15  }
0x17e: {  	v57 =	vld [tilespmem:s1+$0xFFFFFFD0];
	v30 =	vshrl.u32 v54, $0x2;
	[tilespmem:s0+$0x50] =	vst v15;
	v15 =	vshll.u32 v21, $0x3;
	v21 =	vshrl.u32 v22, $0x2  }
0x17f: {  	v52 =	vand.u32 $0xFF, v12;
	v12 =	vshll.u32 v61, $0x3;
	v25 =	vld.idx.msk [tilespmem:v25+s24+$0x0], $0xffff;
	v15 =	vand.u32 $0x18, v15  }
0x180: {  	v16 =	vshll.u32 v20, $0x3;
	v20 =	vld [tilespmem:s0+$0x70];
	v12 =	vand.u32 $0x18, v12;
	v15 =	vshrl.u32 v29, v15  }
0x181: {  	v16 =	vand.u32 $0x18, v16;
	v15 =	vand.u32 $0xFF, v15;
	v14 =	vshrl.u32 v26, v14;
	v26 =	vld [tilespmem:s2+$0x40]  }
0x182: {  	v54 =	vld [tilespmem:s1+$0xFFFFFFC0];
	v16 =	vshrl.u32 v27, v16;
	v27 =	vand.u32 $0x18, v33;
	[tilespmem:s2+$0x20] =	vst v15;
	v14 =	vand.u32 $0xFF, v14  }
0x183: {  	v22 =	vshll.u32 v22, $0x3;
	v19 =	vshrl.u32 v19, v28;
	v63 =	vand.u32 $0xFF, v16;
	v21 =	vld.idx.msk [tilespmem:v21+s24+$0x0], $0xffff;
	[tilespmem:s2+$0xFFFFFFA0] =	vst v14  }
0x184: {  	v16 =	vshll.u32 v31, $0x3;
	v22 =	vand.u32 $0x18, v22;
	v13 =	vshrl.u32 v25, v13;
	v25 =	vld.idx.msk [tilespmem:v30+s24+$0x0], $0xffff  }
0x185: {  	v19 =	vand.u32 $0xFF, v19;
	v29 =	vshrl.u32 v31, $0x2;
	v40 =	vshrl.u32 v20, $0x2;
	v30 =	vld [tilespmem:s1+$0x10]  }
0x186: {  	v31 =	vld [tilespmem:s1+$0xFFFFFF90];
	v48 =	vand.u32 $0x18, v16;
	v16 =	vshll.u32 v60, $0x3;
	v24 =	vshrl.u32 v26, $0x2  }
0x187: {  	v28 =	vld.idx.msk [tilespmem:v42+s24+$0x0], $0xffff;
	[tilespmem:s0+$0xFFFFFFD0] =	vst v19;
	v19 =	vshll.u32 v43, $0x3;
	v16 =	vand.u32 $0x18, v16;
	v20 =	vshll.u32 v20, $0x3  }
0x188: {  	v60 =	vld.idx.msk [tilespmem:v18+s24+$0x0], $0xffff;
	v18 =	vshll.u32 v54, $0x3;
	v13 =	vand.u32 $0xFF, v13;
	v21 =	vshrl.u32 v21, v22  }
0x189: {  	v15 =	vshrl.u32 v39, $0x2;
	[tilespmem:s0+$0x60] =	vst v13;
	v13 =	vshrl.u32 v61, $0x2;
	v61 =	vld [tilespmem:s1+$0xFFFFFFF0];
	v21 =	vand.u32 $0xFF, v21  }
0x18a: {  	v51 =	vld.idx.msk [tilespmem:v40+s24+$0x0], $0xffff;
	v22 =	vshll.u32 v47, $0x3;
	v25 =	vshrl.u32 v25, v27;
	v27 =	vshrl.u32 v30, $0x2;
	[tilespmem:s2+$0x30] =	vst v21  }
0x18b: {  	v22 =	vand.u32 $0x18, v22;
	v21 =	vshrl.u32 v31, $0x2;
	v25 =	vand.u32 $0xFF, v25;
	v24 =	vld.idx.msk [tilespmem:v24+s24+$0x0], $0xffff  }
0x18c: {  	v20 =	vand.u32 $0x18, v20;
	v14 =	vshll.u32 v39, $0x3;
	v22 =	vshrl.u32 v28, v22;
	v28 =	vld [tilespmem:s1+$0x20];
	[tilespmem:s2+$0xFFFFFFB0] =	vst v25  }
0x18d: {  	[tilespmem:s31+$0x70] =	vst v63;
	v14 =	vand.u32 $0x18, v14;
	v23 =	vshrl.u32 v60, v23;
	v25 =	vand.u32 $0xFF, v32;
	v29 =	vld.idx.msk [tilespmem:v29+s24+$0x0], $0xffff  }
0x18e: {  	v31 =	vshll.u32 v31, $0x3;
	v22 =	vand.u32 $0xFF, v22;
	[tilespmem:s1+$0x0] =	vst v25;
	v25 =	vshll.u32 v26, $0x3  }
0x18f: {  	v63 =	vand.u32 $0xFF, v23;
	v31 =	vand.u32 $0x18, v31;
	[tilespmem:s1+$0xFFFFFF80] =	vst v22;
	v26 =	vand.u32 $0x18, v25;
	v27 =	vld.idx.msk [tilespmem:v27+s24+$0x0], $0xffff  }
0x190: {  	v23 =	vshrl.u32 v61, $0x2;
	v20 =	vshrl.u32 v51, v20;
	v59 =	vld.idx.msk [tilespmem:v21+s24+$0x0], $0xffff;
	v22 =	vshrl.u32 v24, v26  }
0x191: {  	v39 =	vand.u32 $0xFF, v20;
	v20 =	vshll.u32 v30, $0x3;
	v26 =	vld [tilespmem:s2+$0x60];
	v22 =	vand.u32 $0xFF, v22  }
0x192: {  	v44 =	vld [tilespmem:s1+$0xFFFFFFE0];
	v30 =	vshll.u32 v57, $0x3;
	v45 =	vshrl.u32 v28, $0x2;
	v29 =	vshrl.u32 v29, v48;
	[tilespmem:s2+$0x40] =	vst v22  }
0x193: {  	[tilespmem:s31+$0xFFFFFFE0] =	vst v52;
	v20 =	vand.u32 $0x18, v20;
	v22 =	vand.u32 $0x18, v18;
	v18 =	vand.u32 $0xFF, v29;
	v32 =	vld.idx.msk [tilespmem:v58+s24+$0x0], $0xffff  }
0x194: {  	v25 =	vand.u32 $0x18, v38;
	v30 =	vand.u32 $0x18, v30;
	v29 =	vld.idx.msk [tilespmem:v17+s24+$0x0], $0xffff;
	v27 =	vshrl.u32 v27, v20;
	[tilespmem:s2+$0xFFFFFFC0] =	vst v18  }
0x195: {  	v21 =	vand.u32 $0x18, v19;
	v17 =	vand.u32 $0xFF, v27;
	v27 =	vshrl.u32 v59, v31;
	v33 =	vld.idx.msk [tilespmem:v49+s24+$0x0], $0xffff  }
0x196: {  	v19 =	vshrl.u32 v54, $0x2;
	v31 =	vld [tilespmem:s1+$0x30];
	[tilespmem:s1+$0x10] =	vst v17;
	v27 =	vand.u32 $0xFF, v27;
	v34 =	vshrl.u32 v26, $0x2  }
0x197: {  	v24 =	vshrl.u32 v43, $0x2;
	v20 =	vshrl.u32 v57, $0x2;
	[tilespmem:s1+$0xFFFFFF90] =	vst v27;
	v35 =	vld.idx.msk [tilespmem:v45+s24+$0x0], $0xffff;
	v27 =	vand.u32 $0x18, v62  }
0x198: {  	[tilespmem:s0+$0xFFFFFFE0] =	vst v63;
	v18 =	vshrl.u32 v44, $0x2;
	v17 =	vshll.u32 v44, $0x3;
	v36 =	vld.idx.msk [tilespmem:v56+s24+$0x0], $0xffff;
	v27 =	vshrl.u32 v32, v27  }
0x199: {  	s22 =	simm.s32 $0x6;
	s4 =	simm.s32 $0xED80;
	[tilespmem:s0+$0x70] =	vst v39;
	v17 =	vand.u32 $0x18, v17;
	v32 =	vshll.u32 v61, $0x3;
	v37 =	vand.u32 $0xFF, v27;
	v27 =	vld [tilespmem:s2+$0x70]  }
.LBB2_6:
0x19a: {  	v38 =	vld [tilespmem:s4+$0x0];
	[tilespmem:s2+$0x50] =	vst v37;
	v29 =	vshrl.u32 v29, v9;
	v9 =	vmovc v10;
	v10 =	vmov v12;
	v12 =	vand.u32 $0x18, v32  }
0x19b: {  	s22 =	sadd.s32 $0x2, s22;
	v28 =	vshll.u32 v28, $0x3;
	v33 =	vshrl.u32 v33, v16;
	v16 =	vmovc v30;
	v32 =	vshrl.u32 v31, $0x2;
	v34 =	vld.idx.msk [tilespmem:v34+s24+$0x0], $0xffff  }
0x19c: {  	p0 =	slt.u32 s22, $0x62;
	v28 =	vand.u32 $0x18, v28;
	v33 =	vand.u32 $0xFF, v33;
	v29 =	vand.u32 $0xFF, v29;
	v30 =	vld [tilespmem:s4+$0xFFFFFF80]  }
0x19d: {  	v28 =	vshrl.u32 v35, v28;
	v37 =	vld [tilespmem:s4+$0xFFFFFF90];
	[tilespmem:s2+$0xFFFFFFD0] =	vst v33  }
0x19e: {  	v25 =	vshrl.u32 v36, v25;
	v28 =	vand.u32 $0xFF, v28;
	v33 =	vld [tilespmem:s4+$0xFFFFFFA0];
	[tilespmem:s31+$0xFFFFFFF0] =	vst v29;
	s31 =	smov.u32 s0;
	s0 =	smov.u32 s2;
	s2 =	smov.u32 s1  }
0x19f: {  	v26 =	vshll.u32 v26, $0x3;
	v25 =	vand.u32 $0xFF, v25;
	s1 =	smov.u32 s4;
	[tilespmem:s2+$0x20] =	vst v28;
	v29 =	vld [tilespmem:s2+$0x40];
	v28 =	vshrl.u32 v27, $0x2  }
0x1a0: {  	v35 =	vshrl.u32 v38, $0x2;
	[tilespmem:s2+$0xFFFFFFA0] =	vst v25;
	v32 =	vld.idx.msk [tilespmem:v32+s24+$0x0], $0xffff;
	v25 =	vand.u32 $0x18, v26  }
0x1a1: {  	v26 =	vshrl.u32 v30, $0x2;
	v30 =	vshll.u32 v30, $0x3;
	v36 =	vld [tilespmem:s4+$0xFFFFFFB0];
	v25 =	vshrl.u32 v34, v25  }
0x1a2: {  	v30 =	vand.u32 $0x18, v30;
	v34 =	vshrl.u32 v37, $0x2;
	v39 =	vld.idx.msk [tilespmem:v24+s24+$0x0], $0xffff;
	v24 =	vand.u32 $0xFF, v25  }
0x1a3: {  	v25 =	vshll.u32 v37, $0x3;
	v37 =	vshrl.u32 v33, $0x2;
	v33 =	vshll.u32 v33, $0x3;
	v40 =	vld [tilespmem:s4+$0x10];
	[tilespmem:s0+$0x60] =	vst v24  }
0x1a4: {  	v41 =	vand.u32 $0x18, v25;
	v24 =	vshll.u32 v31, $0x3;
	v31 =	vshrl.u32 v29, $0x2;
	v28 =	vld.idx.msk [tilespmem:v28+s24+$0x0], $0xffff  }
0x1a5: {  	v25 =	vand.u32 $0x18, v33;
	v33 =	vld.idx.msk [tilespmem:v35+s24+$0x0], $0xffff;
	v35 =	vand.u32 $0x18, v24  }
0x1a6: {  	v26 =	vld.idx.msk [tilespmem:v26+s24+$0x0], $0xffff;
	v24 =	vshrl.u32 v36, $0x2;
	v36 =	vshll.u32 v36, $0x3;
	v32 =	vshrl.u32 v32, v35  }
0x1a7: {  	v35 =	vand.u32 $0x18, v36;
	v36 =	vld [tilespmem:s4+$0xFFFFFFC0];
	v32 =	vand.u32 $0xFF, v32  }
0x1a8: {  	v27 =	vshll.u32 v27, $0x3;
	v39 =	vshrl.u32 v39, v21;
	[tilespmem:s2+$0x30] =	vst v32;
	v32 =	vld [tilespmem:s2+$0x50];
	v21 =	vmov v35  }
0x1a9: {  	v27 =	vand.u32 $0x18, v27;
	v35 =	vshll.u32 v38, $0x3;
	v38 =	vshrl.u32 v40, $0x2;
	v31 =	vld.idx.msk [tilespmem:v31+s24+$0x0], $0xffff  }
0x1aa: {  	v39 =	vand.u32 $0xFF, v39;
	v35 =	vand.u32 $0x18, v35;
	v27 =	vshrl.u32 v28, v27;
	v42 =	vld [tilespmem:s4+$0xFFFFFFD0]  }
0x1ab: {  	v28 =	vshrl.u32 v33, v35;
	v27 =	vand.u32 $0xFF, v27;
	v43 =	vld [tilespmem:s4+$0xFFFFFFE0];
	[tilespmem:s2+$0xFFFFFFB0] =	vst v39  }
0x1ac: {  	v26 =	vshrl.u32 v26, v30;
	v28 =	vand.u32 $0xFF, v28;
	v33 =	vld.idx.msk [tilespmem:v19+s24+$0x0], $0xffff;
	v19 =	vshrl.u32 v36, $0x2;
	[tilespmem:s0+$0x70] =	vst v27  }
0x1ad: {  	v26 =	vand.u32 $0xFF, v26;
	v27 =	vshll.u32 v29, $0x3;
	[tilespmem:s4+$0x0] =	vst v28;
	v28 =	vld [tilespmem:s4+$0x20];
	v29 =	vshrl.u32 v32, $0x2  }
0x1ae: {  	v27 =	vand.u32 $0x18, v27;
	[tilespmem:s4+$0xFFFFFF80] =	vst v26;
	v26 =	vshll.u32 v36, $0x3;
	v35 =	vld.idx.msk [tilespmem:v38+s24+$0x0], $0xffff  }
0x1af: {  	v34 =	vld.idx.msk [tilespmem:v34+s24+$0x0], $0xffff;
	v36 =	vand.u32 $0x18, v26;
	v38 =	vshrl.u32 v42, $0x2;
	v26 =	vshrl.u32 v31, v27  }
0x1b0: {  	v27 =	vshll.u32 v42, $0x3;
	v26 =	vand.u32 $0xFF, v26;
	v39 =	vld.idx.msk [tilespmem:v15+s24+$0x0], $0xffff;
	v15 =	vmovc v18;
	v18 =	vshrl.u32 v43, $0x2  }
0x1b1: {  	v30 =	vand.u32 $0x18, v27;
	v27 =	vshll.u32 v43, $0x3;
	[tilespmem:s2+$0x40] =	vst v26;
	v26 =	vld [tilespmem:s2+$0x60]  }
0x1b2: {  	v31 =	vshll.u32 v40, $0x3;
	v33 =	vshrl.u32 v33, v22;
	v22 =	vmovc v36;
	v40 =	vshrl.u32 v28, $0x2;
	v42 =	vld.idx.msk [tilespmem:v29+s24+$0x0], $0xffff  }
0x1b3: {  	v27 =	vand.u32 $0x18, v27;
	v29 =	vand.u32 $0x18, v31;
	v31 =	vand.u32 $0xFF, v33;
	v43 =	vld [tilespmem:s4+$0xFFFFFFF0]  }
0x1b4: {  	v33 =	vshrl.u32 v35, v29;
	[tilespmem:s2+$0xFFFFFFC0] =	vst v31;
	v29 =	vld.idx.msk [tilespmem:v11+s24+$0x0], $0xffff;
	v11 =	vmov v13;
	v13 =	vmov v23  }
.Ltmp2:
0x1b5: {  	v23 =	vshrl.u32 v34, v41;
	v31 =	vand.u32 $0xFF, v33;
	v33 =	vld.idx.msk [tilespmem:v20+s24+$0x0], $0xffff;
	v20 =	vmov v38;
	(pc) =	sbr.rel @p0 .LBB2_6-.Ltmp2, $4  }
0x1b6: {  	v32 =	vshll.u32 v32, $0x3;
	v23 =	vand.u32 $0xFF, v23;
	[tilespmem:s4+$0x10] =	vst v31;
	v31 =	vld [tilespmem:s4+$0x30];
	v34 =	vshrl.u32 v26, $0x2  }
0x1b7: {  	v32 =	vand.u32 $0x18, v32;
	v38 =	vshrl.u32 v39, v14;
	v14 =	vmovc v17;
	v17 =	vmov v27;
	[tilespmem:s4+$0xFFFFFF90] =	vst v23;
	v35 =	vld.idx.msk [tilespmem:v40+s24+$0x0], $0xffff  }
0x1b8: {  	v38 =	vand.u32 $0xFF, v38;
	v27 =	vshrl.u32 v42, v32;
	v36 =	vld.idx.msk [tilespmem:v37+s24+$0x0], $0xffff;
	v23 =	vshrl.u32 v43, $0x2  }
0x1b9: {  	s4 =	sadd.s32 $0x100, s4;
	v32 =	vshll.u32 v43, $0x3;
	v37 =	vand.u32 $0xFF, v27;
	v27 =	vld [tilespmem:s2+$0x70];
	[tilespmem:s0+$0xFFFFFFE0] =	vst v38  }
0x1ba: {  	v28 =	vshll.u32 v28, $0x3  }
0x1bb: {  	v38 =	vshrl.u32 v31, $0x2;
	v28 =	vand.u32 $0x18, v28  }
0x1bc: {  	v28 =	vshrl.u32 v35, v28  }
0x1bd: {  	v28 =	vand.u32 $0xFF, v28  }
0x1be: {  	[tilespmem:s1+$0x20] =	vst v28;
	v28 =	vld [tilespmem:s1+$0x40];
	_ =	sdelay $0x1  }
0x1bf: {  	v25 =	vshrl.u32 v36, v25;
	v52 =	vld.idx.msk [tilespmem:v38+s24+$0x0], $0xffff  }
0x1c0: {  	v25 =	vand.u32 $0xFF, v25  }
0x1c1: {  	[tilespmem:s1+$0xFFFFFFA0] =	vst v25  }
0x1c2: {  	v31 =	vshll.u32 v31, $0x3;
	v24 =	vld.idx.msk [tilespmem:v24+s24+$0x0], $0xffff;
	v25 =	vshrl.u32 v28, $0x2  }
0x1c3: {  	v31 =	vand.u32 $0x18, v31  }
0x1c4: {  	v31 =	vshrl.u32 v52, v31  }
0x1c5: {  	v31 =	vand.u32 $0xFF, v31  }
0x1c6: {  	[tilespmem:s1+$0x30] =	vst v31;
	v31 =	vld [tilespmem:s1+$0x50]  }
0x1c7: {  	v21 =	vshrl.u32 v24, v21;
	v25 =	vld.idx.msk [tilespmem:v25+s24+$0x0], $0xffff  }
0x1c8: {  	v21 =	vand.u32 $0xFF, v21  }
0x1c9: {  	[tilespmem:s1+$0xFFFFFFB0] =	vst v21  }
0x1ca: {  	v21 =	vshll.u32 v28, $0x3;
	v19 =	vld.idx.msk [tilespmem:v19+s24+$0x0], $0xffff  }
0x1cb: {  	v21 =	vand.u32 $0x18, v21;
	v24 =	vshrl.u32 v31, $0x2  }
0x1cc: {  	v21 =	vshrl.u32 v25, v21  }
0x1cd: {  	v21 =	vand.u32 $0xFF, v21  }
0x1ce: {  	[tilespmem:s1+$0x40] =	vst v21;
	v21 =	vld [tilespmem:s1+$0x60]  }
0x1cf: {  	v19 =	vshrl.u32 v19, v22  }
0x1d0: {  	v19 =	vand.u32 $0xFF, v19;
	v22 =	vld.idx.msk [tilespmem:v24+s24+$0x0], $0xffff  }
0x1d1: {  	[tilespmem:s1+$0xFFFFFFC0] =	vst v19  }
0x1d2: {  	v19 =	vld.idx.msk [tilespmem:v20+s24+$0x0], $0xffff  }
0x1d3: {  	v20 =	vshll.u32 v31, $0x3;
	v24 =	vshrl.u32 v21, $0x2  }
0x1d4: {  	[tilespmem:s2+$0x50] =	vst v37;
	v20 =	vand.u32 $0x18, v20  }
0x1d5: {  	v25 =	vld.idx.msk [tilespmem:v34+s24+$0x0], $0xffff;
	v20 =	vshrl.u32 v22, v20  }
0x1d6: {  	v16 =	vshrl.u32 v33, v16;
	v22 =	vld [tilespmem:s1+$0x70];
	v20 =	vand.u32 $0xFF, v20  }
0x1d7: {  	v16 =	vand.u32 $0xFF, v16;
	v19 =	vshrl.u32 v19, v30;
	[tilespmem:s1+$0x50] =	vst v20  }
0x1d8: {  	[tilespmem:s2+$0xFFFFFFD0] =	vst v16;
	v19 =	vand.u32 $0xFF, v19;
	v16 =	vld.idx.msk [tilespmem:v24+s24+$0x0], $0xffff  }
0x1d9: {  	v15 =	vld.idx.msk [tilespmem:v15+s24+$0x0], $0xffff;
	[tilespmem:s1+$0xFFFFFFD0] =	vst v19;
	v20 =	vshll.u32 v26, $0x3;
	v24 =	vshrl.u32 v27, $0x2  }
0x1da: {  	v18 =	vld.idx.msk [tilespmem:v18+s24+$0x0], $0xffff;
	v19 =	vand.u32 $0x18, v20  }
0x1db: {  	v20 =	vshll.u32 v21, $0x3;
	v19 =	vshrl.u32 v25, v19;
	v21 =	vshrl.u32 v22, $0x2  }
0x1dc: {  	v20 =	vand.u32 $0x18, v20;
	v19 =	vand.u32 $0xFF, v19  }
0x1dd: {  	[tilespmem:s2+$0x60] =	vst v19;
	v16 =	vshrl.u32 v16, v20  }
0x1de: {  	v14 =	vshrl.u32 v15, v14;
	v19 =	vld.idx.msk [tilespmem:v24+s24+$0x0], $0xffff;
	v15 =	vand.u32 $0xFF, v16  }
0x1df: {  	v11 =	vld.idx.msk [tilespmem:v11+s24+$0x0], $0xffff;
	v14 =	vand.u32 $0xFF, v14;
	[tilespmem:s1+$0x60] =	vst v15;
	v15 =	vshrl.u32 v18, v17  }
0x1e0: {  	[tilespmem:s2+$0xFFFFFFE0] =	vst v14;
	v14 =	vld.idx.msk [tilespmem:v21+s24+$0x0], $0xffff;
	v15 =	vand.u32 $0xFF, v15  }
0x1e1: {  	v13 =	vld.idx.msk [tilespmem:v13+s24+$0x0], $0xffff;
	v16 =	vshll.u32 v27, $0x3;
	[tilespmem:s1+$0xFFFFFFE0] =	vst v15  }
0x1e2: {  	v9 =	vshrl.u32 v29, v9;
	v15 =	vand.u32 $0x18, v16;
	v16 =	vld.idx.msk [tilespmem:v23+s24+$0x0], $0xffff  }
0x1e3: {  	v9 =	vand.u32 $0xFF, v9;
	v17 =	vshll.u32 v22, $0x3;
	v15 =	vshrl.u32 v19, v15  }
0x1e4: {  	[tilespmem:s31+$0xFFFFFFF0] =	vst v9;
	v10 =	vshrl.u32 v11, v10;
	v11 =	vand.u32 $0x18, v17;
	v9 =	vand.u32 $0xFF, v15  }
0x1e5: {  	[tilespmem:s2+$0x70] =	vst v9;
	v9 =	vand.u32 $0xFF, v10;
	v10 =	vshrl.u32 v14, v11  }
0x1e6: {  	v11 =	vand.u32 $0x18, v32;
	[tilespmem:s0+$0xFFFFFFF0] =	vst v9;
	v9 =	vand.u32 $0xFF, v10;
	v10 =	vshrl.u32 v13, v12  }
0x1e7: {  	[tilespmem:s1+$0x70] =	vst v9;
	v9 =	vand.u32 $0xFF, v10;
	v10 =	vshrl.u32 v16, v11  }
0x1e8: {  	[tilespmem:s2+$0xFFFFFFF0] =	vst v9;
	v9 =	vand.u32 $0xFF, v10  }
0x1e9: {  	[tilespmem:s1+$0xFFFFFFF0] =	vst v9  }
0x1ea: {  	_ =	swait.ge [sflag:s28], $0x6400  }
0x1eb: {  	[sflag:s28] =	ssyncset.done $0x0  }
0x1ec: {  	s31 =	simm.s32 $0x11BF0;
	[sflag:s28] =	ssyncadd.s32 $0xFFFF9C00  }
0x1ed: {  	[tilespmem:s19], [sflag:$0x2] =	stream.strided.gather [hbm4b:s10+s17], $0x6400, s18, s17, $0x38;
	[tilespmem:$0x14D00] =	vst v63  }
0x1ee: {  	v9 =	vld [tilespmem:s31+$0xFFFFFF90];
	_ =	sdelay $0x4  }
0x1ef: {  	v10 =	vshrl.u32 v9, $0x2;
	_ =	sdelay $0x1  }
0x1f0: {  	v11 =	vld [tilespmem:s31+$0xFFFFFF10];
	_ =	sdelay $0x1  }
0x1f1: {  	v12 =	vld [tilespmem:s31+$0xFFFFFFA0]  }
0x1f2: {  	v10 =	vld.idx.msk [tilespmem:v10+s24+$0x0], $0xffff;
	_ =	sdelay $0x1  }
0x1f3: {  	v15 =	vld [tilespmem:s31+$0xFFFFFFB0];
	v13 =	vshrl.u32 v11, $0x2  }
0x1f4: {  	v16 =	vld [tilespmem:s31+$0xFFFFFF30];
	v9 =	vshll.u32 v9, $0x3  }
0x1f5: {  	v17 =	vld [tilespmem:s31+$0xFFFFFF40];
	v14 =	vshrl.u32 v12, $0x2;
	v9 =	vand.u32 $0x18, v9  }
0x1f6: {  	v9 =	vshrl.u32 v10, v9;
	v10 =	vld [tilespmem:s31+$0xFFFFFF20]  }
0x1f7: {  	v19 =	vld [tilespmem:s31+$0xFFFFFF50]  }
0x1f8: {  	v13 =	vld.idx.msk [tilespmem:v13+s24+$0x0], $0xffff;
	v9 =	vand.u32 $0xFF, v9  }
0x1f9: {  	v22 =	vld [tilespmem:s31+$0xFFFFFFD0];
	[tilespmem:s31+$0xFFFFFF90] =	vst v9  }
0x1fa: {  	s0 =	simm.s32 $0x11CF0;
	v14 =	vld.idx.msk [tilespmem:v14+s24+$0x0], $0xffff  }
0x1fb: {  	v24 =	vld [tilespmem:s0+$0xFFFFFF30];
	v9 =	vshll.u32 v11, $0x3;
	v18 =	vshrl.u32 v10, $0x2  }
0x1fc: {  	v26 =	vld [tilespmem:s0+$0xFFFFFF40];
	v11 =	vand.u32 $0x18, v9  }
0x1fd: {  	s2 =	simm.s32 $0x11DF0;
	v27 =	vld [tilespmem:s31+$0xFFFFFFE0];
	v12 =	vshll.u32 v12, $0x3;
	v20 =	vshrl.u32 v15, $0x2;
	v13 =	vshrl.u32 v13, v11  }
0x1fe: {  	v30 =	vld [tilespmem:s2+$0xFFFFFF30];
	v12 =	vand.u32 $0x18, v12;
	v13 =	vand.u32 $0xFF, v13  }
0x1ff: {  	v54 =	vld [tilespmem:s2+$0xFFFFFF40];
	[tilespmem:s31+$0xFFFFFF10] =	vst v13;
	v12 =	vshrl.u32 v14, v12  }
0x200: {  	v12 =	vand.u32 $0xFF, v12;
	v13 =	vld.idx.msk [tilespmem:v18+s24+$0x0], $0xffff  }
0x201: {  	[tilespmem:s31+$0xFFFFFFA0] =	vst v12;
	v12 =	vld [tilespmem:s31+$0xFFFFFFC0]  }
0x202: {  	v14 =	vld.idx.msk [tilespmem:v20+s24+$0x0], $0xffff  }
0x203: {  	v56 =	vld [tilespmem:s2+$0xFFFFFFA0];
	v10 =	vshll.u32 v10, $0x3;
	v18 =	vshrl.u32 v16, $0x2  }
0x204: {  	v10 =	vand.u32 $0x18, v10;
	v20 =	vld [tilespmem:s0+$0xFFFFFF90]  }
0x205: {  	v59 =	vld [tilespmem:s0+$0xFFFFFFE0];
	v10 =	vshrl.u32 v13, v10;
	v13 =	vshll.u32 v15, $0x3  }
0x206: {  	v60 =	vld [tilespmem:s2+$0xFFFFFF60];
	v21 =	vshrl.u32 v12, $0x2;
	v10 =	vand.u32 $0xFF, v10;
	v13 =	vand.u32 $0x18, v13  }
0x207: {  	[tilespmem:s31+$0xFFFFFF20] =	vst v10;
	v10 =	vld [tilespmem:s0+$0xFFFFFF10];
	v13 =	vshrl.u32 v14, v13  }
0x208: {  	v14 =	vld.idx.msk [tilespmem:v18+s24+$0x0], $0xffff;
	v13 =	vand.u32 $0xFF, v13  }
0x209: {  	v39 =	vld [tilespmem:s2+$0xFFFFFF70];
	[tilespmem:s31+$0xFFFFFFB0] =	vst v13;
	v13 =	vshrl.u32 v20, $0x2  }
0x20a: {  	v61 =	vld [tilespmem:s2+$0xFFFFFF80]  }
0x20b: {  	s1 =	simm.s32 $0x11EF0;
	v23 =	vshrl.u32 v17, $0x2;
	v16 =	vshll.u32 v16, $0x3;
	v21 =	vld.idx.msk [tilespmem:v21+s24+$0x0], $0xffff  }
0x20c: {  	v62 =	vld [tilespmem:s1+$0xFFFFFF90];
	v16 =	vand.u32 $0x18, v16;
	v25 =	vshrl.u32 v10, $0x2  }
0x20d: {  	v14 =	vshrl.u32 v14, v16;
	v16 =	vld [tilespmem:s0+$0xFFFFFFA0]  }
0x20e: {  	v12 =	vshll.u32 v12, $0x3;
	v14 =	vand.u32 $0xFF, v14;
	v13 =	vld.idx.msk [tilespmem:v13+s24+$0x0], $0xffff  }
0x20f: {  	v12 =	vand.u32 $0x18, v12;
	v18 =	vld [tilespmem:s0+$0xFFFFFF20];
	[tilespmem:s31+$0xFFFFFF30] =	vst v14;
	v14 =	vshrl.u32 v22, $0x2  }
0x210: {  	v12 =	vshrl.u32 v21, v12;
	v23 =	vld.idx.msk [tilespmem:v23+s24+$0x0], $0xffff  }
0x211: {  	v20 =	vshll.u32 v20, $0x3;
	v12 =	vand.u32 $0xFF, v12;
	v21 =	vld.idx.msk [tilespmem:v25+s24+$0x0], $0xffff  }
0x212: {  	v47 =	vld [tilespmem:s1+$0xFFFFFF10];
	v20 =	vand.u32 $0x18, v20;
	[tilespmem:s31+$0xFFFFFFC0] =	vst v12;
	v12 =	vshrl.u32 v16, $0x2  }
0x213: {  	v50 =	vld [tilespmem:s1+$0xFFFFFF30];
	v17 =	vshll.u32 v17, $0x3;
	v13 =	vshrl.u32 v13, v20;
	v20 =	vshrl.u32 v19, $0x2  }
0x214: {  	v17 =	vand.u32 $0x18, v17;
	v10 =	vshll.u32 v10, $0x3;
	v29 =	vshrl.u32 v18, $0x2;
	v14 =	vld.idx.msk [tilespmem:v14+s24+$0x0], $0xffff  }
0x215: {  	v10 =	vand.u32 $0x18, v10;
	v28 =	vand.u32 $0xFF, v13;
	v17 =	vshrl.u32 v23, v17;
	v23 =	vld [tilespmem:s0+$0xFFFFFFB0]  }
0x216: {  	v9 =	vld [tilespmem:s31+$0xFFFFFF60];
	[tilespmem:s0+$0xFFFFFF90] =	vst v28;
	v17 =	vand.u32 $0xFF, v17;
	v21 =	vshrl.u32 v21, v10  }
0x217: {  	v22 =	vshll.u32 v22, $0x3;
	v12 =	vld.idx.msk [tilespmem:v12+s24+$0x0], $0xffff;
	[tilespmem:s31+$0xFFFFFF40] =	vst v17;
	v17 =	vand.u32 $0xFF, v21;
	v21 =	vshrl.u32 v27, $0x2  }
0x218: {  	v22 =	vand.u32 $0x18, v22;
	v20 =	vld.idx.msk [tilespmem:v20+s24+$0x0], $0xffff;
	[tilespmem:s0+$0xFFFFFF10] =	vst v17  }
0x219: {  	v16 =	vshll.u32 v16, $0x3;
	v14 =	vshrl.u32 v14, v22;
	v17 =	vld.idx.msk [tilespmem:v29+s24+$0x0], $0xffff  }
0x21a: {  	v19 =	vshll.u32 v19, $0x3;
	v28 =	vld [tilespmem:s31+$0xFFFFFFF0];
	v14 =	vand.u32 $0xFF, v14;
	v22 =	vshrl.u32 v23, $0x2  }
0x21b: {  	v11 =	vld [tilespmem:s31+$0xFFFFFF70];
	[tilespmem:s31+$0xFFFFFFD0] =	vst v14;
	v14 =	vand.u32 $0x18, v16;
	v16 =	vand.u32 $0x18, v19;
	v19 =	vshrl.u32 v9, $0x2  }
0x21c: {  	v12 =	vshrl.u32 v12, v14;
	v14 =	vshll.u32 v18, $0x3;
	v18 =	vshrl.u32 v24, $0x2;
	v21 =	vld.idx.msk [tilespmem:v21+s24+$0x0], $0xffff  }
0x21d: {  	v15 =	vld [tilespmem:s31+$0xFFFFFF80];
	v12 =	vand.u32 $0xFF, v12;
	v29 =	vand.u32 $0x18, v14;
	v16 =	vshrl.u32 v20, v16  }
0x21e: {  	[tilespmem:s0+$0xFFFFFFA0] =	vst v12;
	v12 =	vand.u32 $0xFF, v16;
	v16 =	vshrl.u32 v17, v29;
	v17 =	vld [tilespmem:s0+$0xFFFFFFC0]  }
0x21f: {  	v20 =	vshll.u32 v27, $0x3;
	[tilespmem:s31+$0xFFFFFF50] =	vst v12;
	v12 =	vand.u32 $0xFF, v16;
	v16 =	vld.idx.msk [tilespmem:v22+s24+$0x0], $0xffff;
	v22 =	vshrl.u32 v28, $0x2  }
0x220: {  	v33 =	vshll.u32 v54, $0x3;
	v49 =	vshrl.u32 v60, $0x2;
	v19 =	vld.idx.msk [tilespmem:v19+s24+$0x0], $0xffff;
	[tilespmem:s0+$0xFFFFFF20] =	vst v12;
	v12 =	vand.u32 $0x18, v20  }
0x221: {  	v41 =	vshrl.u32 v62, $0x2;
	v42 =	vshrl.u32 v47, $0x2;
	v18 =	vld.idx.msk [tilespmem:v18+s24+$0x0], $0xffff;
	v12 =	vshrl.u32 v21, v12  }
0x222: {  	v34 =	vshll.u32 v62, $0x3;
	v21 =	vshll.u32 v23, $0x3;
	v23 =	vld [tilespmem:s2+$0xFFFFFF90];
	v12 =	vand.u32 $0xFF, v12  }
0x223: {  	v9 =	vshll.u32 v9, $0x3;
	v29 =	vld [tilespmem:s2+$0xFFFFFF10];
	v21 =	vand.u32 $0x18, v21;
	v27 =	vshrl.u32 v17, $0x2;
	[tilespmem:s31+$0xFFFFFFE0] =	vst v12  }
0x224: {  	v55 =	vand.u32 $0x18, v9;
	v12 =	vshrl.u32 v16, v21;
	v16 =	vld.idx.msk [tilespmem:v22+s24+$0x0], $0xffff;
	v21 =	vshll.u32 v24, $0x3  }
0x225: {  	v22 =	vshrl.u32 v26, $0x2;
	v12 =	vand.u32 $0xFF, v12;
	v19 =	vshrl.u32 v19, v55;
	v55 =	vld [tilespmem:s2+$0xFFFFFFE0]  }
0x226: {  	v38 =	vshll.u32 v50, $0x3;
	v34 =	vand.u32 $0x18, v34;
	[tilespmem:s0+$0xFFFFFFB0] =	vst v12;
	v12 =	vand.u32 $0x18, v21;
	v21 =	vld [tilespmem:s0+$0xFFFFFFD0]  }
0x227: {  	v53 =	vshrl.u32 v11, $0x2;
	v25 =	vld [tilespmem:s0+$0xFFFFFF50];
	v12 =	vshrl.u32 v18, v12;
	v18 =	vshrl.u32 v23, $0x2  }
0x228: {  	v11 =	vshll.u32 v11, $0x3;
	v31 =	vshrl.u32 v29, $0x2;
	v27 =	vld.idx.msk [tilespmem:v27+s24+$0x0], $0xffff;
	v12 =	vand.u32 $0xFF, v12  }
0x229: {  	v20 =	vld [tilespmem:s31+$0x0];
	v9 =	vshll.u32 v17, $0x3;
	v17 =	vshrl.u32 v15, $0x2;
	v23 =	vshll.u32 v23, $0x3;
	[tilespmem:s0+$0xFFFFFF30] =	vst v12  }
0x22a: {  	v58 =	vand.u32 $0x18, v9;
	v23 =	vand.u32 $0x18, v23;
	v12 =	vand.u32 $0x18, v11;
	v11 =	vld.idx.msk [tilespmem:v22+s24+$0x0], $0xffff  }
0x22b: {  	v24 =	vld [tilespmem:s2+$0xFFFFFF20];
	v22 =	vshll.u32 v15, $0x3;
	v62 =	vshll.u32 v55, $0x3;
	v57 =	vshrl.u32 v21, $0x2  }
0x22c: {  	v9 =	vand.u32 $0x18, v22;
	v22 =	vshll.u32 v26, $0x3;
	v26 =	vshll.u32 v25, $0x3;
	v15 =	vld.idx.msk [tilespmem:v18+s24+$0x0], $0xffff  }
0x22d: {  	v13 =	vld [tilespmem:s0+$0xFFFFFF60];
	v25 =	vshrl.u32 v25, $0x2;
	v22 =	vand.u32 $0x18, v22;
	v18 =	vshrl.u32 v27, v58  }
0x22e: {  	v10 =	vld [tilespmem:s0+$0xFFFFFF70];
	v26 =	vand.u32 $0x18, v26;
	v58 =	vshrl.u32 v55, $0x2;
	v18 =	vand.u32 $0xFF, v18  }
0x22f: {  	v27 =	vld.idx.msk [tilespmem:v31+s24+$0x0], $0xffff;
	[tilespmem:s0+$0xFFFFFFC0] =	vst v18;
	v18 =	vshll.u32 v28, $0x3;
	v11 =	vshrl.u32 v11, v22;
	v22 =	vshrl.u32 v56, $0x2  }
0x230: {  	v14 =	vld [tilespmem:s0+$0xFFFFFF80];
	v28 =	vshrl.u32 v20, $0x2;
	v18 =	vand.u32 $0x18, v18;
	v11 =	vand.u32 $0xFF, v11  }
0x231: {  	v36 =	vld.idx.msk [tilespmem:v57+s24+$0x0], $0xffff;
	v15 =	vshrl.u32 v15, v23;
	v23 =	vshll.u32 v29, $0x3;
	v29 =	vshrl.u32 v24, $0x2;
	[tilespmem:s0+$0xFFFFFF40] =	vst v11  }
0x232: {  	v11 =	vand.u32 $0xFF, v15;
	v15 =	vshrl.u32 v16, v18;
	v16 =	vand.u32 $0x18, v23;
	v23 =	vld.idx.msk [tilespmem:v25+s24+$0x0], $0xffff  }
0x233: {  	v25 =	vshrl.u32 v13, $0x2;
	[tilespmem:s2+$0xFFFFFF90] =	vst v11;
	v11 =	vshll.u32 v21, $0x3;
	v15 =	vand.u32 $0xFF, v15;
	v21 =	vld [tilespmem:s2+$0xFFFFFFB0]  }
0x234: {  	v13 =	vshll.u32 v13, $0x3;
	v18 =	vshrl.u32 v10, $0x2;
	v16 =	vshrl.u32 v27, v16;
	[tilespmem:s31+$0xFFFFFFF0] =	vst v15;
	v22 =	vld.idx.msk [tilespmem:v22+s24+$0x0], $0xffff  }
0x235: {  	v11 =	vand.u32 $0x18, v11;
	v15 =	vand.u32 $0xFF, v16;
	v16 =	vshrl.u32 v59, $0x2;
	v27 =	vld.idx.msk [tilespmem:v28+s24+$0x0], $0xffff  }
0x236: {  	v11 =	vshrl.u32 v36, v11;
	[tilespmem:s2+$0xFFFFFF10] =	vst v15;
	v15 =	vand.u32 $0xFF, v19;
	v28 =	vand.u32 $0x18, v13;
	v13 =	vld [tilespmem:s0+$0xFFFFFFF0]  }
0x237: {  	v10 =	vshll.u32 v10, $0x3;
	v11 =	vand.u32 $0xFF, v11;
	v19 =	vld.idx.msk [tilespmem:v29+s24+$0x0], $0xffff;
	[tilespmem:s31+$0xFFFFFF60] =	vst v15;
	v15 =	vshll.u32 v56, $0x3  }
0x238: {  	v56 =	vshrl.u32 v50, $0x2;
	[tilespmem:s0+$0xFFFFFFD0] =	vst v11;
	v11 =	vshll.u32 v24, $0x3;
	v24 =	vld.idx.msk [tilespmem:v53+s24+$0x0], $0xffff;
	v23 =	vshrl.u32 v23, v26  }
0x239: {  	v15 =	vand.u32 $0x18, v15;
	v26 =	vshrl.u32 v30, $0x2;
	v53 =	vld.idx.msk [tilespmem:v41+s24+$0x0], $0xffff;
	v29 =	vshrl.u32 v21, $0x2  }
0x23a: {  	v30 =	vshll.u32 v30, $0x3;
	v23 =	vand.u32 $0xFF, v23;
	v16 =	vld.idx.msk [tilespmem:v16+s24+$0x0], $0xffff;
	v15 =	vshrl.u32 v22, v15  }
0x23b: {  	v43 =	vld [tilespmem:s1+$0xFFFFFF40];
	v22 =	vand.u32 $0x18, v11;
	[tilespmem:s0+$0xFFFFFF50] =	vst v23;
	v23 =	vand.u32 $0x18, v10;
	v15 =	vand.u32 $0xFF, v15  }
0x23c: {  	v11 =	vshrl.u32 v14, $0x2;
	v10 =	vshrl.u32 v19, v22;
	[tilespmem:s2+$0xFFFFFFA0] =	vst v15;
	v22 =	vld [tilespmem:s2+$0xFFFFFFC0];
	v15 =	vshll.u32 v59, $0x3  }
0x23d: {  	v19 =	vld.idx.msk [tilespmem:v25+s24+$0x0], $0xffff;
	v25 =	vshrl.u32 v13, $0x2;
	v13 =	vshll.u32 v13, $0x3;
	v10 =	vand.u32 $0xFF, v10  }
0x23e: {  	v14 =	vshll.u32 v14, $0x3;
	v15 =	vand.u32 $0x18, v15;
	v13 =	vand.u32 $0x18, v13;
	[tilespmem:s2+$0xFFFFFF20] =	vst v10;
	v29 =	vld.idx.msk [tilespmem:v29+s24+$0x0], $0xffff  }
0x23f: {  	v12 =	vshrl.u32 v24, v12;
	v32 =	vshrl.u32 v53, v34;
	v26 =	vld.idx.msk [tilespmem:v26+s24+$0x0], $0xffff;
	v15 =	vshrl.u32 v16, v15  }
0x240: {  	v31 =	vld [tilespmem:s2+$0xFFFFFF50];
	v10 =	vand.u32 $0x18, v14;
	v14 =	vand.u32 $0x18, v30;
	v15 =	vand.u32 $0xFF, v15  }
0x241: {  	v57 =	vld [tilespmem:s1+$0xFFFFFF60];
	v30 =	vshrl.u32 v54, $0x2;
	[tilespmem:s0+$0xFFFFFFE0] =	vst v15;
	v15 =	vshll.u32 v21, $0x3;
	v21 =	vshrl.u32 v22, $0x2  }
0x242: {  	v52 =	vand.u32 $0xFF, v12;
	v12 =	vshll.u32 v61, $0x3;
	v25 =	vld.idx.msk [tilespmem:v25+s24+$0x0], $0xffff;
	v15 =	vand.u32 $0x18, v15  }
0x243: {  	v16 =	vshll.u32 v20, $0x3;
	v20 =	vld [tilespmem:s0+$0x0];
	v12 =	vand.u32 $0x18, v12;
	v15 =	vshrl.u32 v29, v15  }
0x244: {  	v16 =	vand.u32 $0x18, v16;
	v15 =	vand.u32 $0xFF, v15;
	v14 =	vshrl.u32 v26, v14;
	v26 =	vld [tilespmem:s2+$0xFFFFFFD0]  }
0x245: {  	v54 =	vld [tilespmem:s1+$0xFFFFFF50];
	v16 =	vshrl.u32 v27, v16;
	v27 =	vand.u32 $0x18, v33;
	[tilespmem:s2+$0xFFFFFFB0] =	vst v15;
	v14 =	vand.u32 $0xFF, v14  }
0x246: {  	v22 =	vshll.u32 v22, $0x3;
	v19 =	vshrl.u32 v19, v28;
	v63 =	vand.u32 $0xFF, v16;
	v21 =	vld.idx.msk [tilespmem:v21+s24+$0x0], $0xffff;
	[tilespmem:s2+$0xFFFFFF30] =	vst v14  }
0x247: {  	v16 =	vshll.u32 v31, $0x3;
	v22 =	vand.u32 $0x18, v22;
	v13 =	vshrl.u32 v25, v13;
	v25 =	vld.idx.msk [tilespmem:v30+s24+$0x0], $0xffff  }
0x248: {  	v19 =	vand.u32 $0xFF, v19;
	v29 =	vshrl.u32 v31, $0x2;
	v40 =	vshrl.u32 v20, $0x2;
	v30 =	vld [tilespmem:s1+$0xFFFFFFA0]  }
0x249: {  	v31 =	vld [tilespmem:s1+$0xFFFFFF20];
	v48 =	vand.u32 $0x18, v16;
	v16 =	vshll.u32 v60, $0x3;
	v24 =	vshrl.u32 v26, $0x2  }
0x24a: {  	v28 =	vld.idx.msk [tilespmem:v42+s24+$0x0], $0xffff;
	[tilespmem:s0+$0xFFFFFF60] =	vst v19;
	v19 =	vshll.u32 v43, $0x3;
	v16 =	vand.u32 $0x18, v16;
	v20 =	vshll.u32 v20, $0x3  }
0x24b: {  	v60 =	vld.idx.msk [tilespmem:v18+s24+$0x0], $0xffff;
	v18 =	vshll.u32 v54, $0x3;
	v13 =	vand.u32 $0xFF, v13;
	v21 =	vshrl.u32 v21, v22  }
0x24c: {  	v15 =	vshrl.u32 v39, $0x2;
	[tilespmem:s0+$0xFFFFFFF0] =	vst v13;
	v13 =	vshrl.u32 v61, $0x2;
	v61 =	vld [tilespmem:s1+$0xFFFFFF80];
	v21 =	vand.u32 $0xFF, v21  }
0x24d: {  	v51 =	vld.idx.msk [tilespmem:v40+s24+$0x0], $0xffff;
	v22 =	vshll.u32 v47, $0x3;
	v25 =	vshrl.u32 v25, v27;
	v27 =	vshrl.u32 v30, $0x2;
	[tilespmem:s2+$0xFFFFFFC0] =	vst v21  }
0x24e: {  	v22 =	vand.u32 $0x18, v22;
	v21 =	vshrl.u32 v31, $0x2;
	v25 =	vand.u32 $0xFF, v25;
	v24 =	vld.idx.msk [tilespmem:v24+s24+$0x0], $0xffff  }
0x24f: {  	v20 =	vand.u32 $0x18, v20;
	v14 =	vshll.u32 v39, $0x3;
	v22 =	vshrl.u32 v28, v22;
	v28 =	vld [tilespmem:s1+$0xFFFFFFB0];
	[tilespmem:s2+$0xFFFFFF40] =	vst v25  }
0x250: {  	[tilespmem:s31+$0x0] =	vst v63;
	v14 =	vand.u32 $0x18, v14;
	v23 =	vshrl.u32 v60, v23;
	v25 =	vand.u32 $0xFF, v32;
	v29 =	vld.idx.msk [tilespmem:v29+s24+$0x0], $0xffff  }
0x251: {  	v31 =	vshll.u32 v31, $0x3;
	v22 =	vand.u32 $0xFF, v22;
	[tilespmem:s1+$0xFFFFFF90] =	vst v25;
	v25 =	vshll.u32 v26, $0x3  }
0x252: {  	v63 =	vand.u32 $0xFF, v23;
	v31 =	vand.u32 $0x18, v31;
	[tilespmem:s1+$0xFFFFFF10] =	vst v22;
	v26 =	vand.u32 $0x18, v25;
	v27 =	vld.idx.msk [tilespmem:v27+s24+$0x0], $0xffff  }
0x253: {  	v23 =	vshrl.u32 v61, $0x2;
	v20 =	vshrl.u32 v51, v20;
	v59 =	vld.idx.msk [tilespmem:v21+s24+$0x0], $0xffff;
	v22 =	vshrl.u32 v24, v26  }
0x254: {  	v39 =	vand.u32 $0xFF, v20;
	v20 =	vshll.u32 v30, $0x3;
	v26 =	vld [tilespmem:s2+$0xFFFFFFF0];
	v22 =	vand.u32 $0xFF, v22  }
0x255: {  	v44 =	vld [tilespmem:s1+$0xFFFFFF70];
	v30 =	vshll.u32 v57, $0x3;
	v45 =	vshrl.u32 v28, $0x2;
	v29 =	vshrl.u32 v29, v48;
	[tilespmem:s2+$0xFFFFFFD0] =	vst v22  }
0x256: {  	[tilespmem:s31+$0xFFFFFF70] =	vst v52;
	v20 =	vand.u32 $0x18, v20;
	v22 =	vand.u32 $0x18, v18;
	v18 =	vand.u32 $0xFF, v29;
	v32 =	vld.idx.msk [tilespmem:v58+s24+$0x0], $0xffff  }
0x257: {  	v25 =	vand.u32 $0x18, v38;
	v30 =	vand.u32 $0x18, v30;
	v29 =	vld.idx.msk [tilespmem:v17+s24+$0x0], $0xffff;
	v27 =	vshrl.u32 v27, v20;
	[tilespmem:s2+$0xFFFFFF50] =	vst v18  }
0x258: {  	v21 =	vand.u32 $0x18, v19;
	v17 =	vand.u32 $0xFF, v27;
	v27 =	vshrl.u32 v59, v31;
	v33 =	vld.idx.msk [tilespmem:v49+s24+$0x0], $0xffff  }
0x259: {  	v19 =	vshrl.u32 v54, $0x2;
	v31 =	vld [tilespmem:s1+$0xFFFFFFC0];
	[tilespmem:s1+$0xFFFFFFA0] =	vst v17;
	v27 =	vand.u32 $0xFF, v27;
	v34 =	vshrl.u32 v26, $0x2  }
0x25a: {  	v24 =	vshrl.u32 v43, $0x2;
	v20 =	vshrl.u32 v57, $0x2;
	[tilespmem:s1+$0xFFFFFF20] =	vst v27;
	v35 =	vld.idx.msk [tilespmem:v45+s24+$0x0], $0xffff;
	v27 =	vand.u32 $0x18, v62  }
0x25b: {  	[tilespmem:s0+$0xFFFFFF70] =	vst v63;
	v18 =	vshrl.u32 v44, $0x2;
	v17 =	vshll.u32 v44, $0x3;
	v36 =	vld.idx.msk [tilespmem:v56+s24+$0x0], $0xffff;
	v27 =	vshrl.u32 v32, v27  }
0x25c: {  	s22 =	simm.s32 $0x6A;
	s4 =	simm.s32 $0x11FF0;
	[tilespmem:s0+$0x0] =	vst v39;
	v17 =	vand.u32 $0x18, v17;
	v32 =	vshll.u32 v61, $0x3;
	v37 =	vand.u32 $0xFF, v27;
	v27 =	vld [tilespmem:s2+$0x0]  }
.LBB2_8:
0x25d: {  	v38 =	vld [tilespmem:s4+$0xFFFFFF90];
	[tilespmem:s2+$0xFFFFFFE0] =	vst v37;
	v29 =	vshrl.u32 v29, v9;
	v9 =	vmovc v10;
	v10 =	vmov v12;
	v12 =	vand.u32 $0x18, v32  }
0x25e: {  	s22 =	sadd.s32 $0x2, s22;
	v28 =	vshll.u32 v28, $0x3;
	v33 =	vshrl.u32 v33, v16;
	v16 =	vmovc v30;
	v32 =	vshrl.u32 v31, $0x2;
	v34 =	vld.idx.msk [tilespmem:v34+s24+$0x0], $0xffff  }
0x25f: {  	p0 =	slt.u32 s22, $0xC6;
	v28 =	vand.u32 $0x18, v28;
	v33 =	vand.u32 $0xFF, v33;
	v29 =	vand.u32 $0xFF, v29;
	v30 =	vld [tilespmem:s4+$0xFFFFFF10]  }
0x260: {  	v28 =	vshrl.u32 v35, v28;
	v37 =	vld [tilespmem:s4+$0xFFFFFF20];
	[tilespmem:s2+$0xFFFFFF60] =	vst v33  }
0x261: {  	v25 =	vshrl.u32 v36, v25;
	v28 =	vand.u32 $0xFF, v28;
	v33 =	vld [tilespmem:s4+$0xFFFFFF30];
	[tilespmem:s31+$0xFFFFFF80] =	vst v29;
	s31 =	smov.u32 s0;
	s0 =	smov.u32 s2;
	s2 =	smov.u32 s1  }
0x262: {  	v26 =	vshll.u32 v26, $0x3;
	v25 =	vand.u32 $0xFF, v25;
	s1 =	smov.u32 s4;
	[tilespmem:s2+$0xFFFFFFB0] =	vst v28;
	v29 =	vld [tilespmem:s2+$0xFFFFFFD0];
	v28 =	vshrl.u32 v27, $0x2  }
0x263: {  	v35 =	vshrl.u32 v38, $0x2;
	[tilespmem:s2+$0xFFFFFF30] =	vst v25;
	v32 =	vld.idx.msk [tilespmem:v32+s24+$0x0], $0xffff;
	v25 =	vand.u32 $0x18, v26  }
0x264: {  	v26 =	vshrl.u32 v30, $0x2;
	v30 =	vshll.u32 v30, $0x3;
	v36 =	vld [tilespmem:s4+$0xFFFFFF40];
	v25 =	vshrl.u32 v34, v25  }
0x265: {  	v30 =	vand.u32 $0x18, v30;
	v34 =	vshrl.u32 v37, $0x2;
	v39 =	vld.idx.msk [tilespmem:v24+s24+$0x0], $0xffff;
	v24 =	vand.u32 $0xFF, v25  }
0x266: {  	v25 =	vshll.u32 v37, $0x3;
	v37 =	vshrl.u32 v33, $0x2;
	v33 =	vshll.u32 v33, $0x3;
	v40 =	vld [tilespmem:s4+$0xFFFFFFA0];
	[tilespmem:s0+$0xFFFFFFF0] =	vst v24  }
0x267: {  	v41 =	vand.u32 $0x18, v25;
	v24 =	vshll.u32 v31, $0x3;
	v31 =	vshrl.u32 v29, $0x2;
	v28 =	vld.idx.msk [tilespmem:v28+s24+$0x0], $0xffff  }
0x268: {  	v25 =	vand.u32 $0x18, v33;
	v33 =	vld.idx.msk [tilespmem:v35+s24+$0x0], $0xffff;
	v35 =	vand.u32 $0x18, v24  }
0x269: {  	v26 =	vld.idx.msk [tilespmem:v26+s24+$0x0], $0xffff;
	v24 =	vshrl.u32 v36, $0x2;
	v36 =	vshll.u32 v36, $0x3;
	v32 =	vshrl.u32 v32, v35  }
0x26a: {  	v35 =	vand.u32 $0x18, v36;
	v36 =	vld [tilespmem:s4+$0xFFFFFF50];
	v32 =	vand.u32 $0xFF, v32  }
0x26b: {  	v27 =	vshll.u32 v27, $0x3;
	v39 =	vshrl.u32 v39, v21;
	[tilespmem:s2+$0xFFFFFFC0] =	vst v32;
	v32 =	vld [tilespmem:s2+$0xFFFFFFE0];
	v21 =	vmov v35  }
0x26c: {  	v27 =	vand.u32 $0x18, v27;
	v35 =	vshll.u32 v38, $0x3;
	v38 =	vshrl.u32 v40, $0x2;
	v31 =	vld.idx.msk [tilespmem:v31+s24+$0x0], $0xffff  }
0x26d: {  	v39 =	vand.u32 $0xFF, v39;
	v35 =	vand.u32 $0x18, v35;
	v27 =	vshrl.u32 v28, v27;
	v42 =	vld [tilespmem:s4+$0xFFFFFF60]  }
0x26e: {  	v28 =	vshrl.u32 v33, v35;
	v27 =	vand.u32 $0xFF, v27;
	v43 =	vld [tilespmem:s4+$0xFFFFFF70];
	[tilespmem:s2+$0xFFFFFF40] =	vst v39  }
0x26f: {  	v26 =	vshrl.u32 v26, v30;
	v28 =	vand.u32 $0xFF, v28;
	v33 =	vld.idx.msk [tilespmem:v19+s24+$0x0], $0xffff;
	v19 =	vshrl.u32 v36, $0x2;
	[tilespmem:s0+$0x0] =	vst v27  }
0x270: {  	v26 =	vand.u32 $0xFF, v26;
	v27 =	vshll.u32 v29, $0x3;
	[tilespmem:s4+$0xFFFFFF90] =	vst v28;
	v28 =	vld [tilespmem:s4+$0xFFFFFFB0];
	v29 =	vshrl.u32 v32, $0x2  }
0x271: {  	v27 =	vand.u32 $0x18, v27;
	[tilespmem:s4+$0xFFFFFF10] =	vst v26;
	v26 =	vshll.u32 v36, $0x3;
	v35 =	vld.idx.msk [tilespmem:v38+s24+$0x0], $0xffff  }
0x272: {  	v34 =	vld.idx.msk [tilespmem:v34+s24+$0x0], $0xffff;
	v36 =	vand.u32 $0x18, v26;
	v38 =	vshrl.u32 v42, $0x2;
	v26 =	vshrl.u32 v31, v27  }
0x273: {  	v27 =	vshll.u32 v42, $0x3;
	v26 =	vand.u32 $0xFF, v26;
	v39 =	vld.idx.msk [tilespmem:v15+s24+$0x0], $0xffff;
	v15 =	vmovc v18;
	v18 =	vshrl.u32 v43, $0x2  }
0x274: {  	v30 =	vand.u32 $0x18, v27;
	v27 =	vshll.u32 v43, $0x3;
	[tilespmem:s2+$0xFFFFFFD0] =	vst v26;
	v26 =	vld [tilespmem:s2+$0xFFFFFFF0]  }
0x275: {  	v31 =	vshll.u32 v40, $0x3;
	v33 =	vshrl.u32 v33, v22;
	v22 =	vmovc v36;
	v40 =	vshrl.u32 v28, $0x2;
	v42 =	vld.idx.msk [tilespmem:v29+s24+$0x0], $0xffff  }
0x276: {  	v27 =	vand.u32 $0x18, v27;
	v29 =	vand.u32 $0x18, v31;
	v31 =	vand.u32 $0xFF, v33;
	v43 =	vld [tilespmem:s4+$0xFFFFFF80]  }
0x277: {  	v33 =	vshrl.u32 v35, v29;
	[tilespmem:s2+$0xFFFFFF50] =	vst v31;
	v29 =	vld.idx.msk [tilespmem:v11+s24+$0x0], $0xffff;
	v11 =	vmov v13;
	v13 =	vmov v23  }
.Ltmp3:
0x278: {  	v23 =	vshrl.u32 v34, v41;
	v31 =	vand.u32 $0xFF, v33;
	v33 =	vld.idx.msk [tilespmem:v20+s24+$0x0], $0xffff;
	v20 =	vmov v38;
	(pc) =	sbr.rel @p0 .LBB2_8-.Ltmp3, $4  }
0x279: {  	v32 =	vshll.u32 v32, $0x3;
	v23 =	vand.u32 $0xFF, v23;
	[tilespmem:s4+$0xFFFFFFA0] =	vst v31;
	v31 =	vld [tilespmem:s4+$0xFFFFFFC0];
	v34 =	vshrl.u32 v26, $0x2  }
0x27a: {  	v32 =	vand.u32 $0x18, v32;
	v38 =	vshrl.u32 v39, v14;
	v14 =	vmovc v17;
	v17 =	vmov v27;
	[tilespmem:s4+$0xFFFFFF20] =	vst v23;
	v35 =	vld.idx.msk [tilespmem:v40+s24+$0x0], $0xffff  }
0x27b: {  	v38 =	vand.u32 $0xFF, v38;
	v27 =	vshrl.u32 v42, v32;
	v36 =	vld.idx.msk [tilespmem:v37+s24+$0x0], $0xffff;
	v23 =	vshrl.u32 v43, $0x2  }
0x27c: {  	s4 =	sadd.s32 $0x100, s4;
	v32 =	vshll.u32 v43, $0x3;
	v37 =	vand.u32 $0xFF, v27;
	v27 =	vld [tilespmem:s2+$0x0];
	[tilespmem:s0+$0xFFFFFF70] =	vst v38  }
0x27d: {  	v28 =	vshll.u32 v28, $0x3  }
0x27e: {  	v38 =	vshrl.u32 v31, $0x2;
	v28 =	vand.u32 $0x18, v28  }
0x27f: {  	v28 =	vshrl.u32 v35, v28  }
0x280: {  	v28 =	vand.u32 $0xFF, v28  }
0x281: {  	[tilespmem:s1+$0xFFFFFFB0] =	vst v28;
	v28 =	vld [tilespmem:s1+$0xFFFFFFD0];
	_ =	sdelay $0x1  }
0x282: {  	v25 =	vshrl.u32 v36, v25;
	v52 =	vld.idx.msk [tilespmem:v38+s24+$0x0], $0xffff  }
0x283: {  	v25 =	vand.u32 $0xFF, v25  }
0x284: {  	[tilespmem:s1+$0xFFFFFF30] =	vst v25  }
0x285: {  	v31 =	vshll.u32 v31, $0x3;
	v24 =	vld.idx.msk [tilespmem:v24+s24+$0x0], $0xffff;
	v25 =	vshrl.u32 v28, $0x2  }
0x286: {  	v31 =	vand.u32 $0x18, v31  }
0x287: {  	v31 =	vshrl.u32 v52, v31  }
0x288: {  	v31 =	vand.u32 $0xFF, v31  }
0x289: {  	[tilespmem:s1+$0xFFFFFFC0] =	vst v31;
	v31 =	vld [tilespmem:s1+$0xFFFFFFE0]  }
0x28a: {  	v21 =	vshrl.u32 v24, v21;
	v25 =	vld.idx.msk [tilespmem:v25+s24+$0x0], $0xffff  }
0x28b: {  	v21 =	vand.u32 $0xFF, v21  }
0x28c: {  	[tilespmem:s1+$0xFFFFFF40] =	vst v21  }
0x28d: {  	v21 =	vshll.u32 v28, $0x3;
	v19 =	vld.idx.msk [tilespmem:v19+s24+$0x0], $0xffff  }
0x28e: {  	v21 =	vand.u32 $0x18, v21;
	v24 =	vshrl.u32 v31, $0x2  }
0x28f: {  	v21 =	vshrl.u32 v25, v21  }
0x290: {  	v21 =	vand.u32 $0xFF, v21  }
0x291: {  	[tilespmem:s1+$0xFFFFFFD0] =	vst v21;
	v21 =	vld [tilespmem:s1+$0xFFFFFFF0]  }
0x292: {  	v19 =	vshrl.u32 v19, v22  }
0x293: {  	v19 =	vand.u32 $0xFF, v19;
	v22 =	vld.idx.msk [tilespmem:v24+s24+$0x0], $0xffff  }
0x294: {  	[tilespmem:s1+$0xFFFFFF50] =	vst v19  }
0x295: {  	v19 =	vld.idx.msk [tilespmem:v20+s24+$0x0], $0xffff  }
0x296: {  	v20 =	vshll.u32 v31, $0x3;
	v24 =	vshrl.u32 v21, $0x2  }
0x297: {  	[tilespmem:s2+$0xFFFFFFE0] =	vst v37;
	v20 =	vand.u32 $0x18, v20  }
0x298: {  	v25 =	vld.idx.msk [tilespmem:v34+s24+$0x0], $0xffff;
	v20 =	vshrl.u32 v22, v20  }
0x299: {  	v16 =	vshrl.u32 v33, v16;
	v22 =	vld [tilespmem:s1+$0x0];
	v20 =	vand.u32 $0xFF, v20  }
0x29a: {  	v16 =	vand.u32 $0xFF, v16;
	v19 =	vshrl.u32 v19, v30;
	[tilespmem:s1+$0xFFFFFFE0] =	vst v20  }
0x29b: {  	[tilespmem:s2+$0xFFFFFF60] =	vst v16;
	v19 =	vand.u32 $0xFF, v19;
	v16 =	vld.idx.msk [tilespmem:v24+s24+$0x0], $0xffff  }
0x29c: {  	v15 =	vld.idx.msk [tilespmem:v15+s24+$0x0], $0xffff;
	[tilespmem:s1+$0xFFFFFF60] =	vst v19;
	v20 =	vshll.u32 v26, $0x3;
	v24 =	vshrl.u32 v27, $0x2  }
0x29d: {  	v18 =	vld.idx.msk [tilespmem:v18+s24+$0x0], $0xffff;
	v19 =	vand.u32 $0x18, v20  }
0x29e: {  	v20 =	vshll.u32 v21, $0x3;
	v19 =	vshrl.u32 v25, v19;
	v21 =	vshrl.u32 v22, $0x2  }
0x29f: {  	v20 =	vand.u32 $0x18, v20;
	v19 =	vand.u32 $0xFF, v19  }
0x2a0: {  	[tilespmem:s2+$0xFFFFFFF0] =	vst v19;
	v16 =	vshrl.u32 v16, v20  }
0x2a1: {  	v14 =	vshrl.u32 v15, v14;
	v19 =	vld.idx.msk [tilespmem:v24+s24+$0x0], $0xffff;
	v15 =	vand.u32 $0xFF, v16  }
0x2a2: {  	v11 =	vld.idx.msk [tilespmem:v11+s24+$0x0], $0xffff;
	v14 =	vand.u32 $0xFF, v14;
	[tilespmem:s1+$0xFFFFFFF0] =	vst v15;
	v15 =	vshrl.u32 v18, v17  }
0x2a3: {  	[tilespmem:s2+$0xFFFFFF70] =	vst v14;
	v14 =	vld.idx.msk [tilespmem:v21+s24+$0x0], $0xffff;
	v15 =	vand.u32 $0xFF, v15  }
0x2a4: {  	v13 =	vld.idx.msk [tilespmem:v13+s24+$0x0], $0xffff;
	v16 =	vshll.u32 v27, $0x3;
	[tilespmem:s1+$0xFFFFFF70] =	vst v15  }
0x2a5: {  	v9 =	vshrl.u32 v29, v9;
	v15 =	vand.u32 $0x18, v16;
	v16 =	vld.idx.msk [tilespmem:v23+s24+$0x0], $0xffff  }
0x2a6: {  	v9 =	vand.u32 $0xFF, v9;
	v17 =	vshll.u32 v22, $0x3;
	v15 =	vshrl.u32 v19, v15  }
0x2a7: {  	[tilespmem:s31+$0xFFFFFF80] =	vst v9;
	v10 =	vshrl.u32 v11, v10;
	v11 =	vand.u32 $0x18, v17;
	v9 =	vand.u32 $0xFF, v15  }
0x2a8: {  	[tilespmem:s2+$0x0] =	vst v9;
	v9 =	vand.u32 $0xFF, v10;
	v10 =	vshrl.u32 v14, v11  }
0x2a9: {  	v11 =	vand.u32 $0x18, v32;
	[tilespmem:s0+$0xFFFFFF80] =	vst v9;
	v9 =	vand.u32 $0xFF, v10;
	v10 =	vshrl.u32 v13, v12  }
0x2aa: {  	[tilespmem:s1+$0x0] =	vst v9;
	v9 =	vand.u32 $0xFF, v10;
	v10 =	vshrl.u32 v16, v11  }
0x2ab: {  	[tilespmem:s2+$0xFFFFFF80] =	vst v9;
	v9 =	vand.u32 $0xFF, v10  }
0x2ac: {  	[tilespmem:s1+$0xFFFFFF80] =	vst v9  }
0x2ad: {  	[hbm4b:s11+s17] =	stream.strided.scatter [tilespmem:s20], [sflag:$0x5], $0x6400, s18, s17, $0x38;
	[tilespmem:$0x14D00] =	vst v63  }
0x2ae: {  	_ =	swait.ge [sflag:s25], $0x6400  }
0x2af: {  	[sflag:s25] =	ssyncset.done $0x0  }
0x2b0: {  	s31 =	simm.s32 $0x8580;
	[sflag:s25] =	ssyncadd.s32 $0xFFFF9C00  }
0x2b1: {  	v9 =	vld [tilespmem:s31+$0x0];
	_ =	sdelay $0x4  }
0x2b2: {  	v10 =	vshrl.u32 v9, $0x2;
	_ =	sdelay $0x1  }
0x2b3: {  	v11 =	vld [tilespmem:s31+$0xFFFFFF80];
	_ =	sdelay $0x1  }
0x2b4: {  	v12 =	vld [tilespmem:s31+$0x10]  }
0x2b5: {  	v10 =	vld.idx.msk [tilespmem:v10+s24+$0x0], $0xffff;
	_ =	sdelay $0x1  }
0x2b6: {  	v15 =	vld [tilespmem:s31+$0x20];
	v13 =	vshrl.u32 v11, $0x2  }
0x2b7: {  	v16 =	vld [tilespmem:s31+$0xFFFFFFA0];
	v9 =	vshll.u32 v9, $0x3  }
0x2b8: {  	v17 =	vld [tilespmem:s31+$0xFFFFFFB0];
	v14 =	vshrl.u32 v12, $0x2;
	v9 =	vand.u32 $0x18, v9  }
0x2b9: {  	v9 =	vshrl.u32 v10, v9;
	v10 =	vld [tilespmem:s31+$0xFFFFFF90]  }
0x2ba: {  	v19 =	vld [tilespmem:s31+$0xFFFFFFC0]  }
0x2bb: {  	v13 =	vld.idx.msk [tilespmem:v13+s24+$0x0], $0xffff;
	v9 =	vand.u32 $0xFF, v9  }
0x2bc: {  	v22 =	vld [tilespmem:s31+$0x40];
	[tilespmem:s31+$0x0] =	vst v9  }
0x2bd: {  	s0 =	simm.s32 $0x8680;
	v14 =	vld.idx.msk [tilespmem:v14+s24+$0x0], $0xffff  }
0x2be: {  	v24 =	vld [tilespmem:s0+$0xFFFFFFA0];
	v9 =	vshll.u32 v11, $0x3;
	v18 =	vshrl.u32 v10, $0x2  }
0x2bf: {  	v26 =	vld [tilespmem:s0+$0xFFFFFFB0];
	v11 =	vand.u32 $0x18, v9  }
0x2c0: {  	s2 =	simm.s32 $0x8780;
	v27 =	vld [tilespmem:s31+$0x50];
	v12 =	vshll.u32 v12, $0x3;
	v20 =	vshrl.u32 v15, $0x2;
	v13 =	vshrl.u32 v13, v11  }
0x2c1: {  	v30 =	vld [tilespmem:s2+$0xFFFFFFA0];
	v12 =	vand.u32 $0x18, v12;
	v13 =	vand.u32 $0xFF, v13  }
0x2c2: {  	v54 =	vld [tilespmem:s2+$0xFFFFFFB0];
	[tilespmem:s31+$0xFFFFFF80] =	vst v13;
	v12 =	vshrl.u32 v14, v12  }
0x2c3: {  	v12 =	vand.u32 $0xFF, v12;
	v13 =	vld.idx.msk [tilespmem:v18+s24+$0x0], $0xffff  }
0x2c4: {  	[tilespmem:s31+$0x10] =	vst v12;
	v12 =	vld [tilespmem:s31+$0x30]  }
0x2c5: {  	v14 =	vld.idx.msk [tilespmem:v20+s24+$0x0], $0xffff  }
0x2c6: {  	v56 =	vld [tilespmem:s2+$0x10];
	v10 =	vshll.u32 v10, $0x3;
	v18 =	vshrl.u32 v16, $0x2  }
0x2c7: {  	v10 =	vand.u32 $0x18, v10;
	v20 =	vld [tilespmem:s0+$0x0]  }
0x2c8: {  	v59 =	vld [tilespmem:s0+$0x50];
	v10 =	vshrl.u32 v13, v10;
	v13 =	vshll.u32 v15, $0x3  }
0x2c9: {  	v60 =	vld [tilespmem:s2+$0xFFFFFFD0];
	v21 =	vshrl.u32 v12, $0x2;
	v10 =	vand.u32 $0xFF, v10;
	v13 =	vand.u32 $0x18, v13  }
0x2ca: {  	[tilespmem:s31+$0xFFFFFF90] =	vst v10;
	v10 =	vld [tilespmem:s0+$0xFFFFFF80];
	v13 =	vshrl.u32 v14, v13  }
0x2cb: {  	v14 =	vld.idx.msk [tilespmem:v18+s24+$0x0], $0xffff;
	v13 =	vand.u32 $0xFF, v13  }
0x2cc: {  	v39 =	vld [tilespmem:s2+$0xFFFFFFE0];
	[tilespmem:s31+$0x20] =	vst v13;
	v13 =	vshrl.u32 v20, $0x2  }
0x2cd: {  	v61 =	vld [tilespmem:s2+$0xFFFFFFF0]  }
0x2ce: {  	s1 =	simm.s32 $0x8880;
	v23 =	vshrl.u32 v17, $0x2;
	v16 =	vshll.u32 v16, $0x3;
	v21 =	vld.idx.msk [tilespmem:v21+s24+$0x0], $0xffff  }
0x2cf: {  	v62 =	vld [tilespmem:s1+$0x0];
	v16 =	vand.u32 $0x18, v16;
	v25 =	vshrl.u32 v10, $0x2  }
0x2d0: {  	v14 =	vshrl.u32 v14, v16;
	v16 =	vld [tilespmem:s0+$0x10]  }
0x2d1: {  	v12 =	vshll.u32 v12, $0x3;
	v14 =	vand.u32 $0xFF, v14;
	v13 =	vld.idx.msk [tilespmem:v13+s24+$0x0], $0xffff  }
0x2d2: {  	v12 =	vand.u32 $0x18, v12;
	v18 =	vld [tilespmem:s0+$0xFFFFFF90];
	[tilespmem:s31+$0xFFFFFFA0] =	vst v14;
	v14 =	vshrl.u32 v22, $0x2  }
0x2d3: {  	v12 =	vshrl.u32 v21, v12;
	v23 =	vld.idx.msk [tilespmem:v23+s24+$0x0], $0xffff  }
0x2d4: {  	v20 =	vshll.u32 v20, $0x3;
	v12 =	vand.u32 $0xFF, v12;
	v21 =	vld.idx.msk [tilespmem:v25+s24+$0x0], $0xffff  }
0x2d5: {  	v47 =	vld [tilespmem:s1+$0xFFFFFF80];
	v20 =	vand.u32 $0x18, v20;
	[tilespmem:s31+$0x30] =	vst v12;
	v12 =	vshrl.u32 v16, $0x2  }
0x2d6: {  	v50 =	vld [tilespmem:s1+$0xFFFFFFA0];
	v17 =	vshll.u32 v17, $0x3;
	v13 =	vshrl.u32 v13, v20;
	v20 =	vshrl.u32 v19, $0x2  }
0x2d7: {  	v17 =	vand.u32 $0x18, v17;
	v10 =	vshll.u32 v10, $0x3;
	v29 =	vshrl.u32 v18, $0x2;
	v14 =	vld.idx.msk [tilespmem:v14+s24+$0x0], $0xffff  }
0x2d8: {  	v10 =	vand.u32 $0x18, v10;
	v28 =	vand.u32 $0xFF, v13;
	v17 =	vshrl.u32 v23, v17;
	v23 =	vld [tilespmem:s0+$0x20]  }
0x2d9: {  	v9 =	vld [tilespmem:s31+$0xFFFFFFD0];
	[tilespmem:s0+$0x0] =	vst v28;
	v17 =	vand.u32 $0xFF, v17;
	v21 =	vshrl.u32 v21, v10  }
0x2da: {  	v22 =	vshll.u32 v22, $0x3;
	v12 =	vld.idx.msk [tilespmem:v12+s24+$0x0], $0xffff;
	[tilespmem:s31+$0xFFFFFFB0] =	vst v17;
	v17 =	vand.u32 $0xFF, v21;
	v21 =	vshrl.u32 v27, $0x2  }
0x2db: {  	v22 =	vand.u32 $0x18, v22;
	v20 =	vld.idx.msk [tilespmem:v20+s24+$0x0], $0xffff;
	[tilespmem:s0+$0xFFFFFF80] =	vst v17  }
0x2dc: {  	v16 =	vshll.u32 v16, $0x3;
	v14 =	vshrl.u32 v14, v22;
	v17 =	vld.idx.msk [tilespmem:v29+s24+$0x0], $0xffff  }
0x2dd: {  	v19 =	vshll.u32 v19, $0x3;
	v28 =	vld [tilespmem:s31+$0x60];
	v14 =	vand.u32 $0xFF, v14;
	v22 =	vshrl.u32 v23, $0x2  }
0x2de: {  	v11 =	vld [tilespmem:s31+$0xFFFFFFE0];
	[tilespmem:s31+$0x40] =	vst v14;
	v14 =	vand.u32 $0x18, v16;
	v16 =	vand.u32 $0x18, v19;
	v19 =	vshrl.u32 v9, $0x2  }
0x2df: {  	v12 =	vshrl.u32 v12, v14;
	v14 =	vshll.u32 v18, $0x3;
	v18 =	vshrl.u32 v24, $0x2;
	v21 =	vld.idx.msk [tilespmem:v21+s24+$0x0], $0xffff  }
0x2e0: {  	v15 =	vld [tilespmem:s31+$0xFFFFFFF0];
	v12 =	vand.u32 $0xFF, v12;
	v29 =	vand.u32 $0x18, v14;
	v16 =	vshrl.u32 v20, v16  }
0x2e1: {  	[tilespmem:s0+$0x10] =	vst v12;
	v12 =	vand.u32 $0xFF, v16;
	v16 =	vshrl.u32 v17, v29;
	v17 =	vld [tilespmem:s0+$0x30]  }
0x2e2: {  	v20 =	vshll.u32 v27, $0x3;
	[tilespmem:s31+$0xFFFFFFC0] =	vst v12;
	v12 =	vand.u32 $0xFF, v16;
	v16 =	vld.idx.msk [tilespmem:v22+s24+$0x0], $0xffff;
	v22 =	vshrl.u32 v28, $0x2  }
0x2e3: {  	v33 =	vshll.u32 v54, $0x3;
	v49 =	vshrl.u32 v60, $0x2;
	v19 =	vld.idx.msk [tilespmem:v19+s24+$0x0], $0xffff;
	[tilespmem:s0+$0xFFFFFF90] =	vst v12;
	v12 =	vand.u32 $0x18, v20  }
0x2e4: {  	v41 =	vshrl.u32 v62, $0x2;
	v42 =	vshrl.u32 v47, $0x2;
	v18 =	vld.idx.msk [tilespmem:v18+s24+$0x0], $0xffff;
	v12 =	vshrl.u32 v21, v12  }
0x2e5: {  	v34 =	vshll.u32 v62, $0x3;
	v21 =	vshll.u32 v23, $0x3;
	v23 =	vld [tilespmem:s2+$0x0];
	v12 =	vand.u32 $0xFF, v12  }
0x2e6: {  	v9 =	vshll.u32 v9, $0x3;
	v29 =	vld [tilespmem:s2+$0xFFFFFF80];
	v21 =	vand.u32 $0x18, v21;
	v27 =	vshrl.u32 v17, $0x2;
	[tilespmem:s31+$0x50] =	vst v12  }
0x2e7: {  	v55 =	vand.u32 $0x18, v9;
	v12 =	vshrl.u32 v16, v21;
	v16 =	vld.idx.msk [tilespmem:v22+s24+$0x0], $0xffff;
	v21 =	vshll.u32 v24, $0x3  }
0x2e8: {  	v22 =	vshrl.u32 v26, $0x2;
	v12 =	vand.u32 $0xFF, v12;
	v19 =	vshrl.u32 v19, v55;
	v55 =	vld [tilespmem:s2+$0x50]  }
0x2e9: {  	v38 =	vshll.u32 v50, $0x3;
	v34 =	vand.u32 $0x18, v34;
	[tilespmem:s0+$0x20] =	vst v12;
	v12 =	vand.u32 $0x18, v21;
	v21 =	vld [tilespmem:s0+$0x40]  }
0x2ea: {  	v53 =	vshrl.u32 v11, $0x2;
	v25 =	vld [tilespmem:s0+$0xFFFFFFC0];
	v12 =	vshrl.u32 v18, v12;
	v18 =	vshrl.u32 v23, $0x2  }
0x2eb: {  	v11 =	vshll.u32 v11, $0x3;
	v31 =	vshrl.u32 v29, $0x2;
	v27 =	vld.idx.msk [tilespmem:v27+s24+$0x0], $0xffff;
	v12 =	vand.u32 $0xFF, v12  }
0x2ec: {  	v20 =	vld [tilespmem:s31+$0x70];
	v9 =	vshll.u32 v17, $0x3;
	v17 =	vshrl.u32 v15, $0x2;
	v23 =	vshll.u32 v23, $0x3;
	[tilespmem:s0+$0xFFFFFFA0] =	vst v12  }
0x2ed: {  	v58 =	vand.u32 $0x18, v9;
	v23 =	vand.u32 $0x18, v23;
	v12 =	vand.u32 $0x18, v11;
	v11 =	vld.idx.msk [tilespmem:v22+s24+$0x0], $0xffff  }
0x2ee: {  	v24 =	vld [tilespmem:s2+$0xFFFFFF90];
	v22 =	vshll.u32 v15, $0x3;
	v62 =	vshll.u32 v55, $0x3;
	v57 =	vshrl.u32 v21, $0x2  }
0x2ef: {  	v9 =	vand.u32 $0x18, v22;
	v22 =	vshll.u32 v26, $0x3;
	v26 =	vshll.u32 v25, $0x3;
	v15 =	vld.idx.msk [tilespmem:v18+s24+$0x0], $0xffff  }
0x2f0: {  	v13 =	vld [tilespmem:s0+$0xFFFFFFD0];
	v25 =	vshrl.u32 v25, $0x2;
	v22 =	vand.u32 $0x18, v22;
	v18 =	vshrl.u32 v27, v58  }
0x2f1: {  	v10 =	vld [tilespmem:s0+$0xFFFFFFE0];
	v26 =	vand.u32 $0x18, v26;
	v58 =	vshrl.u32 v55, $0x2;
	v18 =	vand.u32 $0xFF, v18  }
0x2f2: {  	v27 =	vld.idx.msk [tilespmem:v31+s24+$0x0], $0xffff;
	[tilespmem:s0+$0x30] =	vst v18;
	v18 =	vshll.u32 v28, $0x3;
	v11 =	vshrl.u32 v11, v22;
	v22 =	vshrl.u32 v56, $0x2  }
0x2f3: {  	v14 =	vld [tilespmem:s0+$0xFFFFFFF0];
	v28 =	vshrl.u32 v20, $0x2;
	v18 =	vand.u32 $0x18, v18;
	v11 =	vand.u32 $0xFF, v11  }
0x2f4: {  	v36 =	vld.idx.msk [tilespmem:v57+s24+$0x0], $0xffff;
	v15 =	vshrl.u32 v15, v23;
	v23 =	vshll.u32 v29, $0x3;
	v29 =	vshrl.u32 v24, $0x2;
	[tilespmem:s0+$0xFFFFFFB0] =	vst v11  }
0x2f5: {  	v11 =	vand.u32 $0xFF, v15;
	v15 =	vshrl.u32 v16, v18;
	v16 =	vand.u32 $0x18, v23;
	v23 =	vld.idx.msk [tilespmem:v25+s24+$0x0], $0xffff  }
0x2f6: {  	v25 =	vshrl.u32 v13, $0x2;
	[tilespmem:s2+$0x0] =	vst v11;
	v11 =	vshll.u32 v21, $0x3;
	v15 =	vand.u32 $0xFF, v15;
	v21 =	vld [tilespmem:s2+$0x20]  }
0x2f7: {  	v13 =	vshll.u32 v13, $0x3;
	v18 =	vshrl.u32 v10, $0x2;
	v16 =	vshrl.u32 v27, v16;
	[tilespmem:s31+$0x60] =	vst v15;
	v22 =	vld.idx.msk [tilespmem:v22+s24+$0x0], $0xffff  }
0x2f8: {  	v11 =	vand.u32 $0x18, v11;
	v15 =	vand.u32 $0xFF, v16;
	v16 =	vshrl.u32 v59, $0x2;
	v27 =	vld.idx.msk [tilespmem:v28+s24+$0x0], $0xffff  }
0x2f9: {  	v11 =	vshrl.u32 v36, v11;
	[tilespmem:s2+$0xFFFFFF80] =	vst v15;
	v15 =	vand.u32 $0xFF, v19;
	v28 =	vand.u32 $0x18, v13;
	v13 =	vld [tilespmem:s0+$0x60]  }
0x2fa: {  	v10 =	vshll.u32 v10, $0x3;
	v11 =	vand.u32 $0xFF, v11;
	v19 =	vld.idx.msk [tilespmem:v29+s24+$0x0], $0xffff;
	[tilespmem:s31+$0xFFFFFFD0] =	vst v15;
	v15 =	vshll.u32 v56, $0x3  }
0x2fb: {  	v56 =	vshrl.u32 v50, $0x2;
	[tilespmem:s0+$0x40] =	vst v11;
	v11 =	vshll.u32 v24, $0x3;
	v24 =	vld.idx.msk [tilespmem:v53+s24+$0x0], $0xffff;
	v23 =	vshrl.u32 v23, v26  }
0x2fc: {  	v15 =	vand.u32 $0x18, v15;
	v26 =	vshrl.u32 v30, $0x2;
	v53 =	vld.idx.msk [tilespmem:v41+s24+$0x0], $0xffff;
	v29 =	vshrl.u32 v21, $0x2  }
0x2fd: {  	v30 =	vshll.u32 v30, $0x3;
	v23 =	vand.u32 $0xFF, v23;
	v16 =	vld.idx.msk [tilespmem:v16+s24+$0x0], $0xffff;
	v15 =	vshrl.u32 v22, v15  }
0x2fe: {  	v43 =	vld [tilespmem:s1+$0xFFFFFFB0];
	v22 =	vand.u32 $0x18, v11;
	[tilespmem:s0+$0xFFFFFFC0] =	vst v23;
	v23 =	vand.u32 $0x18, v10;
	v15 =	vand.u32 $0xFF, v15  }
0x2ff: {  	v11 =	vshrl.u32 v14, $0x2;
	v10 =	vshrl.u32 v19, v22;
	[tilespmem:s2+$0x10] =	vst v15;
	v22 =	vld [tilespmem:s2+$0x30];
	v15 =	vshll.u32 v59, $0x3  }
0x300: {  	v19 =	vld.idx.msk [tilespmem:v25+s24+$0x0], $0xffff;
	v25 =	vshrl.u32 v13, $0x2;
	v13 =	vshll.u32 v13, $0x3;
	v10 =	vand.u32 $0xFF, v10  }
0x301: {  	v14 =	vshll.u32 v14, $0x3;
	v15 =	vand.u32 $0x18, v15;
	v13 =	vand.u32 $0x18, v13;
	[tilespmem:s2+$0xFFFFFF90] =	vst v10;
	v29 =	vld.idx.msk [tilespmem:v29+s24+$0x0], $0xffff  }
0x302: {  	v12 =	vshrl.u32 v24, v12;
	v32 =	vshrl.u32 v53, v34;
	v26 =	vld.idx.msk [tilespmem:v26+s24+$0x0], $0xffff;
	v15 =	vshrl.u32 v16, v15  }
0x303: {  	v31 =	vld [tilespmem:s2+$0xFFFFFFC0];
	v10 =	vand.u32 $0x18, v14;
	v14 =	vand.u32 $0x18, v30;
	v15 =	vand.u32 $0xFF, v15  }
0x304: {  	v57 =	vld [tilespmem:s1+$0xFFFFFFD0];
	v30 =	vshrl.u32 v54, $0x2;
	[tilespmem:s0+$0x50] =	vst v15;
	v15 =	vshll.u32 v21, $0x3;
	v21 =	vshrl.u32 v22, $0x2  }
0x305: {  	v52 =	vand.u32 $0xFF, v12;
	v12 =	vshll.u32 v61, $0x3;
	v25 =	vld.idx.msk [tilespmem:v25+s24+$0x0], $0xffff;
	v15 =	vand.u32 $0x18, v15  }
0x306: {  	v16 =	vshll.u32 v20, $0x3;
	v20 =	vld [tilespmem:s0+$0x70];
	v12 =	vand.u32 $0x18, v12;
	v15 =	vshrl.u32 v29, v15  }
0x307: {  	v16 =	vand.u32 $0x18, v16;
	v15 =	vand.u32 $0xFF, v15;
	v14 =	vshrl.u32 v26, v14;
	v26 =	vld [tilespmem:s2+$0x40]  }
0x308: {  	v54 =	vld [tilespmem:s1+$0xFFFFFFC0];
	v16 =	vshrl.u32 v27, v16;
	v27 =	vand.u32 $0x18, v33;
	[tilespmem:s2+$0x20] =	vst v15;
	v14 =	vand.u32 $0xFF, v14  }
0x309: {  	v22 =	vshll.u32 v22, $0x3;
	v19 =	vshrl.u32 v19, v28;
	v63 =	vand.u32 $0xFF, v16;
	v21 =	vld.idx.msk [tilespmem:v21+s24+$0x0], $0xffff;
	[tilespmem:s2+$0xFFFFFFA0] =	vst v14  }
0x30a: {  	v16 =	vshll.u32 v31, $0x3;
	v22 =	vand.u32 $0x18, v22;
	v13 =	vshrl.u32 v25, v13;
	v25 =	vld.idx.msk [tilespmem:v30+s24+$0x0], $0xffff  }
0x30b: {  	v19 =	vand.u32 $0xFF, v19;
	v29 =	vshrl.u32 v31, $0x2;
	v40 =	vshrl.u32 v20, $0x2;
	v30 =	vld [tilespmem:s1+$0x10]  }
0x30c: {  	v31 =	vld [tilespmem:s1+$0xFFFFFF90];
	v48 =	vand.u32 $0x18, v16;
	v16 =	vshll.u32 v60, $0x3;
	v24 =	vshrl.u32 v26, $0x2  }
0x30d: {  	v28 =	vld.idx.msk [tilespmem:v42+s24+$0x0], $0xffff;
	[tilespmem:s0+$0xFFFFFFD0] =	vst v19;
	v19 =	vshll.u32 v43, $0x3;
	v16 =	vand.u32 $0x18, v16;
	v20 =	vshll.u32 v20, $0x3  }
0x30e: {  	v60 =	vld.idx.msk [tilespmem:v18+s24+$0x0], $0xffff;
	v18 =	vshll.u32 v54, $0x3;
	v13 =	vand.u32 $0xFF, v13;
	v21 =	vshrl.u32 v21, v22  }
0x30f: {  	v15 =	vshrl.u32 v39, $0x2;
	[tilespmem:s0+$0x60] =	vst v13;
	v13 =	vshrl.u32 v61, $0x2;
	v61 =	vld [tilespmem:s1+$0xFFFFFFF0];
	v21 =	vand.u32 $0xFF, v21  }
0x310: {  	v51 =	vld.idx.msk [tilespmem:v40+s24+$0x0], $0xffff;
	v22 =	vshll.u32 v47, $0x3;
	v25 =	vshrl.u32 v25, v27;
	v27 =	vshrl.u32 v30, $0x2;
	[tilespmem:s2+$0x30] =	vst v21  }
0x311: {  	v22 =	vand.u32 $0x18, v22;
	v21 =	vshrl.u32 v31, $0x2;
	v25 =	vand.u32 $0xFF, v25;
	v24 =	vld.idx.msk [tilespmem:v24+s24+$0x0], $0xffff  }
0x312: {  	v20 =	vand.u32 $0x18, v20;
	v14 =	vshll.u32 v39, $0x3;
	v22 =	vshrl.u32 v28, v22;
	v28 =	vld [tilespmem:s1+$0x20];
	[tilespmem:s2+$0xFFFFFFB0] =	vst v25  }
0x313: {  	[tilespmem:s31+$0x70] =	vst v63;
	v14 =	vand.u32 $0x18, v14;
	v23 =	vshrl.u32 v60, v23;
	v25 =	vand.u32 $0xFF, v32;
	v29 =	vld.idx.msk [tilespmem:v29+s24+$0x0], $0xffff  }
0x314: {  	v31 =	vshll.u32 v31, $0x3;
	v22 =	vand.u32 $0xFF, v22;
	[tilespmem:s1+$0x0] =	vst v25;
	v25 =	vshll.u32 v26, $0x3  }
0x315: {  	v63 =	vand.u32 $0xFF, v23;
	v31 =	vand.u32 $0x18, v31;
	[tilespmem:s1+$0xFFFFFF80] =	vst v22;
	v26 =	vand.u32 $0x18, v25;
	v27 =	vld.idx.msk [tilespmem:v27+s24+$0x0], $0xffff  }
0x316: {  	v23 =	vshrl.u32 v61, $0x2;
	v20 =	vshrl.u32 v51, v20;
	v59 =	vld.idx.msk [tilespmem:v21+s24+$0x0], $0xffff;
	v22 =	vshrl.u32 v24, v26  }
0x317: {  	v39 =	vand.u32 $0xFF, v20;
	v20 =	vshll.u32 v30, $0x3;
	v26 =	vld [tilespmem:s2+$0x60];
	v22 =	vand.u32 $0xFF, v22  }
0x318: {  	v44 =	vld [tilespmem:s1+$0xFFFFFFE0];
	v30 =	vshll.u32 v57, $0x3;
	v45 =	vshrl.u32 v28, $0x2;
	v29 =	vshrl.u32 v29, v48;
	[tilespmem:s2+$0x40] =	vst v22  }
0x319: {  	[tilespmem:s31+$0xFFFFFFE0] =	vst v52;
	v20 =	vand.u32 $0x18, v20;
	v22 =	vand.u32 $0x18, v18;
	v18 =	vand.u32 $0xFF, v29;
	v32 =	vld.idx.msk [tilespmem:v58+s24+$0x0], $0xffff  }
0x31a: {  	v25 =	vand.u32 $0x18, v38;
	v30 =	vand.u32 $0x18, v30;
	v29 =	vld.idx.msk [tilespmem:v17+s24+$0x0], $0xffff;
	v27 =	vshrl.u32 v27, v20;
	[tilespmem:s2+$0xFFFFFFC0] =	vst v18  }
0x31b: {  	v21 =	vand.u32 $0x18, v19;
	v17 =	vand.u32 $0xFF, v27;
	v27 =	vshrl.u32 v59, v31;
	v33 =	vld.idx.msk [tilespmem:v49+s24+$0x0], $0xffff  }
0x31c: {  	v19 =	vshrl.u32 v54, $0x2;
	v31 =	vld [tilespmem:s1+$0x30];
	[tilespmem:s1+$0x10] =	vst v17;
	v27 =	vand.u32 $0xFF, v27;
	v34 =	vshrl.u32 v26, $0x2  }
0x31d: {  	v24 =	vshrl.u32 v43, $0x2;
	v20 =	vshrl.u32 v57, $0x2;
	[tilespmem:s1+$0xFFFFFF90] =	vst v27;
	v35 =	vld.idx.msk [tilespmem:v45+s24+$0x0], $0xffff;
	v27 =	vand.u32 $0x18, v62  }
0x31e: {  	[tilespmem:s0+$0xFFFFFFE0] =	vst v63;
	v18 =	vshrl.u32 v44, $0x2;
	v17 =	vshll.u32 v44, $0x3;
	v36 =	vld.idx.msk [tilespmem:v56+s24+$0x0], $0xffff;
	v27 =	vshrl.u32 v32, v27  }
0x31f: {  	s22 =	simm.s32 $0x6;
	s4 =	simm.s32 $0x8980;
	[tilespmem:s0+$0x70] =	vst v39;
	v17 =	vand.u32 $0x18, v17;
	v32 =	vshll.u32 v61, $0x3;
	v37 =	vand.u32 $0xFF, v27;
	v27 =	vld [tilespmem:s2+$0x70]  }
.LBB2_10:
0x320: {  	v38 =	vld [tilespmem:s4+$0x0];
	[tilespmem:s2+$0x50] =	vst v37;
	v29 =	vshrl.u32 v29, v9;
	v9 =	vmovc v10;
	v10 =	vmov v12;
	v12 =	vand.u32 $0x18, v32  }
0x321: {  	s22 =	sadd.s32 $0x2, s22;
	v28 =	vshll.u32 v28, $0x3;
	v33 =	vshrl.u32 v33, v16;
	v16 =	vmovc v30;
	v32 =	vshrl.u32 v31, $0x2;
	v34 =	vld.idx.msk [tilespmem:v34+s24+$0x0], $0xffff  }
0x322: {  	p0 =	slt.u32 s22, $0x62;
	v28 =	vand.u32 $0x18, v28;
	v33 =	vand.u32 $0xFF, v33;
	v29 =	vand.u32 $0xFF, v29;
	v30 =	vld [tilespmem:s4+$0xFFFFFF80]  }
0x323: {  	v28 =	vshrl.u32 v35, v28;
	v37 =	vld [tilespmem:s4+$0xFFFFFF90];
	[tilespmem:s2+$0xFFFFFFD0] =	vst v33  }
0x324: {  	v25 =	vshrl.u32 v36, v25;
	v28 =	vand.u32 $0xFF, v28;
	v33 =	vld [tilespmem:s4+$0xFFFFFFA0];
	[tilespmem:s31+$0xFFFFFFF0] =	vst v29;
	s31 =	smov.u32 s0;
	s0 =	smov.u32 s2;
	s2 =	smov.u32 s1  }
0x325: {  	v26 =	vshll.u32 v26, $0x3;
	v25 =	vand.u32 $0xFF, v25;
	s1 =	smov.u32 s4;
	[tilespmem:s2+$0x20] =	vst v28;
	v29 =	vld [tilespmem:s2+$0x40];
	v28 =	vshrl.u32 v27, $0x2  }
0x326: {  	v35 =	vshrl.u32 v38, $0x2;
	[tilespmem:s2+$0xFFFFFFA0] =	vst v25;
	v32 =	vld.idx.msk [tilespmem:v32+s24+$0x0], $0xffff;
	v25 =	vand.u32 $0x18, v26  }
0x327: {  	v26 =	vshrl.u32 v30, $0x2;
	v30 =	vshll.u32 v30, $0x3;
	v36 =	vld [tilespmem:s4+$0xFFFFFFB0];
	v25 =	vshrl.u32 v34, v25  }
0x328: {  	v30 =	vand.u32 $0x18, v30;
	v34 =	vshrl.u32 v37, $0x2;
	v39 =	vld.idx.msk [tilespmem:v24+s24+$0x0], $0xffff;
	v24 =	vand.u32 $0xFF, v25  }
0x329: {  	v25 =	vshll.u32 v37, $0x3;
	v37 =	vshrl.u32 v33, $0x2;
	v33 =	vshll.u32 v33, $0x3;
	v40 =	vld [tilespmem:s4+$0x10];
	[tilespmem:s0+$0x60] =	vst v24  }
0x32a: {  	v41 =	vand.u32 $0x18, v25;
	v24 =	vshll.u32 v31, $0x3;
	v31 =	vshrl.u32 v29, $0x2;
	v28 =	vld.idx.msk [tilespmem:v28+s24+$0x0], $0xffff  }
0x32b: {  	v25 =	vand.u32 $0x18, v33;
	v33 =	vld.idx.msk [tilespmem:v35+s24+$0x0], $0xffff;
	v35 =	vand.u32 $0x18, v24  }
0x32c: {  	v26 =	vld.idx.msk [tilespmem:v26+s24+$0x0], $0xffff;
	v24 =	vshrl.u32 v36, $0x2;
	v36 =	vshll.u32 v36, $0x3;
	v32 =	vshrl.u32 v32, v35  }
0x32d: {  	v35 =	vand.u32 $0x18, v36;
	v36 =	vld [tilespmem:s4+$0xFFFFFFC0];
	v32 =	vand.u32 $0xFF, v32  }
0x32e: {  	v27 =	vshll.u32 v27, $0x3;
	v39 =	vshrl.u32 v39, v21;
	[tilespmem:s2+$0x30] =	vst v32;
	v32 =	vld [tilespmem:s2+$0x50];
	v21 =	vmov v35  }
0x32f: {  	v27 =	vand.u32 $0x18, v27;
	v35 =	vshll.u32 v38, $0x3;
	v38 =	vshrl.u32 v40, $0x2;
	v31 =	vld.idx.msk [tilespmem:v31+s24+$0x0], $0xffff  }
0x330: {  	v39 =	vand.u32 $0xFF, v39;
	v35 =	vand.u32 $0x18, v35;
	v27 =	vshrl.u32 v28, v27;
	v42 =	vld [tilespmem:s4+$0xFFFFFFD0]  }
0x331: {  	v28 =	vshrl.u32 v33, v35;
	v27 =	vand.u32 $0xFF, v27;
	v43 =	vld [tilespmem:s4+$0xFFFFFFE0];
	[tilespmem:s2+$0xFFFFFFB0] =	vst v39  }
0x332: {  	v26 =	vshrl.u32 v26, v30;
	v28 =	vand.u32 $0xFF, v28;
	v33 =	vld.idx.msk [tilespmem:v19+s24+$0x0], $0xffff;
	v19 =	vshrl.u32 v36, $0x2;
	[tilespmem:s0+$0x70] =	vst v27  }
0x333: {  	v26 =	vand.u32 $0xFF, v26;
	v27 =	vshll.u32 v29, $0x3;
	[tilespmem:s4+$0x0] =	vst v28;
	v28 =	vld [tilespmem:s4+$0x20];
	v29 =	vshrl.u32 v32, $0x2  }
0x334: {  	v27 =	vand.u32 $0x18, v27;
	[tilespmem:s4+$0xFFFFFF80] =	vst v26;
	v26 =	vshll.u32 v36, $0x3;
	v35 =	vld.idx.msk [tilespmem:v38+s24+$0x0], $0xffff  }
0x335: {  	v34 =	vld.idx.msk [tilespmem:v34+s24+$0x0], $0xffff;
	v36 =	vand.u32 $0x18, v26;
	v38 =	vshrl.u32 v42, $0x2;
	v26 =	vshrl.u32 v31, v27  }
0x336: {  	v27 =	vshll.u32 v42, $0x3;
	v26 =	vand.u32 $0xFF, v26;
	v39 =	vld.idx.msk [tilespmem:v15+s24+$0x0], $0xffff;
	v15 =	vmovc v18;
	v18 =	vshrl.u32 v43, $0x2  }
0x337: {  	v30 =	vand.u32 $0x18, v27;
	v27 =	vshll.u32 v43, $0x3;
	[tilespmem:s2+$0x40] =	vst v26;
	v26 =	vld [tilespmem:s2+$0x60]  }
0x338: {  	v31 =	vshll.u32 v40, $0x3;
	v33 =	vshrl.u32 v33, v22;
	v22 =	vmovc v36;
	v40 =	vshrl.u32 v28, $0x2;
	v42 =	vld.idx.msk [tilespmem:v29+s24+$0x0], $0xffff  }
0x339: {  	v27 =	vand.u32 $0x18, v27;
	v29 =	vand.u32 $0x18, v31;
	v31 =	vand.u32 $0xFF, v33;
	v43 =	vld [tilespmem:s4+$0xFFFFFFF0]  }
0x33a: {  	v33 =	vshrl.u32 v35, v29;
	[tilespmem:s2+$0xFFFFFFC0] =	vst v31;
	v29 =	vld.idx.msk [tilespmem:v11+s24+$0x0], $0xffff;
	v11 =	vmov v13;
	v13 =	vmov v23  }
.Ltmp4:
0x33b: {  	v23 =	vshrl.u32 v34, v41;
	v31 =	vand.u32 $0xFF, v33;
	v33 =	vld.idx.msk [tilespmem:v20+s24+$0x0], $0xffff;
	v20 =	vmov v38;
	(pc) =	sbr.rel @p0 .LBB2_10-.Ltmp4, $4  }
0x33c: {  	v32 =	vshll.u32 v32, $0x3;
	v23 =	vand.u32 $0xFF, v23;
	[tilespmem:s4+$0x10] =	vst v31;
	v31 =	vld [tilespmem:s4+$0x30];
	v34 =	vshrl.u32 v26, $0x2  }
0x33d: {  	v32 =	vand.u32 $0x18, v32;
	v38 =	vshrl.u32 v39, v14;
	v14 =	vmovc v17;
	v17 =	vmov v27;
	[tilespmem:s4+$0xFFFFFF90] =	vst v23;
	v35 =	vld.idx.msk [tilespmem:v40+s24+$0x0], $0xffff  }
0x33e: {  	v38 =	vand.u32 $0xFF, v38;
	v27 =	vshrl.u32 v42, v32;
	v36 =	vld.idx.msk [tilespmem:v37+s24+$0x0], $0xffff;
	v23 =	vshrl.u32 v43, $0x2  }
0x33f: {  	s4 =	sadd.s32 $0x100, s4;
	v32 =	vshll.u32 v43, $0x3;
	v37 =	vand.u32 $0xFF, v27;
	v27 =	vld [tilespmem:s2+$0x70];
	[tilespmem:s0+$0xFFFFFFE0] =	vst v38  }
0x340: {  	v28 =	vshll.u32 v28, $0x3  }
0x341: {  	v38 =	vshrl.u32 v31, $0x2;
	v28 =	vand.u32 $0x18, v28  }
0x342: {  	v28 =	vshrl.u32 v35, v28  }
0x343: {  	v28 =	vand.u32 $0xFF, v28  }
0x344: {  	[tilespmem:s1+$0x20] =	vst v28;
	v28 =	vld [tilespmem:s1+$0x40];
	_ =	sdelay $0x1  }
0x345: {  	v25 =	vshrl.u32 v36, v25;
	v52 =	vld.idx.msk [tilespmem:v38+s24+$0x0], $0xffff  }
0x346: {  	v25 =	vand.u32 $0xFF, v25  }
0x347: {  	[tilespmem:s1+$0xFFFFFFA0] =	vst v25  }
0x348: {  	v31 =	vshll.u32 v31, $0x3;
	v24 =	vld.idx.msk [tilespmem:v24+s24+$0x0], $0xffff;
	v25 =	vshrl.u32 v28, $0x2  }
0x349: {  	v31 =	vand.u32 $0x18, v31  }
0x34a: {  	v31 =	vshrl.u32 v52, v31  }
0x34b: {  	v31 =	vand.u32 $0xFF, v31  }
0x34c: {  	[tilespmem:s1+$0x30] =	vst v31;
	v31 =	vld [tilespmem:s1+$0x50]  }
0x34d: {  	v21 =	vshrl.u32 v24, v21;
	v25 =	vld.idx.msk [tilespmem:v25+s24+$0x0], $0xffff  }
0x34e: {  	v21 =	vand.u32 $0xFF, v21  }
0x34f: {  	[tilespmem:s1+$0xFFFFFFB0] =	vst v21  }
0x350: {  	v21 =	vshll.u32 v28, $0x3;
	v19 =	vld.idx.msk [tilespmem:v19+s24+$0x0], $0xffff  }
0x351: {  	v21 =	vand.u32 $0x18, v21;
	v24 =	vshrl.u32 v31, $0x2  }
0x352: {  	v21 =	vshrl.u32 v25, v21  }
0x353: {  	v21 =	vand.u32 $0xFF, v21  }
0x354: {  	[tilespmem:s1+$0x40] =	vst v21;
	v21 =	vld [tilespmem:s1+$0x60]  }
0x355: {  	v19 =	vshrl.u32 v19, v22  }
0x356: {  	v19 =	vand.u32 $0xFF, v19;
	v22 =	vld.idx.msk [tilespmem:v24+s24+$0x0], $0xffff  }
0x357: {  	[tilespmem:s1+$0xFFFFFFC0] =	vst v19  }
0x358: {  	v19 =	vld.idx.msk [tilespmem:v20+s24+$0x0], $0xffff  }
0x359: {  	v20 =	vshll.u32 v31, $0x3;
	v24 =	vshrl.u32 v21, $0x2  }
0x35a: {  	[tilespmem:s2+$0x50] =	vst v37;
	v20 =	vand.u32 $0x18, v20  }
0x35b: {  	v25 =	vld.idx.msk [tilespmem:v34+s24+$0x0], $0xffff;
	v20 =	vshrl.u32 v22, v20  }
0x35c: {  	v16 =	vshrl.u32 v33, v16;
	v22 =	vld [tilespmem:s1+$0x70];
	v20 =	vand.u32 $0xFF, v20  }
0x35d: {  	v16 =	vand.u32 $0xFF, v16;
	v19 =	vshrl.u32 v19, v30;
	[tilespmem:s1+$0x50] =	vst v20  }
0x35e: {  	[tilespmem:s2+$0xFFFFFFD0] =	vst v16;
	v19 =	vand.u32 $0xFF, v19;
	v16 =	vld.idx.msk [tilespmem:v24+s24+$0x0], $0xffff  }
0x35f: {  	v15 =	vld.idx.msk [tilespmem:v15+s24+$0x0], $0xffff;
	[tilespmem:s1+$0xFFFFFFD0] =	vst v19;
	v20 =	vshll.u32 v26, $0x3;
	v24 =	vshrl.u32 v27, $0x2  }
0x360: {  	v18 =	vld.idx.msk [tilespmem:v18+s24+$0x0], $0xffff;
	v19 =	vand.u32 $0x18, v20  }
0x361: {  	v20 =	vshll.u32 v21, $0x3;
	v19 =	vshrl.u32 v25, v19;
	v21 =	vshrl.u32 v22, $0x2  }
0x362: {  	v20 =	vand.u32 $0x18, v20;
	v19 =	vand.u32 $0xFF, v19  }
0x363: {  	[tilespmem:s2+$0x60] =	vst v19;
	v16 =	vshrl.u32 v16, v20  }
0x364: {  	v14 =	vshrl.u32 v15, v14;
	v19 =	vld.idx.msk [tilespmem:v24+s24+$0x0], $0xffff;
	v15 =	vand.u32 $0xFF, v16  }
0x365: {  	v11 =	vld.idx.msk [tilespmem:v11+s24+$0x0], $0xffff;
	v14 =	vand.u32 $0xFF, v14;
	[tilespmem:s1+$0x60] =	vst v15;
	v15 =	vshrl.u32 v18, v17  }
0x366: {  	[tilespmem:s2+$0xFFFFFFE0] =	vst v14;
	v14 =	vld.idx.msk [tilespmem:v21+s24+$0x0], $0xffff;
	v15 =	vand.u32 $0xFF, v15  }
0x367: {  	v13 =	vld.idx.msk [tilespmem:v13+s24+$0x0], $0xffff;
	v16 =	vshll.u32 v27, $0x3;
	[tilespmem:s1+$0xFFFFFFE0] =	vst v15  }
0x368: {  	v9 =	vshrl.u32 v29, v9;
	v15 =	vand.u32 $0x18, v16;
	v16 =	vld.idx.msk [tilespmem:v23+s24+$0x0], $0xffff  }
0x369: {  	v9 =	vand.u32 $0xFF, v9;
	v17 =	vshll.u32 v22, $0x3;
	v15 =	vshrl.u32 v19, v15  }
0x36a: {  	[tilespmem:s31+$0xFFFFFFF0] =	vst v9;
	v10 =	vshrl.u32 v11, v10;
	v11 =	vand.u32 $0x18, v17;
	v9 =	vand.u32 $0xFF, v15  }
0x36b: {  	[tilespmem:s2+$0x70] =	vst v9;
	v9 =	vand.u32 $0xFF, v10;
	v10 =	vshrl.u32 v14, v11  }
0x36c: {  	v11 =	vand.u32 $0x18, v32;
	[tilespmem:s0+$0xFFFFFFF0] =	vst v9;
	v9 =	vand.u32 $0xFF, v10;
	v10 =	vshrl.u32 v13, v12  }
0x36d: {  	[tilespmem:s1+$0x70] =	vst v9;
	v9 =	vand.u32 $0xFF, v10;
	v10 =	vshrl.u32 v16, v11  }
0x36e: {  	[tilespmem:s2+$0xFFFFFFF0] =	vst v9;
	v9 =	vand.u32 $0xFF, v10  }
0x36f: {  	[tilespmem:s1+$0xFFFFFFF0] =	vst v9  }
0x370: {  	_ =	swait.ge [sflag:s29], $0x6400  }
0x371: {  	[sflag:s29] =	ssyncset.done $0x0  }
0x372: {  	s31 =	simm.s32 $0xB7F0;
	[sflag:s29] =	ssyncadd.s32 $0xFFFF9C00  }
0x373: {  	[tilespmem:s20], [sflag:$0x3] =	stream.strided.gather [hbm4b:s12+s17], $0x6400, s18, s17, $0x38;
	[tilespmem:$0x14D00] =	vst v63  }
0x374: {  	v9 =	vld [tilespmem:s31+$0xFFFFFF90];
	_ =	sdelay $0x4  }
0x375: {  	v10 =	vshrl.u32 v9, $0x2;
	_ =	sdelay $0x1  }
0x376: {  	v11 =	vld [tilespmem:s31+$0xFFFFFF10];
	_ =	sdelay $0x1  }
0x377: {  	v12 =	vld [tilespmem:s31+$0xFFFFFFA0]  }
0x378: {  	v10 =	vld.idx.msk [tilespmem:v10+s24+$0x0], $0xffff;
	_ =	sdelay $0x1  }
0x379: {  	v15 =	vld [tilespmem:s31+$0xFFFFFFB0];
	v13 =	vshrl.u32 v11, $0x2  }
0x37a: {  	v16 =	vld [tilespmem:s31+$0xFFFFFF30];
	v9 =	vshll.u32 v9, $0x3  }
0x37b: {  	v17 =	vld [tilespmem:s31+$0xFFFFFF40];
	v14 =	vshrl.u32 v12, $0x2;
	v9 =	vand.u32 $0x18, v9  }
0x37c: {  	v9 =	vshrl.u32 v10, v9;
	v10 =	vld [tilespmem:s31+$0xFFFFFF20]  }
0x37d: {  	v19 =	vld [tilespmem:s31+$0xFFFFFF50]  }
0x37e: {  	v13 =	vld.idx.msk [tilespmem:v13+s24+$0x0], $0xffff;
	v9 =	vand.u32 $0xFF, v9  }
0x37f: {  	v22 =	vld [tilespmem:s31+$0xFFFFFFD0];
	[tilespmem:s31+$0xFFFFFF90] =	vst v9  }
0x380: {  	s0 =	simm.s32 $0xB8F0;
	v14 =	vld.idx.msk [tilespmem:v14+s24+$0x0], $0xffff  }
0x381: {  	v24 =	vld [tilespmem:s0+$0xFFFFFF30];
	v9 =	vshll.u32 v11, $0x3;
	v18 =	vshrl.u32 v10, $0x2  }
0x382: {  	v26 =	vld [tilespmem:s0+$0xFFFFFF40];
	v11 =	vand.u32 $0x18, v9  }
0x383: {  	s2 =	simm.s32 $0xB9F0;
	v27 =	vld [tilespmem:s31+$0xFFFFFFE0];
	v12 =	vshll.u32 v12, $0x3;
	v20 =	vshrl.u32 v15, $0x2;
	v13 =	vshrl.u32 v13, v11  }
0x384: {  	v30 =	vld [tilespmem:s2+$0xFFFFFF30];
	v12 =	vand.u32 $0x18, v12;
	v13 =	vand.u32 $0xFF, v13  }
0x385: {  	v54 =	vld [tilespmem:s2+$0xFFFFFF40];
	[tilespmem:s31+$0xFFFFFF10] =	vst v13;
	v12 =	vshrl.u32 v14, v12  }
0x386: {  	v12 =	vand.u32 $0xFF, v12;
	v13 =	vld.idx.msk [tilespmem:v18+s24+$0x0], $0xffff  }
0x387: {  	[tilespmem:s31+$0xFFFFFFA0] =	vst v12;
	v12 =	vld [tilespmem:s31+$0xFFFFFFC0]  }
0x388: {  	v14 =	vld.idx.msk [tilespmem:v20+s24+$0x0], $0xffff  }
0x389: {  	v56 =	vld [tilespmem:s2+$0xFFFFFFA0];
	v10 =	vshll.u32 v10, $0x3;
	v18 =	vshrl.u32 v16, $0x2  }
0x38a: {  	v10 =	vand.u32 $0x18, v10;
	v20 =	vld [tilespmem:s0+$0xFFFFFF90]  }
0x38b: {  	v59 =	vld [tilespmem:s0+$0xFFFFFFE0];
	v10 =	vshrl.u32 v13, v10;
	v13 =	vshll.u32 v15, $0x3  }
0x38c: {  	v60 =	vld [tilespmem:s2+$0xFFFFFF60];
	v21 =	vshrl.u32 v12, $0x2;
	v10 =	vand.u32 $0xFF, v10;
	v13 =	vand.u32 $0x18, v13  }
0x38d: {  	[tilespmem:s31+$0xFFFFFF20] =	vst v10;
	v10 =	vld [tilespmem:s0+$0xFFFFFF10];
	v13 =	vshrl.u32 v14, v13  }
0x38e: {  	v14 =	vld.idx.msk [tilespmem:v18+s24+$0x0], $0xffff;
	v13 =	vand.u32 $0xFF, v13  }
0x38f: {  	v39 =	vld [tilespmem:s2+$0xFFFFFF70];
	[tilespmem:s31+$0xFFFFFFB0] =	vst v13;
	v13 =	vshrl.u32 v20, $0x2  }
0x390: {  	v61 =	vld [tilespmem:s2+$0xFFFFFF80]  }
0x391: {  	s1 =	simm.s32 $0xBAF0;
	v23 =	vshrl.u32 v17, $0x2;
	v16 =	vshll.u32 v16, $0x3;
	v21 =	vld.idx.msk [tilespmem:v21+s24+$0x0], $0xffff  }
0x392: {  	v62 =	vld [tilespmem:s1+$0xFFFFFF90];
	v16 =	vand.u32 $0x18, v16;
	v25 =	vshrl.u32 v10, $0x2  }
0x393: {  	v14 =	vshrl.u32 v14, v16;
	v16 =	vld [tilespmem:s0+$0xFFFFFFA0]  }
0x394: {  	v12 =	vshll.u32 v12, $0x3;
	v14 =	vand.u32 $0xFF, v14;
	v13 =	vld.idx.msk [tilespmem:v13+s24+$0x0], $0xffff  }
0x395: {  	v12 =	vand.u32 $0x18, v12;
	v18 =	vld [tilespmem:s0+$0xFFFFFF20];
	[tilespmem:s31+$0xFFFFFF30] =	vst v14;
	v14 =	vshrl.u32 v22, $0x2  }
0x396: {  	v12 =	vshrl.u32 v21, v12;
	v23 =	vld.idx.msk [tilespmem:v23+s24+$0x0], $0xffff  }
0x397: {  	v20 =	vshll.u32 v20, $0x3;
	v12 =	vand.u32 $0xFF, v12;
	v21 =	vld.idx.msk [tilespmem:v25+s24+$0x0], $0xffff  }
0x398: {  	v47 =	vld [tilespmem:s1+$0xFFFFFF10];
	v20 =	vand.u32 $0x18, v20;
	[tilespmem:s31+$0xFFFFFFC0] =	vst v12;
	v12 =	vshrl.u32 v16, $0x2  }
0x399: {  	v50 =	vld [tilespmem:s1+$0xFFFFFF30];
	v17 =	vshll.u32 v17, $0x3;
	v13 =	vshrl.u32 v13, v20;
	v20 =	vshrl.u32 v19, $0x2  }
0x39a: {  	v17 =	vand.u32 $0x18, v17;
	v10 =	vshll.u32 v10, $0x3;
	v29 =	vshrl.u32 v18, $0x2;
	v14 =	vld.idx.msk [tilespmem:v14+s24+$0x0], $0xffff  }
0x39b: {  	v10 =	vand.u32 $0x18, v10;
	v28 =	vand.u32 $0xFF, v13;
	v17 =	vshrl.u32 v23, v17;
	v23 =	vld [tilespmem:s0+$0xFFFFFFB0]  }
0x39c: {  	v9 =	vld [tilespmem:s31+$0xFFFFFF60];
	[tilespmem:s0+$0xFFFFFF90] =	vst v28;
	v17 =	vand.u32 $0xFF, v17;
	v21 =	vshrl.u32 v21, v10  }
0x39d: {  	v22 =	vshll.u32 v22, $0x3;
	v12 =	vld.idx.msk [tilespmem:v12+s24+$0x0], $0xffff;
	[tilespmem:s31+$0xFFFFFF40] =	vst v17;
	v17 =	vand.u32 $0xFF, v21;
	v21 =	vshrl.u32 v27, $0x2  }
0x39e: {  	v22 =	vand.u32 $0x18, v22;
	v20 =	vld.idx.msk [tilespmem:v20+s24+$0x0], $0xffff;
	[tilespmem:s0+$0xFFFFFF10] =	vst v17  }
0x39f: {  	v16 =	vshll.u32 v16, $0x3;
	v14 =	vshrl.u32 v14, v22;
	v17 =	vld.idx.msk [tilespmem:v29+s24+$0x0], $0xffff  }
0x3a0: {  	v19 =	vshll.u32 v19, $0x3;
	v28 =	vld [tilespmem:s31+$0xFFFFFFF0];
	v14 =	vand.u32 $0xFF, v14;
	v22 =	vshrl.u32 v23, $0x2  }
0x3a1: {  	v11 =	vld [tilespmem:s31+$0xFFFFFF70];
	[tilespmem:s31+$0xFFFFFFD0] =	vst v14;
	v14 =	vand.u32 $0x18, v16;
	v16 =	vand.u32 $0x18, v19;
	v19 =	vshrl.u32 v9, $0x2  }
0x3a2: {  	v12 =	vshrl.u32 v12, v14;
	v14 =	vshll.u32 v18, $0x3;
	v18 =	vshrl.u32 v24, $0x2;
	v21 =	vld.idx.msk [tilespmem:v21+s24+$0x0], $0xffff  }
0x3a3: {  	v15 =	vld [tilespmem:s31+$0xFFFFFF80];
	v12 =	vand.u32 $0xFF, v12;
	v29 =	vand.u32 $0x18, v14;
	v16 =	vshrl.u32 v20, v16  }
0x3a4: {  	[tilespmem:s0+$0xFFFFFFA0] =	vst v12;
	v12 =	vand.u32 $0xFF, v16;
	v16 =	vshrl.u32 v17, v29;
	v17 =	vld [tilespmem:s0+$0xFFFFFFC0]  }
0x3a5: {  	v20 =	vshll.u32 v27, $0x3;
	[tilespmem:s31+$0xFFFFFF50] =	vst v12;
	v12 =	vand.u32 $0xFF, v16;
	v16 =	vld.idx.msk [tilespmem:v22+s24+$0x0], $0xffff;
	v22 =	vshrl.u32 v28, $0x2  }
0x3a6: {  	v33 =	vshll.u32 v54, $0x3;
	v49 =	vshrl.u32 v60, $0x2;
	v19 =	vld.idx.msk [tilespmem:v19+s24+$0x0], $0xffff;
	[tilespmem:s0+$0xFFFFFF20] =	vst v12;
	v12 =	vand.u32 $0x18, v20  }
0x3a7: {  	v41 =	vshrl.u32 v62, $0x2;
	v42 =	vshrl.u32 v47, $0x2;
	v18 =	vld.idx.msk [tilespmem:v18+s24+$0x0], $0xffff;
	v12 =	vshrl.u32 v21, v12  }
0x3a8: {  	v34 =	vshll.u32 v62, $0x3;
	v21 =	vshll.u32 v23, $0x3;
	v23 =	vld [tilespmem:s2+$0xFFFFFF90];
	v12 =	vand.u32 $0xFF, v12  }
0x3a9: {  	v9 =	vshll.u32 v9, $0x3;
	v29 =	vld [tilespmem:s2+$0xFFFFFF10];
	v21 =	vand.u32 $0x18, v21;
	v27 =	vshrl.u32 v17, $0x2;
	[tilespmem:s31+$0xFFFFFFE0] =	vst v12  }
0x3aa: {  	v55 =	vand.u32 $0x18, v9;
	v12 =	vshrl.u32 v16, v21;
	v16 =	vld.idx.msk [tilespmem:v22+s24+$0x0], $0xffff;
	v21 =	vshll.u32 v24, $0x3  }
0x3ab: {  	v22 =	vshrl.u32 v26, $0x2;
	v12 =	vand.u32 $0xFF, v12;
	v19 =	vshrl.u32 v19, v55;
	v55 =	vld [tilespmem:s2+$0xFFFFFFE0]  }
0x3ac: {  	v38 =	vshll.u32 v50, $0x3;
	v34 =	vand.u32 $0x18, v34;
	[tilespmem:s0+$0xFFFFFFB0] =	vst v12;
	v12 =	vand.u32 $0x18, v21;
	v21 =	vld [tilespmem:s0+$0xFFFFFFD0]  }
0x3ad: {  	v53 =	vshrl.u32 v11, $0x2;
	v25 =	vld [tilespmem:s0+$0xFFFFFF50];
	v12 =	vshrl.u32 v18, v12;
	v18 =	vshrl.u32 v23, $0x2  }
0x3ae: {  	v11 =	vshll.u32 v11, $0x3;
	v31 =	vshrl.u32 v29, $0x2;
	v27 =	vld.idx.msk [tilespmem:v27+s24+$0x0], $0xffff;
	v12 =	vand.u32 $0xFF, v12  }
0x3af: {  	v20 =	vld [tilespmem:s31+$0x0];
	v9 =	vshll.u32 v17, $0x3;
	v17 =	vshrl.u32 v15, $0x2;
	v23 =	vshll.u32 v23, $0x3;
	[tilespmem:s0+$0xFFFFFF30] =	vst v12  }
0x3b0: {  	v58 =	vand.u32 $0x18, v9;
	v23 =	vand.u32 $0x18, v23;
	v12 =	vand.u32 $0x18, v11;
	v11 =	vld.idx.msk [tilespmem:v22+s24+$0x0], $0xffff  }
0x3b1: {  	v24 =	vld [tilespmem:s2+$0xFFFFFF20];
	v22 =	vshll.u32 v15, $0x3;
	v62 =	vshll.u32 v55, $0x3;
	v57 =	vshrl.u32 v21, $0x2  }
0x3b2: {  	v9 =	vand.u32 $0x18, v22;
	v22 =	vshll.u32 v26, $0x3;
	v26 =	vshll.u32 v25, $0x3;
	v15 =	vld.idx.msk [tilespmem:v18+s24+$0x0], $0xffff  }
0x3b3: {  	v13 =	vld [tilespmem:s0+$0xFFFFFF60];
	v25 =	vshrl.u32 v25, $0x2;
	v22 =	vand.u32 $0x18, v22;
	v18 =	vshrl.u32 v27, v58  }
0x3b4: {  	v10 =	vld [tilespmem:s0+$0xFFFFFF70];
	v26 =	vand.u32 $0x18, v26;
	v58 =	vshrl.u32 v55, $0x2;
	v18 =	vand.u32 $0xFF, v18  }
0x3b5: {  	v27 =	vld.idx.msk [tilespmem:v31+s24+$0x0], $0xffff;
	[tilespmem:s0+$0xFFFFFFC0] =	vst v18;
	v18 =	vshll.u32 v28, $0x3;
	v11 =	vshrl.u32 v11, v22;
	v22 =	vshrl.u32 v56, $0x2  }
0x3b6: {  	v14 =	vld [tilespmem:s0+$0xFFFFFF80];
	v28 =	vshrl.u32 v20, $0x2;
	v18 =	vand.u32 $0x18, v18;
	v11 =	vand.u32 $0xFF, v11  }
0x3b7: {  	v36 =	vld.idx.msk [tilespmem:v57+s24+$0x0], $0xffff;
	v15 =	vshrl.u32 v15, v23;
	v23 =	vshll.u32 v29, $0x3;
	v29 =	vshrl.u32 v24, $0x2;
	[tilespmem:s0+$0xFFFFFF40] =	vst v11  }
0x3b8: {  	v11 =	vand.u32 $0xFF, v15;
	v15 =	vshrl.u32 v16, v18;
	v16 =	vand.u32 $0x18, v23;
	v23 =	vld.idx.msk [tilespmem:v25+s24+$0x0], $0xffff  }
0x3b9: {  	v25 =	vshrl.u32 v13, $0x2;
	[tilespmem:s2+$0xFFFFFF90] =	vst v11;
	v11 =	vshll.u32 v21, $0x3;
	v15 =	vand.u32 $0xFF, v15;
	v21 =	vld [tilespmem:s2+$0xFFFFFFB0]  }
0x3ba: {  	v13 =	vshll.u32 v13, $0x3;
	v18 =	vshrl.u32 v10, $0x2;
	v16 =	vshrl.u32 v27, v16;
	[tilespmem:s31+$0xFFFFFFF0] =	vst v15;
	v22 =	vld.idx.msk [tilespmem:v22+s24+$0x0], $0xffff  }
0x3bb: {  	v11 =	vand.u32 $0x18, v11;
	v15 =	vand.u32 $0xFF, v16;
	v16 =	vshrl.u32 v59, $0x2;
	v27 =	vld.idx.msk [tilespmem:v28+s24+$0x0], $0xffff  }
0x3bc: {  	v11 =	vshrl.u32 v36, v11;
	[tilespmem:s2+$0xFFFFFF10] =	vst v15;
	v15 =	vand.u32 $0xFF, v19;
	v28 =	vand.u32 $0x18, v13;
	v13 =	vld [tilespmem:s0+$0xFFFFFFF0]  }
0x3bd: {  	v10 =	vshll.u32 v10, $0x3;
	v11 =	vand.u32 $0xFF, v11;
	v19 =	vld.idx.msk [tilespmem:v29+s24+$0x0], $0xffff;
	[tilespmem:s31+$0xFFFFFF60] =	vst v15;
	v15 =	vshll.u32 v56, $0x3  }
0x3be: {  	v56 =	vshrl.u32 v50, $0x2;
	[tilespmem:s0+$0xFFFFFFD0] =	vst v11;
	v11 =	vshll.u32 v24, $0x3;
	v24 =	vld.idx.msk [tilespmem:v53+s24+$0x0], $0xffff;
	v23 =	vshrl.u32 v23, v26  }
0x3bf: {  	v15 =	vand.u32 $0x18, v15;
	v26 =	vshrl.u32 v30, $0x2;
	v53 =	vld.idx.msk [tilespmem:v41+s24+$0x0], $0xffff;
	v29 =	vshrl.u32 v21, $0x2  }
0x3c0: {  	v30 =	vshll.u32 v30, $0x3;
	v23 =	vand.u32 $0xFF, v23;
	v16 =	vld.idx.msk [tilespmem:v16+s24+$0x0], $0xffff;
	v15 =	vshrl.u32 v22, v15  }
0x3c1: {  	v43 =	vld [tilespmem:s1+$0xFFFFFF40];
	v22 =	vand.u32 $0x18, v11;
	[tilespmem:s0+$0xFFFFFF50] =	vst v23;
	v23 =	vand.u32 $0x18, v10;
	v15 =	vand.u32 $0xFF, v15  }
0x3c2: {  	v11 =	vshrl.u32 v14, $0x2;
	v10 =	vshrl.u32 v19, v22;
	[tilespmem:s2+$0xFFFFFFA0] =	vst v15;
	v22 =	vld [tilespmem:s2+$0xFFFFFFC0];
	v15 =	vshll.u32 v59, $0x3  }
0x3c3: {  	v19 =	vld.idx.msk [tilespmem:v25+s24+$0x0], $0xffff;
	v25 =	vshrl.u32 v13, $0x2;
	v13 =	vshll.u32 v13, $0x3;
	v10 =	vand.u32 $0xFF, v10  }
0x3c4: {  	v14 =	vshll.u32 v14, $0x3;
	v15 =	vand.u32 $0x18, v15;
	v13 =	vand.u32 $0x18, v13;
	[tilespmem:s2+$0xFFFFFF20] =	vst v10;
	v29 =	vld.idx.msk [tilespmem:v29+s24+$0x0], $0xffff  }
0x3c5: {  	v12 =	vshrl.u32 v24, v12;
	v32 =	vshrl.u32 v53, v34;
	v26 =	vld.idx.msk [tilespmem:v26+s24+$0x0], $0xffff;
	v15 =	vshrl.u32 v16, v15  }
0x3c6: {  	v31 =	vld [tilespmem:s2+$0xFFFFFF50];
	v10 =	vand.u32 $0x18, v14;
	v14 =	vand.u32 $0x18, v30;
	v15 =	vand.u32 $0xFF, v15  }
0x3c7: {  	v57 =	vld [tilespmem:s1+$0xFFFFFF60];
	v30 =	vshrl.u32 v54, $0x2;
	[tilespmem:s0+$0xFFFFFFE0] =	vst v15;
	v15 =	vshll.u32 v21, $0x3;
	v21 =	vshrl.u32 v22, $0x2  }
0x3c8: {  	v52 =	vand.u32 $0xFF, v12;
	v12 =	vshll.u32 v61, $0x3;
	v25 =	vld.idx.msk [tilespmem:v25+s24+$0x0], $0xffff;
	v15 =	vand.u32 $0x18, v15  }
0x3c9: {  	v16 =	vshll.u32 v20, $0x3;
	v20 =	vld [tilespmem:s0+$0x0];
	v12 =	vand.u32 $0x18, v12;
	v15 =	vshrl.u32 v29, v15  }
0x3ca: {  	v16 =	vand.u32 $0x18, v16;
	v15 =	vand.u32 $0xFF, v15;
	v14 =	vshrl.u32 v26, v14;
	v26 =	vld [tilespmem:s2+$0xFFFFFFD0]  }
0x3cb: {  	v54 =	vld [tilespmem:s1+$0xFFFFFF50];
	v16 =	vshrl.u32 v27, v16;
	v27 =	vand.u32 $0x18, v33;
	[tilespmem:s2+$0xFFFFFFB0] =	vst v15;
	v14 =	vand.u32 $0xFF, v14  }
0x3cc: {  	v22 =	vshll.u32 v22, $0x3;
	v19 =	vshrl.u32 v19, v28;
	v63 =	vand.u32 $0xFF, v16;
	v21 =	vld.idx.msk [tilespmem:v21+s24+$0x0], $0xffff;
	[tilespmem:s2+$0xFFFFFF30] =	vst v14  }
0x3cd: {  	v16 =	vshll.u32 v31, $0x3;
	v22 =	vand.u32 $0x18, v22;
	v13 =	vshrl.u32 v25, v13;
	v25 =	vld.idx.msk [tilespmem:v30+s24+$0x0], $0xffff  }
0x3ce: {  	v19 =	vand.u32 $0xFF, v19;
	v29 =	vshrl.u32 v31, $0x2;
	v40 =	vshrl.u32 v20, $0x2;
	v30 =	vld [tilespmem:s1+$0xFFFFFFA0]  }
0x3cf: {  	v31 =	vld [tilespmem:s1+$0xFFFFFF20];
	v48 =	vand.u32 $0x18, v16;
	v16 =	vshll.u32 v60, $0x3;
	v24 =	vshrl.u32 v26, $0x2  }
0x3d0: {  	v28 =	vld.idx.msk [tilespmem:v42+s24+$0x0], $0xffff;
	[tilespmem:s0+$0xFFFFFF60] =	vst v19;
	v19 =	vshll.u32 v43, $0x3;
	v16 =	vand.u32 $0x18, v16;
	v20 =	vshll.u32 v20, $0x3  }
0x3d1: {  	v60 =	vld.idx.msk [tilespmem:v18+s24+$0x0], $0xffff;
	v18 =	vshll.u32 v54, $0x3;
	v13 =	vand.u32 $0xFF, v13;
	v21 =	vshrl.u32 v21, v22  }
0x3d2: {  	v15 =	vshrl.u32 v39, $0x2;
	[tilespmem:s0+$0xFFFFFFF0] =	vst v13;
	v13 =	vshrl.u32 v61, $0x2;
	v61 =	vld [tilespmem:s1+$0xFFFFFF80];
	v21 =	vand.u32 $0xFF, v21  }
0x3d3: {  	v51 =	vld.idx.msk [tilespmem:v40+s24+$0x0], $0xffff;
	v22 =	vshll.u32 v47, $0x3;
	v25 =	vshrl.u32 v25, v27;
	v27 =	vshrl.u32 v30, $0x2;
	[tilespmem:s2+$0xFFFFFFC0] =	vst v21  }
0x3d4: {  	v22 =	vand.u32 $0x18, v22;
	v21 =	vshrl.u32 v31, $0x2;
	v25 =	vand.u32 $0xFF, v25;
	v24 =	vld.idx.msk [tilespmem:v24+s24+$0x0], $0xffff  }
0x3d5: {  	v20 =	vand.u32 $0x18, v20;
	v14 =	vshll.u32 v39, $0x3;
	v22 =	vshrl.u32 v28, v22;
	v28 =	vld [tilespmem:s1+$0xFFFFFFB0];
	[tilespmem:s2+$0xFFFFFF40] =	vst v25  }
0x3d6: {  	[tilespmem:s31+$0x0] =	vst v63;
	v14 =	vand.u32 $0x18, v14;
	v23 =	vshrl.u32 v60, v23;
	v25 =	vand.u32 $0xFF, v32;
	v29 =	vld.idx.msk [tilespmem:v29+s24+$0x0], $0xffff  }
0x3d7: {  	v31 =	vshll.u32 v31, $0x3;
	v22 =	vand.u32 $0xFF, v22;
	[tilespmem:s1+$0xFFFFFF90] =	vst v25;
	v25 =	vshll.u32 v26, $0x3  }
0x3d8: {  	v63 =	vand.u32 $0xFF, v23;
	v31 =	vand.u32 $0x18, v31;
	[tilespmem:s1+$0xFFFFFF10] =	vst v22;
	v26 =	vand.u32 $0x18, v25;
	v27 =	vld.idx.msk [tilespmem:v27+s24+$0x0], $0xffff  }
0x3d9: {  	v23 =	vshrl.u32 v61, $0x2;
	v20 =	vshrl.u32 v51, v20;
	v59 =	vld.idx.msk [tilespmem:v21+s24+$0x0], $0xffff;
	v22 =	vshrl.u32 v24, v26  }
0x3da: {  	v39 =	vand.u32 $0xFF, v20;
	v20 =	vshll.u32 v30, $0x3;
	v26 =	vld [tilespmem:s2+$0xFFFFFFF0];
	v22 =	vand.u32 $0xFF, v22  }
0x3db: {  	v44 =	vld [tilespmem:s1+$0xFFFFFF70];
	v30 =	vshll.u32 v57, $0x3;
	v45 =	vshrl.u32 v28, $0x2;
	v29 =	vshrl.u32 v29, v48;
	[tilespmem:s2+$0xFFFFFFD0] =	vst v22  }
0x3dc: {  	[tilespmem:s31+$0xFFFFFF70] =	vst v52;
	v20 =	vand.u32 $0x18, v20;
	v22 =	vand.u32 $0x18, v18;
	v18 =	vand.u32 $0xFF, v29;
	v32 =	vld.idx.msk [tilespmem:v58+s24+$0x0], $0xffff  }
0x3dd: {  	v25 =	vand.u32 $0x18, v38;
	v30 =	vand.u32 $0x18, v30;
	v29 =	vld.idx.msk [tilespmem:v17+s24+$0x0], $0xffff;
	v27 =	vshrl.u32 v27, v20;
	[tilespmem:s2+$0xFFFFFF50] =	vst v18  }
0x3de: {  	v21 =	vand.u32 $0x18, v19;
	v17 =	vand.u32 $0xFF, v27;
	v27 =	vshrl.u32 v59, v31;
	v33 =	vld.idx.msk [tilespmem:v49+s24+$0x0], $0xffff  }
0x3df: {  	v19 =	vshrl.u32 v54, $0x2;
	v31 =	vld [tilespmem:s1+$0xFFFFFFC0];
	[tilespmem:s1+$0xFFFFFFA0] =	vst v17;
	v27 =	vand.u32 $0xFF, v27;
	v34 =	vshrl.u32 v26, $0x2  }
0x3e0: {  	v24 =	vshrl.u32 v43, $0x2;
	v20 =	vshrl.u32 v57, $0x2;
	[tilespmem:s1+$0xFFFFFF20] =	vst v27;
	v35 =	vld.idx.msk [tilespmem:v45+s24+$0x0], $0xffff;
	v27 =	vand.u32 $0x18, v62  }
0x3e1: {  	[tilespmem:s0+$0xFFFFFF70] =	vst v63;
	v18 =	vshrl.u32 v44, $0x2;
	v17 =	vshll.u32 v44, $0x3;
	v36 =	vld.idx.msk [tilespmem:v56+s24+$0x0], $0xffff;
	v27 =	vshrl.u32 v32, v27  }
0x3e2: {  	s22 =	simm.s32 $0x6A;
	s4 =	simm.s32 $0xBBF0;
	[tilespmem:s0+$0x0] =	vst v39;
	v17 =	vand.u32 $0x18, v17;
	v32 =	vshll.u32 v61, $0x3;
	v37 =	vand.u32 $0xFF, v27;
	v27 =	vld [tilespmem:s2+$0x0]  }
.LBB2_12:
0x3e3: {  	v38 =	vld [tilespmem:s4+$0xFFFFFF90];
	[tilespmem:s2+$0xFFFFFFE0] =	vst v37;
	v29 =	vshrl.u32 v29, v9;
	v9 =	vmovc v10;
	v10 =	vmov v12;
	v12 =	vand.u32 $0x18, v32  }
0x3e4: {  	s22 =	sadd.s32 $0x2, s22;
	v28 =	vshll.u32 v28, $0x3;
	v33 =	vshrl.u32 v33, v16;
	v16 =	vmovc v30;
	v32 =	vshrl.u32 v31, $0x2;
	v34 =	vld.idx.msk [tilespmem:v34+s24+$0x0], $0xffff  }
0x3e5: {  	p0 =	slt.u32 s22, $0xC6;
	v28 =	vand.u32 $0x18, v28;
	v33 =	vand.u32 $0xFF, v33;
	v29 =	vand.u32 $0xFF, v29;
	v30 =	vld [tilespmem:s4+$0xFFFFFF10]  }
0x3e6: {  	v28 =	vshrl.u32 v35, v28;
	v37 =	vld [tilespmem:s4+$0xFFFFFF20];
	[tilespmem:s2+$0xFFFFFF60] =	vst v33  }
0x3e7: {  	v25 =	vshrl.u32 v36, v25;
	v28 =	vand.u32 $0xFF, v28;
	v33 =	vld [tilespmem:s4+$0xFFFFFF30];
	[tilespmem:s31+$0xFFFFFF80] =	vst v29;
	s31 =	smov.u32 s0;
	s0 =	smov.u32 s2;
	s2 =	smov.u32 s1  }
0x3e8: {  	v26 =	vshll.u32 v26, $0x3;
	v25 =	vand.u32 $0xFF, v25;
	s1 =	smov.u32 s4;
	[tilespmem:s2+$0xFFFFFFB0] =	vst v28;
	v29 =	vld [tilespmem:s2+$0xFFFFFFD0];
	v28 =	vshrl.u32 v27, $0x2  }
0x3e9: {  	v35 =	vshrl.u32 v38, $0x2;
	[tilespmem:s2+$0xFFFFFF30] =	vst v25;
	v32 =	vld.idx.msk [tilespmem:v32+s24+$0x0], $0xffff;
	v25 =	vand.u32 $0x18, v26  }
0x3ea: {  	v26 =	vshrl.u32 v30, $0x2;
	v30 =	vshll.u32 v30, $0x3;
	v36 =	vld [tilespmem:s4+$0xFFFFFF40];
	v25 =	vshrl.u32 v34, v25  }
0x3eb: {  	v30 =	vand.u32 $0x18, v30;
	v34 =	vshrl.u32 v37, $0x2;
	v39 =	vld.idx.msk [tilespmem:v24+s24+$0x0], $0xffff;
	v24 =	vand.u32 $0xFF, v25  }
0x3ec: {  	v25 =	vshll.u32 v37, $0x3;
	v37 =	vshrl.u32 v33, $0x2;
	v33 =	vshll.u32 v33, $0x3;
	v40 =	vld [tilespmem:s4+$0xFFFFFFA0];
	[tilespmem:s0+$0xFFFFFFF0] =	vst v24  }
0x3ed: {  	v41 =	vand.u32 $0x18, v25;
	v24 =	vshll.u32 v31, $0x3;
	v31 =	vshrl.u32 v29, $0x2;
	v28 =	vld.idx.msk [tilespmem:v28+s24+$0x0], $0xffff  }
0x3ee: {  	v25 =	vand.u32 $0x18, v33;
	v33 =	vld.idx.msk [tilespmem:v35+s24+$0x0], $0xffff;
	v35 =	vand.u32 $0x18, v24  }
0x3ef: {  	v26 =	vld.idx.msk [tilespmem:v26+s24+$0x0], $0xffff;
	v24 =	vshrl.u32 v36, $0x2;
	v36 =	vshll.u32 v36, $0x3;
	v32 =	vshrl.u32 v32, v35  }
0x3f0: {  	v35 =	vand.u32 $0x18, v36;
	v36 =	vld [tilespmem:s4+$0xFFFFFF50];
	v32 =	vand.u32 $0xFF, v32  }
0x3f1: {  	v27 =	vshll.u32 v27, $0x3;
	v39 =	vshrl.u32 v39, v21;
	[tilespmem:s2+$0xFFFFFFC0] =	vst v32;
	v32 =	vld [tilespmem:s2+$0xFFFFFFE0];
	v21 =	vmov v35  }
0x3f2: {  	v27 =	vand.u32 $0x18, v27;
	v35 =	vshll.u32 v38, $0x3;
	v38 =	vshrl.u32 v40, $0x2;
	v31 =	vld.idx.msk [tilespmem:v31+s24+$0x0], $0xffff  }
0x3f3: {  	v39 =	vand.u32 $0xFF, v39;
	v35 =	vand.u32 $0x18, v35;
	v27 =	vshrl.u32 v28, v27;
	v42 =	vld [tilespmem:s4+$0xFFFFFF60]  }
0x3f4: {  	v28 =	vshrl.u32 v33, v35;
	v27 =	vand.u32 $0xFF, v27;
	v43 =	vld [tilespmem:s4+$0xFFFFFF70];
	[tilespmem:s2+$0xFFFFFF40] =	vst v39  }
0x3f5: {  	v26 =	vshrl.u32 v26, v30;
	v28 =	vand.u32 $0xFF, v28;
	v33 =	vld.idx.msk [tilespmem:v19+s24+$0x0], $0xffff;
	v19 =	vshrl.u32 v36, $0x2;
	[tilespmem:s0+$0x0] =	vst v27  }
0x3f6: {  	v26 =	vand.u32 $0xFF, v26;
	v27 =	vshll.u32 v29, $0x3;
	[tilespmem:s4+$0xFFFFFF90] =	vst v28;
	v28 =	vld [tilespmem:s4+$0xFFFFFFB0];
	v29 =	vshrl.u32 v32, $0x2  }
0x3f7: {  	v27 =	vand.u32 $0x18, v27;
	[tilespmem:s4+$0xFFFFFF10] =	vst v26;
	v26 =	vshll.u32 v36, $0x3;
	v35 =	vld.idx.msk [tilespmem:v38+s24+$0x0], $0xffff  }
0x3f8: {  	v34 =	vld.idx.msk [tilespmem:v34+s24+$0x0], $0xffff;
	v36 =	vand.u32 $0x18, v26;
	v38 =	vshrl.u32 v42, $0x2;
	v26 =	vshrl.u32 v31, v27  }
0x3f9: {  	v27 =	vshll.u32 v42, $0x3;
	v26 =	vand.u32 $0xFF, v26;
	v39 =	vld.idx.msk [tilespmem:v15+s24+$0x0], $0xffff;
	v15 =	vmovc v18;
	v18 =	vshrl.u32 v43, $0x2  }
0x3fa: {  	v30 =	vand.u32 $0x18, v27;
	v27 =	vshll.u32 v43, $0x3;
	[tilespmem:s2+$0xFFFFFFD0] =	vst v26;
	v26 =	vld [tilespmem:s2+$0xFFFFFFF0]  }
0x3fb: {  	v31 =	vshll.u32 v40, $0x3;
	v33 =	vshrl.u32 v33, v22;
	v22 =	vmovc v36;
	v40 =	vshrl.u32 v28, $0x2;
	v42 =	vld.idx.msk [tilespmem:v29+s24+$0x0], $0xffff  }
0x3fc: {  	v27 =	vand.u32 $0x18, v27;
	v29 =	vand.u32 $0x18, v31;
	v31 =	vand.u32 $0xFF, v33;
	v43 =	vld [tilespmem:s4+$0xFFFFFF80]  }
0x3fd: {  	v33 =	vshrl.u32 v35, v29;
	[tilespmem:s2+$0xFFFFFF50] =	vst v31;
	v29 =	vld.idx.msk [tilespmem:v11+s24+$0x0], $0xffff;
	v11 =	vmov v13;
	v13 =	vmov v23  }
.Ltmp5:
0x3fe: {  	v23 =	vshrl.u32 v34, v41;
	v31 =	vand.u32 $0xFF, v33;
	v33 =	vld.idx.msk [tilespmem:v20+s24+$0x0], $0xffff;
	v20 =	vmov v38;
	(pc) =	sbr.rel @p0 .LBB2_12-.Ltmp5, $4  }
0x3ff: {  	v32 =	vshll.u32 v32, $0x3;
	v23 =	vand.u32 $0xFF, v23;
	[tilespmem:s4+$0xFFFFFFA0] =	vst v31;
	v31 =	vld [tilespmem:s4+$0xFFFFFFC0];
	v34 =	vshrl.u32 v26, $0x2  }
0x400: {  	v32 =	vand.u32 $0x18, v32;
	v38 =	vshrl.u32 v39, v14;
	v14 =	vmovc v17;
	v17 =	vmov v27;
	[tilespmem:s4+$0xFFFFFF20] =	vst v23;
	v35 =	vld.idx.msk [tilespmem:v40+s24+$0x0], $0xffff  }
0x401: {  	v38 =	vand.u32 $0xFF, v38;
	v27 =	vshrl.u32 v42, v32;
	v36 =	vld.idx.msk [tilespmem:v37+s24+$0x0], $0xffff;
	v23 =	vshrl.u32 v43, $0x2  }
0x402: {  	s4 =	sadd.s32 $0x100, s4;
	v32 =	vshll.u32 v43, $0x3;
	v37 =	vand.u32 $0xFF, v27;
	v27 =	vld [tilespmem:s2+$0x0];
	[tilespmem:s0+$0xFFFFFF70] =	vst v38  }
0x403: {  	v28 =	vshll.u32 v28, $0x3  }
0x404: {  	v38 =	vshrl.u32 v31, $0x2;
	v28 =	vand.u32 $0x18, v28  }
0x405: {  	v28 =	vshrl.u32 v35, v28  }
0x406: {  	v28 =	vand.u32 $0xFF, v28  }
0x407: {  	[tilespmem:s1+$0xFFFFFFB0] =	vst v28;
	v28 =	vld [tilespmem:s1+$0xFFFFFFD0];
	_ =	sdelay $0x1  }
0x408: {  	v25 =	vshrl.u32 v36, v25;
	v52 =	vld.idx.msk [tilespmem:v38+s24+$0x0], $0xffff  }
0x409: {  	v25 =	vand.u32 $0xFF, v25  }
0x40a: {  	[tilespmem:s1+$0xFFFFFF30] =	vst v25  }
0x40b: {  	v31 =	vshll.u32 v31, $0x3;
	v24 =	vld.idx.msk [tilespmem:v24+s24+$0x0], $0xffff;
	v25 =	vshrl.u32 v28, $0x2  }
0x40c: {  	v31 =	vand.u32 $0x18, v31  }
0x40d: {  	v31 =	vshrl.u32 v52, v31  }
0x40e: {  	v31 =	vand.u32 $0xFF, v31  }
0x40f: {  	[tilespmem:s1+$0xFFFFFFC0] =	vst v31;
	v31 =	vld [tilespmem:s1+$0xFFFFFFE0]  }
0x410: {  	v21 =	vshrl.u32 v24, v21;
	v25 =	vld.idx.msk [tilespmem:v25+s24+$0x0], $0xffff  }
0x411: {  	v21 =	vand.u32 $0xFF, v21  }
0x412: {  	[tilespmem:s1+$0xFFFFFF40] =	vst v21  }
0x413: {  	v21 =	vshll.u32 v28, $0x3;
	v19 =	vld.idx.msk [tilespmem:v19+s24+$0x0], $0xffff  }
0x414: {  	v21 =	vand.u32 $0x18, v21;
	v24 =	vshrl.u32 v31, $0x2  }
0x415: {  	v21 =	vshrl.u32 v25, v21  }
0x416: {  	v21 =	vand.u32 $0xFF, v21  }
0x417: {  	[tilespmem:s1+$0xFFFFFFD0] =	vst v21;
	v21 =	vld [tilespmem:s1+$0xFFFFFFF0]  }
0x418: {  	v19 =	vshrl.u32 v19, v22  }
0x419: {  	v19 =	vand.u32 $0xFF, v19;
	v22 =	vld.idx.msk [tilespmem:v24+s24+$0x0], $0xffff  }
0x41a: {  	[tilespmem:s1+$0xFFFFFF50] =	vst v19  }
0x41b: {  	v19 =	vld.idx.msk [tilespmem:v20+s24+$0x0], $0xffff  }
0x41c: {  	v20 =	vshll.u32 v31, $0x3;
	v24 =	vshrl.u32 v21, $0x2  }
0x41d: {  	[tilespmem:s2+$0xFFFFFFE0] =	vst v37;
	v20 =	vand.u32 $0x18, v20  }
0x41e: {  	v25 =	vld.idx.msk [tilespmem:v34+s24+$0x0], $0xffff;
	v20 =	vshrl.u32 v22, v20  }
0x41f: {  	v16 =	vshrl.u32 v33, v16;
	v22 =	vld [tilespmem:s1+$0x0];
	v20 =	vand.u32 $0xFF, v20  }
0x420: {  	v16 =	vand.u32 $0xFF, v16;
	v19 =	vshrl.u32 v19, v30;
	[tilespmem:s1+$0xFFFFFFE0] =	vst v20  }
0x421: {  	[tilespmem:s2+$0xFFFFFF60] =	vst v16;
	v19 =	vand.u32 $0xFF, v19;
	v16 =	vld.idx.msk [tilespmem:v24+s24+$0x0], $0xffff  }
0x422: {  	v15 =	vld.idx.msk [tilespmem:v15+s24+$0x0], $0xffff;
	[tilespmem:s1+$0xFFFFFF60] =	vst v19;
	v20 =	vshll.u32 v26, $0x3;
	v24 =	vshrl.u32 v27, $0x2  }
0x423: {  	v18 =	vld.idx.msk [tilespmem:v18+s24+$0x0], $0xffff;
	v19 =	vand.u32 $0x18, v20  }
0x424: {  	v20 =	vshll.u32 v21, $0x3;
	v19 =	vshrl.u32 v25, v19;
	v21 =	vshrl.u32 v22, $0x2  }
0x425: {  	v20 =	vand.u32 $0x18, v20;
	v19 =	vand.u32 $0xFF, v19  }
0x426: {  	[tilespmem:s2+$0xFFFFFFF0] =	vst v19;
	v16 =	vshrl.u32 v16, v20  }
0x427: {  	v14 =	vshrl.u32 v15, v14;
	v19 =	vld.idx.msk [tilespmem:v24+s24+$0x0], $0xffff;
	v15 =	vand.u32 $0xFF, v16  }
0x428: {  	v11 =	vld.idx.msk [tilespmem:v11+s24+$0x0], $0xffff;
	v14 =	vand.u32 $0xFF, v14;
	[tilespmem:s1+$0xFFFFFFF0] =	vst v15;
	v15 =	vshrl.u32 v18, v17  }
0x429: {  	[tilespmem:s2+$0xFFFFFF70] =	vst v14;
	v14 =	vld.idx.msk [tilespmem:v21+s24+$0x0], $0xffff;
	v15 =	vand.u32 $0xFF, v15  }
0x42a: {  	v13 =	vld.idx.msk [tilespmem:v13+s24+$0x0], $0xffff;
	v16 =	vshll.u32 v27, $0x3;
	[tilespmem:s1+$0xFFFFFF70] =	vst v15  }
0x42b: {  	v9 =	vshrl.u32 v29, v9;
	v15 =	vand.u32 $0x18, v16;
	v16 =	vld.idx.msk [tilespmem:v23+s24+$0x0], $0xffff  }
0x42c: {  	v9 =	vand.u32 $0xFF, v9;
	v17 =	vshll.u32 v22, $0x3;
	v15 =	vshrl.u32 v19, v15  }
0x42d: {  	[tilespmem:s31+$0xFFFFFF80] =	vst v9;
	v10 =	vshrl.u32 v11, v10;
	v11 =	vand.u32 $0x18, v17;
	v9 =	vand.u32 $0xFF, v15  }
0x42e: {  	[tilespmem:s2+$0x0] =	vst v9;
	v9 =	vand.u32 $0xFF, v10;
	v10 =	vshrl.u32 v14, v11  }
0x42f: {  	v11 =	vand.u32 $0x18, v32;
	[tilespmem:s0+$0xFFFFFF80] =	vst v9;
	v9 =	vand.u32 $0xFF, v10;
	v10 =	vshrl.u32 v13, v12  }
0x430: {  	[tilespmem:s1+$0x0] =	vst v9;
	v9 =	vand.u32 $0xFF, v10;
	v10 =	vshrl.u32 v16, v11  }
0x431: {  	[tilespmem:s2+$0xFFFFFF80] =	vst v9;
	v9 =	vand.u32 $0xFF, v10  }
0x432: {  	[tilespmem:s1+$0xFFFFFF80] =	vst v9  }
0x433: {  	[hbm4b:s13+s17] =	stream.strided.scatter [tilespmem:s19], [sflag:$0x4], $0x6400, s18, s17, $0x38;
	[tilespmem:$0x14D00] =	vst v63  }
0x434: {  	_ =	swait.ge [sflag:s26], $0x6400  }
0x435: {  	[sflag:s26] =	ssyncset.done $0x0  }
0x436: {  	s31 =	simm.s32 $0xE980;
	[sflag:s26] =	ssyncadd.s32 $0xFFFF9C00  }
0x437: {  	v9 =	vld [tilespmem:s31+$0x0];
	_ =	sdelay $0x4  }
0x438: {  	v10 =	vshrl.u32 v9, $0x2;
	_ =	sdelay $0x1  }
0x439: {  	v11 =	vld [tilespmem:s31+$0xFFFFFF80];
	_ =	sdelay $0x1  }
0x43a: {  	v12 =	vld [tilespmem:s31+$0x10]  }
0x43b: {  	v10 =	vld.idx.msk [tilespmem:v10+s24+$0x0], $0xffff;
	_ =	sdelay $0x1  }
0x43c: {  	v15 =	vld [tilespmem:s31+$0x20];
	v13 =	vshrl.u32 v11, $0x2  }
0x43d: {  	v16 =	vld [tilespmem:s31+$0xFFFFFFA0];
	v9 =	vshll.u32 v9, $0x3  }
0x43e: {  	v17 =	vld [tilespmem:s31+$0xFFFFFFB0];
	v14 =	vshrl.u32 v12, $0x2;
	v9 =	vand.u32 $0x18, v9  }
0x43f: {  	v9 =	vshrl.u32 v10, v9;
	v10 =	vld [tilespmem:s31+$0xFFFFFF90]  }
0x440: {  	v19 =	vld [tilespmem:s31+$0xFFFFFFC0]  }
0x441: {  	v13 =	vld.idx.msk [tilespmem:v13+s24+$0x0], $0xffff;
	v9 =	vand.u32 $0xFF, v9  }
0x442: {  	v22 =	vld [tilespmem:s31+$0x40];
	[tilespmem:s31+$0x0] =	vst v9  }
0x443: {  	s0 =	simm.s32 $0xEA80;
	v14 =	vld.idx.msk [tilespmem:v14+s24+$0x0], $0xffff  }
0x444: {  	v24 =	vld [tilespmem:s0+$0xFFFFFFA0];
	v9 =	vshll.u32 v11, $0x3;
	v18 =	vshrl.u32 v10, $0x2  }
0x445: {  	v26 =	vld [tilespmem:s0+$0xFFFFFFB0];
	v11 =	vand.u32 $0x18, v9  }
0x446: {  	s2 =	simm.s32 $0xEB80;
	v27 =	vld [tilespmem:s31+$0x50];
	v12 =	vshll.u32 v12, $0x3;
	v20 =	vshrl.u32 v15, $0x2;
	v13 =	vshrl.u32 v13, v11  }
0x447: {  	v30 =	vld [tilespmem:s2+$0xFFFFFFA0];
	v12 =	vand.u32 $0x18, v12;
	v13 =	vand.u32 $0xFF, v13  }
0x448: {  	v54 =	vld [tilespmem:s2+$0xFFFFFFB0];
	[tilespmem:s31+$0xFFFFFF80] =	vst v13;
	v12 =	vshrl.u32 v14, v12  }
0x449: {  	v12 =	vand.u32 $0xFF, v12;
	v13 =	vld.idx.msk [tilespmem:v18+s24+$0x0], $0xffff  }
0x44a: {  	[tilespmem:s31+$0x10] =	vst v12;
	v12 =	vld [tilespmem:s31+$0x30]  }
0x44b: {  	v14 =	vld.idx.msk [tilespmem:v20+s24+$0x0], $0xffff  }
0x44c: {  	v56 =	vld [tilespmem:s2+$0x10];
	v10 =	vshll.u32 v10, $0x3;
	v18 =	vshrl.u32 v16, $0x2  }
0x44d: {  	v10 =	vand.u32 $0x18, v10;
	v20 =	vld [tilespmem:s0+$0x0]  }
0x44e: {  	v59 =	vld [tilespmem:s0+$0x50];
	v10 =	vshrl.u32 v13, v10;
	v13 =	vshll.u32 v15, $0x3  }
0x44f: {  	v60 =	vld [tilespmem:s2+$0xFFFFFFD0];
	v21 =	vshrl.u32 v12, $0x2;
	v10 =	vand.u32 $0xFF, v10;
	v13 =	vand.u32 $0x18, v13  }
0x450: {  	[tilespmem:s31+$0xFFFFFF90] =	vst v10;
	v10 =	vld [tilespmem:s0+$0xFFFFFF80];
	v13 =	vshrl.u32 v14, v13  }
0x451: {  	v14 =	vld.idx.msk [tilespmem:v18+s24+$0x0], $0xffff;
	v13 =	vand.u32 $0xFF, v13  }
0x452: {  	v39 =	vld [tilespmem:s2+$0xFFFFFFE0];
	[tilespmem:s31+$0x20] =	vst v13;
	v13 =	vshrl.u32 v20, $0x2  }
0x453: {  	v61 =	vld [tilespmem:s2+$0xFFFFFFF0]  }
0x454: {  	s1 =	simm.s32 $0xEC80;
	v23 =	vshrl.u32 v17, $0x2;
	v16 =	vshll.u32 v16, $0x3;
	v21 =	vld.idx.msk [tilespmem:v21+s24+$0x0], $0xffff  }
0x455: {  	v62 =	vld [tilespmem:s1+$0x0];
	v16 =	vand.u32 $0x18, v16;
	v25 =	vshrl.u32 v10, $0x2  }
0x456: {  	v14 =	vshrl.u32 v14, v16;
	v16 =	vld [tilespmem:s0+$0x10]  }
0x457: {  	v12 =	vshll.u32 v12, $0x3;
	v14 =	vand.u32 $0xFF, v14;
	v13 =	vld.idx.msk [tilespmem:v13+s24+$0x0], $0xffff  }
0x458: {  	v12 =	vand.u32 $0x18, v12;
	v18 =	vld [tilespmem:s0+$0xFFFFFF90];
	[tilespmem:s31+$0xFFFFFFA0] =	vst v14;
	v14 =	vshrl.u32 v22, $0x2  }
0x459: {  	v12 =	vshrl.u32 v21, v12;
	v23 =	vld.idx.msk [tilespmem:v23+s24+$0x0], $0xffff  }
0x45a: {  	v20 =	vshll.u32 v20, $0x3;
	v12 =	vand.u32 $0xFF, v12;
	v21 =	vld.idx.msk [tilespmem:v25+s24+$0x0], $0xffff  }
0x45b: {  	v47 =	vld [tilespmem:s1+$0xFFFFFF80];
	v20 =	vand.u32 $0x18, v20;
	[tilespmem:s31+$0x30] =	vst v12;
	v12 =	vshrl.u32 v16, $0x2  }
0x45c: {  	v50 =	vld [tilespmem:s1+$0xFFFFFFA0];
	v17 =	vshll.u32 v17, $0x3;
	v13 =	vshrl.u32 v13, v20;
	v20 =	vshrl.u32 v19, $0x2  }
0x45d: {  	v17 =	vand.u32 $0x18, v17;
	v10 =	vshll.u32 v10, $0x3;
	v29 =	vshrl.u32 v18, $0x2;
	v14 =	vld.idx.msk [tilespmem:v14+s24+$0x0], $0xffff  }
0x45e: {  	v10 =	vand.u32 $0x18, v10;
	v28 =	vand.u32 $0xFF, v13;
	v17 =	vshrl.u32 v23, v17;
	v23 =	vld [tilespmem:s0+$0x20]  }
0x45f: {  	v9 =	vld [tilespmem:s31+$0xFFFFFFD0];
	[tilespmem:s0+$0x0] =	vst v28;
	v17 =	vand.u32 $0xFF, v17;
	v21 =	vshrl.u32 v21, v10  }
0x460: {  	v22 =	vshll.u32 v22, $0x3;
	v12 =	vld.idx.msk [tilespmem:v12+s24+$0x0], $0xffff;
	[tilespmem:s31+$0xFFFFFFB0] =	vst v17;
	v17 =	vand.u32 $0xFF, v21;
	v21 =	vshrl.u32 v27, $0x2  }
0x461: {  	v22 =	vand.u32 $0x18, v22;
	v20 =	vld.idx.msk [tilespmem:v20+s24+$0x0], $0xffff;
	[tilespmem:s0+$0xFFFFFF80] =	vst v17  }
0x462: {  	v16 =	vshll.u32 v16, $0x3;
	v14 =	vshrl.u32 v14, v22;
	v17 =	vld.idx.msk [tilespmem:v29+s24+$0x0], $0xffff  }
0x463: {  	v19 =	vshll.u32 v19, $0x3;
	v28 =	vld [tilespmem:s31+$0x60];
	v14 =	vand.u32 $0xFF, v14;
	v22 =	vshrl.u32 v23, $0x2  }
0x464: {  	v11 =	vld [tilespmem:s31+$0xFFFFFFE0];
	[tilespmem:s31+$0x40] =	vst v14;
	v14 =	vand.u32 $0x18, v16;
	v16 =	vand.u32 $0x18, v19;
	v19 =	vshrl.u32 v9, $0x2  }
0x465: {  	v12 =	vshrl.u32 v12, v14;
	v14 =	vshll.u32 v18, $0x3;
	v18 =	vshrl.u32 v24, $0x2;
	v21 =	vld.idx.msk [tilespmem:v21+s24+$0x0], $0xffff  }
0x466: {  	v15 =	vld [tilespmem:s31+$0xFFFFFFF0];
	v12 =	vand.u32 $0xFF, v12;
	v29 =	vand.u32 $0x18, v14;
	v16 =	vshrl.u32 v20, v16  }
0x467: {  	[tilespmem:s0+$0x10] =	vst v12;
	v12 =	vand.u32 $0xFF, v16;
	v16 =	vshrl.u32 v17, v29;
	v17 =	vld [tilespmem:s0+$0x30]  }
0x468: {  	v20 =	vshll.u32 v27, $0x3;
	[tilespmem:s31+$0xFFFFFFC0] =	vst v12;
	v12 =	vand.u32 $0xFF, v16;
	v16 =	vld.idx.msk [tilespmem:v22+s24+$0x0], $0xffff;
	v22 =	vshrl.u32 v28, $0x2  }
0x469: {  	v33 =	vshll.u32 v54, $0x3;
	v49 =	vshrl.u32 v60, $0x2;
	v19 =	vld.idx.msk [tilespmem:v19+s24+$0x0], $0xffff;
	[tilespmem:s0+$0xFFFFFF90] =	vst v12;
	v12 =	vand.u32 $0x18, v20  }
0x46a: {  	v41 =	vshrl.u32 v62, $0x2;
	v42 =	vshrl.u32 v47, $0x2;
	v18 =	vld.idx.msk [tilespmem:v18+s24+$0x0], $0xffff;
	v12 =	vshrl.u32 v21, v12  }
0x46b: {  	v34 =	vshll.u32 v62, $0x3;
	v21 =	vshll.u32 v23, $0x3;
	v23 =	vld [tilespmem:s2+$0x0];
	v12 =	vand.u32 $0xFF, v12  }
0x46c: {  	v9 =	vshll.u32 v9, $0x3;
	v29 =	vld [tilespmem:s2+$0xFFFFFF80];
	v21 =	vand.u32 $0x18, v21;
	v27 =	vshrl.u32 v17, $0x2;
	[tilespmem:s31+$0x50] =	vst v12  }
0x46d: {  	v55 =	vand.u32 $0x18, v9;
	v12 =	vshrl.u32 v16, v21;
	v16 =	vld.idx.msk [tilespmem:v22+s24+$0x0], $0xffff;
	v21 =	vshll.u32 v24, $0x3  }
0x46e: {  	v22 =	vshrl.u32 v26, $0x2;
	v12 =	vand.u32 $0xFF, v12;
	v19 =	vshrl.u32 v19, v55;
	v55 =	vld [tilespmem:s2+$0x50]  }
0x46f: {  	v38 =	vshll.u32 v50, $0x3;
	v34 =	vand.u32 $0x18, v34;
	[tilespmem:s0+$0x20] =	vst v12;
	v12 =	vand.u32 $0x18, v21;
	v21 =	vld [tilespmem:s0+$0x40]  }
0x470: {  	v53 =	vshrl.u32 v11, $0x2;
	v25 =	vld [tilespmem:s0+$0xFFFFFFC0];
	v12 =	vshrl.u32 v18, v12;
	v18 =	vshrl.u32 v23, $0x2  }
0x471: {  	v11 =	vshll.u32 v11, $0x3;
	v31 =	vshrl.u32 v29, $0x2;
	v27 =	vld.idx.msk [tilespmem:v27+s24+$0x0], $0xffff;
	v12 =	vand.u32 $0xFF, v12  }
0x472: {  	v20 =	vld [tilespmem:s31+$0x70];
	v9 =	vshll.u32 v17, $0x3;
	v17 =	vshrl.u32 v15, $0x2;
	v23 =	vshll.u32 v23, $0x3;
	[tilespmem:s0+$0xFFFFFFA0] =	vst v12  }
0x473: {  	v58 =	vand.u32 $0x18, v9;
	v23 =	vand.u32 $0x18, v23;
	v12 =	vand.u32 $0x18, v11;
	v11 =	vld.idx.msk [tilespmem:v22+s24+$0x0], $0xffff  }
0x474: {  	v24 =	vld [tilespmem:s2+$0xFFFFFF90];
	v22 =	vshll.u32 v15, $0x3;
	v62 =	vshll.u32 v55, $0x3;
	v57 =	vshrl.u32 v21, $0x2  }
0x475: {  	v9 =	vand.u32 $0x18, v22;
	v22 =	vshll.u32 v26, $0x3;
	v26 =	vshll.u32 v25, $0x3;
	v15 =	vld.idx.msk [tilespmem:v18+s24+$0x0], $0xffff  }
0x476: {  	v13 =	vld [tilespmem:s0+$0xFFFFFFD0];
	v25 =	vshrl.u32 v25, $0x2;
	v22 =	vand.u32 $0x18, v22;
	v18 =	vshrl.u32 v27, v58  }
0x477: {  	v10 =	vld [tilespmem:s0+$0xFFFFFFE0];
	v26 =	vand.u32 $0x18, v26;
	v58 =	vshrl.u32 v55, $0x2;
	v18 =	vand.u32 $0xFF, v18  }
0x478: {  	v27 =	vld.idx.msk [tilespmem:v31+s24+$0x0], $0xffff;
	[tilespmem:s0+$0x30] =	vst v18;
	v18 =	vshll.u32 v28, $0x3;
	v11 =	vshrl.u32 v11, v22;
	v22 =	vshrl.u32 v56, $0x2  }
0x479: {  	v14 =	vld [tilespmem:s0+$0xFFFFFFF0];
	v28 =	vshrl.u32 v20, $0x2;
	v18 =	vand.u32 $0x18, v18;
	v11 =	vand.u32 $0xFF, v11  }
0x47a: {  	v36 =	vld.idx.msk [tilespmem:v57+s24+$0x0], $0xffff;
	v15 =	vshrl.u32 v15, v23;
	v23 =	vshll.u32 v29, $0x3;
	v29 =	vshrl.u32 v24, $0x2;
	[tilespmem:s0+$0xFFFFFFB0] =	vst v11  }
0x47b: {  	v11 =	vand.u32 $0xFF, v15;
	v15 =	vshrl.u32 v16, v18;
	v16 =	vand.u32 $0x18, v23;
	v23 =	vld.idx.msk [tilespmem:v25+s24+$0x0], $0xffff  }
0x47c: {  	v25 =	vshrl.u32 v13, $0x2;
	[tilespmem:s2+$0x0] =	vst v11;
	v11 =	vshll.u32 v21, $0x3;
	v15 =	vand.u32 $0xFF, v15;
	v21 =	vld [tilespmem:s2+$0x20]  }
0x47d: {  	v13 =	vshll.u32 v13, $0x3;
	v18 =	vshrl.u32 v10, $0x2;
	v16 =	vshrl.u32 v27, v16;
	[tilespmem:s31+$0x60] =	vst v15;
	v22 =	vld.idx.msk [tilespmem:v22+s24+$0x0], $0xffff  }
0x47e: {  	v11 =	vand.u32 $0x18, v11;
	v15 =	vand.u32 $0xFF, v16;
	v16 =	vshrl.u32 v59, $0x2;
	v27 =	vld.idx.msk [tilespmem:v28+s24+$0x0], $0xffff  }
0x47f: {  	v11 =	vshrl.u32 v36, v11;
	[tilespmem:s2+$0xFFFFFF80] =	vst v15;
	v15 =	vand.u32 $0xFF, v19;
	v28 =	vand.u32 $0x18, v13;
	v13 =	vld [tilespmem:s0+$0x60]  }
0x480: {  	v10 =	vshll.u32 v10, $0x3;
	v11 =	vand.u32 $0xFF, v11;
	v19 =	vld.idx.msk [tilespmem:v29+s24+$0x0], $0xffff;
	[tilespmem:s31+$0xFFFFFFD0] =	vst v15;
	v15 =	vshll.u32 v56, $0x3  }
0x481: {  	v56 =	vshrl.u32 v50, $0x2;
	[tilespmem:s0+$0x40] =	vst v11;
	v11 =	vshll.u32 v24, $0x3;
	v24 =	vld.idx.msk [tilespmem:v53+s24+$0x0], $0xffff;
	v23 =	vshrl.u32 v23, v26  }
0x482: {  	v15 =	vand.u32 $0x18, v15;
	v26 =	vshrl.u32 v30, $0x2;
	v53 =	vld.idx.msk [tilespmem:v41+s24+$0x0], $0xffff;
	v29 =	vshrl.u32 v21, $0x2  }
0x483: {  	v30 =	vshll.u32 v30, $0x3;
	v23 =	vand.u32 $0xFF, v23;
	v16 =	vld.idx.msk [tilespmem:v16+s24+$0x0], $0xffff;
	v15 =	vshrl.u32 v22, v15  }
0x484: {  	v43 =	vld [tilespmem:s1+$0xFFFFFFB0];
	v22 =	vand.u32 $0x18, v11;
	[tilespmem:s0+$0xFFFFFFC0] =	vst v23;
	v23 =	vand.u32 $0x18, v10;
	v15 =	vand.u32 $0xFF, v15  }
0x485: {  	v11 =	vshrl.u32 v14, $0x2;
	v10 =	vshrl.u32 v19, v22;
	[tilespmem:s2+$0x10] =	vst v15;
	v22 =	vld [tilespmem:s2+$0x30];
	v15 =	vshll.u32 v59, $0x3  }
0x486: {  	v19 =	vld.idx.msk [tilespmem:v25+s24+$0x0], $0xffff;
	v25 =	vshrl.u32 v13, $0x2;
	v13 =	vshll.u32 v13, $0x3;
	v10 =	vand.u32 $0xFF, v10  }
0x487: {  	v14 =	vshll.u32 v14, $0x3;
	v15 =	vand.u32 $0x18, v15;
	v13 =	vand.u32 $0x18, v13;
	[tilespmem:s2+$0xFFFFFF90] =	vst v10;
	v29 =	vld.idx.msk [tilespmem:v29+s24+$0x0], $0xffff  }
0x488: {  	v12 =	vshrl.u32 v24, v12;
	v32 =	vshrl.u32 v53, v34;
	v26 =	vld.idx.msk [tilespmem:v26+s24+$0x0], $0xffff;
	v15 =	vshrl.u32 v16, v15  }
0x489: {  	v31 =	vld [tilespmem:s2+$0xFFFFFFC0];
	v10 =	vand.u32 $0x18, v14;
	v14 =	vand.u32 $0x18, v30;
	v15 =	vand.u32 $0xFF, v15  }
0x48a: {  	v57 =	vld [tilespmem:s1+$0xFFFFFFD0];
	v30 =	vshrl.u32 v54, $0x2;
	[tilespmem:s0+$0x50] =	vst v15;
	v15 =	vshll.u32 v21, $0x3;
	v21 =	vshrl.u32 v22, $0x2  }
0x48b: {  	v52 =	vand.u32 $0xFF, v12;
	v12 =	vshll.u32 v61, $0x3;
	v25 =	vld.idx.msk [tilespmem:v25+s24+$0x0], $0xffff;
	v15 =	vand.u32 $0x18, v15  }
0x48c: {  	v16 =	vshll.u32 v20, $0x3;
	v20 =	vld [tilespmem:s0+$0x70];
	v12 =	vand.u32 $0x18, v12;
	v15 =	vshrl.u32 v29, v15  }
0x48d: {  	v16 =	vand.u32 $0x18, v16;
	v15 =	vand.u32 $0xFF, v15;
	v14 =	vshrl.u32 v26, v14;
	v26 =	vld [tilespmem:s2+$0x40]  }
0x48e: {  	v54 =	vld [tilespmem:s1+$0xFFFFFFC0];
	v16 =	vshrl.u32 v27, v16;
	v27 =	vand.u32 $0x18, v33;
	[tilespmem:s2+$0x20] =	vst v15;
	v14 =	vand.u32 $0xFF, v14  }
0x48f: {  	v22 =	vshll.u32 v22, $0x3;
	v19 =	vshrl.u32 v19, v28;
	v63 =	vand.u32 $0xFF, v16;
	v21 =	vld.idx.msk [tilespmem:v21+s24+$0x0], $0xffff;
	[tilespmem:s2+$0xFFFFFFA0] =	vst v14  }
0x490: {  	v16 =	vshll.u32 v31, $0x3;
	v22 =	vand.u32 $0x18, v22;
	v13 =	vshrl.u32 v25, v13;
	v25 =	vld.idx.msk [tilespmem:v30+s24+$0x0], $0xffff  }
0x491: {  	v19 =	vand.u32 $0xFF, v19;
	v29 =	vshrl.u32 v31, $0x2;
	v40 =	vshrl.u32 v20, $0x2;
	v30 =	vld [tilespmem:s1+$0x10]  }
0x492: {  	v31 =	vld [tilespmem:s1+$0xFFFFFF90];
	v48 =	vand.u32 $0x18, v16;
	v16 =	vshll.u32 v60, $0x3;
	v24 =	vshrl.u32 v26, $0x2  }
0x493: {  	v28 =	vld.idx.msk [tilespmem:v42+s24+$0x0], $0xffff;
	[tilespmem:s0+$0xFFFFFFD0] =	vst v19;
	v19 =	vshll.u32 v43, $0x3;
	v16 =	vand.u32 $0x18, v16;
	v20 =	vshll.u32 v20, $0x3  }
0x494: {  	v60 =	vld.idx.msk [tilespmem:v18+s24+$0x0], $0xffff;
	v18 =	vshll.u32 v54, $0x3;
	v13 =	vand.u32 $0xFF, v13;
	v21 =	vshrl.u32 v21, v22  }
0x495: {  	v15 =	vshrl.u32 v39, $0x2;
	[tilespmem:s0+$0x60] =	vst v13;
	v13 =	vshrl.u32 v61, $0x2;
	v61 =	vld [tilespmem:s1+$0xFFFFFFF0];
	v21 =	vand.u32 $0xFF, v21  }
0x496: {  	v51 =	vld.idx.msk [tilespmem:v40+s24+$0x0], $0xffff;
	v22 =	vshll.u32 v47, $0x3;
	v25 =	vshrl.u32 v25, v27;
	v27 =	vshrl.u32 v30, $0x2;
	[tilespmem:s2+$0x30] =	vst v21  }
0x497: {  	v22 =	vand.u32 $0x18, v22;
	v21 =	vshrl.u32 v31, $0x2;
	v25 =	vand.u32 $0xFF, v25;
	v24 =	vld.idx.msk [tilespmem:v24+s24+$0x0], $0xffff  }
0x498: {  	v20 =	vand.u32 $0x18, v20;
	v14 =	vshll.u32 v39, $0x3;
	v22 =	vshrl.u32 v28, v22;
	v28 =	vld [tilespmem:s1+$0x20];
	[tilespmem:s2+$0xFFFFFFB0] =	vst v25  }
0x499: {  	[tilespmem:s31+$0x70] =	vst v63;
	v14 =	vand.u32 $0x18, v14;
	v23 =	vshrl.u32 v60, v23;
	v25 =	vand.u32 $0xFF, v32;
	v29 =	vld.idx.msk [tilespmem:v29+s24+$0x0], $0xffff  }
0x49a: {  	v31 =	vshll.u32 v31, $0x3;
	v22 =	vand.u32 $0xFF, v22;
	[tilespmem:s1+$0x0] =	vst v25;
	v25 =	vshll.u32 v26, $0x3  }
0x49b: {  	v63 =	vand.u32 $0xFF, v23;
	v31 =	vand.u32 $0x18, v31;
	[tilespmem:s1+$0xFFFFFF80] =	vst v22;
	v26 =	vand.u32 $0x18, v25;
	v27 =	vld.idx.msk [tilespmem:v27+s24+$0x0], $0xffff  }
0x49c: {  	v23 =	vshrl.u32 v61, $0x2;
	v20 =	vshrl.u32 v51, v20;
	v59 =	vld.idx.msk [tilespmem:v21+s24+$0x0], $0xffff;
	v22 =	vshrl.u32 v24, v26  }
0x49d: {  	v39 =	vand.u32 $0xFF, v20;
	v20 =	vshll.u32 v30, $0x3;
	v26 =	vld [tilespmem:s2+$0x60];
	v22 =	vand.u32 $0xFF, v22  }
0x49e: {  	v44 =	vld [tilespmem:s1+$0xFFFFFFE0];
	v30 =	vshll.u32 v57, $0x3;
	v45 =	vshrl.u32 v28, $0x2;
	v29 =	vshrl.u32 v29, v48;
	[tilespmem:s2+$0x40] =	vst v22  }
0x49f: {  	[tilespmem:s31+$0xFFFFFFE0] =	vst v52;
	v20 =	vand.u32 $0x18, v20;
	v22 =	vand.u32 $0x18, v18;
	v18 =	vand.u32 $0xFF, v29;
	v32 =	vld.idx.msk [tilespmem:v58+s24+$0x0], $0xffff  }
0x4a0: {  	v25 =	vand.u32 $0x18, v38;
	v30 =	vand.u32 $0x18, v30;
	v29 =	vld.idx.msk [tilespmem:v17+s24+$0x0], $0xffff;
	v27 =	vshrl.u32 v27, v20;
	[tilespmem:s2+$0xFFFFFFC0] =	vst v18  }
0x4a1: {  	v21 =	vand.u32 $0x18, v19;
	v17 =	vand.u32 $0xFF, v27;
	v27 =	vshrl.u32 v59, v31;
	v33 =	vld.idx.msk [tilespmem:v49+s24+$0x0], $0xffff  }
0x4a2: {  	v19 =	vshrl.u32 v54, $0x2;
	v31 =	vld [tilespmem:s1+$0x30];
	[tilespmem:s1+$0x10] =	vst v17;
	v27 =	vand.u32 $0xFF, v27;
	v34 =	vshrl.u32 v26, $0x2  }
0x4a3: {  	v24 =	vshrl.u32 v43, $0x2;
	v20 =	vshrl.u32 v57, $0x2;
	[tilespmem:s1+$0xFFFFFF90] =	vst v27;
	v35 =	vld.idx.msk [tilespmem:v45+s24+$0x0], $0xffff;
	v27 =	vand.u32 $0x18, v62  }
0x4a4: {  	[tilespmem:s0+$0xFFFFFFE0] =	vst v63;
	v18 =	vshrl.u32 v44, $0x2;
	v17 =	vshll.u32 v44, $0x3;
	v36 =	vld.idx.msk [tilespmem:v56+s24+$0x0], $0xffff;
	v27 =	vshrl.u32 v32, v27  }
0x4a5: {  	s22 =	simm.s32 $0x6;
	s4 =	simm.s32 $0xED80;
	[tilespmem:s0+$0x70] =	vst v39;
	v17 =	vand.u32 $0x18, v17;
	v32 =	vshll.u32 v61, $0x3;
	v37 =	vand.u32 $0xFF, v27;
	v27 =	vld [tilespmem:s2+$0x70]  }
.LBB2_14:
0x4a6: {  	v38 =	vld [tilespmem:s4+$0x0];
	[tilespmem:s2+$0x50] =	vst v37;
	v29 =	vshrl.u32 v29, v9;
	v9 =	vmovc v10;
	v10 =	vmov v12;
	v12 =	vand.u32 $0x18, v32  }
0x4a7: {  	s22 =	sadd.s32 $0x2, s22;
	v28 =	vshll.u32 v28, $0x3;
	v33 =	vshrl.u32 v33, v16;
	v16 =	vmovc v30;
	v32 =	vshrl.u32 v31, $0x2;
	v34 =	vld.idx.msk [tilespmem:v34+s24+$0x0], $0xffff  }
0x4a8: {  	p0 =	slt.u32 s22, $0xC6;
	v28 =	vand.u32 $0x18, v28;
	v33 =	vand.u32 $0xFF, v33;
	v29 =	vand.u32 $0xFF, v29;
	v30 =	vld [tilespmem:s4+$0xFFFFFF80]  }
0x4a9: {  	v28 =	vshrl.u32 v35, v28;
	v37 =	vld [tilespmem:s4+$0xFFFFFF90];
	[tilespmem:s2+$0xFFFFFFD0] =	vst v33  }
0x4aa: {  	v25 =	vshrl.u32 v36, v25;
	v28 =	vand.u32 $0xFF, v28;
	v33 =	vld [tilespmem:s4+$0xFFFFFFA0];
	[tilespmem:s31+$0xFFFFFFF0] =	vst v29;
	s31 =	smov.u32 s0;
	s0 =	smov.u32 s2;
	s2 =	smov.u32 s1  }
0x4ab: {  	v26 =	vshll.u32 v26, $0x3;
	v25 =	vand.u32 $0xFF, v25;
	s1 =	smov.u32 s4;
	[tilespmem:s2+$0x20] =	vst v28;
	v29 =	vld [tilespmem:s2+$0x40];
	v28 =	vshrl.u32 v27, $0x2  }
0x4ac: {  	v35 =	vshrl.u32 v38, $0x2;
	[tilespmem:s2+$0xFFFFFFA0] =	vst v25;
	v32 =	vld.idx.msk [tilespmem:v32+s24+$0x0], $0xffff;
	v25 =	vand.u32 $0x18, v26  }
0x4ad: {  	v26 =	vshrl.u32 v30, $0x2;
	v30 =	vshll.u32 v30, $0x3;
	v36 =	vld [tilespmem:s4+$0xFFFFFFB0];
	v25 =	vshrl.u32 v34, v25  }
0x4ae: {  	v30 =	vand.u32 $0x18, v30;
	v34 =	vshrl.u32 v37, $0x2;
	v39 =	vld.idx.msk [tilespmem:v24+s24+$0x0], $0xffff;
	v24 =	vand.u32 $0xFF, v25  }
0x4af: {  	v25 =	vshll.u32 v37, $0x3;
	v37 =	vshrl.u32 v33, $0x2;
	v33 =	vshll.u32 v33, $0x3;
	v40 =	vld [tilespmem:s4+$0x10];
	[tilespmem:s0+$0x60] =	vst v24  }
0x4b0: {  	v41 =	vand.u32 $0x18, v25;
	v24 =	vshll.u32 v31, $0x3;
	v31 =	vshrl.u32 v29, $0x2;
	v28 =	vld.idx.msk [tilespmem:v28+s24+$0x0], $0xffff  }
0x4b1: {  	v25 =	vand.u32 $0x18, v33;
	v33 =	vld.idx.msk [tilespmem:v35+s24+$0x0], $0xffff;
	v35 =	vand.u32 $0x18, v24  }
0x4b2: {  	v26 =	vld.idx.msk [tilespmem:v26+s24+$0x0], $0xffff;
	v24 =	vshrl.u32 v36, $0x2;
	v36 =	vshll.u32 v36, $0x3;
	v32 =	vshrl.u32 v32, v35  }
0x4b3: {  	v35 =	vand.u32 $0x18, v36;
	v36 =	vld [tilespmem:s4+$0xFFFFFFC0];
	v32 =	vand.u32 $0xFF, v32  }
0x4b4: {  	v27 =	vshll.u32 v27, $0x3;
	v39 =	vshrl.u32 v39, v21;
	[tilespmem:s2+$0x30] =	vst v32;
	v32 =	vld [tilespmem:s2+$0x50];
	v21 =	vmov v35  }
0x4b5: {  	v27 =	vand.u32 $0x18, v27;
	v35 =	vshll.u32 v38, $0x3;
	v38 =	vshrl.u32 v40, $0x2;
	v31 =	vld.idx.msk [tilespmem:v31+s24+$0x0], $0xffff  }
0x4b6: {  	v39 =	vand.u32 $0xFF, v39;
	v35 =	vand.u32 $0x18, v35;
	v27 =	vshrl.u32 v28, v27;
	v42 =	vld [tilespmem:s4+$0xFFFFFFD0]  }
0x4b7: {  	v28 =	vshrl.u32 v33, v35;
	v27 =	vand.u32 $0xFF, v27;
	v43 =	vld [tilespmem:s4+$0xFFFFFFE0];
	[tilespmem:s2+$0xFFFFFFB0] =	vst v39  }
0x4b8: {  	v26 =	vshrl.u32 v26, v30;
	v28 =	vand.u32 $0xFF, v28;
	v33 =	vld.idx.msk [tilespmem:v19+s24+$0x0], $0xffff;
	v19 =	vshrl.u32 v36, $0x2;
	[tilespmem:s0+$0x70] =	vst v27  }
0x4b9: {  	v26 =	vand.u32 $0xFF, v26;
	v27 =	vshll.u32 v29, $0x3;
	[tilespmem:s4+$0x0] =	vst v28;
	v28 =	vld [tilespmem:s4+$0x20];
	v29 =	vshrl.u32 v32, $0x2  }
0x4ba: {  	v27 =	vand.u32 $0x18, v27;
	[tilespmem:s4+$0xFFFFFF80] =	vst v26;
	v26 =	vshll.u32 v36, $0x3;
	v35 =	vld.idx.msk [tilespmem:v38+s24+$0x0], $0xffff  }
0x4bb: {  	v34 =	vld.idx.msk [tilespmem:v34+s24+$0x0], $0xffff;
	v36 =	vand.u32 $0x18, v26;
	v38 =	vshrl.u32 v42, $0x2;
	v26 =	vshrl.u32 v31, v27  }
0x4bc: {  	v27 =	vshll.u32 v42, $0x3;
	v26 =	vand.u32 $0xFF, v26;
	v39 =	vld.idx.msk [tilespmem:v15+s24+$0x0], $0xffff;
	v15 =	vmovc v18;
	v18 =	vshrl.u32 v43, $0x2  }
0x4bd: {  	v30 =	vand.u32 $0x18, v27;
	v27 =	vshll.u32 v43, $0x3;
	[tilespmem:s2+$0x40] =	vst v26;
	v26 =	vld [tilespmem:s2+$0x60]  }
0x4be: {  	v31 =	vshll.u32 v40, $0x3;
	v33 =	vshrl.u32 v33, v22;
	v22 =	vmovc v36;
	v40 =	vshrl.u32 v28, $0x2;
	v42 =	vld.idx.msk [tilespmem:v29+s24+$0x0], $0xffff  }
0x4bf: {  	v27 =	vand.u32 $0x18, v27;
	v29 =	vand.u32 $0x18, v31;
	v31 =	vand.u32 $0xFF, v33;
	v43 =	vld [tilespmem:s4+$0xFFFFFFF0]  }
0x4c0: {  	v33 =	vshrl.u32 v35, v29;
	[tilespmem:s2+$0xFFFFFFC0] =	vst v31;
	v29 =	vld.idx.msk [tilespmem:v11+s24+$0x0], $0xffff;
	v11 =	vmov v13;
	v13 =	vmov v23  }
.Ltmp6:
0x4c1: {  	v23 =	vshrl.u32 v34, v41;
	v31 =	vand.u32 $0xFF, v33;
	v33 =	vld.idx.msk [tilespmem:v20+s24+$0x0], $0xffff;
	v20 =	vmov v38;
	(pc) =	sbr.rel @p0 .LBB2_14-.Ltmp6, $4  }
0x4c2: {  	v32 =	vshll.u32 v32, $0x3;
	v23 =	vand.u32 $0xFF, v23;
	[tilespmem:s4+$0x10] =	vst v31;
	v31 =	vld [tilespmem:s4+$0x30];
	v34 =	vshrl.u32 v26, $0x2  }
0x4c3: {  	v32 =	vand.u32 $0x18, v32;
	v38 =	vshrl.u32 v39, v14;
	v14 =	vmovc v17;
	v17 =	vmov v27;
	[tilespmem:s4+$0xFFFFFF90] =	vst v23;
	v35 =	vld.idx.msk [tilespmem:v40+s24+$0x0], $0xffff  }
0x4c4: {  	v38 =	vand.u32 $0xFF, v38;
	v27 =	vshrl.u32 v42, v32;
	v36 =	vld.idx.msk [tilespmem:v37+s24+$0x0], $0xffff;
	v23 =	vshrl.u32 v43, $0x2  }
0x4c5: {  	s4 =	sadd.s32 $0x100, s4;
	v32 =	vshll.u32 v43, $0x3;
	v37 =	vand.u32 $0xFF, v27;
	v27 =	vld [tilespmem:s2+$0x70];
	[tilespmem:s0+$0xFFFFFFE0] =	vst v38  }
0x4c6: {  	_ = 	snop  }
0x4c7: {  	v28 =	vshll.u32 v28, $0x3;
	v38 =	vshrl.u32 v31, $0x2  }
0x4c8: {  	v28 =	vand.u32 $0x18, v28  }
0x4c9: {  	v28 =	vshrl.u32 v35, v28  }
0x4ca: {  	v63 =	vld [tilespmem:s1+$0x40];
	v28 =	vand.u32 $0xFF, v28  }
0x4cb: {  	v25 =	vshrl.u32 v36, v25;
	[tilespmem:s1+$0x20] =	vst v28  }
0x4cc: {  	v25 =	vand.u32 $0xFF, v25;
	v39 =	vld.idx.msk [tilespmem:v38+s24+$0x0], $0xffff  }
0x4cd: {  	[tilespmem:s1+$0xFFFFFFA0] =	vst v25  }
0x4ce: {  	v24 =	vld.idx.msk [tilespmem:v24+s24+$0x0], $0xffff  }
0x4cf: {  	v40 =	vshll.u32 v31, $0x3;
	v41 =	vshrl.u32 v63, $0x2  }
0x4d0: {  	v31 =	vand.u32 $0x18, v40  }
0x4d1: {  	v31 =	vshrl.u32 v39, v31  }
0x4d2: {  	v42 =	vld [tilespmem:s1+$0x50];
	v31 =	vand.u32 $0xFF, v31  }
0x4d3: {  	v21 =	vshrl.u32 v24, v21;
	[tilespmem:s1+$0x30] =	vst v31  }
0x4d4: {  	v21 =	vand.u32 $0xFF, v21;
	v25 =	vld.idx.msk [tilespmem:v41+s24+$0x0], $0xffff  }
0x4d5: {  	[tilespmem:s1+$0xFFFFFFB0] =	vst v21  }
0x4d6: {  	v19 =	vld.idx.msk [tilespmem:v19+s24+$0x0], $0xffff  }
0x4d7: {  	v43 =	vshll.u32 v63, $0x3;
	v44 =	vshrl.u32 v42, $0x2  }
0x4d8: {  	v21 =	vand.u32 $0x18, v43  }
0x4d9: {  	v21 =	vshrl.u32 v25, v21  }
0x4da: {  	v45 =	vld [tilespmem:s1+$0x60];
	v21 =	vand.u32 $0xFF, v21  }
0x4db: {  	v19 =	vshrl.u32 v19, v22;
	[tilespmem:s1+$0x40] =	vst v21  }
0x4dc: {  	v19 =	vand.u32 $0xFF, v19;
	v46 =	vld.idx.msk [tilespmem:v44+s24+$0x0], $0xffff  }
0x4dd: {  	[tilespmem:s1+$0xFFFFFFC0] =	vst v19  }
0x4de: {  	v19 =	vld.idx.msk [tilespmem:v20+s24+$0x0], $0xffff  }
0x4df: {  	v47 =	vshll.u32 v42, $0x3;
	v48 =	vshrl.u32 v45, $0x2  }
0x4e0: {  	v20 =	vand.u32 $0x18, v47  }
0x4e1: {  	[tilespmem:s2+$0x50] =	vst v37;
	v50 =	vld [tilespmem:s1+$0x70];
	v20 =	vshrl.u32 v46, v20  }
0x4e2: {  	v16 =	vshrl.u32 v33, v16;
	v49 =	vld.idx.msk [tilespmem:v34+s24+$0x0], $0xffff;
	v20 =	vand.u32 $0xFF, v20  }
0x4e3: {  	v16 =	vand.u32 $0xFF, v16;
	v19 =	vshrl.u32 v19, v30;
	[tilespmem:s1+$0x50] =	vst v20  }
0x4e4: {  	[tilespmem:s2+$0xFFFFFFD0] =	vst v16;
	v19 =	vand.u32 $0xFF, v19;
	v51 =	vld.idx.msk [tilespmem:v48+s24+$0x0], $0xffff  }
0x4e5: {  	v52 =	vshll.u32 v26, $0x3;
	v15 =	vld.idx.msk [tilespmem:v15+s24+$0x0], $0xffff;
	v53 =	vshrl.u32 v27, $0x2;
	[tilespmem:s1+$0xFFFFFFD0] =	vst v19  }
0x4e6: {  	v54 =	vand.u32 $0x18, v52;
	v18 =	vld.idx.msk [tilespmem:v18+s24+$0x0], $0xffff  }
0x4e7: {  	v55 =	vshll.u32 v45, $0x3;
	v56 =	vshrl.u32 v50, $0x2;
	v19 =	vshrl.u32 v49, v54  }
0x4e8: {  	v20 =	vand.u32 $0x18, v55;
	v19 =	vand.u32 $0xFF, v19  }
0x4e9: {  	[tilespmem:s2+$0x60] =	vst v19;
	v16 =	vshrl.u32 v51, v20  }
0x4ea: {  	v14 =	vshrl.u32 v15, v14;
	v19 =	vld.idx.msk [tilespmem:v53+s24+$0x0], $0xffff;
	v57 =	vand.u32 $0xFF, v16  }
0x4eb: {  	v11 =	vld.idx.msk [tilespmem:v11+s24+$0x0], $0xffff;
	v14 =	vand.u32 $0xFF, v14;
	v58 =	vshrl.u32 v18, v17;
	[tilespmem:s1+$0x60] =	vst v57  }
0x4ec: {  	[tilespmem:s2+$0xFFFFFFE0] =	vst v14;
	v15 =	vand.u32 $0xFF, v58;
	v59 =	vld.idx.msk [tilespmem:v56+s24+$0x0], $0xffff  }
0x4ed: {  	v60 =	vshll.u32 v27, $0x3;
	v13 =	vld.idx.msk [tilespmem:v13+s24+$0x0], $0xffff;
	[tilespmem:s1+$0xFFFFFFE0] =	vst v15  }
0x4ee: {  	v9 =	vshrl.u32 v29, v9;
	v61 =	vand.u32 $0x18, v60;
	v62 =	vld.idx.msk [tilespmem:v23+s24+$0x0], $0xffff  }
0x4ef: {  	v9 =	vand.u32 $0xFF, v9;
	v63 =	vshll.u32 v50, $0x3;
	v15 =	vshrl.u32 v19, v61  }
0x4f0: {  	[tilespmem:s31+$0xFFFFFFF0] =	vst v9;
	v10 =	vshrl.u32 v11, v10;
	v11 =	vand.u32 $0x18, v63;
	v9 =	vand.u32 $0xFF, v15  }
0x4f1: {  	[tilespmem:s2+$0x70] =	vst v9;
	v9 =	vand.u32 $0xFF, v10;
	v10 =	vshrl.u32 v59, v11  }
0x4f2: {  	[tilespmem:s0+$0xFFFFFFF0] =	vst v9;
	v11 =	vand.u32 $0x18, v32;
	v9 =	vand.u32 $0xFF, v10;
	v10 =	vshrl.u32 v13, v12  }
0x4f3: {  	[tilespmem:s1+$0x70] =	vst v9;
	v9 =	vand.u32 $0xFF, v10;
	v10 =	vshrl.u32 v62, v11  }
0x4f4: {  	[tilespmem:s2+$0xFFFFFFF0] =	vst v9;
	v9 =	vand.u32 $0xFF, v10  }
0x4f5: {  	s30 =	sadd.s32 $0x1, s30;
	[tilespmem:s1+$0xFFFFFFF0] =	vst v9  }
0x4f6: {  	[hbm4b:s14+s17] =	stream.strided.scatter [tilespmem:s20], [sflag:$0x5], $0x6400, s18, s17, $0x38;
	[tilespmem:$0x14D00] =	vst v63  }
0x4f7: {  	p0 =	sne.s32 s30, s15;
	_ =	swait.ge [sflag:s28], $0x6400  }
.Ltmp7:
0x4f8: {  	[sflag:s28] =	ssyncset.done $0x0;
	(pc) =	sbr.rel @p0 .LBB2_1-.Ltmp7, $4  }
0x4f9: {  	[sflag:s28] =	ssyncadd.s32 $0xFFFF9C00  }
0x4fa: {  	_ =	swait.ge [sflag:s29], $0x6400  }
0x4fb: {  	[sflag:s29] =	ssyncset.done $0x0  }
0x4fc: {  	[sflag:s29] =	ssyncadd.s32 $0xFFFF9C00  }
0x4fd: {  	_ =	sfence.sel $0x180000  }
0x4fe: {  	[bflag:$0x0] =	sbarrier.arrive $0xFFFF  }
0x4ff: {  	_ =	strace $0x90000047  }
0x500: {  	s0 =	stileid.u32;
	[bflag:$0x2] =	sbarrier.arrive $0xFFFF  }
0x501: {  	p0 =	sne.s32 s0, $0x0;
	s0 =	rddreg [dreg:$0x5]  }
0x502: {  	s0 =	sadd.s32 @!p0 $0x100000, s0  }
0x503: {  	[sflag:s0] =	ssyncadd.tile.s32 @!p0 $0x1;
	_ =	shalt  }
.Lfunc_end2:
_tile_overlayer_lowered:
.L_overlay_start_2:
0x504: {  	(tag) =	ssettag $0x2  }
0x505: {  	s0 =	rddreg [dreg:$0x0];
	s2 =	stileid.u32  }
0x506: {  	s1 =	rddreg [dreg:$0x1];
	p0 =	sne.s32 s2, $0x0  }
0x507: {  	s3 =	rddreg [dreg:$0x2];
	[bflag:$0x3] =	sbarrier.arrive $0xFFFF;
	s2 =	simm.s32 @!p0 $0x1C06  }
0x508: {  	[timem:s3], [sflag:s2] =	dma.local @!p0 [hbm:s0], s1  }
0x509: {  	s0 =	simm.s32 @!p0 $0x6  }
0x50a: {  	_ =	swait.ge @!p0 [sflag:s0], s1  }
0x50b: {  	s1 =	ssub.s32 @!p0 $0x0, s1;
	[sflag:s0] =	ssyncset.done @!p0 $0x0  }
0x50c: {  	[sflag:s0] =	ssyncadd.s32 @!p0 s1  }
0x50d: {  	[bflag:$0x3] =	sbarrier.arrive $0xFFFF  }
0x50e: {  	_ =	shalt  }

</sc_bundles>
